<compile_context>
chip_gen: v7x
topology: tpu7x:2x2x1
jax: 0.10.2.dev20260603
libtpu: 0.0.44.dev20260713+nightly
codegen_flags: <defaults>
</compile_context>

<pallas_src>
import functools

import jax
import jax.numpy as jnp
from jax import lax
from jax.experimental import pallas as pl
from jax.experimental.pallas import tpu as pltpu
from jax.experimental.pallas import tpu_sc as plsc

N = 4096
D = 128
N_RBF = 64
NUM_SPECIES = 8
CELL = 1.0
CUTOFF = 0.12
CUT2 = CUTOFF * CUTOFF
GAMMA = 0.5 / ((CUTOFF / N_RBF) ** 2)

NC = 2
NS = 16
L = 16
NW = NC * NS
ROWS_PER_W = N // NW
ECAP_W = 4096
E_CAP = NW * ECAP_W
HALF = N // 2
RING_CHUNKS = HALF // L
SC_SLOTS = NS * ECAP_W
TRASH_SP = SC_SLOTS

CB = 128
RPS = N // NS

_mesh = plsc.VectorSubcoreMesh(core_axis_name="c", subcore_axis_name="s")


def _pair_body(qx_h, qy_h, qz_h, sx_h, sy_h, sz_h,
               ij_h, dq_h, cnt_h,
               qx_v, qy_v, qz_v, sx_v, sy_v, sz_v,
               stage, zb_v, zf_v, vv_ij, vv_d, cnt_v,
               sh_ij, sh_dq, sem_i, sem_d):
    cid = lax.axis_index("c").astype(jnp.int32)
    sid = lax.axis_index("s").astype(jnp.int32)
    wid = sid * NC + cid
    row0 = wid * ROWS_PER_W
    s0 = sid * ECAP_W

    pltpu.sync_copy(qx_h, qx_v.at[pl.ds(0, N)])
    pltpu.sync_copy(qy_h, qy_v.at[pl.ds(0, N)])
    pltpu.sync_copy(qz_h, qz_v.at[pl.ds(0, N)])
    pltpu.sync_copy(qx_h.at[pl.ds(0, HALF + L)], qx_v.at[pl.ds(N, HALF + L)])
    pltpu.sync_copy(qy_h.at[pl.ds(0, HALF + L)], qy_v.at[pl.ds(N, HALF + L)])
    pltpu.sync_copy(qz_h.at[pl.ds(0, HALF + L)], qz_v.at[pl.ds(N, HALF + L)])
    pltpu.sync_copy(sx_h.at[pl.ds(row0, ROWS_PER_W)], sx_v)
    pltpu.sync_copy(sy_h.at[pl.ds(row0, ROWS_PER_W)], sy_v)
    pltpu.sync_copy(sz_h.at[pl.ds(row0, ROWS_PER_W)], sz_v)

    stage[...] = jnp.zeros((160,), jnp.int32)
    zb_v[...] = jnp.zeros((512,), jnp.int32)
    zf_v[...] = jnp.zeros((512,), jnp.float32)

    def zfill(t, _):
        off = s0 + t * 512
        pltpu.sync_copy(zb_v, sh_ij.at[pl.ds(off, 512)])
        pltpu.sync_copy(zf_v, sh_dq.at[pl.ds(off, 512)])
        return _

    lax.fori_loop(0, ECAP_W // 512, zfill, 0)
    iota = lax.iota(jnp.int32, L)

    def ibody(k, cnt):
        i = row0 + k
        qix = sx_v[k, pl.ds(0, L)]
        qiy = sy_v[k, pl.ds(0, L)]
        qiz = sz_v[k, pl.ds(0, L)]
        ihi = jnp.full((L,), i * 4096, jnp.int32)
        anti_keep = i < HALF

        def dist(o):
            dx = qx_v[pl.ds(o, L)] - qix
            dy = qy_v[pl.ds(o, L)] - qiy
            dz = qz_v[pl.ds(o, L)] - qiz
            ax = 1.0 - jnp.abs(dx)
            ay = 1.0 - jnp.abs(dy)
            az = 1.0 - jnp.abs(dz)
            w = jnp.minimum(dx * dx, ax * ax)
            w = w + jnp.minimum(dy * dy, ay * ay)
            w = w + jnp.minimum(dz * dz, az * az)
            return w

        def emit(o, dsq, m, c_):
            mi = jnp.where(m, 1, 0)
            s = mi
            p = mi
            for sh in (1, 2, 4, 8):
                stage[pl.ds(80, L)] = s
                s = s + stage[pl.ds(80 + sh, L)]
                stage[pl.ds(48, L)] = p
                p = p + stage[pl.ds(48 - sh, L)]
            total = s[0]
            room = jnp.minimum(total, ECAP_W - c_)

            @pl.when(total > 0)
            def _():
                ok = m & (p <= jnp.full((L,), ECAP_W - c_, jnp.int32))
                idx = jnp.where(ok, jnp.full((L,), s0 + c_ - 1, jnp.int32) + p,
                                jnp.full((L,), TRASH_SP, jnp.int32))
                jv = (o + iota) & (N - 1)
                vv_ij[...] = ihi | jv
                vv_d[...] = dsq
                pltpu.async_copy(vv_ij, sh_ij.at[idx], sem_i, add=True).wait()
                pltpu.async_copy(vv_d, sh_dq.at[idx], sem_d, add=True).wait()

            return c_ + room

        def upair(u, c):
            oA = i + 1 + u * 2 * L
            oB = oA + L
            dsqA = dist(oA)
            dsqB = dist(oB)
            mA = (dsqA < CUT2) & (dsqA != 0.0)
            mB = (dsqB < CUT2) & (dsqB != 0.0)
            lim = jnp.where((u < RING_CHUNKS // 2 - 1) | anti_keep, 16, 15)
            mB = mB & (iota < jnp.full((L,), lim, jnp.int32))
            mor = jnp.where(mA | mB, 1, 0)
            s = mor
            for sh in (1, 2, 4, 8):
                stage[pl.ds(112, L)] = s
                s = s | stage[pl.ds(112 + sh, L)]
            anyhit = s[0]

            def scat2(c_):
                c2 = emit(oA, dsqA, mA, c_)
                return emit(oB, dsqB, mB, c2)

            return lax.cond(anyhit > 0, scat2, lambda c_: c_, c)

        return lax.fori_loop(0, RING_CHUNKS // 2, upair, cnt)

    cnt = lax.fori_loop(0, ROWS_PER_W, ibody, jnp.int32(0))
    cnt_v[...] = jnp.full((L,), cnt, jnp.int32)
    pltpu.sync_copy(cnt_v, cnt_h.at[wid])
    e0 = wid * ECAP_W
    pltpu.sync_copy(sh_ij.at[pl.ds(s0, ECAP_W)], ij_h.at[pl.ds(e0, ECAP_W)])
    pltpu.sync_copy(sh_dq.at[pl.ds(s0, ECAP_W)], dq_h.at[pl.ds(e0, ECAP_W)])


_pair_search = pl.kernel(
    _pair_body,
    out_type=[
        jax.ShapeDtypeStruct((E_CAP,), jnp.int32),
        jax.ShapeDtypeStruct((E_CAP,), jnp.float32),
        jax.ShapeDtypeStruct((NW, L), jnp.int32),
    ],
    mesh=_mesh,
    scratch_types=[
        pltpu.VMEM((N + HALF + L,), jnp.float32),
        pltpu.VMEM((N + HALF + L,), jnp.float32),
        pltpu.VMEM((N + HALF + L,), jnp.float32),
        pltpu.VMEM((ROWS_PER_W, L), jnp.float32),
        pltpu.VMEM((ROWS_PER_W, L), jnp.float32),
        pltpu.VMEM((ROWS_PER_W, L), jnp.float32),
        pltpu.VMEM((160,), jnp.int32),
        pltpu.VMEM((512,), jnp.int32),
        pltpu.VMEM((512,), jnp.float32),
        pltpu.VMEM((L,), jnp.int32),
        pltpu.VMEM((L,), jnp.float32),
        pltpu.VMEM((L,), jnp.int32),
        pltpu.VMEM_SHARED((SC_SLOTS + L,), jnp.int32),
        pltpu.VMEM_SHARED((SC_SLOTS + L,), jnp.float32),
        pltpu.SemaphoreType.DMA,
        pltpu.SemaphoreType.DMA,
    ],
)


def _msg_body(h_h, ij_h, filt_h, cnt_h, p2_h,
              ijv, iviA, ivjA, hjA, hiA, ft, cntv, shared,
              semA1, semA2):
    cid = lax.axis_index("c").astype(jnp.int32)
    sid = lax.axis_index("s").astype(jnp.int32)
    wid = sid * NC + cid
    e0 = wid * ECAP_W

    hjA[...] = jnp.zeros((CB, D), jnp.float32)
    pltpu.sync_copy(hjA, shared.at[pl.ds(sid * RPS, CB)])
    pltpu.sync_copy(hjA, shared.at[pl.ds(sid * RPS + CB, CB)])
    plsc.subcore_barrier()

    pltpu.sync_copy(cnt_h.at[wid], cntv)
    c = jnp.minimum(cntv[pl.ds(0, L)][0], ECAP_W)
    nch = (c + CB - 1) // CB

    def load_unpack(k, ivi, ivj):
        pltpu.sync_copy(ij_h.at[pl.ds(e0 + k * CB, CB)], ijv)
        for g in range(CB // L):
            v = ijv[pl.ds(g * L, L)]
            ivi[pl.ds(g * L, L)] = lax.shift_right_logical(v, 12)
            ivj[pl.ds(g * L, L)] = v & (N - 1)

    def mul_scatter(k, hj, hi, ivi, ivj):
        def rowbody(r, __):
            for col in range(0, D, L):
                hj[r, pl.ds(col, L)] = hj[r, pl.ds(col, L)] * ft[r, pl.ds(col, L)]
                hi[r, pl.ds(col, L)] = hi[r, pl.ds(col, L)] * ft[r, pl.ds(col, L)]
            return __

        lax.fori_loop(0, CB, rowbody, 0)
        pltpu.sync_copy(hj, shared.at[ivi], add=True)
        pltpu.sync_copy(hi, shared.at[ivj], add=True)

    def chunk(k, _):
        load_unpack(k, iviA, ivjA)
        dA1 = pltpu.async_copy(h_h.at[ivjA], hjA, semA1)
        dA2 = pltpu.async_copy(h_h.at[iviA], hiA, semA2)
        pltpu.sync_copy(filt_h.at[pl.ds(e0 + k * CB, CB)], ft)
        dA1.wait()
        dA2.wait()
        mul_scatter(k, hjA, hiA, iviA, ivjA)
        return _

    lax.fori_loop(0, nch, chunk, 0)
    plsc.subcore_barrier()
    pltpu.sync_copy(shared.at[pl.ds(sid * RPS, RPS)],
                    p2_h.at[cid, pl.ds(sid * RPS, RPS)])


_msg_pass = pl.kernel(
    _msg_body,
    out_type=[jax.ShapeDtypeStruct((NC, N, D), jnp.float32)],
    mesh=_mesh,
    scratch_types=[
        pltpu.VMEM((CB,), jnp.int32),
        pltpu.VMEM((CB,), jnp.int32),
        pltpu.VMEM((CB,), jnp.int32),
        pltpu.VMEM((CB, D), jnp.float32),
        pltpu.VMEM((CB, D), jnp.float32),
        pltpu.VMEM((CB, D), jnp.float32),
        pltpu.VMEM((L,), jnp.int32),
        pltpu.VMEM_SHARED((N, D), jnp.float32),
        pltpu.SemaphoreType.DMA,
        pltpu.SemaphoreType.DMA,
    ],
)


_BE = 2048


def _filt_tc_body(dq_ref, ij_ref, wf_ref, out_ref):
    d = jnp.sqrt(dq_ref[...] + 1e-12)
    mu = (CUTOFF / (N_RBF - 1)) * lax.broadcasted_iota(jnp.int32, (1, N_RBF), 1).astype(jnp.float32)
    rbf = jnp.exp(-GAMMA * (d - mu) ** 2)
    valid = (ij_ref[...] != 0).astype(jnp.float32)
    filt = jnp.dot(rbf, wf_ref[...], preferred_element_type=jnp.float32,
                   precision=lax.Precision.HIGHEST)
    out_ref[...] = filt * valid


def _filt_tc(dq2, ij2, W_filt):
    return pl.pallas_call(
        _filt_tc_body,
        grid=(E_CAP // _BE,),
        in_specs=[
            pl.BlockSpec((_BE, 1), lambda b: (b, 0)),
            pl.BlockSpec((_BE, 1), lambda b: (b, 0)),
            pl.BlockSpec((N_RBF, D), lambda b: (0, 0)),
        ],
        out_specs=pl.BlockSpec((_BE, D), lambda b: (b, 0)),
        out_shape=jax.ShapeDtypeStruct((E_CAP, D), jnp.float32),
    )(dq2, ij2, W_filt)


def _embed_tc_body(z_ref, emb_ref, wm_ref, wu_ref, h0_ref, wc_ref):
    zz = z_ref[...]
    onehot = (zz == lax.broadcasted_iota(jnp.int32, (1, NUM_SPECIES), 1)).astype(jnp.float32)
    h0_ref[...] = jnp.dot(onehot, emb_ref[...], preferred_element_type=jnp.float32,
                          precision=lax.Precision.HIGHEST)
    wc_ref[...] = jnp.dot(wm_ref[...], wu_ref[...], preferred_element_type=jnp.float32,
                          precision=lax.Precision.HIGHEST)


def _embed_tc(z2, emb, W_msg, W_upd):
    return pl.pallas_call(
        _embed_tc_body,
        out_shape=[
            jax.ShapeDtypeStruct((N, D), jnp.float32),
            jax.ShapeDtypeStruct((D, D), jnp.float32),
        ],
    )(z2, emb, W_msg, W_upd)


_BU = 512


def _update_tc_body(p0_ref, p1_ref, h_ref, wc_ref, out_ref):
    pre = p0_ref[...] + p1_ref[...]
    agg = jnp.dot(pre, wc_ref[...], preferred_element_type=jnp.float32,
                  precision=lax.Precision.HIGHEST)
    out_ref[...] = h_ref[...] + jax.nn.silu(agg)


def _update_tc(p0, p1, h, Wc):
    return pl.pallas_call(
        _update_tc_body,
        grid=(N // _BU,),
        in_specs=[
            pl.BlockSpec((_BU, D), lambda b: (b, 0)),
            pl.BlockSpec((_BU, D), lambda b: (b, 0)),
            pl.BlockSpec((_BU, D), lambda b: (b, 0)),
            pl.BlockSpec((D, D), lambda b: (0, 0)),
        ],
        out_specs=pl.BlockSpec((_BU, D), lambda b: (b, 0)),
        out_shape=jax.ShapeDtypeStruct((N, D), jnp.float32),
    )(p0, p1, h, Wc)


def _energy_tc_body(h_ref, wo_ref, out_ref):
    e = jnp.dot(jax.nn.silu(h_ref[...]), wo_ref[...], preferred_element_type=jnp.float32,
                precision=lax.Precision.HIGHEST)
    out_ref[...] = jnp.sum(e).reshape(1, 1, 1)


def _energy_tc(h, W_out):
    return pl.pallas_call(
        _energy_tc_body,
        grid=(N // _BU,),
        in_specs=[
            pl.BlockSpec((_BU, D), lambda b: (b, 0)),
            pl.BlockSpec((D, 1), lambda b: (0, 0)),
        ],
        out_specs=pl.BlockSpec((1, 1, 1), lambda b: (b, 0, 0)),
        out_shape=jax.ShapeDtypeStruct((N // _BU, 1, 1), jnp.float32),
    )(h, W_out)


def kernel(q, z, emb, W_filt, W_msg, W_upd, W_out):
    qx = q[:, 0]
    qy = q[:, 1]
    qz = q[:, 2]
    sx = jnp.broadcast_to(qx[:, None], (N, L))
    sy = jnp.broadcast_to(qy[:, None], (N, L))
    sz = jnp.broadcast_to(qz[:, None], (N, L))

    ij, dq, cnt = _pair_search(qx, qy, qz, sx, sy, sz)

    filt = _filt_tc(dq[:, None], ij[:, None], W_filt)
    h, Wc = _embed_tc(z[:, None].astype(jnp.int32), emb, W_msg, W_upd)

    for _ in range(2):
        (p2,) = _msg_pass(h, ij, filt, cnt)
        h = _update_tc(p2[0], p2[1], h, Wc)

    eparts = _energy_tc(h, W_out)
    return jnp.sum(eparts)

# --- scband reference (transcript-rebuilt; emitter-appended) ---
"""Pipeline reference for scband-gnnpotentials-77326591197639 (READ-ONLY COPY).

The authoritative reference and input builder live on the scoring server;
editing this copy changes nothing except your own understanding.
"""

import jax, jax.numpy as jnp
import numpy as np

N = 4096
D = 128
N_RBF = 64
NUM_SPECIES = 8
CELL = 1.0
CUTOFF = 0.12
GAMMA = 0.5 / ((CUTOFF / N_RBF) ** 2)
E_MAX = 131072  # static edge capacity: > 2x the expected upper-triangular pair count
                # for N points in a CELL^3 box with this CUTOFF (~60.7k expected)


def setup_inputs(seed: int = 0) -> dict:
    key = jax.random.key(seed)
    ks = jax.random.split(key, 8)
    q = jax.random.uniform(ks[0], (N, 3), dtype=jnp.float32) * CELL
    z = jax.random.randint(ks[1], (N,), 0, NUM_SPECIES)
    emb = jax.random.normal(ks[2], (NUM_SPECIES, D), dtype=jnp.float32) * 0.1
    W_filt = jax.random.normal(ks[3], (N_RBF, D), dtype=jnp.float32) * (1.0 / np.sqrt(N_RBF))
    W_msg = jax.random.normal(ks[4], (D, D), dtype=jnp.float32) * (1.0 / np.sqrt(D))
    W_upd = jax.random.normal(ks[5], (D, D), dtype=jnp.float32) * (1.0 / np.sqrt(D))
    W_out = jax.random.normal(ks[6], (D, 1), dtype=jnp.float32) * (1.0 / np.sqrt(D))
    return {"q": q, "z": z, "emb": emb, "W_filt": W_filt, "W_msg": W_msg, "W_upd": W_upd, "W_out": W_out}


def generate_nbr_list(q, cutoff, cell):
    # faithful port of the torch generate_nbr_list (minimum-image PBC, upper-triangular pairs)
    dis_mat = q[None, :, :] - q[:, None, :]
    offsets = -(dis_mat >= 0.5 * cell).astype(jnp.float32) + (dis_mat < -0.5 * cell).astype(jnp.float32)
    dis_mat = dis_mat + offsets * cell
    dis_sq = jnp.sum(dis_mat ** 2, axis=-1)
    mask = (dis_sq < cutoff ** 2) & (dis_sq != 0)
    mask = jnp.triu(mask.astype(jnp.int32))
    count = jnp.sum(mask)
    i, j = jnp.nonzero(mask, size=E_MAX, fill_value=0)
    valid = jnp.arange(E_MAX) < count
    return jnp.stack([i, j], axis=1).astype(jnp.int64), valid


def _gnn_energy(q, z, emb, W_filt, W_msg, W_upd, W_out, nbr, valid):
    # schnet-like message passing potential: results['energy']
    i = nbr[:, 0]
    j = nbr[:, 1]
    rij = q[j] - q[i]
    offs = -(rij >= 0.5 * CELL).astype(jnp.float32) + (rij < -0.5 * CELL).astype(jnp.float32)
    rij = rij + offs * CELL
    d = jnp.sqrt(jnp.sum(rij ** 2, axis=-1) + 1e-12)
    mu = jnp.linspace(0.0, CUTOFF, N_RBF, dtype=jnp.float32)
    rbf = jnp.exp(-GAMMA * (d[:, None] - mu[None, :]) ** 2)
    filt = (rbf @ W_filt) * valid[:, None].astype(jnp.float32)  # [E, D]
    h = emb[z]  # gather node embeddings [N, D]
    for _ in range(2):
        m_ij = (h[j] * filt) @ W_msg
        m_ji = (h[i] * filt) @ W_msg
        agg = jnp.zeros_like(h).at[i].add(m_ij).at[j].add(m_ji)
        h = h + jax.nn.silu(agg @ W_upd)
    e_atom = jax.nn.silu(h) @ W_out  # [N, 1]
    return jnp.sum(e_atom)


def reference(q, z, emb, W_filt, W_msg, W_upd, W_out):
    nbr, valid = generate_nbr_list(q, CUTOFF, CELL)
    return _gnn_energy(q, z, emb, W_filt, W_msg, W_upd, W_out, nbr, valid)

if __name__ == "__main__":
    import jax
    _d = setup_inputs()
    print(jax.jit(kernel)(*tuple(_d.values())))

</pallas_src>

<mosaic_0001>
#map = affine_map<(d0, d1) -> (0, 0)>
#map1 = affine_map<(d0, d1) -> (0)>
#map2 = affine_map<(d0, d1) -> (0, 0, 0)>
module attributes {stable_mosaic.version = 14 : i64} {
  func.func @_msg_body(%arg0: i32, %arg1: i32, %arg2: memref<4096x128xf32, #tpu.memory_space<hbm>>, %arg3: memref<131072xi32, #tpu.memory_space<hbm>>, %arg4: memref<131072x128xf32, #tpu.memory_space<hbm>>, %arg5: memref<32x16xi32, #tpu.memory_space<hbm>>, %arg6: memref<2x4096x128xf32, #tpu.memory_space<hbm>>, %arg7: memref<128xi32, #tpu.memory_space<vmem>>, %arg8: memref<128xi32, #tpu.memory_space<vmem>>, %arg9: memref<128xi32, #tpu.memory_space<vmem>>, %arg10: memref<128x128xf32, #tpu.memory_space<vmem>>, %arg11: memref<128x128xf32, #tpu.memory_space<vmem>>, %arg12: memref<128x128xf32, #tpu.memory_space<vmem>>, %arg13: memref<16xi32, #tpu.memory_space<vmem>>, %arg14: memref<4096x128xf32, #tpu.memory_space<vmem_shared>>, %arg15: memref<!tpu.dma_semaphore, #tpu.memory_space<semaphore_mem>>, %arg16: memref<!tpu.dma_semaphore, #tpu.memory_space<semaphore_mem>>) attributes {dimension_semantics = [#tpu.dimension_semantics<core_parallel>, #tpu.dimension_semantics<subcore_parallel>], iteration_bounds = array<i64: 2, 16>, scalar_prefetch = 0 : i64, scratch_operands = 10 : i64, tpu.core_type = #tpu.core_type<sc_vector_subcore>, window_params = [{transform_indices = #map}, {transform_indices = #map1}, {transform_indices = #map}, {transform_indices = #map}, {transform_indices = #map2}]} {
    %mul3A = arith.constant 2 : i32
    %mul3A_0 = arith.muli %arg1, %mul3A : i32
    %add3A = arith.addi %mul3A_0, %arg0 : i32
    %mul3A_1 = arith.constant 4096 : i32
    %mul3A_2 = arith.muli %add3A, %mul3A_1 : i32
    %broadcast_in_dim3A = arith.constant 0.000000e+00 : f32
    %broadcast_in_dim3A_3 = vector.broadcast %broadcast_in_dim3A : f32 to vector<128x128xf32>
    %swap3A = arith.constant 0 : index
    %swap3A_4 = arith.constant 0 : index
    %swap3A_5 = tpu.vector_load %arg10[%swap3A, %swap3A_4] {strides = array<i32>} : memref<128x128xf32, #tpu.memory_space<vmem>>, vector<128x128xf32>,
    %swap3A_6 = vector.shape_cast %swap3A_5 : vector<128x128xf32> to vector<128x128xf32>
    %swap3A_7 = vector.shape_cast %broadcast_in_dim3A_3 : vector<128x128xf32> to vector<128x128xf32>
    tpu.vector_store %arg10[%swap3A, %swap3A_4], %swap3A_7 {strides = array<i32>} : memref<128x128xf32, #tpu.memory_space<vmem>>, vector<128x128xf32>,
    %mul3A_8 = arith.constant 256 : i32
    %mul3A_9 = arith.muli %arg1, %mul3A_8 : i32
    "tpu.region"() ({
      %run_scoped3A = tpu.sem_alloc : memref<!tpu.dma_semaphore, #tpu.memory_space<semaphore_mem>>
      %dma_start3A = arith.constant 0 : i32
      %dma_start3A_51 = tpu.memref_slice %arg14[%mul3A_9, %dma_start3A] : memref<4096x128xf32, #tpu.memory_space<vmem_shared>> -> memref<128x128xf32, #tpu.memory_space<vmem_shared>>
      %dma_start3A_52 = arith.constant 0 : i32
      %dma_start3A_53 = tpu.memref_slice %arg14[%mul3A_9, %dma_start3A_52] : memref<4096x128xf32, #tpu.memory_space<vmem_shared>> -> memref<128x128xf32, #tpu.memory_space<vmem_shared>>
      tpu.enqueue_dma source(%arg10 : memref<128x128xf32, #tpu.memory_space<vmem>>) target(%dma_start3A_53 : memref<128x128xf32, #tpu.memory_space<vmem_shared>>) target_semaphore(%run_scoped3A : memref<!tpu.dma_semaphore, #tpu.memory_space<semaphore_mem>>)
      %dma_wait3A = arith.constant 0 : i32
      %dma_wait3A_54 = tpu.memref_slice %arg14[%mul3A_9, %dma_wait3A] : memref<4096x128xf32, #tpu.memory_space<vmem_shared>> -> memref<128x128xf32, #tpu.memory_space<vmem_shared>>
      %dma_wait3A_55 = arith.constant 0 : i32
      %dma_wait3A_56 = tpu.memref_slice %arg14[%mul3A_9, %dma_wait3A_55] : memref<4096x128xf32, #tpu.memory_space<vmem_shared>> -> memref<128x128xf32, #tpu.memory_space<vmem_shared>>
      tpu.wait_dma2 semaphore(%run_scoped3A : memref<!tpu.dma_semaphore, #tpu.memory_space<semaphore_mem>>) src(%arg10 : memref<128x128xf32, #tpu.memory_space<vmem>>) dst(%dma_wait3A_56 : memref<128x128xf32, #tpu.memory_space<vmem_shared>>)
      tpu.yield
    }) : () -> ()
    %mul3A_10 = arith.constant 256 : i32
    %mul3A_11 = arith.muli %arg1, %mul3A_10 : i32
    %add3A_12 = arith.constant 128 : i32
    %add3A_13 = arith.addi %mul3A_11, %add3A_12 : i32
    "tpu.region"() ({
      %run_scoped3A = tpu.sem_alloc : memref<!tpu.dma_semaphore, #tpu.memory_space<semaphore_mem>>
      %dma_start3A = arith.constant 0 : i32
      %dma_start3A_51 = tpu.memref_slice %arg14[%add3A_13, %dma_start3A] : memref<4096x128xf32, #tpu.memory_space<vmem_shared>> -> memref<128x128xf32, #tpu.memory_space<vmem_shared>>
      %dma_start3A_52 = arith.constant 0 : i32
      %dma_start3A_53 = tpu.memref_slice %arg14[%add3A_13, %dma_start3A_52] : memref<4096x128xf32, #tpu.memory_space<vmem_shared>> -> memref<128x128xf32, #tpu.memory_space<vmem_shared>>
      tpu.enqueue_dma source(%arg10 : memref<128x128xf32, #tpu.memory_space<vmem>>) target(%dma_start3A_53 : memref<128x128xf32, #tpu.memory_space<vmem_shared>>) target_semaphore(%run_scoped3A : memref<!tpu.dma_semaphore, #tpu.memory_space<semaphore_mem>>)
      %dma_wait3A = arith.constant 0 : i32
      %dma_wait3A_54 = tpu.memref_slice %arg14[%add3A_13, %dma_wait3A] : memref<4096x128xf32, #tpu.memory_space<vmem_shared>> -> memref<128x128xf32, #tpu.memory_space<vmem_shared>>
      %dma_wait3A_55 = arith.constant 0 : i32
      %dma_wait3A_56 = tpu.memref_slice %arg14[%add3A_13, %dma_wait3A_55] : memref<4096x128xf32, #tpu.memory_space<vmem_shared>> -> memref<128x128xf32, #tpu.memory_space<vmem_shared>>
      tpu.wait_dma2 semaphore(%run_scoped3A : memref<!tpu.dma_semaphore, #tpu.memory_space<semaphore_mem>>) src(%arg10 : memref<128x128xf32, #tpu.memory_space<vmem>>) dst(%dma_wait3A_56 : memref<128x128xf32, #tpu.memory_space<vmem_shared>>)
      tpu.yield
    }) : () -> ()
    %barrier3A = arith.constant 0 : index
    tpu.barrier barrier_id(%barrier3A)
    "tpu.region"() ({
      %run_scoped3A = tpu.sem_alloc : memref<!tpu.dma_semaphore, #tpu.memory_space<semaphore_mem>>
      %dma_start3A = arith.constant 0 : i32
      %dma_start3A_51 = tpu.memref_slice %arg5[%add3A, %dma_start3A] : memref<32x16xi32, #tpu.memory_space<hbm>> -> memref<1x16xi32, #tpu.memory_space<hbm>>
      %dma_start3A_52 = tpu.memref_squeeze %dma_start3A_51 : memref<1x16xi32, #tpu.memory_space<hbm>> -> memref<16xi32, #tpu.memory_space<hbm>>
      %dma_start3A_53 = arith.constant 0 : i32
      %dma_start3A_54 = tpu.memref_slice %arg5[%add3A, %dma_start3A_53] : memref<32x16xi32, #tpu.memory_space<hbm>> -> memref<1x16xi32, #tpu.memory_space<hbm>>
      %dma_start3A_55 = tpu.memref_squeeze %dma_start3A_54 : memref<1x16xi32, #tpu.memory_space<hbm>> -> memref<16xi32, #tpu.memory_space<hbm>>
      tpu.enqueue_dma source(%dma_start3A_55 : memref<16xi32, #tpu.memory_space<hbm>>) target(%arg13 : memref<16xi32, #tpu.memory_space<vmem>>) target_semaphore(%run_scoped3A : memref<!tpu.dma_semaphore, #tpu.memory_space<semaphore_mem>>)
      %dma_wait3A = arith.constant 0 : i32
      %dma_wait3A_56 = tpu.memref_slice %arg5[%add3A, %dma_wait3A] : memref<32x16xi32, #tpu.memory_space<hbm>> -> memref<1x16xi32, #tpu.memory_space<hbm>>
      %dma_wait3A_57 = tpu.memref_squeeze %dma_wait3A_56 : memref<1x16xi32, #tpu.memory_space<hbm>> -> memref<16xi32, #tpu.memory_space<hbm>>
      %dma_wait3A_58 = arith.constant 0 : i32
      %dma_wait3A_59 = tpu.memref_slice %arg5[%add3A, %dma_wait3A_58] : memref<32x16xi32, #tpu.memory_space<hbm>> -> memref<1x16xi32, #tpu.memory_space<hbm>>
      %dma_wait3A_60 = tpu.memref_squeeze %dma_wait3A_59 : memref<1x16xi32, #tpu.memory_space<hbm>> -> memref<16xi32, #tpu.memory_space<hbm>>
      tpu.wait_dma2 semaphore(%run_scoped3A : memref<!tpu.dma_semaphore, #tpu.memory_space<semaphore_mem>>) src(%dma_wait3A_60 : memref<16xi32, #tpu.memory_space<hbm>>) dst(%arg13 : memref<16xi32, #tpu.memory_space<vmem>>)
      tpu.yield
    }) : () -> ()
    %get3A = arith.constant 0 : index
    %get3A_14 = tpu.vector_load %arg13[%get3A] {strides = array<i32>} : memref<16xi32, #tpu.memory_space<vmem>>, vector<16xi32>,
    %get3A_15 = vector.shape_cast %get3A_14 : vector<16xi32> to vector<16xi32>
    %slice3A = vector.extract_strided_slice %get3A_15 {offsets = [0], sizes = [1], strides = [1]} : vector<16xi32> to vector<1xi32>
    %squeeze3A = vector.extract %slice3A[0] : i32 from vector<1xi32>
    %min3A = arith.constant 4096 : i32
    %min3A_16 = arith.minsi %squeeze3A, %min3A : i32
    %add3A_17 = arith.constant 128 : i32
    %add3A_18 = arith.addi %min3A_16, %add3A_17 : i32
    %sub3A = arith.constant 1 : i32
    %sub3A_19 = arith.subi %add3A_18, %sub3A : i32
    %jit3A = arith.constant 128 : i32
    %div3A = arith.divsi %sub3A_19, %jit3A : i32
    %sign3A = arith.constant 0 : i32
    %sign3A_20 = arith.cmpi sgt, %sub3A_19, %sign3A : i32
    %sign3A_21 = arith.extui %sign3A_20 : i1 to i32
    %sign3A_22 = arith.constant 0 : i32
    %sign3A_23 = arith.cmpi slt, %sub3A_19, %sign3A_22 : i32
    %sign3A_24 = arith.extui %sign3A_23 : i1 to i32
    %sign3A_25 = arith.subi %sign3A_21, %sign3A_24 : i32
    %sign3A_26 = arith.constant 0 : i32
    %sign3A_27 = arith.cmpi sgt, %jit3A, %sign3A_26 : i32
    %sign3A_28 = arith.extui %sign3A_27 : i1 to i32
    %sign3A_29 = arith.constant 0 : i32
    %sign3A_30 = arith.cmpi slt, %jit3A, %sign3A_29 : i32
    %sign3A_31 = arith.extui %sign3A_30 : i1 to i32
    %sign3A_32 = arith.subi %sign3A_28, %sign3A_31 : i32
    %ne3A = arith.cmpi ne, %sign3A_25, %sign3A_32 : i32
    %rem3A = arith.remsi %sub3A_19, %jit3A : i32
    %ne3A_33 = arith.constant 0 : i32
    %ne3A_34 = arith.cmpi ne, %rem3A, %ne3A_33 : i32
    %and3A = arith.andi %ne3A, %ne3A_34 : i1
    %sub3A_35 = arith.constant 1 : i32
    %sub3A_36 = arith.subi %div3A, %sub3A_35 : i32
    %select_n3A = arith.select %and3A, %sub3A_36, %div3A : i32
    %while3A = arith.constant 0 : i32
    %while3A_37 = arith.constant 0 : i32
    %while3A_38 = arith.subi %select_n3A, %while3A_37 : i32
    %while3A_39 = arith.addi %while3A_37, %while3A_38 : i32
    %while3A_40 = arith.constant 1 : i32
    %while3A_41 = arith.divsi %while3A_38, %while3A_40 : i32
    %while3A_42 = arith.muli %while3A_41, %while3A_40 : i32
    %while3A_43 = arith.addi %while3A_37, %while3A_42 : i32
    %while3A_44 = arith.constant 1 : i32
    scf.for %while3A_51 = %while3A_37 to %while3A_43 step %while3A_44  : i32 {
      %mul3A_52 = arith.constant 128 : i32
      %mul3A_53 = arith.muli %while3A_51, %mul3A_52 : i32
      %add3A_54 = arith.addi %mul3A_2, %mul3A_53 : i32
      "tpu.region"() ({
        %run_scoped3A = tpu.sem_alloc : memref<!tpu.dma_semaphore, #tpu.memory_space<semaphore_mem>>
        %dma_start3A_208 = tpu.memref_slice %arg3[%add3A_54] : memref<131072xi32, #tpu.memory_space<hbm>> -> memref<128xi32, #tpu.memory_space<hbm>>
        %dma_start3A_209 = tpu.memref_slice %arg3[%add3A_54] : memref<131072xi32, #tpu.memory_space<hbm>> -> memref<128xi32, #tpu.memory_space<hbm>>
        tpu.enqueue_dma source(%dma_start3A_209 : memref<128xi32, #tpu.memory_space<hbm>>) target(%arg7 : memref<128xi32, #tpu.memory_space<vmem>>) target_semaphore(%run_scoped3A : memref<!tpu.dma_semaphore, #tpu.memory_space<semaphore_mem>>)
        %dma_wait3A_210 = tpu.memref_slice %arg3[%add3A_54] : memref<131072xi32, #tpu.memory_space<hbm>> -> memref<128xi32, #tpu.memory_space<hbm>>
        %dma_wait3A_211 = tpu.memref_slice %arg3[%add3A_54] : memref<131072xi32, #tpu.memory_space<hbm>> -> memref<128xi32, #tpu.memory_space<hbm>>
        tpu.wait_dma2 semaphore(%run_scoped3A : memref<!tpu.dma_semaphore, #tpu.memory_space<semaphore_mem>>) src(%dma_wait3A_211 : memref<128xi32, #tpu.memory_space<hbm>>) dst(%arg7 : memref<128xi32, #tpu.memory_space<vmem>>)
        tpu.yield
      }) : () -> ()
      %get3A_55 = arith.constant 0 : index
      %get3A_56 = tpu.vector_load %arg7[%get3A_55] {strides = array<i32>} : memref<128xi32, #tpu.memory_space<vmem>>, vector<16xi32>,
      %get3A_57 = vector.shape_cast %get3A_56 : vector<16xi32> to vector<16xi32>
      %shift_right_logical3A = arith.constant 12 : i32
      %shift_right_logical3A_58 = vector.broadcast %shift_right_logical3A : i32 to vector<16xi32>
      %shift_right_logical3A_59 = arith.shrui %get3A_57, %shift_right_logical3A_58 : vector<16xi32>
      %swap3A_60 = arith.constant 0 : index
      %swap3A_61 = tpu.vector_load %arg8[%swap3A_60] {strides = array<i32>} : memref<128xi32, #tpu.memory_space<vmem>>, vector<16xi32>,
      %swap3A_62 = vector.shape_cast %swap3A_61 : vector<16xi32> to vector<16xi32>
      %swap3A_63 = vector.shape_cast %shift_right_logical3A_59 : vector<16xi32> to vector<16xi32>
      tpu.vector_store %arg8[%swap3A_60], %swap3A_63 {strides = array<i32>} : memref<128xi32, #tpu.memory_space<vmem>>, vector<16xi32>,
      %and3A_64 = arith.constant 4095 : i32
      %and3A_65 = vector.broadcast %and3A_64 : i32 to vector<16xi32>
      %and3A_66 = arith.andi %get3A_57, %and3A_65 : vector<16xi32>
      %swap3A_67 = arith.constant 0 : index
      %swap3A_68 = tpu.vector_load %arg9[%swap3A_67] {strides = array<i32>} : memref<128xi32, #tpu.memory_space<vmem>>, vector<16xi32>,
      %swap3A_69 = vector.shape_cast %swap3A_68 : vector<16xi32> to vector<16xi32>
      %swap3A_70 = vector.shape_cast %and3A_66 : vector<16xi32> to vector<16xi32>
      tpu.vector_store %arg9[%swap3A_67], %swap3A_70 {strides = array<i32>} : memref<128xi32, #tpu.memory_space<vmem>>, vector<16xi32>,
      %get3A_71 = arith.constant 16 : index
      %get3A_72 = tpu.vector_load %arg7[%get3A_71] {strides = array<i32>} : memref<128xi32, #tpu.memory_space<vmem>>, vector<16xi32>,
      %get3A_73 = vector.shape_cast %get3A_72 : vector<16xi32> to vector<16xi32>
      %shift_right_logical3A_74 = arith.constant 12 : i32
      %shift_right_logical3A_75 = vector.broadcast %shift_right_logical3A_74 : i32 to vector<16xi32>
      %shift_right_logical3A_76 = arith.shrui %get3A_73, %shift_right_logical3A_75 : vector<16xi32>
      %swap3A_77 = arith.constant 16 : index
      %swap3A_78 = tpu.vector_load %arg8[%swap3A_77] {strides = array<i32>} : memref<128xi32, #tpu.memory_space<vmem>>, vector<16xi32>,
      %swap3A_79 = vector.shape_cast %swap3A_78 : vector<16xi32> to vector<16xi32>
      %swap3A_80 = vector.shape_cast %shift_right_logical3A_76 : vector<16xi32> to vector<16xi32>
      tpu.vector_store %arg8[%swap3A_77], %swap3A_80 {strides = array<i32>} : memref<128xi32, #tpu.memory_space<vmem>>, vector<16xi32>,
      %and3A_81 = arith.constant 4095 : i32
      %and3A_82 = vector.broadcast %and3A_81 : i32 to vector<16xi32>
      %and3A_83 = arith.andi %get3A_73, %and3A_82 : vector<16xi32>
      %swap3A_84 = arith.constant 16 : index
      %swap3A_85 = tpu.vector_load %arg9[%swap3A_84] {strides = array<i32>} : memref<128xi32, #tpu.memory_space<vmem>>, vector<16xi32>,
      %swap3A_86 = vector.shape_cast %swap3A_85 : vector<16xi32> to vector<16xi32>
      %swap3A_87 = vector.shape_cast %and3A_83 : vector<16xi32> to vector<16xi32>
      tpu.vector_store %arg9[%swap3A_84], %swap3A_87 {strides = array<i32>} : memref<128xi32, #tpu.memory_space<vmem>>, vector<16xi32>,
      %get3A_88 = arith.constant 32 : index
      %get3A_89 = tpu.vector_load %arg7[%get3A_88] {strides = array<i32>} : memref<128xi32, #tpu.memory_space<vmem>>, vector<16xi32>,
      %get3A_90 = vector.shape_cast %get3A_89 : vector<16xi32> to vector<16xi32>
      %shift_right_logical3A_91 = arith.constant 12 : i32
      %shift_right_logical3A_92 = vector.broadcast %shift_right_logical3A_91 : i32 to vector<16xi32>
      %shift_right_logical3A_93 = arith.shrui %get3A_90, %shift_right_logical3A_92 : vector<16xi32>
      %swap3A_94 = arith.constant 32 : index
      %swap3A_95 = tpu.vector_load %arg8[%swap3A_94] {strides = array<i32>} : memref<128xi32, #tpu.memory_space<vmem>>, vector<16xi32>,
      %swap3A_96 = vector.shape_cast %swap3A_95 : vector<16xi32> to vector<16xi32>
      %swap3A_97 = vector.shape_cast %shift_right_logical3A_93 : vector<16xi32> to vector<16xi32>
      tpu.vector_store %arg8[%swap3A_94], %swap3A_97 {strides = array<i32>} : memref<128xi32, #tpu.memory_space<vmem>>, vector<16xi32>,
      %and3A_98 = arith.constant 4095 : i32
      %and3A_99 = vector.broadcast %and3A_98 : i32 to vector<16xi32>
      %and3A_100 = arith.andi %get3A_90, %and3A_99 : vector<16xi32>
      %swap3A_101 = arith.constant 32 : index
      %swap3A_102 = tpu.vector_load %arg9[%swap3A_101] {strides = array<i32>} : memref<128xi32, #tpu.memory_space<vmem>>, vector<16xi32>,
      %swap3A_103 = vector.shape_cast %swap3A_102 : vector<16xi32> to vector<16xi32>
      %swap3A_104 = vector.shape_cast %and3A_100 : vector<16xi32> to vector<16xi32>
      tpu.vector_store %arg9[%swap3A_101], %swap3A_104 {strides = array<i32>} : memref<128xi32, #tpu.memory_space<vmem>>, vector<16xi32>,
      %get3A_105 = arith.constant 48 : index
      %get3A_106 = tpu.vector_load %arg7[%get3A_105] {strides = array<i32>} : memref<128xi32, #tpu.memory_space<vmem>>, vector<16xi32>,
      %get3A_107 = vector.shape_cast %get3A_106 : vector<16xi32> to vector<16xi32>
      %shift_right_logical3A_108 = arith.constant 12 : i32
      %shift_right_logical3A_109 = vector.broadcast %shift_right_logical3A_108 : i32 to vector<16xi32>
      %shift_right_logical3A_110 = arith.shrui %get3A_107, %shift_right_logical3A_109 : vector<16xi32>
      %swap3A_111 = arith.constant 48 : index
      %swap3A_112 = tpu.vector_load %arg8[%swap3A_111] {strides = array<i32>} : memref<128xi32, #tpu.memory_space<vmem>>, vector<16xi32>,
      %swap3A_113 = vector.shape_cast %swap3A_112 : vector<16xi32> to vector<16xi32>
      %swap3A_114 = vector.shape_cast %shift_right_logical3A_110 : vector<16xi32> to vector<16xi32>
      tpu.vector_store %arg8[%swap3A_111], %swap3A_114 {strides = array<i32>} : memref<128xi32, #tpu.memory_space<vmem>>, vector<16xi32>,
      %and3A_115 = arith.constant 4095 : i32
      %and3A_116 = vector.broadcast %and3A_115 : i32 to vector<16xi32>
      %and3A_117 = arith.andi %get3A_107, %and3A_116 : vector<16xi32>
      %swap3A_118 = arith.constant 48 : index
      %swap3A_119 = tpu.vector_load %arg9[%swap3A_118] {strides = array<i32>} : memref<128xi32, #tpu.memory_space<vmem>>, vector<16xi32>,
      %swap3A_120 = vector.shape_cast %swap3A_119 : vector<16xi32> to vector<16xi32>
      %swap3A_121 = vector.shape_cast %and3A_117 : vector<16xi32> to vector<16xi32>
      tpu.vector_store %arg9[%swap3A_118], %swap3A_121 {strides = array<i32>} : memref<128xi32, #tpu.memory_space<vmem>>, vector<16xi32>,
      %get3A_122 = arith.constant 64 : index
      %get3A_123 = tpu.vector_load %arg7[%get3A_122] {strides = array<i32>} : memref<128xi32, #tpu.memory_space<vmem>>, vector<16xi32>,
      %get3A_124 = vector.shape_cast %get3A_123 : vector<16xi32> to vector<16xi32>
      %shift_right_logical3A_125 = arith.constant 12 : i32
      %shift_right_logical3A_126 = vector.broadcast %shift_right_logical3A_125 : i32 to vector<16xi32>
      %shift_right_logical3A_127 = arith.shrui %get3A_124, %shift_right_logical3A_126 : vector<16xi32>
      %swap3A_128 = arith.constant 64 : index
      %swap3A_129 = tpu.vector_load %arg8[%swap3A_128] {strides = array<i32>} : memref<128xi32, #tpu.memory_space<vmem>>, vector<16xi32>,
      %swap3A_130 = vector.shape_cast %swap3A_129 : vector<16xi32> to vector<16xi32>
      %swap3A_131 = vector.shape_cast %shift_right_logical3A_127 : vector<16xi32> to vector<16xi32>
      tpu.vector_store %arg8[%swap3A_128], %swap3A_131 {strides = array<i32>} : memref<128xi32, #tpu.memory_space<vmem>>, vector<16xi32>,
      %and3A_132 = arith.constant 4095 : i32
      %and3A_133 = vector.broadcast %and3A_132 : i32 to vector<16xi32>
      %and3A_134 = arith.andi %get3A_124, %and3A_133 : vector<16xi32>
      %swap3A_135 = arith.constant 64 : index
      %swap3A_136 = tpu.vector_load %arg9[%swap3A_135] {strides = array<i32>} : memref<128xi32, #tpu.memory_space<vmem>>, vector<16xi32>,
      %swap3A_137 = vector.shape_cast %swap3A_136 : vector<16xi32> to vector<16xi32>
      %swap3A_138 = vector.shape_cast %and3A_134 : vector<16xi32> to vector<16xi32>
      tpu.vector_store %arg9[%swap3A_135], %swap3A_138 {strides = array<i32>} : memref<128xi32, #tpu.memory_space<vmem>>, vector<16xi32>,
      %get3A_139 = arith.constant 80 : index
      %get3A_140 = tpu.vector_load %arg7[%get3A_139] {strides = array<i32>} : memref<128xi32, #tpu.memory_space<vmem>>, vector<16xi32>,
      %get3A_141 = vector.shape_cast %get3A_140 : vector<16xi32> to vector<16xi32>
      %shift_right_logical3A_142 = arith.constant 12 : i32
      %shift_right_logical3A_143 = vector.broadcast %shift_right_logical3A_142 : i32 to vector<16xi32>
      %shift_right_logical3A_144 = arith.shrui %get3A_141, %shift_right_logical3A_143 : vector<16xi32>
      %swap3A_145 = arith.constant 80 : index
      %swap3A_146 = tpu.vector_load %arg8[%swap3A_145] {strides = array<i32>} : memref<128xi32, #tpu.memory_space<vmem>>, vector<16xi32>,
      %swap3A_147 = vector.shape_cast %swap3A_146 : vector<16xi32> to vector<16xi32>
      %swap3A_148 = vector.shape_cast %shift_right_logical3A_144 : vector<16xi32> to vector<16xi32>
      tpu.vector_store %arg8[%swap3A_145], %swap3A_148 {strides = array<i32>} : memref<128xi32, #tpu.memory_space<vmem>>, vector<16xi32>,
      %and3A_149 = arith.constant 4095 : i32
      %and3A_150 = vector.broadcast %and3A_149 : i32 to vector<16xi32>
      %and3A_151 = arith.andi %get3A_141, %and3A_150 : vector<16xi32>
      %swap3A_152 = arith.constant 80 : index
      %swap3A_153 = tpu.vector_load %arg9[%swap3A_152] {strides = array<i32>} : memref<128xi32, #tpu.memory_space<vmem>>, vector<16xi32>,
      %swap3A_154 = vector.shape_cast %swap3A_153 : vector<16xi32> to vector<16xi32>
      %swap3A_155 = vector.shape_cast %and3A_151 : vector<16xi32> to vector<16xi32>
      tpu.vector_store %arg9[%swap3A_152], %swap3A_155 {strides = array<i32>} : memref<128xi32, #tpu.memory_space<vmem>>, vector<16xi32>,
      %get3A_156 = arith.constant 96 : index
      %get3A_157 = tpu.vector_load %arg7[%get3A_156] {strides = array<i32>} : memref<128xi32, #tpu.memory_space<vmem>>, vector<16xi32>,
      %get3A_158 = vector.shape_cast %get3A_157 : vector<16xi32> to vector<16xi32>
      %shift_right_logical3A_159 = arith.constant 12 : i32
      %shift_right_logical3A_160 = vector.broadcast %shift_right_logical3A_159 : i32 to vector<16xi32>
      %shift_right_logical3A_161 = arith.shrui %get3A_158, %shift_right_logical3A_160 : vector<16xi32>
      %swap3A_162 = arith.constant 96 : index
      %swap3A_163 = tpu.vector_load %arg8[%swap3A_162] {strides = array<i32>} : memref<128xi32, #tpu.memory_space<vmem>>, vector<16xi32>,
      %swap3A_164 = vector.shape_cast %swap3A_163 : vector<16xi32> to vector<16xi32>
      %swap3A_165 = vector.shape_cast %shift_right_logical3A_161 : vector<16xi32> to vector<16xi32>
      tpu.vector_store %arg8[%swap3A_162], %swap3A_165 {strides = array<i32>} : memref<128xi32, #tpu.memory_space<vmem>>, vector<16xi32>,
      %and3A_166 = arith.constant 4095 : i32
      %and3A_167 = vector.broadcast %and3A_166 : i32 to vector<16xi32>
      %and3A_168 = arith.andi %get3A_158, %and3A_167 : vector<16xi32>
      %swap3A_169 = arith.constant 96 : index
      %swap3A_170 = tpu.vector_load %arg9[%swap3A_169] {strides = array<i32>} : memref<128xi32, #tpu.memory_space<vmem>>, vector<16xi32>,
      %swap3A_171 = vector.shape_cast %swap3A_170 : vector<16xi32> to vector<16xi32>
      %swap3A_172 = vector.shape_cast %and3A_168 : vector<16xi32> to vector<16xi32>
      tpu.vector_store %arg9[%swap3A_169], %swap3A_172 {strides = array<i32>} : memref<128xi32, #tpu.memory_space<vmem>>, vector<16xi32>,
      %get3A_173 = arith.constant 112 : index
      %get3A_174 = tpu.vector_load %arg7[%get3A_173] {strides = array<i32>} : memref<128xi32, #tpu.memory_space<vmem>>, vector<16xi32>,
      %get3A_175 = vector.shape_cast %get3A_174 : vector<16xi32> to vector<16xi32>
      %shift_right_logical3A_176 = arith.constant 12 : i32
      %shift_right_logical3A_177 = vector.broadcast %shift_right_logical3A_176 : i32 to vector<16xi32>
      %shift_right_logical3A_178 = arith.shrui %get3A_175, %shift_right_logical3A_177 : vector<16xi32>
      %swap3A_179 = arith.constant 112 : index
      %swap3A_180 = tpu.vector_load %arg8[%swap3A_179] {strides = array<i32>} : memref<128xi32, #tpu.memory_space<vmem>>, vector<16xi32>,
      %swap3A_181 = vector.shape_cast %swap3A_180 : vector<16xi32> to vector<16xi32>
      %swap3A_182 = vector.shape_cast %shift_right_logical3A_178 : vector<16xi32> to vector<16xi32>
      tpu.vector_store %arg8[%swap3A_179], %swap3A_182 {strides = array<i32>} : memref<128xi32, #tpu.memory_space<vmem>>, vector<16xi32>,
      %and3A_183 = arith.constant 4095 : i32
      %and3A_184 = vector.broadcast %and3A_183 : i32 to vector<16xi32>
      %and3A_185 = arith.andi %get3A_175, %and3A_184 : vector<16xi32>
      %swap3A_186 = arith.constant 112 : index
      %swap3A_187 = tpu.vector_load %arg9[%swap3A_186] {strides = array<i32>} : memref<128xi32, #tpu.memory_space<vmem>>, vector<16xi32>,
      %swap3A_188 = vector.shape_cast %swap3A_187 : vector<16xi32> to vector<16xi32>
      %swap3A_189 = vector.shape_cast %and3A_185 : vector<16xi32> to vector<16xi32>
      tpu.vector_store %arg9[%swap3A_186], %swap3A_189 {strides = array<i32>} : memref<128xi32, #tpu.memory_space<vmem>>, vector<16xi32>,
      %dma_start3A = arith.constant 0 : i32
      %dma_start3A_190 = arith.constant 0 : i32
      %dma_start3A_191 = tpu.memref_slice %arg2[%dma_start3A, %dma_start3A_190] : memref<4096x128xf32, #tpu.memory_space<hbm>> -> memref<4096x128xf32, #tpu.memory_space<hbm>>
      tpu.enqueue_indirect_dma source(%dma_start3A_191 : memref<4096x128xf32, #tpu.memory_space<hbm>>) target(%arg10 : memref<128x128xf32, #tpu.memory_space<vmem>>) offsets(%arg9 : memref<128xi32, #tpu.memory_space<vmem>>) semaphore(%arg15 : memref<!tpu.dma_semaphore, #tpu.memory_space<semaphore_mem>>)
      %dma_start3A_192 = arith.constant 0 : i32
      %dma_start3A_193 = arith.constant 0 : i32
      %dma_start3A_194 = tpu.memref_slice %arg2[%dma_start3A_192, %dma_start3A_193] : memref<4096x128xf32, #tpu.memory_space<hbm>> -> memref<4096x128xf32, #tpu.memory_space<hbm>>
      tpu.enqueue_indirect_dma source(%dma_start3A_194 : memref<4096x128xf32, #tpu.memory_space<hbm>>) target(%arg11 : memref<128x128xf32, #tpu.memory_space<vmem>>) offsets(%arg8 : memref<128xi32, #tpu.memory_space<vmem>>) semaphore(%arg16 : memref<!tpu.dma_semaphore, #tpu.memory_space<semaphore_mem>>)
      %mul3A_195 = arith.constant 128 : i32
      %mul3A_196 = arith.muli %while3A_51, %mul3A_195 : i32
      %add3A_197 = arith.addi %mul3A_2, %mul3A_196 : i32
      "tpu.region"() ({
        %run_scoped3A = tpu.sem_alloc : memref<!tpu.dma_semaphore, #tpu.memory_space<semaphore_mem>>
        %dma_start3A_208 = arith.constant 0 : i32
        %dma_start3A_209 = tpu.memref_slice %arg4[%add3A_197, %dma_start3A_208] : memref<131072x128xf32, #tpu.memory_space<hbm>> -> memref<128x128xf32, #tpu.memory_space<hbm>>
        %dma_start3A_210 = arith.constant 0 : i32
        %dma_start3A_211 = tpu.memref_slice %arg4[%add3A_197, %dma_start3A_210] : memref<131072x128xf32, #tpu.memory_space<hbm>> -> memref<128x128xf32, #tpu.memory_space<hbm>>
        tpu.enqueue_dma source(%dma_start3A_211 : memref<128x128xf32, #tpu.memory_space<hbm>>) target(%arg12 : memref<128x128xf32, #tpu.memory_space<vmem>>) target_semaphore(%run_scoped3A : memref<!tpu.dma_semaphore, #tpu.memory_space<semaphore_mem>>)
        %dma_wait3A_212 = arith.constant 0 : i32
        %dma_wait3A_213 = tpu.memref_slice %arg4[%add3A_197, %dma_wait3A_212] : memref<131072x128xf32, #tpu.memory_space<hbm>> -> memref<128x128xf32, #tpu.memory_space<hbm>>
        %dma_wait3A_214 = arith.constant 0 : i32
        %dma_wait3A_215 = tpu.memref_slice %arg4[%add3A_197, %dma_wait3A_214] : memref<131072x128xf32, #tpu.memory_space<hbm>> -> memref<128x128xf32, #tpu.memory_space<hbm>>
        tpu.wait_dma2 semaphore(%run_scoped3A : memref<!tpu.dma_semaphore, #tpu.memory_space<semaphore_mem>>) src(%dma_wait3A_215 : memref<128x128xf32, #tpu.memory_space<hbm>>) dst(%arg12 : memref<128x128xf32, #tpu.memory_space<vmem>>)
        tpu.yield
      }) : () -> ()
      %dma_wait3A = arith.constant 0 : i32
      %dma_wait3A_198 = arith.constant 0 : i32
      %dma_wait3A_199 = tpu.memref_slice %arg2[%dma_wait3A, %dma_wait3A_198] : memref<4096x128xf32, #tpu.memory_space<hbm>> -> memref<4096x128xf32, #tpu.memory_space<hbm>>
      tpu.wait_indirect_dma semaphore(%arg15 : memref<!tpu.dma_semaphore, #tpu.memory_space<semaphore_mem>>) src(%dma_wait3A_199 : memref<4096x128xf32, #tpu.memory_space<hbm>>) dst(%arg10 : memref<128x128xf32, #tpu.memory_space<vmem>>)
      %dma_wait3A_200 = arith.constant 0 : i32
      %dma_wait3A_201 = arith.constant 0 : i32
      %dma_wait3A_202 = tpu.memref_slice %arg2[%dma_wait3A_200, %dma_wait3A_201] : memref<4096x128xf32, #tpu.memory_space<hbm>> -> memref<4096x128xf32, #tpu.memory_space<hbm>>
      tpu.wait_indirect_dma semaphore(%arg16 : memref<!tpu.dma_semaphore, #tpu.memory_space<semaphore_mem>>) src(%dma_wait3A_202 : memref<4096x128xf32, #tpu.memory_space<hbm>>) dst(%arg11 : memref<128x128xf32, #tpu.memory_space<vmem>>)
      %scan3A = arith.constant 0 : i32
      %scan3A_203 = arith.constant 0 : i32
      %scan3A_204 = arith.constant 128 : i32
      %scan3A_205 = arith.addi %scan3A_203, %scan3A_204 : i32
      %scan3A_206 = arith.constant 1 : i32
      scf.for %scan3A_208 = %scan3A_203 to %scan3A_205 step %scan3A_206  : i32 {
        %get3A_209 = arith.index_cast %scan3A_208 : i32 to index
        %get3A_210 = arith.constant 0 : index
        %get3A_211 = tpu.vector_load %arg10[%get3A_209, %get3A_210] {strides = array<i32>} : memref<128x128xf32, #tpu.memory_space<vmem>>, vector<1x16xf32>,
        %get3A_212 = vector.shape_cast %get3A_211 : vector<1x16xf32> to vector<16xf32>
        %get3A_213 = arith.index_cast %scan3A_208 : i32 to index
        %get3A_214 = arith.constant 0 : index
        %get3A_215 = tpu.vector_load %arg12[%get3A_213, %get3A_214] {strides = array<i32>} : memref<128x128xf32, #tpu.memory_space<vmem>>, vector<1x16xf32>,
        %get3A_216 = vector.shape_cast %get3A_215 : vector<1x16xf32> to vector<16xf32>
        %mul3A_217 = arith.mulf %get3A_212, %get3A_216 : vector<16xf32>
        %swap3A_218 = arith.index_cast %scan3A_208 : i32 to index
        %swap3A_219 = arith.constant 0 : index
        %swap3A_220 = tpu.vector_load %arg10[%swap3A_218, %swap3A_219] {strides = array<i32>} : memref<128x128xf32, #tpu.memory_space<vmem>>, vector<1x16xf32>,
        %swap3A_221 = vector.shape_cast %swap3A_220 : vector<1x16xf32> to vector<16xf32>
        %swap3A_222 = vector.shape_cast %mul3A_217 : vector<16xf32> to vector<1x16xf32>
        tpu.vector_store %arg10[%swap3A_218, %swap3A_219], %swap3A_222 {strides = array<i32>} : memref<128x128xf32, #tpu.memory_space<vmem>>, vector<1x16xf32>,
        %get3A_223 = arith.index_cast %scan3A_208 : i32 to index
        %get3A_224 = arith.constant 0 : index
        %get3A_225 = tpu.vector_load %arg11[%get3A_223, %get3A_224] {strides = array<i32>} : memref<128x128xf32, #tpu.memory_space<vmem>>, vector<1x16xf32>,
        %get3A_226 = vector.shape_cast %get3A_225 : vector<1x16xf32> to vector<16xf32>
        %get3A_227 = arith.index_cast %scan3A_208 : i32 to index
        %get3A_228 = arith.constant 0 : index
        %get3A_229 = tpu.vector_load %arg12[%get3A_227, %get3A_228] {strides = array<i32>} : memref<128x128xf32, #tpu.memory_space<vmem>>, vector<1x16xf32>,
        %get3A_230 = vector.shape_cast %get3A_229 : vector<1x16xf32> to vector<16xf32>
        %mul3A_231 = arith.mulf %get3A_226, %get3A_230 : vector<16xf32>
        %swap3A_232 = arith.index_cast %scan3A_208 : i32 to index
        %swap3A_233 = arith.constant 0 : index
        %swap3A_234 = tpu.vector_load %arg11[%swap3A_232, %swap3A_233] {strides = array<i32>} : memref<128x128xf32, #tpu.memory_space<vmem>>, vector<1x16xf32>,
        %swap3A_235 = vector.shape_cast %swap3A_234 : vector<1x16xf32> to vector<16xf32>
        %swap3A_236 = vector.shape_cast %mul3A_231 : vector<16xf32> to vector<1x16xf32>
        tpu.vector_store %arg11[%swap3A_232, %swap3A_233], %swap3A_236 {strides = array<i32>} : memref<128x128xf32, #tpu.memory_space<vmem>>, vector<1x16xf32>,
        %get3A_237 = arith.index_cast %scan3A_208 : i32 to index
        %get3A_238 = arith.constant 16 : index
        %get3A_239 = tpu.vector_load %arg10[%get3A_237, %get3A_238] {strides = array<i32>} : memref<128x128xf32, #tpu.memory_space<vmem>>, vector<1x16xf32>,
        %get3A_240 = vector.shape_cast %get3A_239 : vector<1x16xf32> to vector<16xf32>
        %get3A_241 = arith.index_cast %scan3A_208 : i32 to index
        %get3A_242 = arith.constant 16 : index
        %get3A_243 = tpu.vector_load %arg12[%get3A_241, %get3A_242] {strides = array<i32>} : memref<128x128xf32, #tpu.memory_space<vmem>>, vector<1x16xf32>,
        %get3A_244 = vector.shape_cast %get3A_243 : vector<1x16xf32> to vector<16xf32>
        %mul3A_245 = arith.mulf %get3A_240, %get3A_244 : vector<16xf32>
        %swap3A_246 = arith.index_cast %scan3A_208 : i32 to index
        %swap3A_247 = arith.constant 16 : index
        %swap3A_248 = tpu.vector_load %arg10[%swap3A_246, %swap3A_247] {strides = array<i32>} : memref<128x128xf32, #tpu.memory_space<vmem>>, vector<1x16xf32>,
        %swap3A_249 = vector.shape_cast %swap3A_248 : vector<1x16xf32> to vector<16xf32>
        %swap3A_250 = vector.shape_cast %mul3A_245 : vector<16xf32> to vector<1x16xf32>
        tpu.vector_store %arg10[%swap3A_246, %swap3A_247], %swap3A_250 {strides = array<i32>} : memref<128x128xf32, #tpu.memory_space<vmem>>, vector<1x16xf32>,
        %get3A_251 = arith.index_cast %scan3A_208 : i32 to index
        %get3A_252 = arith.constant 16 : index
        %get3A_253 = tpu.vector_load %arg11[%get3A_251, %get3A_252] {strides = array<i32>} : memref<128x128xf32, #tpu.memory_space<vmem>>, vector<1x16xf32>,
        %get3A_254 = vector.shape_cast %get3A_253 : vector<1x16xf32> to vector<16xf32>
        %get3A_255 = arith.index_cast %scan3A_208 : i32 to index
        %get3A_256 = arith.constant 16 : index
        %get3A_257 = tpu.vector_load %arg12[%get3A_255, %get3A_256] {strides = array<i32>} : memref<128x128xf32, #tpu.memory_space<vmem>>, vector<1x16xf32>,
        %get3A_258 = vector.shape_cast %get3A_257 : vector<1x16xf32> to vector<16xf32>
        %mul3A_259 = arith.mulf %get3A_254, %get3A_258 : vector<16xf32>
        %swap3A_260 = arith.index_cast %scan3A_208 : i32 to index
        %swap3A_261 = arith.constant 16 : index
        %swap3A_262 = tpu.vector_load %arg11[%swap3A_260, %swap3A_261] {strides = array<i32>} : memref<128x128xf32, #tpu.memory_space<vmem>>, vector<1x16xf32>,
        %swap3A_263 = vector.shape_cast %swap3A_262 : vector<1x16xf32> to vector<16xf32>
        %swap3A_264 = vector.shape_cast %mul3A_259 : vector<16xf32> to vector<1x16xf32>
        tpu.vector_store %arg11[%swap3A_260, %swap3A_261], %swap3A_264 {strides = array<i32>} : memref<128x128xf32, #tpu.memory_space<vmem>>, vector<1x16xf32>,
        %get3A_265 = arith.index_cast %scan3A_208 : i32 to index
        %get3A_266 = arith.constant 32 : index
        %get3A_267 = tpu.vector_load %arg10[%get3A_265, %get3A_266] {strides = array<i32>} : memref<128x128xf32, #tpu.memory_space<vmem>>, vector<1x16xf32>,
        %get3A_268 = vector.shape_cast %get3A_267 : vector<1x16xf32> to vector<16xf32>
        %get3A_269 = arith.index_cast %scan3A_208 : i32 to index
        %get3A_270 = arith.constant 32 : index
        %get3A_271 = tpu.vector_load %arg12[%get3A_269, %get3A_270] {strides = array<i32>} : memref<128x128xf32, #tpu.memory_space<vmem>>, vector<1x16xf32>,
        %get3A_272 = vector.shape_cast %get3A_271 : vector<1x16xf32> to vector<16xf32>
        %mul3A_273 = arith.mulf %get3A_268, %get3A_272 : vector<16xf32>
        %swap3A_274 = arith.index_cast %scan3A_208 : i32 to index
        %swap3A_275 = arith.constant 32 : index
        %swap3A_276 = tpu.vector_load %arg10[%swap3A_274, %swap3A_275] {strides = array<i32>} : memref<128x128xf32, #tpu.memory_space<vmem>>, vector<1x16xf32>,
        %swap3A_277 = vector.shape_cast %swap3A_276 : vector<1x16xf32> to vector<16xf32>
        %swap3A_278 = vector.shape_cast %mul3A_273 : vector<16xf32> to vector<1x16xf32>
        tpu.vector_store %arg10[%swap3A_274, %swap3A_275], %swap3A_278 {strides = array<i32>} : memref<128x128xf32, #tpu.memory_space<vmem>>, vector<1x16xf32>,
        %get3A_279 = arith.index_cast %scan3A_208 : i32 to index
        %get3A_280 = arith.constant 32 : index
        %get3A_281 = tpu.vector_load %arg11[%get3A_279, %get3A_280] {strides = array<i32>} : memref<128x128xf32, #tpu.memory_space<vmem>>, vector<1x16xf32>,
        %get3A_282 = vector.shape_cast %get3A_281 : vector<1x16xf32> to vector<16xf32>
        %get3A_283 = arith.index_cast %scan3A_208 : i32 to index
        %get3A_284 = arith.constant 32 : index
        %get3A_285 = tpu.vector_load %arg12[%get3A_283, %get3A_284] {strides = array<i32>} : memref<128x128xf32, #tpu.memory_space<vmem>>, vector<1x16xf32>,
        %get3A_286 = vector.shape_cast %get3A_285 : vector<1x16xf32> to vector<16xf32>
        %mul3A_287 = arith.mulf %get3A_282, %get3A_286 : vector<16xf32>
        %swap3A_288 = arith.index_cast %scan3A_208 : i32 to index
        %swap3A_289 = arith.constant 32 : index
        %swap3A_290 = tpu.vector_load %arg11[%swap3A_288, %swap3A_289] {strides = array<i32>} : memref<128x128xf32, #tpu.memory_space<vmem>>, vector<1x16xf32>,
        %swap3A_291 = vector.shape_cast %swap3A_290 : vector<1x16xf32> to vector<16xf32>
        %swap3A_292 = vector.shape_cast %mul3A_287 : vector<16xf32> to vector<1x16xf32>
        tpu.vector_store %arg11[%swap3A_288, %swap3A_289], %swap3A_292 {strides = array<i32>} : memref<128x128xf32, #tpu.memory_space<vmem>>, vector<1x16xf32>,
        %get3A_293 = arith.index_cast %scan3A_208 : i32 to index
        %get3A_294 = arith.constant 48 : index
        %get3A_295 = tpu.vector_load %arg10[%get3A_293, %get3A_294] {strides = array<i32>} : memref<128x128xf32, #tpu.memory_space<vmem>>, vector<1x16xf32>,
        %get3A_296 = vector.shape_cast %get3A_295 : vector<1x16xf32> to vector<16xf32>
        %get3A_297 = arith.index_cast %scan3A_208 : i32 to index
        %get3A_298 = arith.constant 48 : index
        %get3A_299 = tpu.vector_load %arg12[%get3A_297, %get3A_298] {strides = array<i32>} : memref<128x128xf32, #tpu.memory_space<vmem>>, vector<1x16xf32>,
        %get3A_300 = vector.shape_cast %get3A_299 : vector<1x16xf32> to vector<16xf32>
        %mul3A_301 = arith.mulf %get3A_296, %get3A_300 : vector<16xf32>
        %swap3A_302 = arith.index_cast %scan3A_208 : i32 to index
        %swap3A_303 = arith.constant 48 : index
        %swap3A_304 = tpu.vector_load %arg10[%swap3A_302, %swap3A_303] {strides = array<i32>} : memref<128x128xf32, #tpu.memory_space<vmem>>, vector<1x16xf32>,
        %swap3A_305 = vector.shape_cast %swap3A_304 : vector<1x16xf32> to vector<16xf32>
        %swap3A_306 = vector.shape_cast %mul3A_301 : vector<16xf32> to vector<1x16xf32>
        tpu.vector_store %arg10[%swap3A_302, %swap3A_303], %swap3A_306 {strides = array<i32>} : memref<128x128xf32, #tpu.memory_space<vmem>>, vector<1x16xf32>,
        %get3A_307 = arith.index_cast %scan3A_208 : i32 to index
        %get3A_308 = arith.constant 48 : index
        %get3A_309 = tpu.vector_load %arg11[%get3A_307, %get3A_308] {strides = array<i32>} : memref<128x128xf32, #tpu.memory_space<vmem>>, vector<1x16xf32>,
        %get3A_310 = vector.shape_cast %get3A_309 : vector<1x16xf32> to vector<16xf32>
        %get3A_311 = arith.index_cast %scan3A_208 : i32 to index
        %get3A_312 = arith.constant 48 : index
        %get3A_313 = tpu.vector_load %arg12[%get3A_311, %get3A_312] {strides = array<i32>} : memref<128x128xf32, #tpu.memory_space<vmem>>, vector<1x16xf32>,
        %get3A_314 = vector.shape_cast %get3A_313 : vector<1x16xf32> to vector<16xf32>
        %mul3A_315 = arith.mulf %get3A_310, %get3A_314 : vector<16xf32>
        %swap3A_316 = arith.index_cast %scan3A_208 : i32 to index
        %swap3A_317 = arith.constant 48 : index
        %swap3A_318 = tpu.vector_load %arg11[%swap3A_316, %swap3A_317] {strides = array<i32>} : memref<128x128xf32, #tpu.memory_space<vmem>>, vector<1x16xf32>,
        %swap3A_319 = vector.shape_cast %swap3A_318 : vector<1x16xf32> to vector<16xf32>
        %swap3A_320 = vector.shape_cast %mul3A_315 : vector<16xf32> to vector<1x16xf32>
        tpu.vector_store %arg11[%swap3A_316, %swap3A_317], %swap3A_320 {strides = array<i32>} : memref<128x128xf32, #tpu.memory_space<vmem>>, vector<1x16xf32>,
        %get3A_321 = arith.index_cast %scan3A_208 : i32 to index
        %get3A_322 = arith.constant 64 : index
        %get3A_323 = tpu.vector_load %arg10[%get3A_321, %get3A_322] {strides = array<i32>} : memref<128x128xf32, #tpu.memory_space<vmem>>, vector<1x16xf32>,
        %get3A_324 = vector.shape_cast %get3A_323 : vector<1x16xf32> to vector<16xf32>
        %get3A_325 = arith.index_cast %scan3A_208 : i32 to index
        %get3A_326 = arith.constant 64 : index
        %get3A_327 = tpu.vector_load %arg12[%get3A_325, %get3A_326] {strides = array<i32>} : memref<128x128xf32, #tpu.memory_space<vmem>>, vector<1x16xf32>,
        %get3A_328 = vector.shape_cast %get3A_327 : vector<1x16xf32> to vector<16xf32>
        %mul3A_329 = arith.mulf %get3A_324, %get3A_328 : vector<16xf32>
        %swap3A_330 = arith.index_cast %scan3A_208 : i32 to index
        %swap3A_331 = arith.constant 64 : index
        %swap3A_332 = tpu.vector_load %arg10[%swap3A_330, %swap3A_331] {strides = array<i32>} : memref<128x128xf32, #tpu.memory_space<vmem>>, vector<1x16xf32>,
        %swap3A_333 = vector.shape_cast %swap3A_332 : vector<1x16xf32> to vector<16xf32>
        %swap3A_334 = vector.shape_cast %mul3A_329 : vector<16xf32> to vector<1x16xf32>
        tpu.vector_store %arg10[%swap3A_330, %swap3A_331], %swap3A_334 {strides = array<i32>} : memref<128x128xf32, #tpu.memory_space<vmem>>, vector<1x16xf32>,
        %get3A_335 = arith.index_cast %scan3A_208 : i32 to index
        %get3A_336 = arith.constant 64 : index
        %get3A_337 = tpu.vector_load %arg11[%get3A_335, %get3A_336] {strides = array<i32>} : memref<128x128xf32, #tpu.memory_space<vmem>>, vector<1x16xf32>,
        %get3A_338 = vector.shape_cast %get3A_337 : vector<1x16xf32> to vector<16xf32>
        %get3A_339 = arith.index_cast %scan3A_208 : i32 to index
        %get3A_340 = arith.constant 64 : index
        %get3A_341 = tpu.vector_load %arg12[%get3A_339, %get3A_340] {strides = array<i32>} : memref<128x128xf32, #tpu.memory_space<vmem>>, vector<1x16xf32>,
        %get3A_342 = vector.shape_cast %get3A_341 : vector<1x16xf32> to vector<16xf32>
        %mul3A_343 = arith.mulf %get3A_338, %get3A_342 : vector<16xf32>
        %swap3A_344 = arith.index_cast %scan3A_208 : i32 to index
        %swap3A_345 = arith.constant 64 : index
        %swap3A_346 = tpu.vector_load %arg11[%swap3A_344, %swap3A_345] {strides = array<i32>} : memref<128x128xf32, #tpu.memory_space<vmem>>, vector<1x16xf32>,
        %swap3A_347 = vector.shape_cast %swap3A_346 : vector<1x16xf32> to vector<16xf32>
        %swap3A_348 = vector.shape_cast %mul3A_343 : vector<16xf32> to vector<1x16xf32>
        tpu.vector_store %arg11[%swap3A_344, %swap3A_345], %swap3A_348 {strides = array<i32>} : memref<128x128xf32, #tpu.memory_space<vmem>>, vector<1x16xf32>,
        %get3A_349 = arith.index_cast %scan3A_208 : i32 to index
        %get3A_350 = arith.constant 80 : index
        %get3A_351 = tpu.vector_load %arg10[%get3A_349, %get3A_350] {strides = array<i32>} : memref<128x128xf32, #tpu.memory_space<vmem>>, vector<1x16xf32>,
        %get3A_352 = vector.shape_cast %get3A_351 : vector<1x16xf32> to vector<16xf32>
        %get3A_353 = arith.index_cast %scan3A_208 : i32 to index
        %get3A_354 = arith.constant 80 : index
        %get3A_355 = tpu.vector_load %arg12[%get3A_353, %get3A_354] {strides = array<i32>} : memref<128x128xf32, #tpu.memory_space<vmem>>, vector<1x16xf32>,
        %get3A_356 = vector.shape_cast %get3A_355 : vector<1x16xf32> to vector<16xf32>
        %mul3A_357 = arith.mulf %get3A_352, %get3A_356 : vector<16xf32>
        %swap3A_358 = arith.index_cast %scan3A_208 : i32 to index
        %swap3A_359 = arith.constant 80 : index
        %swap3A_360 = tpu.vector_load %arg10[%swap3A_358, %swap3A_359] {strides = array<i32>} : memref<128x128xf32, #tpu.memory_space<vmem>>, vector<1x16xf32>,
        %swap3A_361 = vector.shape_cast %swap3A_360 : vector<1x16xf32> to vector<16xf32>
        %swap3A_362 = vector.shape_cast %mul3A_357 : vector<16xf32> to vector<1x16xf32>
        tpu.vector_store %arg10[%swap3A_358, %swap3A_359], %swap3A_362 {strides = array<i32>} : memref<128x128xf32, #tpu.memory_space<vmem>>, vector<1x16xf32>,
        %get3A_363 = arith.index_cast %scan3A_208 : i32 to index
        %get3A_364 = arith.constant 80 : index
        %get3A_365 = tpu.vector_load %arg11[%get3A_363, %get3A_364] {strides = array<i32>} : memref<128x128xf32, #tpu.memory_space<vmem>>, vector<1x16xf32>,
        %get3A_366 = vector.shape_cast %get3A_365 : vector<1x16xf32> to vector<16xf32>
        %get3A_367 = arith.index_cast %scan3A_208 : i32 to index
        %get3A_368 = arith.constant 80 : index
        %get3A_369 = tpu.vector_load %arg12[%get3A_367, %get3A_368] {strides = array<i32>} : memref<128x128xf32, #tpu.memory_space<vmem>>, vector<1x16xf32>,
        %get3A_370 = vector.shape_cast %get3A_369 : vector<1x16xf32> to vector<16xf32>
        %mul3A_371 = arith.mulf %get3A_366, %get3A_370 : vector<16xf32>
        %swap3A_372 = arith.index_cast %scan3A_208 : i32 to index
        %swap3A_373 = arith.constant 80 : index
        %swap3A_374 = tpu.vector_load %arg11[%swap3A_372, %swap3A_373] {strides = array<i32>} : memref<128x128xf32, #tpu.memory_space<vmem>>, vector<1x16xf32>,
        %swap3A_375 = vector.shape_cast %swap3A_374 : vector<1x16xf32> to vector<16xf32>
        %swap3A_376 = vector.shape_cast %mul3A_371 : vector<16xf32> to vector<1x16xf32>
        tpu.vector_store %arg11[%swap3A_372, %swap3A_373], %swap3A_376 {strides = array<i32>} : memref<128x128xf32, #tpu.memory_space<vmem>>, vector<1x16xf32>,
        %get3A_377 = arith.index_cast %scan3A_208 : i32 to index
        %get3A_378 = arith.constant 96 : index
        %get3A_379 = tpu.vector_load %arg10[%get3A_377, %get3A_378] {strides = array<i32>} : memref<128x128xf32, #tpu.memory_space<vmem>>, vector<1x16xf32>,
        %get3A_380 = vector.shape_cast %get3A_379 : vector<1x16xf32> to vector<16xf32>
        %get3A_381 = arith.index_cast %scan3A_208 : i32 to index
        %get3A_382 = arith.constant 96 : index
        %get3A_383 = tpu.vector_load %arg12[%get3A_381, %get3A_382] {strides = array<i32>} : memref<128x128xf32, #tpu.memory_space<vmem>>, vector<1x16xf32>,
        %get3A_384 = vector.shape_cast %get3A_383 : vector<1x16xf32> to vector<16xf32>
        %mul3A_385 = arith.mulf %get3A_380, %get3A_384 : vector<16xf32>
        %swap3A_386 = arith.index_cast %scan3A_208 : i32 to index
        %swap3A_387 = arith.constant 96 : index
        %swap3A_388 = tpu.vector_load %arg10[%swap3A_386, %swap3A_387] {strides = array<i32>} : memref<128x128xf32, #tpu.memory_space<vmem>>, vector<1x16xf32>,
        %swap3A_389 = vector.shape_cast %swap3A_388 : vector<1x16xf32> to vector<16xf32>
        %swap3A_390 = vector.shape_cast %mul3A_385 : vector<16xf32> to vector<1x16xf32>
        tpu.vector_store %arg10[%swap3A_386, %swap3A_387], %swap3A_390 {strides = array<i32>} : memref<128x128xf32, #tpu.memory_space<vmem>>, vector<1x16xf32>,
        %get3A_391 = arith.index_cast %scan3A_208 : i32 to index
        %get3A_392 = arith.constant 96 : index
        %get3A_393 = tpu.vector_load %arg11[%get3A_391, %get3A_392] {strides = array<i32>} : memref<128x128xf32, #tpu.memory_space<vmem>>, vector<1x16xf32>,
        %get3A_394 = vector.shape_cast %get3A_393 : vector<1x16xf32> to vector<16xf32>
        %get3A_395 = arith.index_cast %scan3A_208 : i32 to index
        %get3A_396 = arith.constant 96 : index
        %get3A_397 = tpu.vector_load %arg12[%get3A_395, %get3A_396] {strides = array<i32>} : memref<128x128xf32, #tpu.memory_space<vmem>>, vector<1x16xf32>,
        %get3A_398 = vector.shape_cast %get3A_397 : vector<1x16xf32> to vector<16xf32>
        %mul3A_399 = arith.mulf %get3A_394, %get3A_398 : vector<16xf32>
        %swap3A_400 = arith.index_cast %scan3A_208 : i32 to index
        %swap3A_401 = arith.constant 96 : index
        %swap3A_402 = tpu.vector_load %arg11[%swap3A_400, %swap3A_401] {strides = array<i32>} : memref<128x128xf32, #tpu.memory_space<vmem>>, vector<1x16xf32>,
        %swap3A_403 = vector.shape_cast %swap3A_402 : vector<1x16xf32> to vector<16xf32>
        %swap3A_404 = vector.shape_cast %mul3A_399 : vector<16xf32> to vector<1x16xf32>
        tpu.vector_store %arg11[%swap3A_400, %swap3A_401], %swap3A_404 {strides = array<i32>} : memref<128x128xf32, #tpu.memory_space<vmem>>, vector<1x16xf32>,
        %get3A_405 = arith.index_cast %scan3A_208 : i32 to index
        %get3A_406 = arith.constant 112 : index
        %get3A_407 = tpu.vector_load %arg10[%get3A_405, %get3A_406] {strides = array<i32>} : memref<128x128xf32, #tpu.memory_space<vmem>>, vector<1x16xf32>,
        %get3A_408 = vector.shape_cast %get3A_407 : vector<1x16xf32> to vector<16xf32>
        %get3A_409 = arith.index_cast %scan3A_208 : i32 to index
        %get3A_410 = arith.constant 112 : index
        %get3A_411 = tpu.vector_load %arg12[%get3A_409, %get3A_410] {strides = array<i32>} : memref<128x128xf32, #tpu.memory_space<vmem>>, vector<1x16xf32>,
        %get3A_412 = vector.shape_cast %get3A_411 : vector<1x16xf32> to vector<16xf32>
        %mul3A_413 = arith.mulf %get3A_408, %get3A_412 : vector<16xf32>
        %swap3A_414 = arith.index_cast %scan3A_208 : i32 to index
        %swap3A_415 = arith.constant 112 : index
        %swap3A_416 = tpu.vector_load %arg10[%swap3A_414, %swap3A_415] {strides = array<i32>} : memref<128x128xf32, #tpu.memory_space<vmem>>, vector<1x16xf32>,
        %swap3A_417 = vector.shape_cast %swap3A_416 : vector<1x16xf32> to vector<16xf32>
        %swap3A_418 = vector.shape_cast %mul3A_413 : vector<16xf32> to vector<1x16xf32>
        tpu.vector_store %arg10[%swap3A_414, %swap3A_415], %swap3A_418 {strides = array<i32>} : memref<128x128xf32, #tpu.memory_space<vmem>>, vector<1x16xf32>,
        %get3A_419 = arith.index_cast %scan3A_208 : i32 to index
        %get3A_420 = arith.constant 112 : index
        %get3A_421 = tpu.vector_load %arg11[%get3A_419, %get3A_420] {strides = array<i32>} : memref<128x128xf32, #tpu.memory_space<vmem>>, vector<1x16xf32>,
        %get3A_422 = vector.shape_cast %get3A_421 : vector<1x16xf32> to vector<16xf32>
        %get3A_423 = arith.index_cast %scan3A_208 : i32 to index
        %get3A_424 = arith.constant 112 : index
        %get3A_425 = tpu.vector_load %arg12[%get3A_423, %get3A_424] {strides = array<i32>} : memref<128x128xf32, #tpu.memory_space<vmem>>, vector<1x16xf32>,
        %get3A_426 = vector.shape_cast %get3A_425 : vector<1x16xf32> to vector<16xf32>
        %mul3A_427 = arith.mulf %get3A_422, %get3A_426 : vector<16xf32>
        %swap3A_428 = arith.index_cast %scan3A_208 : i32 to index
        %swap3A_429 = arith.constant 112 : index
        %swap3A_430 = tpu.vector_load %arg11[%swap3A_428, %swap3A_429] {strides = array<i32>} : memref<128x128xf32, #tpu.memory_space<vmem>>, vector<1x16xf32>,
        %swap3A_431 = vector.shape_cast %swap3A_430 : vector<1x16xf32> to vector<16xf32>
        %swap3A_432 = vector.shape_cast %mul3A_427 : vector<16xf32> to vector<1x16xf32>
        tpu.vector_store %arg11[%swap3A_428, %swap3A_429], %swap3A_432 {strides = array<i32>} : memref<128x128xf32, #tpu.memory_space<vmem>>, vector<1x16xf32>,
      }
      %scan3A_207 = arith.constant 128 : i32
      "tpu.region"() ({
        %run_scoped3A = tpu.sem_alloc : memref<!tpu.dma_semaphore, #tpu.memory_space<semaphore_mem>>
        %dma_start3A_208 = arith.constant 0 : i32
        %dma_start3A_209 = arith.constant 0 : i32
        %dma_start3A_210 = tpu.memref_slice %arg14[%dma_start3A_208, %dma_start3A_209] : memref<4096x128xf32, #tpu.memory_space<vmem_shared>> -> memref<4096x128xf32, #tpu.memory_space<vmem_shared>>
        tpu.enqueue_indirect_dma source(%arg10 : memref<128x128xf32, #tpu.memory_space<vmem>>) target(%dma_start3A_210 : memref<4096x128xf32, #tpu.memory_space<vmem_shared>>) offsets(%arg8 : memref<128xi32, #tpu.memory_space<vmem>>) semaphore(%run_scoped3A : memref<!tpu.dma_semaphore, #tpu.memory_space<semaphore_mem>>) {add = true}
        %dma_wait3A_211 = arith.constant 0 : i32
        %dma_wait3A_212 = arith.constant 0 : i32
        %dma_wait3A_213 = tpu.memref_slice %arg14[%dma_wait3A_211, %dma_wait3A_212] : memref<4096x128xf32, #tpu.memory_space<vmem_shared>> -> memref<4096x128xf32, #tpu.memory_space<vmem_shared>>
        tpu.wait_indirect_dma semaphore(%run_scoped3A : memref<!tpu.dma_semaphore, #tpu.memory_space<semaphore_mem>>) src(%arg10 : memref<128x128xf32, #tpu.memory_space<vmem>>) dst(%dma_wait3A_213 : memref<4096x128xf32, #tpu.memory_space<vmem_shared>>)
        tpu.yield
      }) : () -> ()
      "tpu.region"() ({
        %run_scoped3A = tpu.sem_alloc : memref<!tpu.dma_semaphore, #tpu.memory_space<semaphore_mem>>
        %dma_start3A_208 = arith.constant 0 : i32
        %dma_start3A_209 = arith.constant 0 : i32
        %dma_start3A_210 = tpu.memref_slice %arg14[%dma_start3A_208, %dma_start3A_209] : memref<4096x128xf32, #tpu.memory_space<vmem_shared>> -> memref<4096x128xf32, #tpu.memory_space<vmem_shared>>
        tpu.enqueue_indirect_dma source(%arg11 : memref<128x128xf32, #tpu.memory_space<vmem>>) target(%dma_start3A_210 : memref<4096x128xf32, #tpu.memory_space<vmem_shared>>) offsets(%arg9 : memref<128xi32, #tpu.memory_space<vmem>>) semaphore(%run_scoped3A : memref<!tpu.dma_semaphore, #tpu.memory_space<semaphore_mem>>) {add = true}
        %dma_wait3A_211 = arith.constant 0 : i32
        %dma_wait3A_212 = arith.constant 0 : i32
        %dma_wait3A_213 = tpu.memref_slice %arg14[%dma_wait3A_211, %dma_wait3A_212] : memref<4096x128xf32, #tpu.memory_space<vmem_shared>> -> memref<4096x128xf32, #tpu.memory_space<vmem_shared>>
        tpu.wait_indirect_dma semaphore(%run_scoped3A : memref<!tpu.dma_semaphore, #tpu.memory_space<semaphore_mem>>) src(%arg11 : memref<128x128xf32, #tpu.memory_space<vmem>>) dst(%dma_wait3A_213 : memref<4096x128xf32, #tpu.memory_space<vmem_shared>>)
        tpu.yield
      }) : () -> ()
    }
    %while3A_45 = arith.constant 1 : i32
    scf.for %while3A_51 = %while3A_43 to %while3A_39 step %while3A_45  : i32 {
      %mul3A_52 = arith.constant 128 : i32
      %mul3A_53 = arith.muli %while3A_51, %mul3A_52 : i32
      %add3A_54 = arith.addi %mul3A_2, %mul3A_53 : i32
      "tpu.region"() ({
        %run_scoped3A = tpu.sem_alloc : memref<!tpu.dma_semaphore, #tpu.memory_space<semaphore_mem>>
        %dma_start3A_208 = tpu.memref_slice %arg3[%add3A_54] : memref<131072xi32, #tpu.memory_space<hbm>> -> memref<128xi32, #tpu.memory_space<hbm>>
        %dma_start3A_209 = tpu.memref_slice %arg3[%add3A_54] : memref<131072xi32, #tpu.memory_space<hbm>> -> memref<128xi32, #tpu.memory_space<hbm>>
        tpu.enqueue_dma source(%dma_start3A_209 : memref<128xi32, #tpu.memory_space<hbm>>) target(%arg7 : memref<128xi32, #tpu.memory_space<vmem>>) target_semaphore(%run_scoped3A : memref<!tpu.dma_semaphore, #tpu.memory_space<semaphore_mem>>)
        %dma_wait3A_210 = tpu.memref_slice %arg3[%add3A_54] : memref<131072xi32, #tpu.memory_space<hbm>> -> memref<128xi32, #tpu.memory_space<hbm>>
        %dma_wait3A_211 = tpu.memref_slice %arg3[%add3A_54] : memref<131072xi32, #tpu.memory_space<hbm>> -> memref<128xi32, #tpu.memory_space<hbm>>
        tpu.wait_dma2 semaphore(%run_scoped3A : memref<!tpu.dma_semaphore, #tpu.memory_space<semaphore_mem>>) src(%dma_wait3A_211 : memref<128xi32, #tpu.memory_space<hbm>>) dst(%arg7 : memref<128xi32, #tpu.memory_space<vmem>>)
        tpu.yield
      }) : () -> ()
      %get3A_55 = arith.constant 0 : index
      %get3A_56 = tpu.vector_load %arg7[%get3A_55] {strides = array<i32>} : memref<128xi32, #tpu.memory_space<vmem>>, vector<16xi32>,
      %get3A_57 = vector.shape_cast %get3A_56 : vector<16xi32> to vector<16xi32>
      %shift_right_logical3A = arith.constant 12 : i32
      %shift_right_logical3A_58 = vector.broadcast %shift_right_logical3A : i32 to vector<16xi32>
      %shift_right_logical3A_59 = arith.shrui %get3A_57, %shift_right_logical3A_58 : vector<16xi32>
      %swap3A_60 = arith.constant 0 : index
      %swap3A_61 = tpu.vector_load %arg8[%swap3A_60] {strides = array<i32>} : memref<128xi32, #tpu.memory_space<vmem>>, vector<16xi32>,
      %swap3A_62 = vector.shape_cast %swap3A_61 : vector<16xi32> to vector<16xi32>
      %swap3A_63 = vector.shape_cast %shift_right_logical3A_59 : vector<16xi32> to vector<16xi32>
      tpu.vector_store %arg8[%swap3A_60], %swap3A_63 {strides = array<i32>} : memref<128xi32, #tpu.memory_space<vmem>>, vector<16xi32>,
      %and3A_64 = arith.constant 4095 : i32
      %and3A_65 = vector.broadcast %and3A_64 : i32 to vector<16xi32>
      %and3A_66 = arith.andi %get3A_57, %and3A_65 : vector<16xi32>
      %swap3A_67 = arith.constant 0 : index
      %swap3A_68 = tpu.vector_load %arg9[%swap3A_67] {strides = array<i32>} : memref<128xi32, #tpu.memory_space<vmem>>, vector<16xi32>,
      %swap3A_69 = vector.shape_cast %swap3A_68 : vector<16xi32> to vector<16xi32>
      %swap3A_70 = vector.shape_cast %and3A_66 : vector<16xi32> to vector<16xi32>
      tpu.vector_store %arg9[%swap3A_67], %swap3A_70 {strides = array<i32>} : memref<128xi32, #tpu.memory_space<vmem>>, vector<16xi32>,
      %get3A_71 = arith.constant 16 : index
      %get3A_72 = tpu.vector_load %arg7[%get3A_71] {strides = array<i32>} : memref<128xi32, #tpu.memory_space<vmem>>, vector<16xi32>,
      %get3A_73 = vector.shape_cast %get3A_72 : vector<16xi32> to vector<16xi32>
      %shift_right_logical3A_74 = arith.constant 12 : i32
      %shift_right_logical3A_75 = vector.broadcast %shift_right_logical3A_74 : i32 to vector<16xi32>
      %shift_right_logical3A_76 = arith.shrui %get3A_73, %shift_right_logical3A_75 : vector<16xi32>
      %swap3A_77 = arith.constant 16 : index
      %swap3A_78 = tpu.vector_load %arg8[%swap3A_77] {strides = array<i32>} : memref<128xi32, #tpu.memory_space<vmem>>, vector<16xi32>,
      %swap3A_79 = vector.shape_cast %swap3A_78 : vector<16xi32> to vector<16xi32>
      %swap3A_80 = vector.shape_cast %shift_right_logical3A_76 : vector<16xi32> to vector<16xi32>
      tpu.vector_store %arg8[%swap3A_77], %swap3A_80 {strides = array<i32>} : memref<128xi32, #tpu.memory_space<vmem>>, vector<16xi32>,
      %and3A_81 = arith.constant 4095 : i32
      %and3A_82 = vector.broadcast %and3A_81 : i32 to vector<16xi32>
      %and3A_83 = arith.andi %get3A_73, %and3A_82 : vector<16xi32>
      %swap3A_84 = arith.constant 16 : index
      %swap3A_85 = tpu.vector_load %arg9[%swap3A_84] {strides = array<i32>} : memref<128xi32, #tpu.memory_space<vmem>>, vector<16xi32>,
      %swap3A_86 = vector.shape_cast %swap3A_85 : vector<16xi32> to vector<16xi32>
      %swap3A_87 = vector.shape_cast %and3A_83 : vector<16xi32> to vector<16xi32>
      tpu.vector_store %arg9[%swap3A_84], %swap3A_87 {strides = array<i32>} : memref<128xi32, #tpu.memory_space<vmem>>, vector<16xi32>,
      %get3A_88 = arith.constant 32 : index
      %get3A_89 = tpu.vector_load %arg7[%get3A_88] {strides = array<i32>} : memref<128xi32, #tpu.memory_space<vmem>>, vector<16xi32>,
      %get3A_90 = vector.shape_cast %get3A_89 : vector<16xi32> to vector<16xi32>
      %shift_right_logical3A_91 = arith.constant 12 : i32
      %shift_right_logical3A_92 = vector.broadcast %shift_right_logical3A_91 : i32 to vector<16xi32>
      %shift_right_logical3A_93 = arith.shrui %get3A_90, %shift_right_logical3A_92 : vector<16xi32>
      %swap3A_94 = arith.constant 32 : index
      %swap3A_95 = tpu.vector_load %arg8[%swap3A_94] {strides = array<i32>} : memref<128xi32, #tpu.memory_space<vmem>>, vector<16xi32>,
      %swap3A_96 = vector.shape_cast %swap3A_95 : vector<16xi32> to vector<16xi32>
      %swap3A_97 = vector.shape_cast %shift_right_logical3A_93 : vector<16xi32> to vector<16xi32>
      tpu.vector_store %arg8[%swap3A_94], %swap3A_97 {strides = array<i32>} : memref<128xi32, #tpu.memory_space<vmem>>, vector<16xi32>,
      %and3A_98 = arith.constant 4095 : i32
      %and3A_99 = vector.broadcast %and3A_98 : i32 to vector<16xi32>
      %and3A_100 = arith.andi %get3A_90, %and3A_99 : vector<16xi32>
      %swap3A_101 = arith.constant 32 : index
      %swap3A_102 = tpu.vector_load %arg9[%swap3A_101] {strides = array<i32>} : memref<128xi32, #tpu.memory_space<vmem>>, vector<16xi32>,
      %swap3A_103 = vector.shape_cast %swap3A_102 : vector<16xi32> to vector<16xi32>
      %swap3A_104 = vector.shape_cast %and3A_100 : vector<16xi32> to vector<16xi32>
      tpu.vector_store %arg9[%swap3A_101], %swap3A_104 {strides = array<i32>} : memref<128xi32, #tpu.memory_space<vmem>>, vector<16xi32>,
      %get3A_105 = arith.constant 48 : index
      %get3A_106 = tpu.vector_load %arg7[%get3A_105] {strides = array<i32>} : memref<128xi32, #tpu.memory_space<vmem>>, vector<16xi32>,
      %get3A_107 = vector.shape_cast %get3A_106 : vector<16xi32> to vector<16xi32>
      %shift_right_logical3A_108 = arith.constant 12 : i32
      %shift_right_logical3A_109 = vector.broadcast %shift_right_logical3A_108 : i32 to vector<16xi32>
      %shift_right_logical3A_110 = arith.shrui %get3A_107, %shift_right_logical3A_109 : vector<16xi32>
      %swap3A_111 = arith.constant 48 : index
      %swap3A_112 = tpu.vector_load %arg8[%swap3A_111] {strides = array<i32>} : memref<128xi32, #tpu.memory_space<vmem>>, vector<16xi32>,
      %swap3A_113 = vector.shape_cast %swap3A_112 : vector<16xi32> to vector<16xi32>
      %swap3A_114 = vector.shape_cast %shift_right_logical3A_110 : vector<16xi32> to vector<16xi32>
      tpu.vector_store %arg8[%swap3A_111], %swap3A_114 {strides = array<i32>} : memref<128xi32, #tpu.memory_space<vmem>>, vector<16xi32>,
      %and3A_115 = arith.constant 4095 : i32
      %and3A_116 = vector.broadcast %and3A_115 : i32 to vector<16xi32>
      %and3A_117 = arith.andi %get3A_107, %and3A_116 : vector<16xi32>
      %swap3A_118 = arith.constant 48 : index
      %swap3A_119 = tpu.vector_load %arg9[%swap3A_118] {strides = array<i32>} : memref<128xi32, #tpu.memory_space<vmem>>, vector<16xi32>,
      %swap3A_120 = vector.shape_cast %swap3A_119 : vector<16xi32> to vector<16xi32>
      %swap3A_121 = vector.shape_cast %and3A_117 : vector<16xi32> to vector<16xi32>
      tpu.vector_store %arg9[%swap3A_118], %swap3A_121 {strides = array<i32>} : memref<128xi32, #tpu.memory_space<vmem>>, vector<16xi32>,
      %get3A_122 = arith.constant 64 : index
      %get3A_123 = tpu.vector_load %arg7[%get3A_122] {strides = array<i32>} : memref<128xi32, #tpu.memory_space<vmem>>, vector<16xi32>,
      %get3A_124 = vector.shape_cast %get3A_123 : vector<16xi32> to vector<16xi32>
      %shift_right_logical3A_125 = arith.constant 12 : i32
      %shift_right_logical3A_126 = vector.broadcast %shift_right_logical3A_125 : i32 to vector<16xi32>
      %shift_right_logical3A_127 = arith.shrui %get3A_124, %shift_right_logical3A_126 : vector<16xi32>
      %swap3A_128 = arith.constant 64 : index
      %swap3A_129 = tpu.vector_load %arg8[%swap3A_128] {strides = array<i32>} : memref<128xi32, #tpu.memory_space<vmem>>, vector<16xi32>,
      %swap3A_130 = vector.shape_cast %swap3A_129 : vector<16xi32> to vector<16xi32>
      %swap3A_131 = vector.shape_cast %shift_right_logical3A_127 : vector<16xi32> to vector<16xi32>
      tpu.vector_store %arg8[%swap3A_128], %swap3A_131 {strides = array<i32>} : memref<128xi32, #tpu.memory_space<vmem>>, vector<16xi32>,
      %and3A_132 = arith.constant 4095 : i32
      %and3A_133 = vector.broadcast %and3A_132 : i32 to vector<16xi32>
      %and3A_134 = arith.andi %get3A_124, %and3A_133 : vector<16xi32>
      %swap3A_135 = arith.constant 64 : index
      %swap3A_136 = tpu.vector_load %arg9[%swap3A_135] {strides = array<i32>} : memref<128xi32, #tpu.memory_space<vmem>>, vector<16xi32>,
      %swap3A_137 = vector.shape_cast %swap3A_136 : vector<16xi32> to vector<16xi32>
      %swap3A_138 = vector.shape_cast %and3A_134 : vector<16xi32> to vector<16xi32>
      tpu.vector_store %arg9[%swap3A_135], %swap3A_138 {strides = array<i32>} : memref<128xi32, #tpu.memory_space<vmem>>, vector<16xi32>,
      %get3A_139 = arith.constant 80 : index
      %get3A_140 = tpu.vector_load %arg7[%get3A_139] {strides = array<i32>} : memref<128xi32, #tpu.memory_space<vmem>>, vector<16xi32>,
      %get3A_141 = vector.shape_cast %get3A_140 : vector<16xi32> to vector<16xi32>
      %shift_right_logical3A_142 = arith.constant 12 : i32
      %shift_right_logical3A_143 = vector.broadcast %shift_right_logical3A_142 : i32 to vector<16xi32>
      %shift_right_logical3A_144 = arith.shrui %get3A_141, %shift_right_logical3A_143 : vector<16xi32>
      %swap3A_145 = arith.constant 80 : index
      %swap3A_146 = tpu.vector_load %arg8[%swap3A_145] {strides = array<i32>} : memref<128xi32, #tpu.memory_space<vmem>>, vector<16xi32>,
      %swap3A_147 = vector.shape_cast %swap3A_146 : vector<16xi32> to vector<16xi32>
      %swap3A_148 = vector.shape_cast %shift_right_logical3A_144 : vector<16xi32> to vector<16xi32>
      tpu.vector_store %arg8[%swap3A_145], %swap3A_148 {strides = array<i32>} : memref<128xi32, #tpu.memory_space<vmem>>, vector<16xi32>,
      %and3A_149 = arith.constant 4095 : i32
      %and3A_150 = vector.broadcast %and3A_149 : i32 to vector<16xi32>
      %and3A_151 = arith.andi %get3A_141, %and3A_150 : vector<16xi32>
      %swap3A_152 = arith.constant 80 : index
      %swap3A_153 = tpu.vector_load %arg9[%swap3A_152] {strides = array<i32>} : memref<128xi32, #tpu.memory_space<vmem>>, vector<16xi32>,
      %swap3A_154 = vector.shape_cast %swap3A_153 : vector<16xi32> to vector<16xi32>
      %swap3A_155 = vector.shape_cast %and3A_151 : vector<16xi32> to vector<16xi32>
      tpu.vector_store %arg9[%swap3A_152], %swap3A_155 {strides = array<i32>} : memref<128xi32, #tpu.memory_space<vmem>>, vector<16xi32>,
      %get3A_156 = arith.constant 96 : index
      %get3A_157 = tpu.vector_load %arg7[%get3A_156] {strides = array<i32>} : memref<128xi32, #tpu.memory_space<vmem>>, vector<16xi32>,
      %get3A_158 = vector.shape_cast %get3A_157 : vector<16xi32> to vector<16xi32>
      %shift_right_logical3A_159 = arith.constant 12 : i32
      %shift_right_logical3A_160 = vector.broadcast %shift_right_logical3A_159 : i32 to vector<16xi32>
      %shift_right_logical3A_161 = arith.shrui %get3A_158, %shift_right_logical3A_160 : vector<16xi32>
      %swap3A_162 = arith.constant 96 : index
      %swap3A_163 = tpu.vector_load %arg8[%swap3A_162] {strides = array<i32>} : memref<128xi32, #tpu.memory_space<vmem>>, vector<16xi32>,
      %swap3A_164 = vector.shape_cast %swap3A_163 : vector<16xi32> to vector<16xi32>
      %swap3A_165 = vector.shape_cast %shift_right_logical3A_161 : vector<16xi32> to vector<16xi32>
      tpu.vector_store %arg8[%swap3A_162], %swap3A_165 {strides = array<i32>} : memref<128xi32, #tpu.memory_space<vmem>>, vector<16xi32>,
      %and3A_166 = arith.constant 4095 : i32
      %and3A_167 = vector.broadcast %and3A_166 : i32 to vector<16xi32>
      %and3A_168 = arith.andi %get3A_158, %and3A_167 : vector<16xi32>
      %swap3A_169 = arith.constant 96 : index
      %swap3A_170 = tpu.vector_load %arg9[%swap3A_169] {strides = array<i32>} : memref<128xi32, #tpu.memory_space<vmem>>, vector<16xi32>,
      %swap3A_171 = vector.shape_cast %swap3A_170 : vector<16xi32> to vector<16xi32>
      %swap3A_172 = vector.shape_cast %and3A_168 : vector<16xi32> to vector<16xi32>
      tpu.vector_store %arg9[%swap3A_169], %swap3A_172 {strides = array<i32>} : memref<128xi32, #tpu.memory_space<vmem>>, vector<16xi32>,
      %get3A_173 = arith.constant 112 : index
      %get3A_174 = tpu.vector_load %arg7[%get3A_173] {strides = array<i32>} : memref<128xi32, #tpu.memory_space<vmem>>, vector<16xi32>,
      %get3A_175 = vector.shape_cast %get3A_174 : vector<16xi32> to vector<16xi32>
      %shift_right_logical3A_176 = arith.constant 12 : i32
      %shift_right_logical3A_177 = vector.broadcast %shift_right_logical3A_176 : i32 to vector<16xi32>
      %shift_right_logical3A_178 = arith.shrui %get3A_175, %shift_right_logical3A_177 : vector<16xi32>
      %swap3A_179 = arith.constant 112 : index
      %swap3A_180 = tpu.vector_load %arg8[%swap3A_179] {strides = array<i32>} : memref<128xi32, #tpu.memory_space<vmem>>, vector<16xi32>,
      %swap3A_181 = vector.shape_cast %swap3A_180 : vector<16xi32> to vector<16xi32>
      %swap3A_182 = vector.shape_cast %shift_right_logical3A_178 : vector<16xi32> to vector<16xi32>
      tpu.vector_store %arg8[%swap3A_179], %swap3A_182 {strides = array<i32>} : memref<128xi32, #tpu.memory_space<vmem>>, vector<16xi32>,
      %and3A_183 = arith.constant 4095 : i32
      %and3A_184 = vector.broadcast %and3A_183 : i32 to vector<16xi32>
      %and3A_185 = arith.andi %get3A_175, %and3A_184 : vector<16xi32>
      %swap3A_186 = arith.constant 112 : index
      %swap3A_187 = tpu.vector_load %arg9[%swap3A_186] {strides = array<i32>} : memref<128xi32, #tpu.memory_space<vmem>>, vector<16xi32>,
      %swap3A_188 = vector.shape_cast %swap3A_187 : vector<16xi32> to vector<16xi32>
      %swap3A_189 = vector.shape_cast %and3A_185 : vector<16xi32> to vector<16xi32>
      tpu.vector_store %arg9[%swap3A_186], %swap3A_189 {strides = array<i32>} : memref<128xi32, #tpu.memory_space<vmem>>, vector<16xi32>,
      %dma_start3A = arith.constant 0 : i32
      %dma_start3A_190 = arith.constant 0 : i32
      %dma_start3A_191 = tpu.memref_slice %arg2[%dma_start3A, %dma_start3A_190] : memref<4096x128xf32, #tpu.memory_space<hbm>> -> memref<4096x128xf32, #tpu.memory_space<hbm>>
      tpu.enqueue_indirect_dma source(%dma_start3A_191 : memref<4096x128xf32, #tpu.memory_space<hbm>>) target(%arg10 : memref<128x128xf32, #tpu.memory_space<vmem>>) offsets(%arg9 : memref<128xi32, #tpu.memory_space<vmem>>) semaphore(%arg15 : memref<!tpu.dma_semaphore, #tpu.memory_space<semaphore_mem>>)
      %dma_start3A_192 = arith.constant 0 : i32
      %dma_start3A_193 = arith.constant 0 : i32
      %dma_start3A_194 = tpu.memref_slice %arg2[%dma_start3A_192, %dma_start3A_193] : memref<4096x128xf32, #tpu.memory_space<hbm>> -> memref<4096x128xf32, #tpu.memory_space<hbm>>
      tpu.enqueue_indirect_dma source(%dma_start3A_194 : memref<4096x128xf32, #tpu.memory_space<hbm>>) target(%arg11 : memref<128x128xf32, #tpu.memory_space<vmem>>) offsets(%arg8 : memref<128xi32, #tpu.memory_space<vmem>>) semaphore(%arg16 : memref<!tpu.dma_semaphore, #tpu.memory_space<semaphore_mem>>)
      %mul3A_195 = arith.constant 128 : i32
      %mul3A_196 = arith.muli %while3A_51, %mul3A_195 : i32
      %add3A_197 = arith.addi %mul3A_2, %mul3A_196 : i32
      "tpu.region"() ({
        %run_scoped3A = tpu.sem_alloc : memref<!tpu.dma_semaphore, #tpu.memory_space<semaphore_mem>>
        %dma_start3A_208 = arith.constant 0 : i32
        %dma_start3A_209 = tpu.memref_slice %arg4[%add3A_197, %dma_start3A_208] : memref<131072x128xf32, #tpu.memory_space<hbm>> -> memref<128x128xf32, #tpu.memory_space<hbm>>
        %dma_start3A_210 = arith.constant 0 : i32
        %dma_start3A_211 = tpu.memref_slice %arg4[%add3A_197, %dma_start3A_210] : memref<131072x128xf32, #tpu.memory_space<hbm>> -> memref<128x128xf32, #tpu.memory_space<hbm>>
        tpu.enqueue_dma source(%dma_start3A_211 : memref<128x128xf32, #tpu.memory_space<hbm>>) target(%arg12 : memref<128x128xf32, #tpu.memory_space<vmem>>) target_semaphore(%run_scoped3A : memref<!tpu.dma_semaphore, #tpu.memory_space<semaphore_mem>>)
        %dma_wait3A_212 = arith.constant 0 : i32
        %dma_wait3A_213 = tpu.memref_slice %arg4[%add3A_197, %dma_wait3A_212] : memref<131072x128xf32, #tpu.memory_space<hbm>> -> memref<128x128xf32, #tpu.memory_space<hbm>>
        %dma_wait3A_214 = arith.constant 0 : i32
        %dma_wait3A_215 = tpu.memref_slice %arg4[%add3A_197, %dma_wait3A_214] : memref<131072x128xf32, #tpu.memory_space<hbm>> -> memref<128x128xf32, #tpu.memory_space<hbm>>
        tpu.wait_dma2 semaphore(%run_scoped3A : memref<!tpu.dma_semaphore, #tpu.memory_space<semaphore_mem>>) src(%dma_wait3A_215 : memref<128x128xf32, #tpu.memory_space<hbm>>) dst(%arg12 : memref<128x128xf32, #tpu.memory_space<vmem>>)
        tpu.yield
      }) : () -> ()
      %dma_wait3A = arith.constant 0 : i32
      %dma_wait3A_198 = arith.constant 0 : i32
      %dma_wait3A_199 = tpu.memref_slice %arg2[%dma_wait3A, %dma_wait3A_198] : memref<4096x128xf32, #tpu.memory_space<hbm>> -> memref<4096x128xf32, #tpu.memory_space<hbm>>
      tpu.wait_indirect_dma semaphore(%arg15 : memref<!tpu.dma_semaphore, #tpu.memory_space<semaphore_mem>>) src(%dma_wait3A_199 : memref<4096x128xf32, #tpu.memory_space<hbm>>) dst(%arg10 : memref<128x128xf32, #tpu.memory_space<vmem>>)
      %dma_wait3A_200 = arith.constant 0 : i32
      %dma_wait3A_201 = arith.constant 0 : i32
      %dma_wait3A_202 = tpu.memref_slice %arg2[%dma_wait3A_200, %dma_wait3A_201] : memref<4096x128xf32, #tpu.memory_space<hbm>> -> memref<4096x128xf32, #tpu.memory_space<hbm>>
      tpu.wait_indirect_dma semaphore(%arg16 : memref<!tpu.dma_semaphore, #tpu.memory_space<semaphore_mem>>) src(%dma_wait3A_202 : memref<4096x128xf32, #tpu.memory_space<hbm>>) dst(%arg11 : memref<128x128xf32, #tpu.memory_space<vmem>>)
      %scan3A = arith.constant 0 : i32
      %scan3A_203 = arith.constant 0 : i32
      %scan3A_204 = arith.constant 128 : i32
      %scan3A_205 = arith.addi %scan3A_203, %scan3A_204 : i32
      %scan3A_206 = arith.constant 1 : i32
      scf.for %scan3A_208 = %scan3A_203 to %scan3A_205 step %scan3A_206  : i32 {
        %get3A_209 = arith.index_cast %scan3A_208 : i32 to index
        %get3A_210 = arith.constant 0 : index
        %get3A_211 = tpu.vector_load %arg10[%get3A_209, %get3A_210] {strides = array<i32>} : memref<128x128xf32, #tpu.memory_space<vmem>>, vector<1x16xf32>,
        %get3A_212 = vector.shape_cast %get3A_211 : vector<1x16xf32> to vector<16xf32>
        %get3A_213 = arith.index_cast %scan3A_208 : i32 to index
        %get3A_214 = arith.constant 0 : index
        %get3A_215 = tpu.vector_load %arg12[%get3A_213, %get3A_214] {strides = array<i32>} : memref<128x128xf32, #tpu.memory_space<vmem>>, vector<1x16xf32>,
        %get3A_216 = vector.shape_cast %get3A_215 : vector<1x16xf32> to vector<16xf32>
        %mul3A_217 = arith.mulf %get3A_212, %get3A_216 : vector<16xf32>
        %swap3A_218 = arith.index_cast %scan3A_208 : i32 to index
        %swap3A_219 = arith.constant 0 : index
        %swap3A_220 = tpu.vector_load %arg10[%swap3A_218, %swap3A_219] {strides = array<i32>} : memref<128x128xf32, #tpu.memory_space<vmem>>, vector<1x16xf32>,
        %swap3A_221 = vector.shape_cast %swap3A_220 : vector<1x16xf32> to vector<16xf32>
        %swap3A_222 = vector.shape_cast %mul3A_217 : vector<16xf32> to vector<1x16xf32>
        tpu.vector_store %arg10[%swap3A_218, %swap3A_219], %swap3A_222 {strides = array<i32>} : memref<128x128xf32, #tpu.memory_space<vmem>>, vector<1x16xf32>,
        %get3A_223 = arith.index_cast %scan3A_208 : i32 to index
        %get3A_224 = arith.constant 0 : index
        %get3A_225 = tpu.vector_load %arg11[%get3A_223, %get3A_224] {strides = array<i32>} : memref<128x128xf32, #tpu.memory_space<vmem>>, vector<1x16xf32>,
        %get3A_226 = vector.shape_cast %get3A_225 : vector<1x16xf32> to vector<16xf32>
        %get3A_227 = arith.index_cast %scan3A_208 : i32 to index
        %get3A_228 = arith.constant 0 : index
        %get3A_229 = tpu.vector_load %arg12[%get3A_227, %get3A_228] {strides = array<i32>} : memref<128x128xf32, #tpu.memory_space<vmem>>, vector<1x16xf32>,
        %get3A_230 = vector.shape_cast %get3A_229 : vector<1x16xf32> to vector<16xf32>
        %mul3A_231 = arith.mulf %get3A_226, %get3A_230 : vector<16xf32>
        %swap3A_232 = arith.index_cast %scan3A_208 : i32 to index
        %swap3A_233 = arith.constant 0 : index
        %swap3A_234 = tpu.vector_load %arg11[%swap3A_232, %swap3A_233] {strides = array<i32>} : memref<128x128xf32, #tpu.memory_space<vmem>>, vector<1x16xf32>,
        %swap3A_235 = vector.shape_cast %swap3A_234 : vector<1x16xf32> to vector<16xf32>
        %swap3A_236 = vector.shape_cast %mul3A_231 : vector<16xf32> to vector<1x16xf32>
        tpu.vector_store %arg11[%swap3A_232, %swap3A_233], %swap3A_236 {strides = array<i32>} : memref<128x128xf32, #tpu.memory_space<vmem>>, vector<1x16xf32>,
        %get3A_237 = arith.index_cast %scan3A_208 : i32 to index
        %get3A_238 = arith.constant 16 : index
        %get3A_239 = tpu.vector_load %arg10[%get3A_237, %get3A_238] {strides = array<i32>} : memref<128x128xf32, #tpu.memory_space<vmem>>, vector<1x16xf32>,
        %get3A_240 = vector.shape_cast %get3A_239 : vector<1x16xf32> to vector<16xf32>
        %get3A_241 = arith.index_cast %scan3A_208 : i32 to index
        %get3A_242 = arith.constant 16 : index
        %get3A_243 = tpu.vector_load %arg12[%get3A_241, %get3A_242] {strides = array<i32>} : memref<128x128xf32, #tpu.memory_space<vmem>>, vector<1x16xf32>,
        %get3A_244 = vector.shape_cast %get3A_243 : vector<1x16xf32> to vector<16xf32>
        %mul3A_245 = arith.mulf %get3A_240, %get3A_244 : vector<16xf32>
        %swap3A_246 = arith.index_cast %scan3A_208 : i32 to index
        %swap3A_247 = arith.constant 16 : index
        %swap3A_248 = tpu.vector_load %arg10[%swap3A_246, %swap3A_247] {strides = array<i32>} : memref<128x128xf32, #tpu.memory_space<vmem>>, vector<1x16xf32>,
        %swap3A_249 = vector.shape_cast %swap3A_248 : vector<1x16xf32> to vector<16xf32>
        %swap3A_250 = vector.shape_cast %mul3A_245 : vector<16xf32> to vector<1x16xf32>
        tpu.vector_store %arg10[%swap3A_246, %swap3A_247], %swap3A_250 {strides = array<i32>} : memref<128x128xf32, #tpu.memory_space<vmem>>, vector<1x16xf32>,
        %get3A_251 = arith.index_cast %scan3A_208 : i32 to index
        %get3A_252 = arith.constant 16 : index
        %get3A_253 = tpu.vector_load %arg11[%get3A_251, %get3A_252] {strides = array<i32>} : memref<128x128xf32, #tpu.memory_space<vmem>>, vector<1x16xf32>,
        %get3A_254 = vector.shape_cast %get3A_253 : vector<1x16xf32> to vector<16xf32>
        %get3A_255 = arith.index_cast %scan3A_208 : i32 to index
        %get3A_256 = arith.constant 16 : index
        %get3A_257 = tpu.vector_load %arg12[%get3A_255, %get3A_256] {strides = array<i32>} : memref<128x128xf32, #tpu.memory_space<vmem>>, vector<1x16xf32>,
        %get3A_258 = vector.shape_cast %get3A_257 : vector<1x16xf32> to vector<16xf32>
        %mul3A_259 = arith.mulf %get3A_254, %get3A_258 : vector<16xf32>
        %swap3A_260 = arith.index_cast %scan3A_208 : i32 to index
        %swap3A_261 = arith.constant 16 : index
        %swap3A_262 = tpu.vector_load %arg11[%swap3A_260, %swap3A_261] {strides = array<i32>} : memref<128x128xf32, #tpu.memory_space<vmem>>, vector<1x16xf32>,
        %swap3A_263 = vector.shape_cast %swap3A_262 : vector<1x16xf32> to vector<16xf32>
        %swap3A_264 = vector.shape_cast %mul3A_259 : vector<16xf32> to vector<1x16xf32>
        tpu.vector_store %arg11[%swap3A_260, %swap3A_261], %swap3A_264 {strides = array<i32>} : memref<128x128xf32, #tpu.memory_space<vmem>>, vector<1x16xf32>,
        %get3A_265 = arith.index_cast %scan3A_208 : i32 to index
        %get3A_266 = arith.constant 32 : index
        %get3A_267 = tpu.vector_load %arg10[%get3A_265, %get3A_266] {strides = array<i32>} : memref<128x128xf32, #tpu.memory_space<vmem>>, vector<1x16xf32>,
        %get3A_268 = vector.shape_cast %get3A_267 : vector<1x16xf32> to vector<16xf32>
        %get3A_269 = arith.index_cast %scan3A_208 : i32 to index
        %get3A_270 = arith.constant 32 : index
        %get3A_271 = tpu.vector_load %arg12[%get3A_269, %get3A_270] {strides = array<i32>} : memref<128x128xf32, #tpu.memory_space<vmem>>, vector<1x16xf32>,
        %get3A_272 = vector.shape_cast %get3A_271 : vector<1x16xf32> to vector<16xf32>
        %mul3A_273 = arith.mulf %get3A_268, %get3A_272 : vector<16xf32>
        %swap3A_274 = arith.index_cast %scan3A_208 : i32 to index
        %swap3A_275 = arith.constant 32 : index
        %swap3A_276 = tpu.vector_load %arg10[%swap3A_274, %swap3A_275] {strides = array<i32>} : memref<128x128xf32, #tpu.memory_space<vmem>>, vector<1x16xf32>,
        %swap3A_277 = vector.shape_cast %swap3A_276 : vector<1x16xf32> to vector<16xf32>
        %swap3A_278 = vector.shape_cast %mul3A_273 : vector<16xf32> to vector<1x16xf32>
        tpu.vector_store %arg10[%swap3A_274, %swap3A_275], %swap3A_278 {strides = array<i32>} : memref<128x128xf32, #tpu.memory_space<vmem>>, vector<1x16xf32>,
        %get3A_279 = arith.index_cast %scan3A_208 : i32 to index
        %get3A_280 = arith.constant 32 : index
        %get3A_281 = tpu.vector_load %arg11[%get3A_279, %get3A_280] {strides = array<i32>} : memref<128x128xf32, #tpu.memory_space<vmem>>, vector<1x16xf32>,
        %get3A_282 = vector.shape_cast %get3A_281 : vector<1x16xf32> to vector<16xf32>
        %get3A_283 = arith.index_cast %scan3A_208 : i32 to index
        %get3A_284 = arith.constant 32 : index
        %get3A_285 = tpu.vector_load %arg12[%get3A_283, %get3A_284] {strides = array<i32>} : memref<128x128xf32, #tpu.memory_space<vmem>>, vector<1x16xf32>,
        %get3A_286 = vector.shape_cast %get3A_285 : vector<1x16xf32> to vector<16xf32>
        %mul3A_287 = arith.mulf %get3A_282, %get3A_286 : vector<16xf32>
        %swap3A_288 = arith.index_cast %scan3A_208 : i32 to index
        %swap3A_289 = arith.constant 32 : index
        %swap3A_290 = tpu.vector_load %arg11[%swap3A_288, %swap3A_289] {strides = array<i32>} : memref<128x128xf32, #tpu.memory_space<vmem>>, vector<1x16xf32>,
        %swap3A_291 = vector.shape_cast %swap3A_290 : vector<1x16xf32> to vector<16xf32>
        %swap3A_292 = vector.shape_cast %mul3A_287 : vector<16xf32> to vector<1x16xf32>
        tpu.vector_store %arg11[%swap3A_288, %swap3A_289], %swap3A_292 {strides = array<i32>} : memref<128x128xf32, #tpu.memory_space<vmem>>, vector<1x16xf32>,
        %get3A_293 = arith.index_cast %scan3A_208 : i32 to index
        %get3A_294 = arith.constant 48 : index
        %get3A_295 = tpu.vector_load %arg10[%get3A_293, %get3A_294] {strides = array<i32>} : memref<128x128xf32, #tpu.memory_space<vmem>>, vector<1x16xf32>,
        %get3A_296 = vector.shape_cast %get3A_295 : vector<1x16xf32> to vector<16xf32>
        %get3A_297 = arith.index_cast %scan3A_208 : i32 to index
        %get3A_298 = arith.constant 48 : index
        %get3A_299 = tpu.vector_load %arg12[%get3A_297, %get3A_298] {strides = array<i32>} : memref<128x128xf32, #tpu.memory_space<vmem>>, vector<1x16xf32>,
        %get3A_300 = vector.shape_cast %get3A_299 : vector<1x16xf32> to vector<16xf32>
        %mul3A_301 = arith.mulf %get3A_296, %get3A_300 : vector<16xf32>
        %swap3A_302 = arith.index_cast %scan3A_208 : i32 to index
        %swap3A_303 = arith.constant 48 : index
        %swap3A_304 = tpu.vector_load %arg10[%swap3A_302, %swap3A_303] {strides = array<i32>} : memref<128x128xf32, #tpu.memory_space<vmem>>, vector<1x16xf32>,
        %swap3A_305 = vector.shape_cast %swap3A_304 : vector<1x16xf32> to vector<16xf32>
        %swap3A_306 = vector.shape_cast %mul3A_301 : vector<16xf32> to vector<1x16xf32>
        tpu.vector_store %arg10[%swap3A_302, %swap3A_303], %swap3A_306 {strides = array<i32>} : memref<128x128xf32, #tpu.memory_space<vmem>>, vector<1x16xf32>,
        %get3A_307 = arith.index_cast %scan3A_208 : i32 to index
        %get3A_308 = arith.constant 48 : index
        %get3A_309 = tpu.vector_load %arg11[%get3A_307, %get3A_308] {strides = array<i32>} : memref<128x128xf32, #tpu.memory_space<vmem>>, vector<1x16xf32>,
        %get3A_310 = vector.shape_cast %get3A_309 : vector<1x16xf32> to vector<16xf32>
        %get3A_311 = arith.index_cast %scan3A_208 : i32 to index
        %get3A_312 = arith.constant 48 : index
        %get3A_313 = tpu.vector_load %arg12[%get3A_311, %get3A_312] {strides = array<i32>} : memref<128x128xf32, #tpu.memory_space<vmem>>, vector<1x16xf32>,
        %get3A_314 = vector.shape_cast %get3A_313 : vector<1x16xf32> to vector<16xf32>
        %mul3A_315 = arith.mulf %get3A_310, %get3A_314 : vector<16xf32>
        %swap3A_316 = arith.index_cast %scan3A_208 : i32 to index
        %swap3A_317 = arith.constant 48 : index
        %swap3A_318 = tpu.vector_load %arg11[%swap3A_316, %swap3A_317] {strides = array<i32>} : memref<128x128xf32, #tpu.memory_space<vmem>>, vector<1x16xf32>,
        %swap3A_319 = vector.shape_cast %swap3A_318 : vector<1x16xf32> to vector<16xf32>
        %swap3A_320 = vector.shape_cast %mul3A_315 : vector<16xf32> to vector<1x16xf32>
        tpu.vector_store %arg11[%swap3A_316, %swap3A_317], %swap3A_320 {strides = array<i32>} : memref<128x128xf32, #tpu.memory_space<vmem>>, vector<1x16xf32>,
        %get3A_321 = arith.index_cast %scan3A_208 : i32 to index
        %get3A_322 = arith.constant 64 : index
        %get3A_323 = tpu.vector_load %arg10[%get3A_321, %get3A_322] {strides = array<i32>} : memref<128x128xf32, #tpu.memory_space<vmem>>, vector<1x16xf32>,
        %get3A_324 = vector.shape_cast %get3A_323 : vector<1x16xf32> to vector<16xf32>
        %get3A_325 = arith.index_cast %scan3A_208 : i32 to index
        %get3A_326 = arith.constant 64 : index
        %get3A_327 = tpu.vector_load %arg12[%get3A_325, %get3A_326] {strides = array<i32>} : memref<128x128xf32, #tpu.memory_space<vmem>>, vector<1x16xf32>,
        %get3A_328 = vector.shape_cast %get3A_327 : vector<1x16xf32> to vector<16xf32>
        %mul3A_329 = arith.mulf %get3A_324, %get3A_328 : vector<16xf32>
        %swap3A_330 = arith.index_cast %scan3A_208 : i32 to index
        %swap3A_331 = arith.constant 64 : index
        %swap3A_332 = tpu.vector_load %arg10[%swap3A_330, %swap3A_331] {strides = array<i32>} : memref<128x128xf32, #tpu.memory_space<vmem>>, vector<1x16xf32>,
        %swap3A_333 = vector.shape_cast %swap3A_332 : vector<1x16xf32> to vector<16xf32>
        %swap3A_334 = vector.shape_cast %mul3A_329 : vector<16xf32> to vector<1x16xf32>
        tpu.vector_store %arg10[%swap3A_330, %swap3A_331], %swap3A_334 {strides = array<i32>} : memref<128x128xf32, #tpu.memory_space<vmem>>, vector<1x16xf32>,
        %get3A_335 = arith.index_cast %scan3A_208 : i32 to index
        %get3A_336 = arith.constant 64 : index
        %get3A_337 = tpu.vector_load %arg11[%get3A_335, %get3A_336] {strides = array<i32>} : memref<128x128xf32, #tpu.memory_space<vmem>>, vector<1x16xf32>,
        %get3A_338 = vector.shape_cast %get3A_337 : vector<1x16xf32> to vector<16xf32>
        %get3A_339 = arith.index_cast %scan3A_208 : i32 to index
        %get3A_340 = arith.constant 64 : index
        %get3A_341 = tpu.vector_load %arg12[%get3A_339, %get3A_340] {strides = array<i32>} : memref<128x128xf32, #tpu.memory_space<vmem>>, vector<1x16xf32>,
        %get3A_342 = vector.shape_cast %get3A_341 : vector<1x16xf32> to vector<16xf32>
        %mul3A_343 = arith.mulf %get3A_338, %get3A_342 : vector<16xf32>
        %swap3A_344 = arith.index_cast %scan3A_208 : i32 to index
        %swap3A_345 = arith.constant 64 : index
        %swap3A_346 = tpu.vector_load %arg11[%swap3A_344, %swap3A_345] {strides = array<i32>} : memref<128x128xf32, #tpu.memory_space<vmem>>, vector<1x16xf32>,
        %swap3A_347 = vector.shape_cast %swap3A_346 : vector<1x16xf32> to vector<16xf32>
        %swap3A_348 = vector.shape_cast %mul3A_343 : vector<16xf32> to vector<1x16xf32>
        tpu.vector_store %arg11[%swap3A_344, %swap3A_345], %swap3A_348 {strides = array<i32>} : memref<128x128xf32, #tpu.memory_space<vmem>>, vector<1x16xf32>,
        %get3A_349 = arith.index_cast %scan3A_208 : i32 to index
        %get3A_350 = arith.constant 80 : index
        %get3A_351 = tpu.vector_load %arg10[%get3A_349, %get3A_350] {strides = array<i32>} : memref<128x128xf32, #tpu.memory_space<vmem>>, vector<1x16xf32>,
        %get3A_352 = vector.shape_cast %get3A_351 : vector<1x16xf32> to vector<16xf32>
        %get3A_353 = arith.index_cast %scan3A_208 : i32 to index
        %get3A_354 = arith.constant 80 : index
        %get3A_355 = tpu.vector_load %arg12[%get3A_353, %get3A_354] {strides = array<i32>} : memref<128x128xf32, #tpu.memory_space<vmem>>, vector<1x16xf32>,
        %get3A_356 = vector.shape_cast %get3A_355 : vector<1x16xf32> to vector<16xf32>
        %mul3A_357 = arith.mulf %get3A_352, %get3A_356 : vector<16xf32>
        %swap3A_358 = arith.index_cast %scan3A_208 : i32 to index
        %swap3A_359 = arith.constant 80 : index
        %swap3A_360 = tpu.vector_load %arg10[%swap3A_358, %swap3A_359] {strides = array<i32>} : memref<128x128xf32, #tpu.memory_space<vmem>>, vector<1x16xf32>,
        %swap3A_361 = vector.shape_cast %swap3A_360 : vector<1x16xf32> to vector<16xf32>
        %swap3A_362 = vector.shape_cast %mul3A_357 : vector<16xf32> to vector<1x16xf32>
        tpu.vector_store %arg10[%swap3A_358, %swap3A_359], %swap3A_362 {strides = array<i32>} : memref<128x128xf32, #tpu.memory_space<vmem>>, vector<1x16xf32>,
        %get3A_363 = arith.index_cast %scan3A_208 : i32 to index
        %get3A_364 = arith.constant 80 : index
        %get3A_365 = tpu.vector_load %arg11[%get3A_363, %get3A_364] {strides = array<i32>} : memref<128x128xf32, #tpu.memory_space<vmem>>, vector<1x16xf32>,
        %get3A_366 = vector.shape_cast %get3A_365 : vector<1x16xf32> to vector<16xf32>
        %get3A_367 = arith.index_cast %scan3A_208 : i32 to index
        %get3A_368 = arith.constant 80 : index
        %get3A_369 = tpu.vector_load %arg12[%get3A_367, %get3A_368] {strides = array<i32>} : memref<128x128xf32, #tpu.memory_space<vmem>>, vector<1x16xf32>,
        %get3A_370 = vector.shape_cast %get3A_369 : vector<1x16xf32> to vector<16xf32>
        %mul3A_371 = arith.mulf %get3A_366, %get3A_370 : vector<16xf32>
        %swap3A_372 = arith.index_cast %scan3A_208 : i32 to index
        %swap3A_373 = arith.constant 80 : index
        %swap3A_374 = tpu.vector_load %arg11[%swap3A_372, %swap3A_373] {strides = array<i32>} : memref<128x128xf32, #tpu.memory_space<vmem>>, vector<1x16xf32>,
        %swap3A_375 = vector.shape_cast %swap3A_374 : vector<1x16xf32> to vector<16xf32>
        %swap3A_376 = vector.shape_cast %mul3A_371 : vector<16xf32> to vector<1x16xf32>
        tpu.vector_store %arg11[%swap3A_372, %swap3A_373], %swap3A_376 {strides = array<i32>} : memref<128x128xf32, #tpu.memory_space<vmem>>, vector<1x16xf32>,
        %get3A_377 = arith.index_cast %scan3A_208 : i32 to index
        %get3A_378 = arith.constant 96 : index
        %get3A_379 = tpu.vector_load %arg10[%get3A_377, %get3A_378] {strides = array<i32>} : memref<128x128xf32, #tpu.memory_space<vmem>>, vector<1x16xf32>,
        %get3A_380 = vector.shape_cast %get3A_379 : vector<1x16xf32> to vector<16xf32>
        %get3A_381 = arith.index_cast %scan3A_208 : i32 to index
        %get3A_382 = arith.constant 96 : index
        %get3A_383 = tpu.vector_load %arg12[%get3A_381, %get3A_382] {strides = array<i32>} : memref<128x128xf32, #tpu.memory_space<vmem>>, vector<1x16xf32>,
        %get3A_384 = vector.shape_cast %get3A_383 : vector<1x16xf32> to vector<16xf32>
        %mul3A_385 = arith.mulf %get3A_380, %get3A_384 : vector<16xf32>
        %swap3A_386 = arith.index_cast %scan3A_208 : i32 to index
        %swap3A_387 = arith.constant 96 : index
        %swap3A_388 = tpu.vector_load %arg10[%swap3A_386, %swap3A_387] {strides = array<i32>} : memref<128x128xf32, #tpu.memory_space<vmem>>, vector<1x16xf32>,
        %swap3A_389 = vector.shape_cast %swap3A_388 : vector<1x16xf32> to vector<16xf32>
        %swap3A_390 = vector.shape_cast %mul3A_385 : vector<16xf32> to vector<1x16xf32>
        tpu.vector_store %arg10[%swap3A_386, %swap3A_387], %swap3A_390 {strides = array<i32>} : memref<128x128xf32, #tpu.memory_space<vmem>>, vector<1x16xf32>,
        %get3A_391 = arith.index_cast %scan3A_208 : i32 to index
        %get3A_392 = arith.constant 96 : index
        %get3A_393 = tpu.vector_load %arg11[%get3A_391, %get3A_392] {strides = array<i32>} : memref<128x128xf32, #tpu.memory_space<vmem>>, vector<1x16xf32>,
        %get3A_394 = vector.shape_cast %get3A_393 : vector<1x16xf32> to vector<16xf32>
        %get3A_395 = arith.index_cast %scan3A_208 : i32 to index
        %get3A_396 = arith.constant 96 : index
        %get3A_397 = tpu.vector_load %arg12[%get3A_395, %get3A_396] {strides = array<i32>} : memref<128x128xf32, #tpu.memory_space<vmem>>, vector<1x16xf32>,
        %get3A_398 = vector.shape_cast %get3A_397 : vector<1x16xf32> to vector<16xf32>
        %mul3A_399 = arith.mulf %get3A_394, %get3A_398 : vector<16xf32>
        %swap3A_400 = arith.index_cast %scan3A_208 : i32 to index
        %swap3A_401 = arith.constant 96 : index
        %swap3A_402 = tpu.vector_load %arg11[%swap3A_400, %swap3A_401] {strides = array<i32>} : memref<128x128xf32, #tpu.memory_space<vmem>>, vector<1x16xf32>,
        %swap3A_403 = vector.shape_cast %swap3A_402 : vector<1x16xf32> to vector<16xf32>
        %swap3A_404 = vector.shape_cast %mul3A_399 : vector<16xf32> to vector<1x16xf32>
        tpu.vector_store %arg11[%swap3A_400, %swap3A_401], %swap3A_404 {strides = array<i32>} : memref<128x128xf32, #tpu.memory_space<vmem>>, vector<1x16xf32>,
        %get3A_405 = arith.index_cast %scan3A_208 : i32 to index
        %get3A_406 = arith.constant 112 : index
        %get3A_407 = tpu.vector_load %arg10[%get3A_405, %get3A_406] {strides = array<i32>} : memref<128x128xf32, #tpu.memory_space<vmem>>, vector<1x16xf32>,
        %get3A_408 = vector.shape_cast %get3A_407 : vector<1x16xf32> to vector<16xf32>
        %get3A_409 = arith.index_cast %scan3A_208 : i32 to index
        %get3A_410 = arith.constant 112 : index
        %get3A_411 = tpu.vector_load %arg12[%get3A_409, %get3A_410] {strides = array<i32>} : memref<128x128xf32, #tpu.memory_space<vmem>>, vector<1x16xf32>,
        %get3A_412 = vector.shape_cast %get3A_411 : vector<1x16xf32> to vector<16xf32>
        %mul3A_413 = arith.mulf %get3A_408, %get3A_412 : vector<16xf32>
        %swap3A_414 = arith.index_cast %scan3A_208 : i32 to index
        %swap3A_415 = arith.constant 112 : index
        %swap3A_416 = tpu.vector_load %arg10[%swap3A_414, %swap3A_415] {strides = array<i32>} : memref<128x128xf32, #tpu.memory_space<vmem>>, vector<1x16xf32>,
        %swap3A_417 = vector.shape_cast %swap3A_416 : vector<1x16xf32> to vector<16xf32>
        %swap3A_418 = vector.shape_cast %mul3A_413 : vector<16xf32> to vector<1x16xf32>
        tpu.vector_store %arg10[%swap3A_414, %swap3A_415], %swap3A_418 {strides = array<i32>} : memref<128x128xf32, #tpu.memory_space<vmem>>, vector<1x16xf32>,
        %get3A_419 = arith.index_cast %scan3A_208 : i32 to index
        %get3A_420 = arith.constant 112 : index
        %get3A_421 = tpu.vector_load %arg11[%get3A_419, %get3A_420] {strides = array<i32>} : memref<128x128xf32, #tpu.memory_space<vmem>>, vector<1x16xf32>,
        %get3A_422 = vector.shape_cast %get3A_421 : vector<1x16xf32> to vector<16xf32>
        %get3A_423 = arith.index_cast %scan3A_208 : i32 to index
        %get3A_424 = arith.constant 112 : index
        %get3A_425 = tpu.vector_load %arg12[%get3A_423, %get3A_424] {strides = array<i32>} : memref<128x128xf32, #tpu.memory_space<vmem>>, vector<1x16xf32>,
        %get3A_426 = vector.shape_cast %get3A_425 : vector<1x16xf32> to vector<16xf32>
        %mul3A_427 = arith.mulf %get3A_422, %get3A_426 : vector<16xf32>
        %swap3A_428 = arith.index_cast %scan3A_208 : i32 to index
        %swap3A_429 = arith.constant 112 : index
        %swap3A_430 = tpu.vector_load %arg11[%swap3A_428, %swap3A_429] {strides = array<i32>} : memref<128x128xf32, #tpu.memory_space<vmem>>, vector<1x16xf32>,
        %swap3A_431 = vector.shape_cast %swap3A_430 : vector<1x16xf32> to vector<16xf32>
        %swap3A_432 = vector.shape_cast %mul3A_427 : vector<16xf32> to vector<1x16xf32>
        tpu.vector_store %arg11[%swap3A_428, %swap3A_429], %swap3A_432 {strides = array<i32>} : memref<128x128xf32, #tpu.memory_space<vmem>>, vector<1x16xf32>,
      }
      %scan3A_207 = arith.constant 128 : i32
      "tpu.region"() ({
        %run_scoped3A = tpu.sem_alloc : memref<!tpu.dma_semaphore, #tpu.memory_space<semaphore_mem>>
        %dma_start3A_208 = arith.constant 0 : i32
        %dma_start3A_209 = arith.constant 0 : i32
        %dma_start3A_210 = tpu.memref_slice %arg14[%dma_start3A_208, %dma_start3A_209] : memref<4096x128xf32, #tpu.memory_space<vmem_shared>> -> memref<4096x128xf32, #tpu.memory_space<vmem_shared>>
        tpu.enqueue_indirect_dma source(%arg10 : memref<128x128xf32, #tpu.memory_space<vmem>>) target(%dma_start3A_210 : memref<4096x128xf32, #tpu.memory_space<vmem_shared>>) offsets(%arg8 : memref<128xi32, #tpu.memory_space<vmem>>) semaphore(%run_scoped3A : memref<!tpu.dma_semaphore, #tpu.memory_space<semaphore_mem>>) {add = true}
        %dma_wait3A_211 = arith.constant 0 : i32
        %dma_wait3A_212 = arith.constant 0 : i32
        %dma_wait3A_213 = tpu.memref_slice %arg14[%dma_wait3A_211, %dma_wait3A_212] : memref<4096x128xf32, #tpu.memory_space<vmem_shared>> -> memref<4096x128xf32, #tpu.memory_space<vmem_shared>>
        tpu.wait_indirect_dma semaphore(%run_scoped3A : memref<!tpu.dma_semaphore, #tpu.memory_space<semaphore_mem>>) src(%arg10 : memref<128x128xf32, #tpu.memory_space<vmem>>) dst(%dma_wait3A_213 : memref<4096x128xf32, #tpu.memory_space<vmem_shared>>)
        tpu.yield
      }) : () -> ()
      "tpu.region"() ({
        %run_scoped3A = tpu.sem_alloc : memref<!tpu.dma_semaphore, #tpu.memory_space<semaphore_mem>>
        %dma_start3A_208 = arith.constant 0 : i32
        %dma_start3A_209 = arith.constant 0 : i32
        %dma_start3A_210 = tpu.memref_slice %arg14[%dma_start3A_208, %dma_start3A_209] : memref<4096x128xf32, #tpu.memory_space<vmem_shared>> -> memref<4096x128xf32, #tpu.memory_space<vmem_shared>>
        tpu.enqueue_indirect_dma source(%arg11 : memref<128x128xf32, #tpu.memory_space<vmem>>) target(%dma_start3A_210 : memref<4096x128xf32, #tpu.memory_space<vmem_shared>>) offsets(%arg9 : memref<128xi32, #tpu.memory_space<vmem>>) semaphore(%run_scoped3A : memref<!tpu.dma_semaphore, #tpu.memory_space<semaphore_mem>>) {add = true}
        %dma_wait3A_211 = arith.constant 0 : i32
        %dma_wait3A_212 = arith.constant 0 : i32
        %dma_wait3A_213 = tpu.memref_slice %arg14[%dma_wait3A_211, %dma_wait3A_212] : memref<4096x128xf32, #tpu.memory_space<vmem_shared>> -> memref<4096x128xf32, #tpu.memory_space<vmem_shared>>
        tpu.wait_indirect_dma semaphore(%run_scoped3A : memref<!tpu.dma_semaphore, #tpu.memory_space<semaphore_mem>>) src(%arg11 : memref<128x128xf32, #tpu.memory_space<vmem>>) dst(%dma_wait3A_213 : memref<4096x128xf32, #tpu.memory_space<vmem_shared>>)
        tpu.yield
      }) : () -> ()
    }
    %barrier3A_46 = arith.constant 0 : index
    tpu.barrier barrier_id(%barrier3A_46)
    %mul3A_47 = arith.constant 256 : i32
    %mul3A_48 = arith.muli %arg1, %mul3A_47 : i32
    %mul3A_49 = arith.constant 256 : i32
    %mul3A_50 = arith.muli %arg1, %mul3A_49 : i32
    "tpu.region"() ({
      %run_scoped3A = tpu.sem_alloc : memref<!tpu.dma_semaphore, #tpu.memory_space<semaphore_mem>>
      %dma_start3A = arith.constant 0 : i32
      %dma_start3A_51 = tpu.memref_slice %arg6[%arg0, %mul3A_50, %dma_start3A] : memref<2x4096x128xf32, #tpu.memory_space<hbm>> -> memref<1x256x128xf32, #tpu.memory_space<hbm>>
      %dma_start3A_52 = tpu.memref_squeeze %dma_start3A_51 : memref<1x256x128xf32, #tpu.memory_space<hbm>> -> memref<256x128xf32, #tpu.memory_space<hbm>>
      %dma_start3A_53 = arith.constant 0 : i32
      %dma_start3A_54 = tpu.memref_slice %arg14[%mul3A_48, %dma_start3A_53] : memref<4096x128xf32, #tpu.memory_space<vmem_shared>> -> memref<256x128xf32, #tpu.memory_space<vmem_shared>>
      tpu.enqueue_dma source(%dma_start3A_54 : memref<256x128xf32, #tpu.memory_space<vmem_shared>>) target(%dma_start3A_52 : memref<256x128xf32, #tpu.memory_space<hbm>>) target_semaphore(%run_scoped3A : memref<!tpu.dma_semaphore, #tpu.memory_space<semaphore_mem>>)
      %dma_wait3A = arith.constant 0 : i32
      %dma_wait3A_55 = tpu.memref_slice %arg6[%arg0, %mul3A_50, %dma_wait3A] : memref<2x4096x128xf32, #tpu.memory_space<hbm>> -> memref<1x256x128xf32, #tpu.memory_space<hbm>>
      %dma_wait3A_56 = tpu.memref_squeeze %dma_wait3A_55 : memref<1x256x128xf32, #tpu.memory_space<hbm>> -> memref<256x128xf32, #tpu.memory_space<hbm>>
      %dma_wait3A_57 = arith.constant 0 : i32
      %dma_wait3A_58 = tpu.memref_slice %arg14[%mul3A_48, %dma_wait3A_57] : memref<4096x128xf32, #tpu.memory_space<vmem_shared>> -> memref<256x128xf32, #tpu.memory_space<vmem_shared>>
      tpu.wait_dma2 semaphore(%run_scoped3A : memref<!tpu.dma_semaphore, #tpu.memory_space<semaphore_mem>>) src(%dma_wait3A_58 : memref<256x128xf32, #tpu.memory_space<vmem_shared>>) dst(%dma_wait3A_56 : memref<256x128xf32, #tpu.memory_space<hbm>>)
      tpu.yield
    }) : () -> ()
    return
  }
}

#map = affine_map<(d0, d1) -> (0)>
#map1 = affine_map<(d0, d1) -> (0, 0)>
module attributes {stable_mosaic.version = 14 : i64} {
  func.func @_pair_body(%arg0: i32, %arg1: i32, %arg2: memref<4096xf32, #tpu.memory_space<hbm>>, %arg3: memref<4096xf32, #tpu.memory_space<hbm>>, %arg4: memref<4096xf32, #tpu.memory_space<hbm>>, %arg5: memref<4096x16xf32, #tpu.memory_space<hbm>>, %arg6: memref<4096x16xf32, #tpu.memory_space<hbm>>, %arg7: memref<4096x16xf32, #tpu.memory_space<hbm>>, %arg8: memref<131072xi32, #tpu.memory_space<hbm>>, %arg9: memref<131072xf32, #tpu.memory_space<hbm>>, %arg10: memref<32x16xi32, #tpu.memory_space<hbm>>, %arg11: memref<6160xf32, #tpu.memory_space<vmem>>, %arg12: memref<6160xf32, #tpu.memory_space<vmem>>, %arg13: memref<6160xf32, #tpu.memory_space<vmem>>, %arg14: memref<128x16xf32, #tpu.memory_space<vmem>>, %arg15: memref<128x16xf32, #tpu.memory_space<vmem>>, %arg16: memref<128x16xf32, #tpu.memory_space<vmem>>, %arg17: memref<160xi32, #tpu.memory_space<vmem>>, %arg18: memref<512xi32, #tpu.memory_space<vmem>>, %arg19: memref<512xf32, #tpu.memory_space<vmem>>, %arg20: memref<16xi32, #tpu.memory_space<vmem>>, %arg21: memref<16xf32, #tpu.memory_space<vmem>>, %arg22: memref<16xi32, #tpu.memory_space<vmem>>, %arg23: memref<65552xi32, #tpu.memory_space<vmem_shared>>, %arg24: memref<65552xf32, #tpu.memory_space<vmem_shared>>, %arg25: memref<!tpu.dma_semaphore, #tpu.memory_space<semaphore_mem>>, %arg26: memref<!tpu.dma_semaphore, #tpu.memory_space<semaphore_mem>>) attributes {dimension_semantics = [#tpu.dimension_semantics<core_parallel>, #tpu.dimension_semantics<subcore_parallel>], iteration_bounds = array<i64: 2, 16>, scalar_prefetch = 0 : i64, scratch_operands = 16 : i64, tpu.core_type = #tpu.core_type<sc_vector_subcore>, window_params = [{transform_indices = #map}, {transform_indices = #map}, {transform_indices = #map}, {transform_indices = #map1}, {transform_indices = #map1}, {transform_indices = #map1}, {transform_indices = #map}, {transform_indices = #map}, {transform_indices = #map1}]} {
    %mul3A = arith.constant 2 : i32
    %mul3A_0 = arith.muli %arg1, %mul3A : i32
    %add3A = arith.addi %mul3A_0, %arg0 : i32
    %mul3A_1 = arith.constant 128 : i32
    %mul3A_2 = arith.muli %add3A, %mul3A_1 : i32
    %mul3A_3 = arith.constant 4096 : i32
    %mul3A_4 = arith.muli %arg1, %mul3A_3 : i32
    "tpu.region"() ({
      %run_scoped3A = tpu.sem_alloc : memref<!tpu.dma_semaphore, #tpu.memory_space<semaphore_mem>>
      %dma_start3A = arith.constant 0 : i32
      %dma_start3A_40 = tpu.memref_slice %arg11[%dma_start3A] : memref<6160xf32, #tpu.memory_space<vmem>> -> memref<4096xf32, #tpu.memory_space<vmem>>
      %dma_start3A_41 = arith.constant 0 : i32
      %dma_start3A_42 = tpu.memref_slice %arg11[%dma_start3A_41] : memref<6160xf32, #tpu.memory_space<vmem>> -> memref<4096xf32, #tpu.memory_space<vmem>>
      tpu.enqueue_dma source(%arg2 : memref<4096xf32, #tpu.memory_space<hbm>>) target(%dma_start3A_42 : memref<4096xf32, #tpu.memory_space<vmem>>) target_semaphore(%run_scoped3A : memref<!tpu.dma_semaphore, #tpu.memory_space<semaphore_mem>>)
      %dma_wait3A = arith.constant 0 : i32
      %dma_wait3A_43 = tpu.memref_slice %arg11[%dma_wait3A] : memref<6160xf32, #tpu.memory_space<vmem>> -> memref<4096xf32, #tpu.memory_space<vmem>>
      %dma_wait3A_44 = arith.constant 0 : i32
      %dma_wait3A_45 = tpu.memref_slice %arg11[%dma_wait3A_44] : memref<6160xf32, #tpu.memory_space<vmem>> -> memref<4096xf32, #tpu.memory_space<vmem>>
      tpu.wait_dma2 semaphore(%run_scoped3A : memref<!tpu.dma_semaphore, #tpu.memory_space<semaphore_mem>>) src(%arg2 : memref<4096xf32, #tpu.memory_space<hbm>>) dst(%dma_wait3A_45 : memref<4096xf32, #tpu.memory_space<vmem>>)
      tpu.yield
    }) : () -> ()
    "tpu.region"() ({
      %run_scoped3A = tpu.sem_alloc : memref<!tpu.dma_semaphore, #tpu.memory_space<semaphore_mem>>
      %dma_start3A = arith.constant 0 : i32
      %dma_start3A_40 = tpu.memref_slice %arg12[%dma_start3A] : memref<6160xf32, #tpu.memory_space<vmem>> -> memref<4096xf32, #tpu.memory_space<vmem>>
      %dma_start3A_41 = arith.constant 0 : i32
      %dma_start3A_42 = tpu.memref_slice %arg12[%dma_start3A_41] : memref<6160xf32, #tpu.memory_space<vmem>> -> memref<4096xf32, #tpu.memory_space<vmem>>
      tpu.enqueue_dma source(%arg3 : memref<4096xf32, #tpu.memory_space<hbm>>) target(%dma_start3A_42 : memref<4096xf32, #tpu.memory_space<vmem>>) target_semaphore(%run_scoped3A : memref<!tpu.dma_semaphore, #tpu.memory_space<semaphore_mem>>)
      %dma_wait3A = arith.constant 0 : i32
      %dma_wait3A_43 = tpu.memref_slice %arg12[%dma_wait3A] : memref<6160xf32, #tpu.memory_space<vmem>> -> memref<4096xf32, #tpu.memory_space<vmem>>
      %dma_wait3A_44 = arith.constant 0 : i32
      %dma_wait3A_45 = tpu.memref_slice %arg12[%dma_wait3A_44] : memref<6160xf32, #tpu.memory_space<vmem>> -> memref<4096xf32, #tpu.memory_space<vmem>>
      tpu.wait_dma2 semaphore(%run_scoped3A : memref<!tpu.dma_semaphore, #tpu.memory_space<semaphore_mem>>) src(%arg3 : memref<4096xf32, #tpu.memory_space<hbm>>) dst(%dma_wait3A_45 : memref<4096xf32, #tpu.memory_space<vmem>>)
      tpu.yield
    }) : () -> ()
    "tpu.region"() ({
      %run_scoped3A = tpu.sem_alloc : memref<!tpu.dma_semaphore, #tpu.memory_space<semaphore_mem>>
      %dma_start3A = arith.constant 0 : i32
      %dma_start3A_40 = tpu.memref_slice %arg13[%dma_start3A] : memref<6160xf32, #tpu.memory_space<vmem>> -> memref<4096xf32, #tpu.memory_space<vmem>>
      %dma_start3A_41 = arith.constant 0 : i32
      %dma_start3A_42 = tpu.memref_slice %arg13[%dma_start3A_41] : memref<6160xf32, #tpu.memory_space<vmem>> -> memref<4096xf32, #tpu.memory_space<vmem>>
      tpu.enqueue_dma source(%arg4 : memref<4096xf32, #tpu.memory_space<hbm>>) target(%dma_start3A_42 : memref<4096xf32, #tpu.memory_space<vmem>>) target_semaphore(%run_scoped3A : memref<!tpu.dma_semaphore, #tpu.memory_space<semaphore_mem>>)
      %dma_wait3A = arith.constant 0 : i32
      %dma_wait3A_43 = tpu.memref_slice %arg13[%dma_wait3A] : memref<6160xf32, #tpu.memory_space<vmem>> -> memref<4096xf32, #tpu.memory_space<vmem>>
      %dma_wait3A_44 = arith.constant 0 : i32
      %dma_wait3A_45 = tpu.memref_slice %arg13[%dma_wait3A_44] : memref<6160xf32, #tpu.memory_space<vmem>> -> memref<4096xf32, #tpu.memory_space<vmem>>
      tpu.wait_dma2 semaphore(%run_scoped3A : memref<!tpu.dma_semaphore, #tpu.memory_space<semaphore_mem>>) src(%arg4 : memref<4096xf32, #tpu.memory_space<hbm>>) dst(%dma_wait3A_45 : memref<4096xf32, #tpu.memory_space<vmem>>)
      tpu.yield
    }) : () -> ()
    "tpu.region"() ({
      %run_scoped3A = tpu.sem_alloc : memref<!tpu.dma_semaphore, #tpu.memory_space<semaphore_mem>>
      %dma_start3A = arith.constant 4096 : i32
      %dma_start3A_40 = tpu.memref_slice %arg11[%dma_start3A] : memref<6160xf32, #tpu.memory_space<vmem>> -> memref<2064xf32, #tpu.memory_space<vmem>>
      %dma_start3A_41 = arith.constant 0 : i32
      %dma_start3A_42 = tpu.memref_slice %arg2[%dma_start3A_41] : memref<4096xf32, #tpu.memory_space<hbm>> -> memref<2064xf32, #tpu.memory_space<hbm>>
      %dma_start3A_43 = arith.constant 4096 : i32
      %dma_start3A_44 = tpu.memref_slice %arg11[%dma_start3A_43] : memref<6160xf32, #tpu.memory_space<vmem>> -> memref<2064xf32, #tpu.memory_space<vmem>>
      %dma_start3A_45 = arith.constant 0 : i32
      %dma_start3A_46 = tpu.memref_slice %arg2[%dma_start3A_45] : memref<4096xf32, #tpu.memory_space<hbm>> -> memref<2064xf32, #tpu.memory_space<hbm>>
      tpu.enqueue_dma source(%dma_start3A_46 : memref<2064xf32, #tpu.memory_space<hbm>>) target(%dma_start3A_44 : memref<2064xf32, #tpu.memory_space<vmem>>) target_semaphore(%run_scoped3A : memref<!tpu.dma_semaphore, #tpu.memory_space<semaphore_mem>>)
      %dma_wait3A = arith.constant 4096 : i32
      %dma_wait3A_47 = tpu.memref_slice %arg11[%dma_wait3A] : memref<6160xf32, #tpu.memory_space<vmem>> -> memref<2064xf32, #tpu.memory_space<vmem>>
      %dma_wait3A_48 = arith.constant 0 : i32
      %dma_wait3A_49 = tpu.memref_slice %arg2[%dma_wait3A_48] : memref<4096xf32, #tpu.memory_space<hbm>> -> memref<2064xf32, #tpu.memory_space<hbm>>
      %dma_wait3A_50 = arith.constant 4096 : i32
      %dma_wait3A_51 = tpu.memref_slice %arg11[%dma_wait3A_50] : memref<6160xf32, #tpu.memory_space<vmem>> -> memref<2064xf32, #tpu.memory_space<vmem>>
      %dma_wait3A_52 = arith.constant 0 : i32
      %dma_wait3A_53 = tpu.memref_slice %arg2[%dma_wait3A_52] : memref<4096xf32, #tpu.memory_space<hbm>> -> memref<2064xf32, #tpu.memory_space<hbm>>
      tpu.wait_dma2 semaphore(%run_scoped3A : memref<!tpu.dma_semaphore, #tpu.memory_space<semaphore_mem>>) src(%dma_wait3A_53 : memref<2064xf32, #tpu.memory_space<hbm>>) dst(%dma_wait3A_51 : memref<2064xf32, #tpu.memory_space<vmem>>)
      tpu.yield
    }) : () -> ()
    "tpu.region"() ({
      %run_scoped3A = tpu.sem_alloc : memref<!tpu.dma_semaphore, #tpu.memory_space<semaphore_mem>>
      %dma_start3A = arith.constant 4096 : i32
      %dma_start3A_40 = tpu.memref_slice %arg12[%dma_start3A] : memref<6160xf32, #tpu.memory_space<vmem>> -> memref<2064xf32, #tpu.memory_space<vmem>>
      %dma_start3A_41 = arith.constant 0 : i32
      %dma_start3A_42 = tpu.memref_slice %arg3[%dma_start3A_41] : memref<4096xf32, #tpu.memory_space<hbm>> -> memref<2064xf32, #tpu.memory_space<hbm>>
      %dma_start3A_43 = arith.constant 4096 : i32
      %dma_start3A_44 = tpu.memref_slice %arg12[%dma_start3A_43] : memref<6160xf32, #tpu.memory_space<vmem>> -> memref<2064xf32, #tpu.memory_space<vmem>>
      %dma_start3A_45 = arith.constant 0 : i32
      %dma_start3A_46 = tpu.memref_slice %arg3[%dma_start3A_45] : memref<4096xf32, #tpu.memory_space<hbm>> -> memref<2064xf32, #tpu.memory_space<hbm>>
      tpu.enqueue_dma source(%dma_start3A_46 : memref<2064xf32, #tpu.memory_space<hbm>>) target(%dma_start3A_44 : memref<2064xf32, #tpu.memory_space<vmem>>) target_semaphore(%run_scoped3A : memref<!tpu.dma_semaphore, #tpu.memory_space<semaphore_mem>>)
      %dma_wait3A = arith.constant 4096 : i32
      %dma_wait3A_47 = tpu.memref_slice %arg12[%dma_wait3A] : memref<6160xf32, #tpu.memory_space<vmem>> -> memref<2064xf32, #tpu.memory_space<vmem>>
      %dma_wait3A_48 = arith.constant 0 : i32
      %dma_wait3A_49 = tpu.memref_slice %arg3[%dma_wait3A_48] : memref<4096xf32, #tpu.memory_space<hbm>> -> memref<2064xf32, #tpu.memory_space<hbm>>
      %dma_wait3A_50 = arith.constant 4096 : i32
      %dma_wait3A_51 = tpu.memref_slice %arg12[%dma_wait3A_50] : memref<6160xf32, #tpu.memory_space<vmem>> -> memref<2064xf32, #tpu.memory_space<vmem>>
      %dma_wait3A_52 = arith.constant 0 : i32
      %dma_wait3A_53 = tpu.memref_slice %arg3[%dma_wait3A_52] : memref<4096xf32, #tpu.memory_space<hbm>> -> memref<2064xf32, #tpu.memory_space<hbm>>
      tpu.wait_dma2 semaphore(%run_scoped3A : memref<!tpu.dma_semaphore, #tpu.memory_space<semaphore_mem>>) src(%dma_wait3A_53 : memref<2064xf32, #tpu.memory_space<hbm>>) dst(%dma_wait3A_51 : memref<2064xf32, #tpu.memory_space<vmem>>)
      tpu.yield
    }) : () -> ()
    "tpu.region"() ({
      %run_scoped3A = tpu.sem_alloc : memref<!tpu.dma_semaphore, #tpu.memory_space<semaphore_mem>>
      %dma_start3A = arith.constant 4096 : i32
      %dma_start3A_40 = tpu.memref_slice %arg13[%dma_start3A] : memref<6160xf32, #tpu.memory_space<vmem>> -> memref<2064xf32, #tpu.memory_space<vmem>>
      %dma_start3A_41 = arith.constant 0 : i32
      %dma_start3A_42 = tpu.memref_slice %arg4[%dma_start3A_41] : memref<4096xf32, #tpu.memory_space<hbm>> -> memref<2064xf32, #tpu.memory_space<hbm>>
      %dma_start3A_43 = arith.constant 4096 : i32
      %dma_start3A_44 = tpu.memref_slice %arg13[%dma_start3A_43] : memref<6160xf32, #tpu.memory_space<vmem>> -> memref<2064xf32, #tpu.memory_space<vmem>>
      %dma_start3A_45 = arith.constant 0 : i32
      %dma_start3A_46 = tpu.memref_slice %arg4[%dma_start3A_45] : memref<4096xf32, #tpu.memory_space<hbm>> -> memref<2064xf32, #tpu.memory_space<hbm>>
      tpu.enqueue_dma source(%dma_start3A_46 : memref<2064xf32, #tpu.memory_space<hbm>>) target(%dma_start3A_44 : memref<2064xf32, #tpu.memory_space<vmem>>) target_semaphore(%run_scoped3A : memref<!tpu.dma_semaphore, #tpu.memory_space<semaphore_mem>>)
      %dma_wait3A = arith.constant 4096 : i32
      %dma_wait3A_47 = tpu.memref_slice %arg13[%dma_wait3A] : memref<6160xf32, #tpu.memory_space<vmem>> -> memref<2064xf32, #tpu.memory_space<vmem>>
      %dma_wait3A_48 = arith.constant 0 : i32
      %dma_wait3A_49 = tpu.memref_slice %arg4[%dma_wait3A_48] : memref<4096xf32, #tpu.memory_space<hbm>> -> memref<2064xf32, #tpu.memory_space<hbm>>
      %dma_wait3A_50 = arith.constant 4096 : i32
      %dma_wait3A_51 = tpu.memref_slice %arg13[%dma_wait3A_50] : memref<6160xf32, #tpu.memory_space<vmem>> -> memref<2064xf32, #tpu.memory_space<vmem>>
      %dma_wait3A_52 = arith.constant 0 : i32
      %dma_wait3A_53 = tpu.memref_slice %arg4[%dma_wait3A_52] : memref<4096xf32, #tpu.memory_space<hbm>> -> memref<2064xf32, #tpu.memory_space<hbm>>
      tpu.wait_dma2 semaphore(%run_scoped3A : memref<!tpu.dma_semaphore, #tpu.memory_space<semaphore_mem>>) src(%dma_wait3A_53 : memref<2064xf32, #tpu.memory_space<hbm>>) dst(%dma_wait3A_51 : memref<2064xf32, #tpu.memory_space<vmem>>)
      tpu.yield
    }) : () -> ()
    "tpu.region"() ({
      %run_scoped3A = tpu.sem_alloc : memref<!tpu.dma_semaphore, #tpu.memory_space<semaphore_mem>>
      %dma_start3A = arith.constant 0 : i32
      %dma_start3A_40 = tpu.memref_slice %arg5[%mul3A_2, %dma_start3A] : memref<4096x16xf32, #tpu.memory_space<hbm>> -> memref<128x16xf32, #tpu.memory_space<hbm>>
      %dma_start3A_41 = arith.constant 0 : i32
      %dma_start3A_42 = tpu.memref_slice %arg5[%mul3A_2, %dma_start3A_41] : memref<4096x16xf32, #tpu.memory_space<hbm>> -> memref<128x16xf32, #tpu.memory_space<hbm>>
      tpu.enqueue_dma source(%dma_start3A_42 : memref<128x16xf32, #tpu.memory_space<hbm>>) target(%arg14 : memref<128x16xf32, #tpu.memory_space<vmem>>) target_semaphore(%run_scoped3A : memref<!tpu.dma_semaphore, #tpu.memory_space<semaphore_mem>>)
      %dma_wait3A = arith.constant 0 : i32
      %dma_wait3A_43 = tpu.memref_slice %arg5[%mul3A_2, %dma_wait3A] : memref<4096x16xf32, #tpu.memory_space<hbm>> -> memref<128x16xf32, #tpu.memory_space<hbm>>
      %dma_wait3A_44 = arith.constant 0 : i32
      %dma_wait3A_45 = tpu.memref_slice %arg5[%mul3A_2, %dma_wait3A_44] : memref<4096x16xf32, #tpu.memory_space<hbm>> -> memref<128x16xf32, #tpu.memory_space<hbm>>
      tpu.wait_dma2 semaphore(%run_scoped3A : memref<!tpu.dma_semaphore, #tpu.memory_space<semaphore_mem>>) src(%dma_wait3A_45 : memref<128x16xf32, #tpu.memory_space<hbm>>) dst(%arg14 : memref<128x16xf32, #tpu.memory_space<vmem>>)
      tpu.yield
    }) : () -> ()
    "tpu.region"() ({
      %run_scoped3A = tpu.sem_alloc : memref<!tpu.dma_semaphore, #tpu.memory_space<semaphore_mem>>
      %dma_start3A = arith.constant 0 : i32
      %dma_start3A_40 = tpu.memref_slice %arg6[%mul3A_2, %dma_start3A] : memref<4096x16xf32, #tpu.memory_space<hbm>> -> memref<128x16xf32, #tpu.memory_space<hbm>>
      %dma_start3A_41 = arith.constant 0 : i32
      %dma_start3A_42 = tpu.memref_slice %arg6[%mul3A_2, %dma_start3A_41] : memref<4096x16xf32, #tpu.memory_space<hbm>> -> memref<128x16xf32, #tpu.memory_space<hbm>>
      tpu.enqueue_dma source(%dma_start3A_42 : memref<128x16xf32, #tpu.memory_space<hbm>>) target(%arg15 : memref<128x16xf32, #tpu.memory_space<vmem>>) target_semaphore(%run_scoped3A : memref<!tpu.dma_semaphore, #tpu.memory_space<semaphore_mem>>)
      %dma_wait3A = arith.constant 0 : i32
      %dma_wait3A_43 = tpu.memref_slice %arg6[%mul3A_2, %dma_wait3A] : memref<4096x16xf32, #tpu.memory_space<hbm>> -> memref<128x16xf32, #tpu.memory_space<hbm>>
      %dma_wait3A_44 = arith.constant 0 : i32
      %dma_wait3A_45 = tpu.memref_slice %arg6[%mul3A_2, %dma_wait3A_44] : memref<4096x16xf32, #tpu.memory_space<hbm>> -> memref<128x16xf32, #tpu.memory_space<hbm>>
      tpu.wait_dma2 semaphore(%run_scoped3A : memref<!tpu.dma_semaphore, #tpu.memory_space<semaphore_mem>>) src(%dma_wait3A_45 : memref<128x16xf32, #tpu.memory_space<hbm>>) dst(%arg15 : memref<128x16xf32, #tpu.memory_space<vmem>>)
      tpu.yield
    }) : () -> ()
    "tpu.region"() ({
      %run_scoped3A = tpu.sem_alloc : memref<!tpu.dma_semaphore, #tpu.memory_space<semaphore_mem>>
      %dma_start3A = arith.constant 0 : i32
      %dma_start3A_40 = tpu.memref_slice %arg7[%mul3A_2, %dma_start3A] : memref<4096x16xf32, #tpu.memory_space<hbm>> -> memref<128x16xf32, #tpu.memory_space<hbm>>
      %dma_start3A_41 = arith.constant 0 : i32
      %dma_start3A_42 = tpu.memref_slice %arg7[%mul3A_2, %dma_start3A_41] : memref<4096x16xf32, #tpu.memory_space<hbm>> -> memref<128x16xf32, #tpu.memory_space<hbm>>
      tpu.enqueue_dma source(%dma_start3A_42 : memref<128x16xf32, #tpu.memory_space<hbm>>) target(%arg16 : memref<128x16xf32, #tpu.memory_space<vmem>>) target_semaphore(%run_scoped3A : memref<!tpu.dma_semaphore, #tpu.memory_space<semaphore_mem>>)
      %dma_wait3A = arith.constant 0 : i32
      %dma_wait3A_43 = tpu.memref_slice %arg7[%mul3A_2, %dma_wait3A] : memref<4096x16xf32, #tpu.memory_space<hbm>> -> memref<128x16xf32, #tpu.memory_space<hbm>>
      %dma_wait3A_44 = arith.constant 0 : i32
      %dma_wait3A_45 = tpu.memref_slice %arg7[%mul3A_2, %dma_wait3A_44] : memref<4096x16xf32, #tpu.memory_space<hbm>> -> memref<128x16xf32, #tpu.memory_space<hbm>>
      tpu.wait_dma2 semaphore(%run_scoped3A : memref<!tpu.dma_semaphore, #tpu.memory_space<semaphore_mem>>) src(%dma_wait3A_45 : memref<128x16xf32, #tpu.memory_space<hbm>>) dst(%arg16 : memref<128x16xf32, #tpu.memory_space<vmem>>)
      tpu.yield
    }) : () -> ()
    %broadcast_in_dim3A = arith.constant 0 : i32
    %broadcast_in_dim3A_5 = vector.broadcast %broadcast_in_dim3A : i32 to vector<160xi32>
    %swap3A = arith.constant 0 : index
    %swap3A_6 = tpu.vector_load %arg17[%swap3A] {strides = array<i32>} : memref<160xi32, #tpu.memory_space<vmem>>, vector<160xi32>,
    %swap3A_7 = vector.shape_cast %swap3A_6 : vector<160xi32> to vector<160xi32>
    %swap3A_8 = vector.shape_cast %broadcast_in_dim3A_5 : vector<160xi32> to vector<160xi32>
    tpu.vector_store %arg17[%swap3A], %swap3A_8 {strides = array<i32>} : memref<160xi32, #tpu.memory_space<vmem>>, vector<160xi32>,
    %broadcast_in_dim3A_9 = arith.constant 0 : i32
    %broadcast_in_dim3A_10 = vector.broadcast %broadcast_in_dim3A_9 : i32 to vector<512xi32>
    %swap3A_11 = arith.constant 0 : index
    %swap3A_12 = tpu.vector_load %arg18[%swap3A_11] {strides = array<i32>} : memref<512xi32, #tpu.memory_space<vmem>>, vector<512xi32>,
    %swap3A_13 = vector.shape_cast %swap3A_12 : vector<512xi32> to vector<512xi32>
    %swap3A_14 = vector.shape_cast %broadcast_in_dim3A_10 : vector<512xi32> to vector<512xi32>
    tpu.vector_store %arg18[%swap3A_11], %swap3A_14 {strides = array<i32>} : memref<512xi32, #tpu.memory_space<vmem>>, vector<512xi32>,
    %broadcast_in_dim3A_15 = arith.constant 0.000000e+00 : f32
    %broadcast_in_dim3A_16 = vector.broadcast %broadcast_in_dim3A_15 : f32 to vector<512xf32>
    %swap3A_17 = arith.constant 0 : index
    %swap3A_18 = tpu.vector_load %arg19[%swap3A_17] {strides = array<i32>} : memref<512xf32, #tpu.memory_space<vmem>>, vector<512xf32>,
    %swap3A_19 = vector.shape_cast %swap3A_18 : vector<512xf32> to vector<512xf32>
    %swap3A_20 = vector.shape_cast %broadcast_in_dim3A_16 : vector<512xf32> to vector<512xf32>
    tpu.vector_store %arg19[%swap3A_17], %swap3A_20 {strides = array<i32>} : memref<512xf32, #tpu.memory_space<vmem>>, vector<512xf32>,
    %scan3A = arith.constant 0 : i32
    %scan3A_21 = arith.constant 0 : i32
    %scan3A_22 = arith.constant 8 : i32
    %scan3A_23 = arith.addi %scan3A_21, %scan3A_22 : i32
    %scan3A_24 = arith.constant 1 : i32
    scf.for %scan3A_40 = %scan3A_21 to %scan3A_23 step %scan3A_24  : i32 {
      %mul3A_41 = arith.constant 512 : i32
      %mul3A_42 = arith.muli %scan3A_40, %mul3A_41 : i32
      %add3A_43 = arith.addi %mul3A_4, %mul3A_42 : i32
      "tpu.region"() ({
        %run_scoped3A = tpu.sem_alloc : memref<!tpu.dma_semaphore, #tpu.memory_space<semaphore_mem>>
        %dma_start3A = tpu.memref_slice %arg23[%add3A_43] : memref<65552xi32, #tpu.memory_space<vmem_shared>> -> memref<512xi32, #tpu.memory_space<vmem_shared>>
        %dma_start3A_44 = tpu.memref_slice %arg23[%add3A_43] : memref<65552xi32, #tpu.memory_space<vmem_shared>> -> memref<512xi32, #tpu.memory_space<vmem_shared>>
        tpu.enqueue_dma source(%arg18 : memref<512xi32, #tpu.memory_space<vmem>>) target(%dma_start3A_44 : memref<512xi32, #tpu.memory_space<vmem_shared>>) target_semaphore(%run_scoped3A : memref<!tpu.dma_semaphore, #tpu.memory_space<semaphore_mem>>)
        %dma_wait3A = tpu.memref_slice %arg23[%add3A_43] : memref<65552xi32, #tpu.memory_space<vmem_shared>> -> memref<512xi32, #tpu.memory_space<vmem_shared>>
        %dma_wait3A_45 = tpu.memref_slice %arg23[%add3A_43] : memref<65552xi32, #tpu.memory_space<vmem_shared>> -> memref<512xi32, #tpu.memory_space<vmem_shared>>
        tpu.wait_dma2 semaphore(%run_scoped3A : memref<!tpu.dma_semaphore, #tpu.memory_space<semaphore_mem>>) src(%arg18 : memref<512xi32, #tpu.memory_space<vmem>>) dst(%dma_wait3A_45 : memref<512xi32, #tpu.memory_space<vmem_shared>>)
        tpu.yield
      }) : () -> ()
      "tpu.region"() ({
        %run_scoped3A = tpu.sem_alloc : memref<!tpu.dma_semaphore, #tpu.memory_space<semaphore_mem>>
        %dma_start3A = tpu.memref_slice %arg24[%add3A_43] : memref<65552xf32, #tpu.memory_space<vmem_shared>> -> memref<512xf32, #tpu.memory_space<vmem_shared>>
        %dma_start3A_44 = tpu.memref_slice %arg24[%add3A_43] : memref<65552xf32, #tpu.memory_space<vmem_shared>> -> memref<512xf32, #tpu.memory_space<vmem_shared>>
        tpu.enqueue_dma source(%arg19 : memref<512xf32, #tpu.memory_space<vmem>>) target(%dma_start3A_44 : memref<512xf32, #tpu.memory_space<vmem_shared>>) target_semaphore(%run_scoped3A : memref<!tpu.dma_semaphore, #tpu.memory_space<semaphore_mem>>)
        %dma_wait3A = tpu.memref_slice %arg24[%add3A_43] : memref<65552xf32, #tpu.memory_space<vmem_shared>> -> memref<512xf32, #tpu.memory_space<vmem_shared>>
        %dma_wait3A_45 = tpu.memref_slice %arg24[%add3A_43] : memref<65552xf32, #tpu.memory_space<vmem_shared>> -> memref<512xf32, #tpu.memory_space<vmem_shared>>
        tpu.wait_dma2 semaphore(%run_scoped3A : memref<!tpu.dma_semaphore, #tpu.memory_space<semaphore_mem>>) src(%arg19 : memref<512xf32, #tpu.memory_space<vmem>>) dst(%dma_wait3A_45 : memref<512xf32, #tpu.memory_space<vmem_shared>>)
        tpu.yield
      }) : () -> ()
    }
    %scan3A_25 = arith.constant 8 : i32
    %iota3A = tpu.iota {dimensions = array<i32: 0>} : vector<16xi32>
    %scan3A_26 = arith.constant 0 : i32
    %scan3A_27 = arith.constant 0 : i32
    %scan3A_28 = arith.constant 128 : i32
    %scan3A_29 = arith.addi %scan3A_27, %scan3A_28 : i32
    %scan3A_30 = arith.constant 1 : i32
    %scan3A_31 = scf.for %scan3A_40 = %scan3A_27 to %scan3A_29 step %scan3A_30 iter_args(%scan3A_41 = %scan3A_26) -> (i32)  : i32 {
      %add3A_42 = arith.addi %mul3A_2, %scan3A_40 : i32
      %get3A = arith.index_cast %scan3A_40 : i32 to index
      %get3A_43 = arith.constant 0 : index
      %get3A_44 = tpu.vector_load %arg14[%get3A, %get3A_43] {strides = array<i32>} : memref<128x16xf32, #tpu.memory_space<vmem>>, vector<1x16xf32>,
      %get3A_45 = vector.shape_cast %get3A_44 : vector<1x16xf32> to vector<16xf32>
      %get3A_46 = arith.index_cast %scan3A_40 : i32 to index
      %get3A_47 = arith.constant 0 : index
      %get3A_48 = tpu.vector_load %arg15[%get3A_46, %get3A_47] {strides = array<i32>} : memref<128x16xf32, #tpu.memory_space<vmem>>, vector<1x16xf32>,
      %get3A_49 = vector.shape_cast %get3A_48 : vector<1x16xf32> to vector<16xf32>
      %get3A_50 = arith.index_cast %scan3A_40 : i32 to index
      %get3A_51 = arith.constant 0 : index
      %get3A_52 = tpu.vector_load %arg16[%get3A_50, %get3A_51] {strides = array<i32>} : memref<128x16xf32, #tpu.memory_space<vmem>>, vector<1x16xf32>,
      %get3A_53 = vector.shape_cast %get3A_52 : vector<1x16xf32> to vector<16xf32>
      %mul3A_54 = arith.constant 4096 : i32
      %mul3A_55 = arith.muli %add3A_42, %mul3A_54 : i32
      %broadcast_in_dim3A_56 = vector.broadcast %mul3A_55 : i32 to vector<16xi32>
      %lt3A = arith.constant 2048 : i32
      %lt3A_57 = arith.cmpi slt, %add3A_42, %lt3A : i32
      %scan3A_58 = arith.constant 0 : i32
      %scan3A_59 = arith.constant 64 : i32
      %scan3A_60 = arith.addi %scan3A_58, %scan3A_59 : i32
      %scan3A_61 = arith.constant 1 : i32
      %scan3A_62 = scf.for %scan3A_64 = %scan3A_58 to %scan3A_60 step %scan3A_61 iter_args(%scan3A_65 = %scan3A_41) -> (i32)  : i32 {
        %add3A_66 = arith.constant 1 : i32
        %add3A_67 = arith.addi %add3A_42, %add3A_66 : i32
        %mul3A_68 = arith.constant 2 : i32
        %mul3A_69 = arith.muli %scan3A_64, %mul3A_68 : i32
        %mul3A_70 = arith.constant 16 : i32
        %mul3A_71 = arith.muli %mul3A_69, %mul3A_70 : i32
        %add3A_72 = arith.addi %add3A_67, %mul3A_71 : i32
        %add3A_73 = arith.constant 16 : i32
        %add3A_74 = arith.addi %add3A_72, %add3A_73 : i32
        %get3A_75 = arith.index_cast %add3A_72 : i32 to index
        %get3A_76 = tpu.vector_load %arg11[%get3A_75] {strides = array<i32>} : memref<6160xf32, #tpu.memory_space<vmem>>, vector<16xf32>,
        %get3A_77 = vector.shape_cast %get3A_76 : vector<16xf32> to vector<16xf32>
        %sub3A = arith.subf %get3A_77, %get3A_45 : vector<16xf32>
        %get3A_78 = arith.index_cast %add3A_72 : i32 to index
        %get3A_79 = tpu.vector_load %arg12[%get3A_78] {strides = array<i32>} : memref<6160xf32, #tpu.memory_space<vmem>>, vector<16xf32>,
        %get3A_80 = vector.shape_cast %get3A_79 : vector<16xf32> to vector<16xf32>
        %sub3A_81 = arith.subf %get3A_80, %get3A_49 : vector<16xf32>
        %get3A_82 = arith.index_cast %add3A_72 : i32 to index
        %get3A_83 = tpu.vector_load %arg13[%get3A_82] {strides = array<i32>} : memref<6160xf32, #tpu.memory_space<vmem>>, vector<16xf32>,
        %get3A_84 = vector.shape_cast %get3A_83 : vector<16xf32> to vector<16xf32>
        %sub3A_85 = arith.subf %get3A_84, %get3A_53 : vector<16xf32>
        %abs3A = math.absf %sub3A : vector<16xf32>
        %sub3A_86 = arith.constant 1.000000e+00 : f32
        %sub3A_87 = vector.broadcast %sub3A_86 : f32 to vector<16xf32>
        %sub3A_88 = arith.subf %sub3A_87, %abs3A : vector<16xf32>
        %abs3A_89 = math.absf %sub3A_81 : vector<16xf32>
        %sub3A_90 = arith.constant 1.000000e+00 : f32
        %sub3A_91 = vector.broadcast %sub3A_90 : f32 to vector<16xf32>
        %sub3A_92 = arith.subf %sub3A_91, %abs3A_89 : vector<16xf32>
        %abs3A_93 = math.absf %sub3A_85 : vector<16xf32>
        %sub3A_94 = arith.constant 1.000000e+00 : f32
        %sub3A_95 = vector.broadcast %sub3A_94 : f32 to vector<16xf32>
        %sub3A_96 = arith.subf %sub3A_95, %abs3A_93 : vector<16xf32>
        %mul3A_97 = arith.mulf %sub3A, %sub3A : vector<16xf32>
        %mul3A_98 = arith.mulf %sub3A_88, %sub3A_88 : vector<16xf32>
        %min3A = arith.minimumf %mul3A_97, %mul3A_98 : vector<16xf32>
        %mul3A_99 = arith.mulf %sub3A_81, %sub3A_81 : vector<16xf32>
        %mul3A_100 = arith.mulf %sub3A_92, %sub3A_92 : vector<16xf32>
        %min3A_101 = arith.minimumf %mul3A_99, %mul3A_100 : vector<16xf32>
        %add3A_102 = arith.addf %min3A, %min3A_101 : vector<16xf32>
        %mul3A_103 = arith.mulf %sub3A_85, %sub3A_85 : vector<16xf32>
        %mul3A_104 = arith.mulf %sub3A_96, %sub3A_96 : vector<16xf32>
        %min3A_105 = arith.minimumf %mul3A_103, %mul3A_104 : vector<16xf32>
        %add3A_106 = arith.addf %add3A_102, %min3A_105 : vector<16xf32>
        %get3A_107 = arith.index_cast %add3A_74 : i32 to index
        %get3A_108 = tpu.vector_load %arg11[%get3A_107] {strides = array<i32>} : memref<6160xf32, #tpu.memory_space<vmem>>, vector<16xf32>,
        %get3A_109 = vector.shape_cast %get3A_108 : vector<16xf32> to vector<16xf32>
        %sub3A_110 = arith.subf %get3A_109, %get3A_45 : vector<16xf32>
        %get3A_111 = arith.index_cast %add3A_74 : i32 to index
        %get3A_112 = tpu.vector_load %arg12[%get3A_111] {strides = array<i32>} : memref<6160xf32, #tpu.memory_space<vmem>>, vector<16xf32>,
        %get3A_113 = vector.shape_cast %get3A_112 : vector<16xf32> to vector<16xf32>
        %sub3A_114 = arith.subf %get3A_113, %get3A_49 : vector<16xf32>
        %get3A_115 = arith.index_cast %add3A_74 : i32 to index
        %get3A_116 = tpu.vector_load %arg13[%get3A_115] {strides = array<i32>} : memref<6160xf32, #tpu.memory_space<vmem>>, vector<16xf32>,
        %get3A_117 = vector.shape_cast %get3A_116 : vector<16xf32> to vector<16xf32>
        %sub3A_118 = arith.subf %get3A_117, %get3A_53 : vector<16xf32>
        %abs3A_119 = math.absf %sub3A_110 : vector<16xf32>
        %sub3A_120 = arith.constant 1.000000e+00 : f32
        %sub3A_121 = vector.broadcast %sub3A_120 : f32 to vector<16xf32>
        %sub3A_122 = arith.subf %sub3A_121, %abs3A_119 : vector<16xf32>
        %abs3A_123 = math.absf %sub3A_114 : vector<16xf32>
        %sub3A_124 = arith.constant 1.000000e+00 : f32
        %sub3A_125 = vector.broadcast %sub3A_124 : f32 to vector<16xf32>
        %sub3A_126 = arith.subf %sub3A_125, %abs3A_123 : vector<16xf32>
        %abs3A_127 = math.absf %sub3A_118 : vector<16xf32>
        %sub3A_128 = arith.constant 1.000000e+00 : f32
        %sub3A_129 = vector.broadcast %sub3A_128 : f32 to vector<16xf32>
        %sub3A_130 = arith.subf %sub3A_129, %abs3A_127 : vector<16xf32>
        %mul3A_131 = arith.mulf %sub3A_110, %sub3A_110 : vector<16xf32>
        %mul3A_132 = arith.mulf %sub3A_122, %sub3A_122 : vector<16xf32>
        %min3A_133 = arith.minimumf %mul3A_131, %mul3A_132 : vector<16xf32>
        %mul3A_134 = arith.mulf %sub3A_114, %sub3A_114 : vector<16xf32>
        %mul3A_135 = arith.mulf %sub3A_126, %sub3A_126 : vector<16xf32>
        %min3A_136 = arith.minimumf %mul3A_134, %mul3A_135 : vector<16xf32>
        %add3A_137 = arith.addf %min3A_133, %min3A_136 : vector<16xf32>
        %mul3A_138 = arith.mulf %sub3A_118, %sub3A_118 : vector<16xf32>
        %mul3A_139 = arith.mulf %sub3A_130, %sub3A_130 : vector<16xf32>
        %min3A_140 = arith.minimumf %mul3A_138, %mul3A_139 : vector<16xf32>
        %add3A_141 = arith.addf %add3A_137, %min3A_140 : vector<16xf32>
        %lt3A_142 = arith.constant 1.440000e-02 : f32
        %lt3A_143 = vector.broadcast %lt3A_142 : f32 to vector<16xf32>
        %lt3A_144 = arith.cmpf olt, %add3A_106, %lt3A_143 : vector<16xf32>
        %ne3A = arith.constant 0.000000e+00 : f32
        %ne3A_145 = vector.broadcast %ne3A : f32 to vector<16xf32>
        %ne3A_146 = arith.cmpf one, %add3A_106, %ne3A_145 : vector<16xf32>
        %and3A = arith.andi %lt3A_144, %ne3A_146 : vector<16xi1>
        %lt3A_147 = arith.constant 1.440000e-02 : f32
        %lt3A_148 = vector.broadcast %lt3A_147 : f32 to vector<16xf32>
        %lt3A_149 = arith.cmpf olt, %add3A_141, %lt3A_148 : vector<16xf32>
        %ne3A_150 = arith.constant 0.000000e+00 : f32
        %ne3A_151 = vector.broadcast %ne3A_150 : f32 to vector<16xf32>
        %ne3A_152 = arith.cmpf one, %add3A_141, %ne3A_151 : vector<16xf32>
        %and3A_153 = arith.andi %lt3A_149, %ne3A_152 : vector<16xi1>
        %lt3A_154 = arith.constant 63 : i32
        %lt3A_155 = arith.cmpi slt, %scan3A_64, %lt3A_154 : i32
        %or3A = arith.ori %lt3A_155, %lt3A_57 : i1
        %jit3A = arith.constant 16 : i32
        %jit3A_156 = arith.constant 15 : i32
        %select_n3A = arith.select %or3A, %jit3A, %jit3A_156 : i32
        %broadcast_in_dim3A_157 = vector.broadcast %select_n3A : i32 to vector<16xi32>
        %lt3A_158 = arith.cmpi slt, %iota3A, %broadcast_in_dim3A_157 : vector<16xi32>
        %and3A_159 = arith.andi %and3A_153, %lt3A_158 : vector<16xi1>
        %or3A_160 = arith.ori %and3A, %and3A_159 : vector<16xi1>
        %jit3A_161 = arith.constant 1 : i32
        %jit3A_162 = arith.constant 0 : i32
        %broadcast_in_dim3A_163 = vector.broadcast %jit3A_161 : i32 to vector<16xi32>
        %broadcast_in_dim3A_164 = vector.broadcast %jit3A_162 : i32 to vector<16xi32>
        %select_n3A_165 = arith.select %or3A_160, %broadcast_in_dim3A_163, %broadcast_in_dim3A_164 : vector<16xi1>, vector<16xi32>
        %swap3A_166 = arith.constant 112 : index
        %swap3A_167 = tpu.vector_load %arg17[%swap3A_166] {strides = array<i32>} : memref<160xi32, #tpu.memory_space<vmem>>, vector<16xi32>,
        %swap3A_168 = vector.shape_cast %swap3A_167 : vector<16xi32> to vector<16xi32>
        %swap3A_169 = vector.shape_cast %select_n3A_165 : vector<16xi32> to vector<16xi32>
        tpu.vector_store %arg17[%swap3A_166], %swap3A_169 {strides = array<i32>} : memref<160xi32, #tpu.memory_space<vmem>>, vector<16xi32>,
        %get3A_170 = arith.constant 113 : index
        %get3A_171 = tpu.vector_load %arg17[%get3A_170] {strides = array<i32>} : memref<160xi32, #tpu.memory_space<vmem>>, vector<16xi32>,
        %get3A_172 = vector.shape_cast %get3A_171 : vector<16xi32> to vector<16xi32>
        %or3A_173 = arith.ori %select_n3A_165, %get3A_172 : vector<16xi32>
        %swap3A_174 = arith.constant 112 : index
        %swap3A_175 = tpu.vector_load %arg17[%swap3A_174] {strides = array<i32>} : memref<160xi32, #tpu.memory_space<vmem>>, vector<16xi32>,
        %swap3A_176 = vector.shape_cast %swap3A_175 : vector<16xi32> to vector<16xi32>
        %swap3A_177 = vector.shape_cast %or3A_173 : vector<16xi32> to vector<16xi32>
        tpu.vector_store %arg17[%swap3A_174], %swap3A_177 {strides = array<i32>} : memref<160xi32, #tpu.memory_space<vmem>>, vector<16xi32>,
        %get3A_178 = arith.constant 114 : index
        %get3A_179 = tpu.vector_load %arg17[%get3A_178] {strides = array<i32>} : memref<160xi32, #tpu.memory_space<vmem>>, vector<16xi32>,
        %get3A_180 = vector.shape_cast %get3A_179 : vector<16xi32> to vector<16xi32>
        %or3A_181 = arith.ori %or3A_173, %get3A_180 : vector<16xi32>
        %swap3A_182 = arith.constant 112 : index
        %swap3A_183 = tpu.vector_load %arg17[%swap3A_182] {strides = array<i32>} : memref<160xi32, #tpu.memory_space<vmem>>, vector<16xi32>,
        %swap3A_184 = vector.shape_cast %swap3A_183 : vector<16xi32> to vector<16xi32>
        %swap3A_185 = vector.shape_cast %or3A_181 : vector<16xi32> to vector<16xi32>
        tpu.vector_store %arg17[%swap3A_182], %swap3A_185 {strides = array<i32>} : memref<160xi32, #tpu.memory_space<vmem>>, vector<16xi32>,
        %get3A_186 = arith.constant 116 : index
        %get3A_187 = tpu.vector_load %arg17[%get3A_186] {strides = array<i32>} : memref<160xi32, #tpu.memory_space<vmem>>, vector<16xi32>,
        %get3A_188 = vector.shape_cast %get3A_187 : vector<16xi32> to vector<16xi32>
        %or3A_189 = arith.ori %or3A_181, %get3A_188 : vector<16xi32>
        %swap3A_190 = arith.constant 112 : index
        %swap3A_191 = tpu.vector_load %arg17[%swap3A_190] {strides = array<i32>} : memref<160xi32, #tpu.memory_space<vmem>>, vector<16xi32>,
        %swap3A_192 = vector.shape_cast %swap3A_191 : vector<16xi32> to vector<16xi32>
        %swap3A_193 = vector.shape_cast %or3A_189 : vector<16xi32> to vector<16xi32>
        tpu.vector_store %arg17[%swap3A_190], %swap3A_193 {strides = array<i32>} : memref<160xi32, #tpu.memory_space<vmem>>, vector<16xi32>,
        %get3A_194 = arith.constant 120 : index
        %get3A_195 = tpu.vector_load %arg17[%get3A_194] {strides = array<i32>} : memref<160xi32, #tpu.memory_space<vmem>>, vector<16xi32>,
        %get3A_196 = vector.shape_cast %get3A_195 : vector<16xi32> to vector<16xi32>
        %or3A_197 = arith.ori %or3A_189, %get3A_196 : vector<16xi32>
        %slice3A = vector.extract_strided_slice %or3A_197 {offsets = [0], sizes = [1], strides = [1]} : vector<16xi32> to vector<1xi32>
        %squeeze3A = vector.extract %slice3A[0] : i32 from vector<1xi32>
        %gt3A = arith.constant 0 : i32
        %gt3A_198 = arith.cmpi sgt, %squeeze3A, %gt3A : i32
        %convert_element_type3A = arith.extui %gt3A_198 : i1 to i32
        %cond3A = arith.constant 0 : i32
        %cond3A_199 = arith.cmpi ne, %convert_element_type3A, %cond3A : i32
        %cond3A_200 = scf.if %cond3A_199 -> (i32) {
          %jit3A_201 = arith.constant 1 : i32
          %jit3A_202 = arith.constant 0 : i32
          %broadcast_in_dim3A_203 = vector.broadcast %jit3A_201 : i32 to vector<16xi32>
          %broadcast_in_dim3A_204 = vector.broadcast %jit3A_202 : i32 to vector<16xi32>
          %select_n3A_205 = arith.select %and3A, %broadcast_in_dim3A_203, %broadcast_in_dim3A_204 : vector<16xi1>, vector<16xi32>
          %swap3A_206 = arith.constant 80 : index
          %swap3A_207 = tpu.vector_load %arg17[%swap3A_206] {strides = array<i32>} : memref<160xi32, #tpu.memory_space<vmem>>, vector<16xi32>,
          %swap3A_208 = vector.shape_cast %swap3A_207 : vector<16xi32> to vector<16xi32>
          %swap3A_209 = vector.shape_cast %select_n3A_205 : vector<16xi32> to vector<16xi32>
          tpu.vector_store %arg17[%swap3A_206], %swap3A_209 {strides = array<i32>} : memref<160xi32, #tpu.memory_space<vmem>>, vector<16xi32>,
          %get3A_210 = arith.constant 81 : index
          %get3A_211 = tpu.vector_load %arg17[%get3A_210] {strides = array<i32>} : memref<160xi32, #tpu.memory_space<vmem>>, vector<16xi32>,
          %get3A_212 = vector.shape_cast %get3A_211 : vector<16xi32> to vector<16xi32>
          %add3A_213 = arith.addi %select_n3A_205, %get3A_212 : vector<16xi32>
          %swap3A_214 = arith.constant 48 : index
          %swap3A_215 = tpu.vector_load %arg17[%swap3A_214] {strides = array<i32>} : memref<160xi32, #tpu.memory_space<vmem>>, vector<16xi32>,
          %swap3A_216 = vector.shape_cast %swap3A_215 : vector<16xi32> to vector<16xi32>
          %swap3A_217 = vector.shape_cast %select_n3A_205 : vector<16xi32> to vector<16xi32>
          tpu.vector_store %arg17[%swap3A_214], %swap3A_217 {strides = array<i32>} : memref<160xi32, #tpu.memory_space<vmem>>, vector<16xi32>,
          %get3A_218 = arith.constant 47 : index
          %get3A_219 = tpu.vector_load %arg17[%get3A_218] {strides = array<i32>} : memref<160xi32, #tpu.memory_space<vmem>>, vector<16xi32>,
          %get3A_220 = vector.shape_cast %get3A_219 : vector<16xi32> to vector<16xi32>
          %add3A_221 = arith.addi %select_n3A_205, %get3A_220 : vector<16xi32>
          %swap3A_222 = arith.constant 80 : index
          %swap3A_223 = tpu.vector_load %arg17[%swap3A_222] {strides = array<i32>} : memref<160xi32, #tpu.memory_space<vmem>>, vector<16xi32>,
          %swap3A_224 = vector.shape_cast %swap3A_223 : vector<16xi32> to vector<16xi32>
          %swap3A_225 = vector.shape_cast %add3A_213 : vector<16xi32> to vector<16xi32>
          tpu.vector_store %arg17[%swap3A_222], %swap3A_225 {strides = array<i32>} : memref<160xi32, #tpu.memory_space<vmem>>, vector<16xi32>,
          %get3A_226 = arith.constant 82 : index
          %get3A_227 = tpu.vector_load %arg17[%get3A_226] {strides = array<i32>} : memref<160xi32, #tpu.memory_space<vmem>>, vector<16xi32>,
          %get3A_228 = vector.shape_cast %get3A_227 : vector<16xi32> to vector<16xi32>
          %add3A_229 = arith.addi %add3A_213, %get3A_228 : vector<16xi32>
          %swap3A_230 = arith.constant 48 : index
          %swap3A_231 = tpu.vector_load %arg17[%swap3A_230] {strides = array<i32>} : memref<160xi32, #tpu.memory_space<vmem>>, vector<16xi32>,
          %swap3A_232 = vector.shape_cast %swap3A_231 : vector<16xi32> to vector<16xi32>
          %swap3A_233 = vector.shape_cast %add3A_221 : vector<16xi32> to vector<16xi32>
          tpu.vector_store %arg17[%swap3A_230], %swap3A_233 {strides = array<i32>} : memref<160xi32, #tpu.memory_space<vmem>>, vector<16xi32>,
          %get3A_234 = arith.constant 46 : index
          %get3A_235 = tpu.vector_load %arg17[%get3A_234] {strides = array<i32>} : memref<160xi32, #tpu.memory_space<vmem>>, vector<16xi32>,
          %get3A_236 = vector.shape_cast %get3A_235 : vector<16xi32> to vector<16xi32>
          %add3A_237 = arith.addi %add3A_221, %get3A_236 : vector<16xi32>
          %swap3A_238 = arith.constant 80 : index
          %swap3A_239 = tpu.vector_load %arg17[%swap3A_238] {strides = array<i32>} : memref<160xi32, #tpu.memory_space<vmem>>, vector<16xi32>,
          %swap3A_240 = vector.shape_cast %swap3A_239 : vector<16xi32> to vector<16xi32>
          %swap3A_241 = vector.shape_cast %add3A_229 : vector<16xi32> to vector<16xi32>
          tpu.vector_store %arg17[%swap3A_238], %swap3A_241 {strides = array<i32>} : memref<160xi32, #tpu.memory_space<vmem>>, vector<16xi32>,
          %get3A_242 = arith.constant 84 : index
          %get3A_243 = tpu.vector_load %arg17[%get3A_242] {strides = array<i32>} : memref<160xi32, #tpu.memory_space<vmem>>, vector<16xi32>,
          %get3A_244 = vector.shape_cast %get3A_243 : vector<16xi32> to vector<16xi32>
          %add3A_245 = arith.addi %add3A_229, %get3A_244 : vector<16xi32>
          %swap3A_246 = arith.constant 48 : index
          %swap3A_247 = tpu.vector_load %arg17[%swap3A_246] {strides = array<i32>} : memref<160xi32, #tpu.memory_space<vmem>>, vector<16xi32>,
          %swap3A_248 = vector.shape_cast %swap3A_247 : vector<16xi32> to vector<16xi32>
          %swap3A_249 = vector.shape_cast %add3A_237 : vector<16xi32> to vector<16xi32>
          tpu.vector_store %arg17[%swap3A_246], %swap3A_249 {strides = array<i32>} : memref<160xi32, #tpu.memory_space<vmem>>, vector<16xi32>,
          %get3A_250 = arith.constant 44 : index
          %get3A_251 = tpu.vector_load %arg17[%get3A_250] {strides = array<i32>} : memref<160xi32, #tpu.memory_space<vmem>>, vector<16xi32>,
          %get3A_252 = vector.shape_cast %get3A_251 : vector<16xi32> to vector<16xi32>
          %add3A_253 = arith.addi %add3A_237, %get3A_252 : vector<16xi32>
          %swap3A_254 = arith.constant 80 : index
          %swap3A_255 = tpu.vector_load %arg17[%swap3A_254] {strides = array<i32>} : memref<160xi32, #tpu.memory_space<vmem>>, vector<16xi32>,
          %swap3A_256 = vector.shape_cast %swap3A_255 : vector<16xi32> to vector<16xi32>
          %swap3A_257 = vector.shape_cast %add3A_245 : vector<16xi32> to vector<16xi32>
          tpu.vector_store %arg17[%swap3A_254], %swap3A_257 {strides = array<i32>} : memref<160xi32, #tpu.memory_space<vmem>>, vector<16xi32>,
          %get3A_258 = arith.constant 88 : index
          %get3A_259 = tpu.vector_load %arg17[%get3A_258] {strides = array<i32>} : memref<160xi32, #tpu.memory_space<vmem>>, vector<16xi32>,
          %get3A_260 = vector.shape_cast %get3A_259 : vector<16xi32> to vector<16xi32>
          %add3A_261 = arith.addi %add3A_245, %get3A_260 : vector<16xi32>
          %swap3A_262 = arith.constant 48 : index
          %swap3A_263 = tpu.vector_load %arg17[%swap3A_262] {strides = array<i32>} : memref<160xi32, #tpu.memory_space<vmem>>, vector<16xi32>,
          %swap3A_264 = vector.shape_cast %swap3A_263 : vector<16xi32> to vector<16xi32>
          %swap3A_265 = vector.shape_cast %add3A_253 : vector<16xi32> to vector<16xi32>
          tpu.vector_store %arg17[%swap3A_262], %swap3A_265 {strides = array<i32>} : memref<160xi32, #tpu.memory_space<vmem>>, vector<16xi32>,
          %get3A_266 = arith.constant 40 : index
          %get3A_267 = tpu.vector_load %arg17[%get3A_266] {strides = array<i32>} : memref<160xi32, #tpu.memory_space<vmem>>, vector<16xi32>,
          %get3A_268 = vector.shape_cast %get3A_267 : vector<16xi32> to vector<16xi32>
          %add3A_269 = arith.addi %add3A_253, %get3A_268 : vector<16xi32>
          %slice3A_270 = vector.extract_strided_slice %add3A_261 {offsets = [0], sizes = [1], strides = [1]} : vector<16xi32> to vector<1xi32>
          %squeeze3A_271 = vector.extract %slice3A_270[0] : i32 from vector<1xi32>
          %sub3A_272 = arith.constant 4096 : i32
          %sub3A_273 = arith.subi %sub3A_272, %scan3A_65 : i32
          %min3A_274 = arith.minsi %squeeze3A_271, %sub3A_273 : i32
          %gt3A_275 = arith.constant 0 : i32
          %gt3A_276 = arith.cmpi sgt, %squeeze3A_271, %gt3A_275 : i32
          %convert_element_type3A_277 = arith.extui %gt3A_276 : i1 to i32
          %cond3A_278 = arith.constant 0 : i32
          %cond3A_279 = arith.cmpi ne, %convert_element_type3A_277, %cond3A_278 : i32
          scf.if %cond3A_279 {
            %sub3A_361 = arith.constant 4096 : i32
            %sub3A_362 = arith.subi %sub3A_361, %scan3A_65 : i32
            %broadcast_in_dim3A_363 = vector.broadcast %sub3A_362 : i32 to vector<16xi32>
            %le3A = arith.cmpi sle, %add3A_269, %broadcast_in_dim3A_363 : vector<16xi32>
            %and3A_364 = arith.andi %and3A, %le3A : vector<16xi1>
            %add3A_365 = arith.addi %mul3A_4, %scan3A_65 : i32
            %sub3A_366 = arith.constant 1 : i32
            %sub3A_367 = arith.subi %add3A_365, %sub3A_366 : i32
            %broadcast_in_dim3A_368 = vector.broadcast %sub3A_367 : i32 to vector<16xi32>
            %add3A_369 = arith.addi %broadcast_in_dim3A_368, %add3A_269 : vector<16xi32>
            %broadcast_in_dim3A_370 = arith.constant 65536 : i32
            %broadcast_in_dim3A_371 = vector.broadcast %broadcast_in_dim3A_370 : i32 to vector<16xi32>
            %select_n3A_372 = arith.select %and3A_364, %add3A_369, %broadcast_in_dim3A_371 : vector<16xi1>, vector<16xi32>
            %add3A_373 = vector.broadcast %add3A_72 : i32 to vector<16xi32>
            %add3A_374 = arith.addi %add3A_373, %iota3A : vector<16xi32>
            %and3A_375 = arith.constant 4095 : i32
            %and3A_376 = vector.broadcast %and3A_375 : i32 to vector<16xi32>
            %and3A_377 = arith.andi %add3A_374, %and3A_376 : vector<16xi32>
            %or3A_378 = arith.ori %broadcast_in_dim3A_56, %and3A_377 : vector<16xi32>
            %swap3A_379 = arith.constant 0 : index
            %swap3A_380 = tpu.vector_load %arg20[%swap3A_379] {strides = array<i32>} : memref<16xi32, #tpu.memory_space<vmem>>, vector<16xi32>,
            %swap3A_381 = vector.shape_cast %swap3A_380 : vector<16xi32> to vector<16xi32>
            %swap3A_382 = vector.shape_cast %or3A_378 : vector<16xi32> to vector<16xi32>
            tpu.vector_store %arg20[%swap3A_379], %swap3A_382 {strides = array<i32>} : memref<16xi32, #tpu.memory_space<vmem>>, vector<16xi32>,
            %swap3A_383 = arith.constant 0 : index
            %swap3A_384 = tpu.vector_load %arg21[%swap3A_383] {strides = array<i32>} : memref<16xf32, #tpu.memory_space<vmem>>, vector<16xf32>,
            %swap3A_385 = vector.shape_cast %swap3A_384 : vector<16xf32> to vector<16xf32>
            %swap3A_386 = vector.shape_cast %add3A_106 : vector<16xf32> to vector<16xf32>
            tpu.vector_store %arg21[%swap3A_383], %swap3A_386 {strides = array<i32>} : memref<16xf32, #tpu.memory_space<vmem>>, vector<16xf32>,
            %dma_start3A = arith.constant 0 : i32
            %dma_start3A_387 = tpu.memref_slice %arg23[%dma_start3A] : memref<65552xi32, #tpu.memory_space<vmem_shared>> -> memref<65552xi32, #tpu.memory_space<vmem_shared>>
            tpu.enqueue_indirect_dma source(%arg20 : memref<16xi32, #tpu.memory_space<vmem>>) target(%dma_start3A_387 : memref<65552xi32, #tpu.memory_space<vmem_shared>>) offsets(%select_n3A_372 : vector<16xi32>) semaphore(%arg25 : memref<!tpu.dma_semaphore, #tpu.memory_space<semaphore_mem>>) {add = true}
            %dma_wait3A = arith.constant 0 : i32
            %dma_wait3A_388 = tpu.memref_slice %arg23[%dma_wait3A] : memref<65552xi32, #tpu.memory_space<vmem_shared>> -> memref<65552xi32, #tpu.memory_space<vmem_shared>>
            tpu.wait_indirect_dma semaphore(%arg25 : memref<!tpu.dma_semaphore, #tpu.memory_space<semaphore_mem>>) src(%arg20 : memref<16xi32, #tpu.memory_space<vmem>>) dst(%dma_wait3A_388 : memref<65552xi32, #tpu.memory_space<vmem_shared>>)
            %dma_start3A_389 = arith.constant 0 : i32
            %dma_start3A_390 = tpu.memref_slice %arg24[%dma_start3A_389] : memref<65552xf32, #tpu.memory_space<vmem_shared>> -> memref<65552xf32, #tpu.memory_space<vmem_shared>>
            tpu.enqueue_indirect_dma source(%arg21 : memref<16xf32, #tpu.memory_space<vmem>>) target(%dma_start3A_390 : memref<65552xf32, #tpu.memory_space<vmem_shared>>) offsets(%select_n3A_372 : vector<16xi32>) semaphore(%arg26 : memref<!tpu.dma_semaphore, #tpu.memory_space<semaphore_mem>>) {add = true}
            %dma_wait3A_391 = arith.constant 0 : i32
            %dma_wait3A_392 = tpu.memref_slice %arg24[%dma_wait3A_391] : memref<65552xf32, #tpu.memory_space<vmem_shared>> -> memref<65552xf32, #tpu.memory_space<vmem_shared>>
            tpu.wait_indirect_dma semaphore(%arg26 : memref<!tpu.dma_semaphore, #tpu.memory_space<semaphore_mem>>) src(%arg21 : memref<16xf32, #tpu.memory_space<vmem>>) dst(%dma_wait3A_392 : memref<65552xf32, #tpu.memory_space<vmem_shared>>)
          } else {
          }
          %add3A_280 = arith.addi %scan3A_65, %min3A_274 : i32
          %jit3A_281 = arith.constant 1 : i32
          %jit3A_282 = arith.constant 0 : i32
          %broadcast_in_dim3A_283 = vector.broadcast %jit3A_281 : i32 to vector<16xi32>
          %broadcast_in_dim3A_284 = vector.broadcast %jit3A_282 : i32 to vector<16xi32>
          %select_n3A_285 = arith.select %and3A_159, %broadcast_in_dim3A_283, %broadcast_in_dim3A_284 : vector<16xi1>, vector<16xi32>
          %swap3A_286 = arith.constant 80 : index
          %swap3A_287 = tpu.vector_load %arg17[%swap3A_286] {strides = array<i32>} : memref<160xi32, #tpu.memory_space<vmem>>, vector<16xi32>,
          %swap3A_288 = vector.shape_cast %swap3A_287 : vector<16xi32> to vector<16xi32>
          %swap3A_289 = vector.shape_cast %select_n3A_285 : vector<16xi32> to vector<16xi32>
          tpu.vector_store %arg17[%swap3A_286], %swap3A_289 {strides = array<i32>} : memref<160xi32, #tpu.memory_space<vmem>>, vector<16xi32>,
          %get3A_290 = arith.constant 81 : index
          %get3A_291 = tpu.vector_load %arg17[%get3A_290] {strides = array<i32>} : memref<160xi32, #tpu.memory_space<vmem>>, vector<16xi32>,
          %get3A_292 = vector.shape_cast %get3A_291 : vector<16xi32> to vector<16xi32>
          %add3A_293 = arith.addi %select_n3A_285, %get3A_292 : vector<16xi32>
          %swap3A_294 = arith.constant 48 : index
          %swap3A_295 = tpu.vector_load %arg17[%swap3A_294] {strides = array<i32>} : memref<160xi32, #tpu.memory_space<vmem>>, vector<16xi32>,
          %swap3A_296 = vector.shape_cast %swap3A_295 : vector<16xi32> to vector<16xi32>
          %swap3A_297 = vector.shape_cast %select_n3A_285 : vector<16xi32> to vector<16xi32>
          tpu.vector_store %arg17[%swap3A_294], %swap3A_297 {strides = array<i32>} : memref<160xi32, #tpu.memory_space<vmem>>, vector<16xi32>,
          %get3A_298 = arith.constant 47 : index
          %get3A_299 = tpu.vector_load %arg17[%get3A_298] {strides = array<i32>} : memref<160xi32, #tpu.memory_space<vmem>>, vector<16xi32>,
          %get3A_300 = vector.shape_cast %get3A_299 : vector<16xi32> to vector<16xi32>
          %add3A_301 = arith.addi %select_n3A_285, %get3A_300 : vector<16xi32>
          %swap3A_302 = arith.constant 80 : index
          %swap3A_303 = tpu.vector_load %arg17[%swap3A_302] {strides = array<i32>} : memref<160xi32, #tpu.memory_space<vmem>>, vector<16xi32>,
          %swap3A_304 = vector.shape_cast %swap3A_303 : vector<16xi32> to vector<16xi32>
          %swap3A_305 = vector.shape_cast %add3A_293 : vector<16xi32> to vector<16xi32>
          tpu.vector_store %arg17[%swap3A_302], %swap3A_305 {strides = array<i32>} : memref<160xi32, #tpu.memory_space<vmem>>, vector<16xi32>,
          %get3A_306 = arith.constant 82 : index
          %get3A_307 = tpu.vector_load %arg17[%get3A_306] {strides = array<i32>} : memref<160xi32, #tpu.memory_space<vmem>>, vector<16xi32>,
          %get3A_308 = vector.shape_cast %get3A_307 : vector<16xi32> to vector<16xi32>
          %add3A_309 = arith.addi %add3A_293, %get3A_308 : vector<16xi32>
          %swap3A_310 = arith.constant 48 : index
          %swap3A_311 = tpu.vector_load %arg17[%swap3A_310] {strides = array<i32>} : memref<160xi32, #tpu.memory_space<vmem>>, vector<16xi32>,
          %swap3A_312 = vector.shape_cast %swap3A_311 : vector<16xi32> to vector<16xi32>
          %swap3A_313 = vector.shape_cast %add3A_301 : vector<16xi32> to vector<16xi32>
          tpu.vector_store %arg17[%swap3A_310], %swap3A_313 {strides = array<i32>} : memref<160xi32, #tpu.memory_space<vmem>>, vector<16xi32>,
          %get3A_314 = arith.constant 46 : index
          %get3A_315 = tpu.vector_load %arg17[%get3A_314] {strides = array<i32>} : memref<160xi32, #tpu.memory_space<vmem>>, vector<16xi32>,
          %get3A_316 = vector.shape_cast %get3A_315 : vector<16xi32> to vector<16xi32>
          %add3A_317 = arith.addi %add3A_301, %get3A_316 : vector<16xi32>
          %swap3A_318 = arith.constant 80 : index
          %swap3A_319 = tpu.vector_load %arg17[%swap3A_318] {strides = array<i32>} : memref<160xi32, #tpu.memory_space<vmem>>, vector<16xi32>,
          %swap3A_320 = vector.shape_cast %swap3A_319 : vector<16xi32> to vector<16xi32>
          %swap3A_321 = vector.shape_cast %add3A_309 : vector<16xi32> to vector<16xi32>
          tpu.vector_store %arg17[%swap3A_318], %swap3A_321 {strides = array<i32>} : memref<160xi32, #tpu.memory_space<vmem>>, vector<16xi32>,
          %get3A_322 = arith.constant 84 : index
          %get3A_323 = tpu.vector_load %arg17[%get3A_322] {strides = array<i32>} : memref<160xi32, #tpu.memory_space<vmem>>, vector<16xi32>,
          %get3A_324 = vector.shape_cast %get3A_323 : vector<16xi32> to vector<16xi32>
          %add3A_325 = arith.addi %add3A_309, %get3A_324 : vector<16xi32>
          %swap3A_326 = arith.constant 48 : index
          %swap3A_327 = tpu.vector_load %arg17[%swap3A_326] {strides = array<i32>} : memref<160xi32, #tpu.memory_space<vmem>>, vector<16xi32>,
          %swap3A_328 = vector.shape_cast %swap3A_327 : vector<16xi32> to vector<16xi32>
          %swap3A_329 = vector.shape_cast %add3A_317 : vector<16xi32> to vector<16xi32>
          tpu.vector_store %arg17[%swap3A_326], %swap3A_329 {strides = array<i32>} : memref<160xi32, #tpu.memory_space<vmem>>, vector<16xi32>,
          %get3A_330 = arith.constant 44 : index
          %get3A_331 = tpu.vector_load %arg17[%get3A_330] {strides = array<i32>} : memref<160xi32, #tpu.memory_space<vmem>>, vector<16xi32>,
          %get3A_332 = vector.shape_cast %get3A_331 : vector<16xi32> to vector<16xi32>
          %add3A_333 = arith.addi %add3A_317, %get3A_332 : vector<16xi32>
          %swap3A_334 = arith.constant 80 : index
          %swap3A_335 = tpu.vector_load %arg17[%swap3A_334] {strides = array<i32>} : memref<160xi32, #tpu.memory_space<vmem>>, vector<16xi32>,
          %swap3A_336 = vector.shape_cast %swap3A_335 : vector<16xi32> to vector<16xi32>
          %swap3A_337 = vector.shape_cast %add3A_325 : vector<16xi32> to vector<16xi32>
          tpu.vector_store %arg17[%swap3A_334], %swap3A_337 {strides = array<i32>} : memref<160xi32, #tpu.memory_space<vmem>>, vector<16xi32>,
          %get3A_338 = arith.constant 88 : index
          %get3A_339 = tpu.vector_load %arg17[%get3A_338] {strides = array<i32>} : memref<160xi32, #tpu.memory_space<vmem>>, vector<16xi32>,
          %get3A_340 = vector.shape_cast %get3A_339 : vector<16xi32> to vector<16xi32>
          %add3A_341 = arith.addi %add3A_325, %get3A_340 : vector<16xi32>
          %swap3A_342 = arith.constant 48 : index
          %swap3A_343 = tpu.vector_load %arg17[%swap3A_342] {strides = array<i32>} : memref<160xi32, #tpu.memory_space<vmem>>, vector<16xi32>,
          %swap3A_344 = vector.shape_cast %swap3A_343 : vector<16xi32> to vector<16xi32>
          %swap3A_345 = vector.shape_cast %add3A_333 : vector<16xi32> to vector<16xi32>
          tpu.vector_store %arg17[%swap3A_342], %swap3A_345 {strides = array<i32>} : memref<160xi32, #tpu.memory_space<vmem>>, vector<16xi32>,
          %get3A_346 = arith.constant 40 : index
          %get3A_347 = tpu.vector_load %arg17[%get3A_346] {strides = array<i32>} : memref<160xi32, #tpu.memory_space<vmem>>, vector<16xi32>,
          %get3A_348 = vector.shape_cast %get3A_347 : vector<16xi32> to vector<16xi32>
          %add3A_349 = arith.addi %add3A_333, %get3A_348 : vector<16xi32>
          %slice3A_350 = vector.extract_strided_slice %add3A_341 {offsets = [0], sizes = [1], strides = [1]} : vector<16xi32> to vector<1xi32>
          %squeeze3A_351 = vector.extract %slice3A_350[0] : i32 from vector<1xi32>
          %sub3A_352 = arith.constant 4096 : i32
          %sub3A_353 = arith.subi %sub3A_352, %add3A_280 : i32
          %min3A_354 = arith.minsi %squeeze3A_351, %sub3A_353 : i32
          %gt3A_355 = arith.constant 0 : i32
          %gt3A_356 = arith.cmpi sgt, %squeeze3A_351, %gt3A_355 : i32
          %convert_element_type3A_357 = arith.extui %gt3A_356 : i1 to i32
          %cond3A_358 = arith.constant 0 : i32
          %cond3A_359 = arith.cmpi ne, %convert_element_type3A_357, %cond3A_358 : i32
          scf.if %cond3A_359 {
            %sub3A_361 = arith.constant 4096 : i32
            %sub3A_362 = arith.subi %sub3A_361, %add3A_280 : i32
            %broadcast_in_dim3A_363 = vector.broadcast %sub3A_362 : i32 to vector<16xi32>
            %le3A = arith.cmpi sle, %add3A_349, %broadcast_in_dim3A_363 : vector<16xi32>
            %and3A_364 = arith.andi %and3A_159, %le3A : vector<16xi1>
            %add3A_365 = arith.addi %mul3A_4, %add3A_280 : i32
            %sub3A_366 = arith.constant 1 : i32
            %sub3A_367 = arith.subi %add3A_365, %sub3A_366 : i32
            %broadcast_in_dim3A_368 = vector.broadcast %sub3A_367 : i32 to vector<16xi32>
            %add3A_369 = arith.addi %broadcast_in_dim3A_368, %add3A_349 : vector<16xi32>
            %broadcast_in_dim3A_370 = arith.constant 65536 : i32
            %broadcast_in_dim3A_371 = vector.broadcast %broadcast_in_dim3A_370 : i32 to vector<16xi32>
            %select_n3A_372 = arith.select %and3A_364, %add3A_369, %broadcast_in_dim3A_371 : vector<16xi1>, vector<16xi32>
            %add3A_373 = vector.broadcast %add3A_74 : i32 to vector<16xi32>
            %add3A_374 = arith.addi %add3A_373, %iota3A : vector<16xi32>
            %and3A_375 = arith.constant 4095 : i32
            %and3A_376 = vector.broadcast %and3A_375 : i32 to vector<16xi32>
            %and3A_377 = arith.andi %add3A_374, %and3A_376 : vector<16xi32>
            %or3A_378 = arith.ori %broadcast_in_dim3A_56, %and3A_377 : vector<16xi32>
            %swap3A_379 = arith.constant 0 : index
            %swap3A_380 = tpu.vector_load %arg20[%swap3A_379] {strides = array<i32>} : memref<16xi32, #tpu.memory_space<vmem>>, vector<16xi32>,
            %swap3A_381 = vector.shape_cast %swap3A_380 : vector<16xi32> to vector<16xi32>
            %swap3A_382 = vector.shape_cast %or3A_378 : vector<16xi32> to vector<16xi32>
            tpu.vector_store %arg20[%swap3A_379], %swap3A_382 {strides = array<i32>} : memref<16xi32, #tpu.memory_space<vmem>>, vector<16xi32>,
            %swap3A_383 = arith.constant 0 : index
            %swap3A_384 = tpu.vector_load %arg21[%swap3A_383] {strides = array<i32>} : memref<16xf32, #tpu.memory_space<vmem>>, vector<16xf32>,
            %swap3A_385 = vector.shape_cast %swap3A_384 : vector<16xf32> to vector<16xf32>
            %swap3A_386 = vector.shape_cast %add3A_141 : vector<16xf32> to vector<16xf32>
            tpu.vector_store %arg21[%swap3A_383], %swap3A_386 {strides = array<i32>} : memref<16xf32, #tpu.memory_space<vmem>>, vector<16xf32>,
            %dma_start3A = arith.constant 0 : i32
            %dma_start3A_387 = tpu.memref_slice %arg23[%dma_start3A] : memref<65552xi32, #tpu.memory_space<vmem_shared>> -> memref<65552xi32, #tpu.memory_space<vmem_shared>>
            tpu.enqueue_indirect_dma source(%arg20 : memref<16xi32, #tpu.memory_space<vmem>>) target(%dma_start3A_387 : memref<65552xi32, #tpu.memory_space<vmem_shared>>) offsets(%select_n3A_372 : vector<16xi32>) semaphore(%arg25 : memref<!tpu.dma_semaphore, #tpu.memory_space<semaphore_mem>>) {add = true}
            %dma_wait3A = arith.constant 0 : i32
            %dma_wait3A_388 = tpu.memref_slice %arg23[%dma_wait3A] : memref<65552xi32, #tpu.memory_space<vmem_shared>> -> memref<65552xi32, #tpu.memory_space<vmem_shared>>
            tpu.wait_indirect_dma semaphore(%arg25 : memref<!tpu.dma_semaphore, #tpu.memory_space<semaphore_mem>>) src(%arg20 : memref<16xi32, #tpu.memory_space<vmem>>) dst(%dma_wait3A_388 : memref<65552xi32, #tpu.memory_space<vmem_shared>>)
            %dma_start3A_389 = arith.constant 0 : i32
            %dma_start3A_390 = tpu.memref_slice %arg24[%dma_start3A_389] : memref<65552xf32, #tpu.memory_space<vmem_shared>> -> memref<65552xf32, #tpu.memory_space<vmem_shared>>
            tpu.enqueue_indirect_dma source(%arg21 : memref<16xf32, #tpu.memory_space<vmem>>) target(%dma_start3A_390 : memref<65552xf32, #tpu.memory_space<vmem_shared>>) offsets(%select_n3A_372 : vector<16xi32>) semaphore(%arg26 : memref<!tpu.dma_semaphore, #tpu.memory_space<semaphore_mem>>) {add = true}
            %dma_wait3A_391 = arith.constant 0 : i32
            %dma_wait3A_392 = tpu.memref_slice %arg24[%dma_wait3A_391] : memref<65552xf32, #tpu.memory_space<vmem_shared>> -> memref<65552xf32, #tpu.memory_space<vmem_shared>>
            tpu.wait_indirect_dma semaphore(%arg26 : memref<!tpu.dma_semaphore, #tpu.memory_space<semaphore_mem>>) src(%arg21 : memref<16xf32, #tpu.memory_space<vmem>>) dst(%dma_wait3A_392 : memref<65552xf32, #tpu.memory_space<vmem_shared>>)
          } else {
          }
          %add3A_360 = arith.addi %add3A_280, %min3A_354 : i32
          scf.yield %add3A_360 : i32
        } else {
          scf.yield %scan3A_65 : i32
        }
        scf.yield %cond3A_200 : i32
      }
      %scan3A_63 = arith.constant 64 : i32
      scf.yield %scan3A_62 : i32
    }
    %scan3A_32 = arith.constant 128 : i32
    %broadcast_in_dim3A_33 = vector.broadcast %scan3A_31 : i32 to vector<16xi32>
    %swap3A_34 = arith.constant 0 : index
    %swap3A_35 = tpu.vector_load %arg22[%swap3A_34] {strides = array<i32>} : memref<16xi32, #tpu.memory_space<vmem>>, vector<16xi32>,
    %swap3A_36 = vector.shape_cast %swap3A_35 : vector<16xi32> to vector<16xi32>
    %swap3A_37 = vector.shape_cast %broadcast_in_dim3A_33 : vector<16xi32> to vector<16xi32>
    tpu.vector_store %arg22[%swap3A_34], %swap3A_37 {strides = array<i32>} : memref<16xi32, #tpu.memory_space<vmem>>, vector<16xi32>,
    "tpu.region"() ({
      %run_scoped3A = tpu.sem_alloc : memref<!tpu.dma_semaphore, #tpu.memory_space<semaphore_mem>>
      %dma_start3A = arith.constant 0 : i32
      %dma_start3A_40 = tpu.memref_slice %arg10[%add3A, %dma_start3A] : memref<32x16xi32, #tpu.memory_space<hbm>> -> memref<1x16xi32, #tpu.memory_space<hbm>>
      %dma_start3A_41 = tpu.memref_squeeze %dma_start3A_40 : memref<1x16xi32, #tpu.memory_space<hbm>> -> memref<16xi32, #tpu.memory_space<hbm>>
      %dma_start3A_42 = arith.constant 0 : i32
      %dma_start3A_43 = tpu.memref_slice %arg10[%add3A, %dma_start3A_42] : memref<32x16xi32, #tpu.memory_space<hbm>> -> memref<1x16xi32, #tpu.memory_space<hbm>>
      %dma_start3A_44 = tpu.memref_squeeze %dma_start3A_43 : memref<1x16xi32, #tpu.memory_space<hbm>> -> memref<16xi32, #tpu.memory_space<hbm>>
      tpu.enqueue_dma source(%arg22 : memref<16xi32, #tpu.memory_space<vmem>>) target(%dma_start3A_44 : memref<16xi32, #tpu.memory_space<hbm>>) target_semaphore(%run_scoped3A : memref<!tpu.dma_semaphore, #tpu.memory_space<semaphore_mem>>)
      %dma_wait3A = arith.constant 0 : i32
      %dma_wait3A_45 = tpu.memref_slice %arg10[%add3A, %dma_wait3A] : memref<32x16xi32, #tpu.memory_space<hbm>> -> memref<1x16xi32, #tpu.memory_space<hbm>>
      %dma_wait3A_46 = tpu.memref_squeeze %dma_wait3A_45 : memref<1x16xi32, #tpu.memory_space<hbm>> -> memref<16xi32, #tpu.memory_space<hbm>>
      %dma_wait3A_47 = arith.constant 0 : i32
      %dma_wait3A_48 = tpu.memref_slice %arg10[%add3A, %dma_wait3A_47] : memref<32x16xi32, #tpu.memory_space<hbm>> -> memref<1x16xi32, #tpu.memory_space<hbm>>
      %dma_wait3A_49 = tpu.memref_squeeze %dma_wait3A_48 : memref<1x16xi32, #tpu.memory_space<hbm>> -> memref<16xi32, #tpu.memory_space<hbm>>
      tpu.wait_dma2 semaphore(%run_scoped3A : memref<!tpu.dma_semaphore, #tpu.memory_space<semaphore_mem>>) src(%arg22 : memref<16xi32, #tpu.memory_space<vmem>>) dst(%dma_wait3A_49 : memref<16xi32, #tpu.memory_space<hbm>>)
      tpu.yield
    }) : () -> ()
    %mul3A_38 = arith.constant 4096 : i32
    %mul3A_39 = arith.muli %add3A, %mul3A_38 : i32
    "tpu.region"() ({
      %run_scoped3A = tpu.sem_alloc : memref<!tpu.dma_semaphore, #tpu.memory_space<semaphore_mem>>
      %dma_start3A = tpu.memref_slice %arg8[%mul3A_39] : memref<131072xi32, #tpu.memory_space<hbm>> -> memref<4096xi32, #tpu.memory_space<hbm>>
      %dma_start3A_40 = tpu.memref_slice %arg23[%mul3A_4] : memref<65552xi32, #tpu.memory_space<vmem_shared>> -> memref<4096xi32, #tpu.memory_space<vmem_shared>>
      tpu.enqueue_dma source(%dma_start3A_40 : memref<4096xi32, #tpu.memory_space<vmem_shared>>) target(%dma_start3A : memref<4096xi32, #tpu.memory_space<hbm>>) target_semaphore(%run_scoped3A : memref<!tpu.dma_semaphore, #tpu.memory_space<semaphore_mem>>)
      %dma_wait3A = tpu.memref_slice %arg8[%mul3A_39] : memref<131072xi32, #tpu.memory_space<hbm>> -> memref<4096xi32, #tpu.memory_space<hbm>>
      %dma_wait3A_41 = tpu.memref_slice %arg23[%mul3A_4] : memref<65552xi32, #tpu.memory_space<vmem_shared>> -> memref<4096xi32, #tpu.memory_space<vmem_shared>>
      tpu.wait_dma2 semaphore(%run_scoped3A : memref<!tpu.dma_semaphore, #tpu.memory_space<semaphore_mem>>) src(%dma_wait3A_41 : memref<4096xi32, #tpu.memory_space<vmem_shared>>) dst(%dma_wait3A : memref<4096xi32, #tpu.memory_space<hbm>>)
      tpu.yield
    }) : () -> ()
    "tpu.region"() ({
      %run_scoped3A = tpu.sem_alloc : memref<!tpu.dma_semaphore, #tpu.memory_space<semaphore_mem>>
      %dma_start3A = tpu.memref_slice %arg9[%mul3A_39] : memref<131072xf32, #tpu.memory_space<hbm>> -> memref<4096xf32, #tpu.memory_space<hbm>>
      %dma_start3A_40 = tpu.memref_slice %arg24[%mul3A_4] : memref<65552xf32, #tpu.memory_space<vmem_shared>> -> memref<4096xf32, #tpu.memory_space<vmem_shared>>
      tpu.enqueue_dma source(%dma_start3A_40 : memref<4096xf32, #tpu.memory_space<vmem_shared>>) target(%dma_start3A : memref<4096xf32, #tpu.memory_space<hbm>>) target_semaphore(%run_scoped3A : memref<!tpu.dma_semaphore, #tpu.memory_space<semaphore_mem>>)
      %dma_wait3A = tpu.memref_slice %arg9[%mul3A_39] : memref<131072xf32, #tpu.memory_space<hbm>> -> memref<4096xf32, #tpu.memory_space<hbm>>
      %dma_wait3A_41 = tpu.memref_slice %arg24[%mul3A_4] : memref<65552xf32, #tpu.memory_space<vmem_shared>> -> memref<4096xf32, #tpu.memory_space<vmem_shared>>
      tpu.wait_dma2 semaphore(%run_scoped3A : memref<!tpu.dma_semaphore, #tpu.memory_space<semaphore_mem>>) src(%dma_wait3A_41 : memref<4096xf32, #tpu.memory_space<vmem_shared>>) dst(%dma_wait3A : memref<4096xf32, #tpu.memory_space<hbm>>)
      tpu.yield
    }) : () -> ()
    return
  }
}

#map = affine_map<(d0, d1) -> (0, 0)>
#map1 = affine_map<(d0, d1) -> (0)>
#map2 = affine_map<(d0, d1) -> (0, 0, 0)>
module attributes {stable_mosaic.version = 14 : i64} {
  func.func @_msg_body(%arg0: i32, %arg1: i32, %arg2: memref<4096x128xf32, #tpu.memory_space<hbm>>, %arg3: memref<131072xi32, #tpu.memory_space<hbm>>, %arg4: memref<131072x128xf32, #tpu.memory_space<hbm>>, %arg5: memref<32x16xi32, #tpu.memory_space<hbm>>, %arg6: memref<2x4096x128xf32, #tpu.memory_space<hbm>>, %arg7: memref<128xi32, #tpu.memory_space<vmem>>, %arg8: memref<128xi32, #tpu.memory_space<vmem>>, %arg9: memref<128xi32, #tpu.memory_space<vmem>>, %arg10: memref<128x128xf32, #tpu.memory_space<vmem>>, %arg11: memref<128x128xf32, #tpu.memory_space<vmem>>, %arg12: memref<128x128xf32, #tpu.memory_space<vmem>>, %arg13: memref<16xi32, #tpu.memory_space<vmem>>, %arg14: memref<4096x128xf32, #tpu.memory_space<vmem_shared>>, %arg15: memref<!tpu.dma_semaphore, #tpu.memory_space<semaphore_mem>>, %arg16: memref<!tpu.dma_semaphore, #tpu.memory_space<semaphore_mem>>) attributes {dimension_semantics = [#tpu.dimension_semantics<core_parallel>, #tpu.dimension_semantics<subcore_parallel>], iteration_bounds = array<i64: 2, 16>, scalar_prefetch = 0 : i64, scratch_operands = 10 : i64, tpu.core_type = #tpu.core_type<sc_vector_subcore>, window_params = [{transform_indices = #map}, {transform_indices = #map1}, {transform_indices = #map}, {transform_indices = #map}, {transform_indices = #map2}]} {
    %mul3A = arith.constant 2 : i32
    %mul3A_0 = arith.muli %arg1, %mul3A : i32
    %add3A = arith.addi %mul3A_0, %arg0 : i32
    %mul3A_1 = arith.constant 4096 : i32
    %mul3A_2 = arith.muli %add3A, %mul3A_1 : i32
    %broadcast_in_dim3A = arith.constant 0.000000e+00 : f32
    %broadcast_in_dim3A_3 = vector.broadcast %broadcast_in_dim3A : f32 to vector<128x128xf32>
    %swap3A = arith.constant 0 : index
    %swap3A_4 = arith.constant 0 : index
    %swap3A_5 = tpu.vector_load %arg10[%swap3A, %swap3A_4] {strides = array<i32>} : memref<128x128xf32, #tpu.memory_space<vmem>>, vector<128x128xf32>,
    %swap3A_6 = vector.shape_cast %swap3A_5 : vector<128x128xf32> to vector<128x128xf32>
    %swap3A_7 = vector.shape_cast %broadcast_in_dim3A_3 : vector<128x128xf32> to vector<128x128xf32>
    tpu.vector_store %arg10[%swap3A, %swap3A_4], %swap3A_7 {strides = array<i32>} : memref<128x128xf32, #tpu.memory_space<vmem>>, vector<128x128xf32>,
    %mul3A_8 = arith.constant 256 : i32
    %mul3A_9 = arith.muli %arg1, %mul3A_8 : i32
    "tpu.region"() ({
      %run_scoped3A = tpu.sem_alloc : memref<!tpu.dma_semaphore, #tpu.memory_space<semaphore_mem>>
      %dma_start3A = arith.constant 0 : i32
      %dma_start3A_51 = tpu.memref_slice %arg14[%mul3A_9, %dma_start3A] : memref<4096x128xf32, #tpu.memory_space<vmem_shared>> -> memref<128x128xf32, #tpu.memory_space<vmem_shared>>
      %dma_start3A_52 = arith.constant 0 : i32
      %dma_start3A_53 = tpu.memref_slice %arg14[%mul3A_9, %dma_start3A_52] : memref<4096x128xf32, #tpu.memory_space<vmem_shared>> -> memref<128x128xf32, #tpu.memory_space<vmem_shared>>
      tpu.enqueue_dma source(%arg10 : memref<128x128xf32, #tpu.memory_space<vmem>>) target(%dma_start3A_53 : memref<128x128xf32, #tpu.memory_space<vmem_shared>>) target_semaphore(%run_scoped3A : memref<!tpu.dma_semaphore, #tpu.memory_space<semaphore_mem>>)
      %dma_wait3A = arith.constant 0 : i32
      %dma_wait3A_54 = tpu.memref_slice %arg14[%mul3A_9, %dma_wait3A] : memref<4096x128xf32, #tpu.memory_space<vmem_shared>> -> memref<128x128xf32, #tpu.memory_space<vmem_shared>>
      %dma_wait3A_55 = arith.constant 0 : i32
      %dma_wait3A_56 = tpu.memref_slice %arg14[%mul3A_9, %dma_wait3A_55] : memref<4096x128xf32, #tpu.memory_space<vmem_shared>> -> memref<128x128xf32, #tpu.memory_space<vmem_shared>>
      tpu.wait_dma2 semaphore(%run_scoped3A : memref<!tpu.dma_semaphore, #tpu.memory_space<semaphore_mem>>) src(%arg10 : memref<128x128xf32, #tpu.memory_space<vmem>>) dst(%dma_wait3A_56 : memref<128x128xf32, #tpu.memory_space<vmem_shared>>)
      tpu.yield
    }) : () -> ()
    %mul3A_10 = arith.constant 256 : i32
    %mul3A_11 = arith.muli %arg1, %mul3A_10 : i32
    %add3A_12 = arith.constant 128 : i32
    %add3A_13 = arith.addi %mul3A_11, %add3A_12 : i32
    "tpu.region"() ({
      %run_scoped3A = tpu.sem_alloc : memref<!tpu.dma_semaphore, #tpu.memory_space<semaphore_mem>>
      %dma_start3A = arith.constant 0 : i32
      %dma_start3A_51 = tpu.memref_slice %arg14[%add3A_13, %dma_start3A] : memref<4096x128xf32, #tpu.memory_space<vmem_shared>> -> memref<128x128xf32, #tpu.memory_space<vmem_shared>>
      %dma_start3A_52 = arith.constant 0 : i32
      %dma_start3A_53 = tpu.memref_slice %arg14[%add3A_13, %dma_start3A_52] : memref<4096x128xf32, #tpu.memory_space<vmem_shared>> -> memref<128x128xf32, #tpu.memory_space<vmem_shared>>
      tpu.enqueue_dma source(%arg10 : memref<128x128xf32, #tpu.memory_space<vmem>>) target(%dma_start3A_53 : memref<128x128xf32, #tpu.memory_space<vmem_shared>>) target_semaphore(%run_scoped3A : memref<!tpu.dma_semaphore, #tpu.memory_space<semaphore_mem>>)
      %dma_wait3A = arith.constant 0 : i32
      %dma_wait3A_54 = tpu.memref_slice %arg14[%add3A_13, %dma_wait3A] : memref<4096x128xf32, #tpu.memory_space<vmem_shared>> -> memref<128x128xf32, #tpu.memory_space<vmem_shared>>
      %dma_wait3A_55 = arith.constant 0 : i32
      %dma_wait3A_56 = tpu.memref_slice %arg14[%add3A_13, %dma_wait3A_55] : memref<4096x128xf32, #tpu.memory_space<vmem_shared>> -> memref<128x128xf32, #tpu.memory_space<vmem_shared>>
      tpu.wait_dma2 semaphore(%run_scoped3A : memref<!tpu.dma_semaphore, #tpu.memory_space<semaphore_mem>>) src(%arg10 : memref<128x128xf32, #tpu.memory_space<vmem>>) dst(%dma_wait3A_56 : memref<128x128xf32, #tpu.memory_space<vmem_shared>>)
      tpu.yield
    }) : () -> ()
    %barrier3A = arith.constant 0 : index
    tpu.barrier barrier_id(%barrier3A)
    "tpu.region"() ({
      %run_scoped3A = tpu.sem_alloc : memref<!tpu.dma_semaphore, #tpu.memory_space<semaphore_mem>>
      %dma_start3A = arith.constant 0 : i32
      %dma_start3A_51 = tpu.memref_slice %arg5[%add3A, %dma_start3A] : memref<32x16xi32, #tpu.memory_space<hbm>> -> memref<1x16xi32, #tpu.memory_space<hbm>>
      %dma_start3A_52 = tpu.memref_squeeze %dma_start3A_51 : memref<1x16xi32, #tpu.memory_space<hbm>> -> memref<16xi32, #tpu.memory_space<hbm>>
      %dma_start3A_53 = arith.constant 0 : i32
      %dma_start3A_54 = tpu.memref_slice %arg5[%add3A, %dma_start3A_53] : memref<32x16xi32, #tpu.memory_space<hbm>> -> memref<1x16xi32, #tpu.memory_space<hbm>>
      %dma_start3A_55 = tpu.memref_squeeze %dma_start3A_54 : memref<1x16xi32, #tpu.memory_space<hbm>> -> memref<16xi32, #tpu.memory_space<hbm>>
      tpu.enqueue_dma source(%dma_start3A_55 : memref<16xi32, #tpu.memory_space<hbm>>) target(%arg13 : memref<16xi32, #tpu.memory_space<vmem>>) target_semaphore(%run_scoped3A : memref<!tpu.dma_semaphore, #tpu.memory_space<semaphore_mem>>)
      %dma_wait3A = arith.constant 0 : i32
      %dma_wait3A_56 = tpu.memref_slice %arg5[%add3A, %dma_wait3A] : memref<32x16xi32, #tpu.memory_space<hbm>> -> memref<1x16xi32, #tpu.memory_space<hbm>>
      %dma_wait3A_57 = tpu.memref_squeeze %dma_wait3A_56 : memref<1x16xi32, #tpu.memory_space<hbm>> -> memref<16xi32, #tpu.memory_space<hbm>>
      %dma_wait3A_58 = arith.constant 0 : i32
      %dma_wait3A_59 = tpu.memref_slice %arg5[%add3A, %dma_wait3A_58] : memref<32x16xi32, #tpu.memory_space<hbm>> -> memref<1x16xi32, #tpu.memory_space<hbm>>
      %dma_wait3A_60 = tpu.memref_squeeze %dma_wait3A_59 : memref<1x16xi32, #tpu.memory_space<hbm>> -> memref<16xi32, #tpu.memory_space<hbm>>
      tpu.wait_dma2 semaphore(%run_scoped3A : memref<!tpu.dma_semaphore, #tpu.memory_space<semaphore_mem>>) src(%dma_wait3A_60 : memref<16xi32, #tpu.memory_space<hbm>>) dst(%arg13 : memref<16xi32, #tpu.memory_space<vmem>>)
      tpu.yield
    }) : () -> ()
    %get3A = arith.constant 0 : index
    %get3A_14 = tpu.vector_load %arg13[%get3A] {strides = array<i32>} : memref<16xi32, #tpu.memory_space<vmem>>, vector<16xi32>,
    %get3A_15 = vector.shape_cast %get3A_14 : vector<16xi32> to vector<16xi32>
    %slice3A = vector.extract_strided_slice %get3A_15 {offsets = [0], sizes = [1], strides = [1]} : vector<16xi32> to vector<1xi32>
    %squeeze3A = vector.extract %slice3A[0] : i32 from vector<1xi32>
    %min3A = arith.constant 4096 : i32
    %min3A_16 = arith.minsi %squeeze3A, %min3A : i32
    %add3A_17 = arith.constant 128 : i32
    %add3A_18 = arith.addi %min3A_16, %add3A_17 : i32
    %sub3A = arith.constant 1 : i32
    %sub3A_19 = arith.subi %add3A_18, %sub3A : i32
    %jit3A = arith.constant 128 : i32
    %div3A = arith.divsi %sub3A_19, %jit3A : i32
    %sign3A = arith.constant 0 : i32
    %sign3A_20 = arith.cmpi sgt, %sub3A_19, %sign3A : i32
    %sign3A_21 = arith.extui %sign3A_20 : i1 to i32
    %sign3A_22 = arith.constant 0 : i32
    %sign3A_23 = arith.cmpi slt, %sub3A_19, %sign3A_22 : i32
    %sign3A_24 = arith.extui %sign3A_23 : i1 to i32
    %sign3A_25 = arith.subi %sign3A_21, %sign3A_24 : i32
    %sign3A_26 = arith.constant 0 : i32
    %sign3A_27 = arith.cmpi sgt, %jit3A, %sign3A_26 : i32
    %sign3A_28 = arith.extui %sign3A_27 : i1 to i32
    %sign3A_29 = arith.constant 0 : i32
    %sign3A_30 = arith.cmpi slt, %jit3A, %sign3A_29 : i32
    %sign3A_31 = arith.extui %sign3A_30 : i1 to i32
    %sign3A_32 = arith.subi %sign3A_28, %sign3A_31 : i32
    %ne3A = arith.cmpi ne, %sign3A_25, %sign3A_32 : i32
    %rem3A = arith.remsi %sub3A_19, %jit3A : i32
    %ne3A_33 = arith.constant 0 : i32
    %ne3A_34 = arith.cmpi ne, %rem3A, %ne3A_33 : i32
    %and3A = arith.andi %ne3A, %ne3A_34 : i1
    %sub3A_35 = arith.constant 1 : i32
    %sub3A_36 = arith.subi %div3A, %sub3A_35 : i32
    %select_n3A = arith.select %and3A, %sub3A_36, %div3A : i32
    %while3A = arith.constant 0 : i32
    %while3A_37 = arith.constant 0 : i32
    %while3A_38 = arith.subi %select_n3A, %while3A_37 : i32
    %while3A_39 = arith.addi %while3A_37, %while3A_38 : i32
    %while3A_40 = arith.constant 1 : i32
    %while3A_41 = arith.divsi %while3A_38, %while3A_40 : i32
    %while3A_42 = arith.muli %while3A_41, %while3A_40 : i32
    %while3A_43 = arith.addi %while3A_37, %while3A_42 : i32
    %while3A_44 = arith.constant 1 : i32
    scf.for %while3A_51 = %while3A_37 to %while3A_43 step %while3A_44  : i32 {
      %mul3A_52 = arith.constant 128 : i32
      %mul3A_53 = arith.muli %while3A_51, %mul3A_52 : i32
      %add3A_54 = arith.addi %mul3A_2, %mul3A_53 : i32
      "tpu.region"() ({
        %run_scoped3A = tpu.sem_alloc : memref<!tpu.dma_semaphore, #tpu.memory_space<semaphore_mem>>
        %dma_start3A_208 = tpu.memref_slice %arg3[%add3A_54] : memref<131072xi32, #tpu.memory_space<hbm>> -> memref<128xi32, #tpu.memory_space<hbm>>
        %dma_start3A_209 = tpu.memref_slice %arg3[%add3A_54] : memref<131072xi32, #tpu.memory_space<hbm>> -> memref<128xi32, #tpu.memory_space<hbm>>
        tpu.enqueue_dma source(%dma_start3A_209 : memref<128xi32, #tpu.memory_space<hbm>>) target(%arg7 : memref<128xi32, #tpu.memory_space<vmem>>) target_semaphore(%run_scoped3A : memref<!tpu.dma_semaphore, #tpu.memory_space<semaphore_mem>>)
        %dma_wait3A_210 = tpu.memref_slice %arg3[%add3A_54] : memref<131072xi32, #tpu.memory_space<hbm>> -> memref<128xi32, #tpu.memory_space<hbm>>
        %dma_wait3A_211 = tpu.memref_slice %arg3[%add3A_54] : memref<131072xi32, #tpu.memory_space<hbm>> -> memref<128xi32, #tpu.memory_space<hbm>>
        tpu.wait_dma2 semaphore(%run_scoped3A : memref<!tpu.dma_semaphore, #tpu.memory_space<semaphore_mem>>) src(%dma_wait3A_211 : memref<128xi32, #tpu.memory_space<hbm>>) dst(%arg7 : memref<128xi32, #tpu.memory_space<vmem>>)
        tpu.yield
      }) : () -> ()
      %get3A_55 = arith.constant 0 : index
      %get3A_56 = tpu.vector_load %arg7[%get3A_55] {strides = array<i32>} : memref<128xi32, #tpu.memory_space<vmem>>, vector<16xi32>,
      %get3A_57 = vector.shape_cast %get3A_56 : vector<16xi32> to vector<16xi32>
      %shift_right_logical3A = arith.constant 12 : i32
      %shift_right_logical3A_58 = vector.broadcast %shift_right_logical3A : i32 to vector<16xi32>
      %shift_right_logical3A_59 = arith.shrui %get3A_57, %shift_right_logical3A_58 : vector<16xi32>
      %swap3A_60 = arith.constant 0 : index
      %swap3A_61 = tpu.vector_load %arg8[%swap3A_60] {strides = array<i32>} : memref<128xi32, #tpu.memory_space<vmem>>, vector<16xi32>,
      %swap3A_62 = vector.shape_cast %swap3A_61 : vector<16xi32> to vector<16xi32>
      %swap3A_63 = vector.shape_cast %shift_right_logical3A_59 : vector<16xi32> to vector<16xi32>
      tpu.vector_store %arg8[%swap3A_60], %swap3A_63 {strides = array<i32>} : memref<128xi32, #tpu.memory_space<vmem>>, vector<16xi32>,
      %and3A_64 = arith.constant 4095 : i32
      %and3A_65 = vector.broadcast %and3A_64 : i32 to vector<16xi32>
      %and3A_66 = arith.andi %get3A_57, %and3A_65 : vector<16xi32>
      %swap3A_67 = arith.constant 0 : index
      %swap3A_68 = tpu.vector_load %arg9[%swap3A_67] {strides = array<i32>} : memref<128xi32, #tpu.memory_space<vmem>>, vector<16xi32>,
      %swap3A_69 = vector.shape_cast %swap3A_68 : vector<16xi32> to vector<16xi32>
      %swap3A_70 = vector.shape_cast %and3A_66 : vector<16xi32> to vector<16xi32>
      tpu.vector_store %arg9[%swap3A_67], %swap3A_70 {strides = array<i32>} : memref<128xi32, #tpu.memory_space<vmem>>, vector<16xi32>,
      %get3A_71 = arith.constant 16 : index
      %get3A_72 = tpu.vector_load %arg7[%get3A_71] {strides = array<i32>} : memref<128xi32, #tpu.memory_space<vmem>>, vector<16xi32>,
      %get3A_73 = vector.shape_cast %get3A_72 : vector<16xi32> to vector<16xi32>
      %shift_right_logical3A_74 = arith.constant 12 : i32
      %shift_right_logical3A_75 = vector.broadcast %shift_right_logical3A_74 : i32 to vector<16xi32>
      %shift_right_logical3A_76 = arith.shrui %get3A_73, %shift_right_logical3A_75 : vector<16xi32>
      %swap3A_77 = arith.constant 16 : index
      %swap3A_78 = tpu.vector_load %arg8[%swap3A_77] {strides = array<i32>} : memref<128xi32, #tpu.memory_space<vmem>>, vector<16xi32>,
      %swap3A_79 = vector.shape_cast %swap3A_78 : vector<16xi32> to vector<16xi32>
      %swap3A_80 = vector.shape_cast %shift_right_logical3A_76 : vector<16xi32> to vector<16xi32>
      tpu.vector_store %arg8[%swap3A_77], %swap3A_80 {strides = array<i32>} : memref<128xi32, #tpu.memory_space<vmem>>, vector<16xi32>,
      %and3A_81 = arith.constant 4095 : i32
      %and3A_82 = vector.broadcast %and3A_81 : i32 to vector<16xi32>
      %and3A_83 = arith.andi %get3A_73, %and3A_82 : vector<16xi32>
      %swap3A_84 = arith.constant 16 : index
      %swap3A_85 = tpu.vector_load %arg9[%swap3A_84] {strides = array<i32>} : memref<128xi32, #tpu.memory_space<vmem>>, vector<16xi32>,
      %swap3A_86 = vector.shape_cast %swap3A_85 : vector<16xi32> to vector<16xi32>
      %swap3A_87 = vector.shape_cast %and3A_83 : vector<16xi32> to vector<16xi32>
      tpu.vector_store %arg9[%swap3A_84], %swap3A_87 {strides = array<i32>} : memref<128xi32, #tpu.memory_space<vmem>>, vector<16xi32>,
      %get3A_88 = arith.constant 32 : index
      %get3A_89 = tpu.vector_load %arg7[%get3A_88] {strides = array<i32>} : memref<128xi32, #tpu.memory_space<vmem>>, vector<16xi32>,
      %get3A_90 = vector.shape_cast %get3A_89 : vector<16xi32> to vector<16xi32>
      %shift_right_logical3A_91 = arith.constant 12 : i32
      %shift_right_logical3A_92 = vector.broadcast %shift_right_logical3A_91 : i32 to vector<16xi32>
      %shift_right_logical3A_93 = arith.shrui %get3A_90, %shift_right_logical3A_92 : vector<16xi32>
      %swap3A_94 = arith.constant 32 : index
      %swap3A_95 = tpu.vector_load %arg8[%swap3A_94] {strides = array<i32>} : memref<128xi32, #tpu.memory_space<vmem>>, vector<16xi32>,
      %swap3A_96 = vector.shape_cast %swap3A_95 : vector<16xi32> to vector<16xi32>
      %swap3A_97 = vector.shape_cast %shift_right_logical3A_93 : vector<16xi32> to vector<16xi32>
      tpu.vector_store %arg8[%swap3A_94], %swap3A_97 {strides = array<i32>} : memref<128xi32, #tpu.memory_space<vmem>>, vector<16xi32>,
      %and3A_98 = arith.constant 4095 : i32
      %and3A_99 = vector.broadcast %and3A_98 : i32 to vector<16xi32>
      %and3A_100 = arith.andi %get3A_90, %and3A_99 : vector<16xi32>
      %swap3A_101 = arith.constant 32 : index
      %swap3A_102 = tpu.vector_load %arg9[%swap3A_101] {strides = array<i32>} : memref<128xi32, #tpu.memory_space<vmem>>, vector<16xi32>,
      %swap3A_103 = vector.shape_cast %swap3A_102 : vector<16xi32> to vector<16xi32>
      %swap3A_104 = vector.shape_cast %and3A_100 : vector<16xi32> to vector<16xi32>
      tpu.vector_store %arg9[%swap3A_101], %swap3A_104 {strides = array<i32>} : memref<128xi32, #tpu.memory_space<vmem>>, vector<16xi32>,
      %get3A_105 = arith.constant 48 : index
      %get3A_106 = tpu.vector_load %arg7[%get3A_105] {strides = array<i32>} : memref<128xi32, #tpu.memory_space<vmem>>, vector<16xi32>,
      %get3A_107 = vector.shape_cast %get3A_106 : vector<16xi32> to vector<16xi32>
      %shift_right_logical3A_108 = arith.constant 12 : i32
      %shift_right_logical3A_109 = vector.broadcast %shift_right_logical3A_108 : i32 to vector<16xi32>
      %shift_right_logical3A_110 = arith.shrui %get3A_107, %shift_right_logical3A_109 : vector<16xi32>
      %swap3A_111 = arith.constant 48 : index
      %swap3A_112 = tpu.vector_load %arg8[%swap3A_111] {strides = array<i32>} : memref<128xi32, #tpu.memory_space<vmem>>, vector<16xi32>,
      %swap3A_113 = vector.shape_cast %swap3A_112 : vector<16xi32> to vector<16xi32>
      %swap3A_114 = vector.shape_cast %shift_right_logical3A_110 : vector<16xi32> to vector<16xi32>
      tpu.vector_store %arg8[%swap3A_111], %swap3A_114 {strides = array<i32>} : memref<128xi32, #tpu.memory_space<vmem>>, vector<16xi32>,
      %and3A_115 = arith.constant 4095 : i32
      %and3A_116 = vector.broadcast %and3A_115 : i32 to vector<16xi32>
      %and3A_117 = arith.andi %get3A_107, %and3A_116 : vector<16xi32>
      %swap3A_118 = arith.constant 48 : index
      %swap3A_119 = tpu.vector_load %arg9[%swap3A_118] {strides = array<i32>} : memref<128xi32, #tpu.memory_space<vmem>>, vector<16xi32>,
      %swap3A_120 = vector.shape_cast %swap3A_119 : vector<16xi32> to vector<16xi32>
      %swap3A_121 = vector.shape_cast %and3A_117 : vector<16xi32> to vector<16xi32>
      tpu.vector_store %arg9[%swap3A_118], %swap3A_121 {strides = array<i32>} : memref<128xi32, #tpu.memory_space<vmem>>, vector<16xi32>,
      %get3A_122 = arith.constant 64 : index
      %get3A_123 = tpu.vector_load %arg7[%get3A_122] {strides = array<i32>} : memref<128xi32, #tpu.memory_space<vmem>>, vector<16xi32>,
      %get3A_124 = vector.shape_cast %get3A_123 : vector<16xi32> to vector<16xi32>
      %shift_right_logical3A_125 = arith.constant 12 : i32
      %shift_right_logical3A_126 = vector.broadcast %shift_right_logical3A_125 : i32 to vector<16xi32>
      %shift_right_logical3A_127 = arith.shrui %get3A_124, %shift_right_logical3A_126 : vector<16xi32>
      %swap3A_128 = arith.constant 64 : index
      %swap3A_129 = tpu.vector_load %arg8[%swap3A_128] {strides = array<i32>} : memref<128xi32, #tpu.memory_space<vmem>>, vector<16xi32>,
      %swap3A_130 = vector.shape_cast %swap3A_129 : vector<16xi32> to vector<16xi32>
      %swap3A_131 = vector.shape_cast %shift_right_logical3A_127 : vector<16xi32> to vector<16xi32>
      tpu.vector_store %arg8[%swap3A_128], %swap3A_131 {strides = array<i32>} : memref<128xi32, #tpu.memory_space<vmem>>, vector<16xi32>,
      %and3A_132 = arith.constant 4095 : i32
      %and3A_133 = vector.broadcast %and3A_132 : i32 to vector<16xi32>
      %and3A_134 = arith.andi %get3A_124, %and3A_133 : vector<16xi32>
      %swap3A_135 = arith.constant 64 : index
      %swap3A_136 = tpu.vector_load %arg9[%swap3A_135] {strides = array<i32>} : memref<128xi32, #tpu.memory_space<vmem>>, vector<16xi32>,
      %swap3A_137 = vector.shape_cast %swap3A_136 : vector<16xi32> to vector<16xi32>
      %swap3A_138 = vector.shape_cast %and3A_134 : vector<16xi32> to vector<16xi32>
      tpu.vector_store %arg9[%swap3A_135], %swap3A_138 {strides = array<i32>} : memref<128xi32, #tpu.memory_space<vmem>>, vector<16xi32>,
      %get3A_139 = arith.constant 80 : index
      %get3A_140 = tpu.vector_load %arg7[%get3A_139] {strides = array<i32>} : memref<128xi32, #tpu.memory_space<vmem>>, vector<16xi32>,
      %get3A_141 = vector.shape_cast %get3A_140 : vector<16xi32> to vector<16xi32>
      %shift_right_logical3A_142 = arith.constant 12 : i32
      %shift_right_logical3A_143 = vector.broadcast %shift_right_logical3A_142 : i32 to vector<16xi32>
      %shift_right_logical3A_144 = arith.shrui %get3A_141, %shift_right_logical3A_143 : vector<16xi32>
      %swap3A_145 = arith.constant 80 : index
      %swap3A_146 = tpu.vector_load %arg8[%swap3A_145] {strides = array<i32>} : memref<128xi32, #tpu.memory_space<vmem>>, vector<16xi32>,
      %swap3A_147 = vector.shape_cast %swap3A_146 : vector<16xi32> to vector<16xi32>
      %swap3A_148 = vector.shape_cast %shift_right_logical3A_144 : vector<16xi32> to vector<16xi32>
      tpu.vector_store %arg8[%swap3A_145], %swap3A_148 {strides = array<i32>} : memref<128xi32, #tpu.memory_space<vmem>>, vector<16xi32>,
      %and3A_149 = arith.constant 4095 : i32
      %and3A_150 = vector.broadcast %and3A_149 : i32 to vector<16xi32>
      %and3A_151 = arith.andi %get3A_141, %and3A_150 : vector<16xi32>
      %swap3A_152 = arith.constant 80 : index
      %swap3A_153 = tpu.vector_load %arg9[%swap3A_152] {strides = array<i32>} : memref<128xi32, #tpu.memory_space<vmem>>, vector<16xi32>,
      %swap3A_154 = vector.shape_cast %swap3A_153 : vector<16xi32> to vector<16xi32>
      %swap3A_155 = vector.shape_cast %and3A_151 : vector<16xi32> to vector<16xi32>
      tpu.vector_store %arg9[%swap3A_152], %swap3A_155 {strides = array<i32>} : memref<128xi32, #tpu.memory_space<vmem>>, vector<16xi32>,
      %get3A_156 = arith.constant 96 : index
      %get3A_157 = tpu.vector_load %arg7[%get3A_156] {strides = array<i32>} : memref<128xi32, #tpu.memory_space<vmem>>, vector<16xi32>,
      %get3A_158 = vector.shape_cast %get3A_157 : vector<16xi32> to vector<16xi32>
      %shift_right_logical3A_159 = arith.constant 12 : i32
      %shift_right_logical3A_160 = vector.broadcast %shift_right_logical3A_159 : i32 to vector<16xi32>
      %shift_right_logical3A_161 = arith.shrui %get3A_158, %shift_right_logical3A_160 : vector<16xi32>
      %swap3A_162 = arith.constant 96 : index
      %swap3A_163 = tpu.vector_load %arg8[%swap3A_162] {strides = array<i32>} : memref<128xi32, #tpu.memory_space<vmem>>, vector<16xi32>,
      %swap3A_164 = vector.shape_cast %swap3A_163 : vector<16xi32> to vector<16xi32>
      %swap3A_165 = vector.shape_cast %shift_right_logical3A_161 : vector<16xi32> to vector<16xi32>
      tpu.vector_store %arg8[%swap3A_162], %swap3A_165 {strides = array<i32>} : memref<128xi32, #tpu.memory_space<vmem>>, vector<16xi32>,
      %and3A_166 = arith.constant 4095 : i32
      %and3A_167 = vector.broadcast %and3A_166 : i32 to vector<16xi32>
      %and3A_168 = arith.andi %get3A_158, %and3A_167 : vector<16xi32>
      %swap3A_169 = arith.constant 96 : index
      %swap3A_170 = tpu.vector_load %arg9[%swap3A_169] {strides = array<i32>} : memref<128xi32, #tpu.memory_space<vmem>>, vector<16xi32>,
      %swap3A_171 = vector.shape_cast %swap3A_170 : vector<16xi32> to vector<16xi32>
      %swap3A_172 = vector.shape_cast %and3A_168 : vector<16xi32> to vector<16xi32>
      tpu.vector_store %arg9[%swap3A_169], %swap3A_172 {strides = array<i32>} : memref<128xi32, #tpu.memory_space<vmem>>, vector<16xi32>,
      %get3A_173 = arith.constant 112 : index
      %get3A_174 = tpu.vector_load %arg7[%get3A_173] {strides = array<i32>} : memref<128xi32, #tpu.memory_space<vmem>>, vector<16xi32>,
      %get3A_175 = vector.shape_cast %get3A_174 : vector<16xi32> to vector<16xi32>
      %shift_right_logical3A_176 = arith.constant 12 : i32
      %shift_right_logical3A_177 = vector.broadcast %shift_right_logical3A_176 : i32 to vector<16xi32>
      %shift_right_logical3A_178 = arith.shrui %get3A_175, %shift_right_logical3A_177 : vector<16xi32>
      %swap3A_179 = arith.constant 112 : index
      %swap3A_180 = tpu.vector_load %arg8[%swap3A_179] {strides = array<i32>} : memref<128xi32, #tpu.memory_space<vmem>>, vector<16xi32>,
      %swap3A_181 = vector.shape_cast %swap3A_180 : vector<16xi32> to vector<16xi32>
      %swap3A_182 = vector.shape_cast %shift_right_logical3A_178 : vector<16xi32> to vector<16xi32>
      tpu.vector_store %arg8[%swap3A_179], %swap3A_182 {strides = array<i32>} : memref<128xi32, #tpu.memory_space<vmem>>, vector<16xi32>,
      %and3A_183 = arith.constant 4095 : i32
      %and3A_184 = vector.broadcast %and3A_183 : i32 to vector<16xi32>
      %and3A_185 = arith.andi %get3A_175, %and3A_184 : vector<16xi32>
      %swap3A_186 = arith.constant 112 : index
      %swap3A_187 = tpu.vector_load %arg9[%swap3A_186] {strides = array<i32>} : memref<128xi32, #tpu.memory_space<vmem>>, vector<16xi32>,
      %swap3A_188 = vector.shape_cast %swap3A_187 : vector<16xi32> to vector<16xi32>
      %swap3A_189 = vector.shape_cast %and3A_185 : vector<16xi32> to vector<16xi32>
      tpu.vector_store %arg9[%swap3A_186], %swap3A_189 {strides = array<i32>} : memref<128xi32, #tpu.memory_space<vmem>>, vector<16xi32>,
      %dma_start3A = arith.constant 0 : i32
      %dma_start3A_190 = arith.constant 0 : i32
      %dma_start3A_191 = tpu.memref_slice %arg2[%dma_start3A, %dma_start3A_190] : memref<4096x128xf32, #tpu.memory_space<hbm>> -> memref<4096x128xf32, #tpu.memory_space<hbm>>
      tpu.enqueue_indirect_dma source(%dma_start3A_191 : memref<4096x128xf32, #tpu.memory_space<hbm>>) target(%arg10 : memref<128x128xf32, #tpu.memory_space<vmem>>) offsets(%arg9 : memref<128xi32, #tpu.memory_space<vmem>>) semaphore(%arg15 : memref<!tpu.dma_semaphore, #tpu.memory_space<semaphore_mem>>)
      %dma_start3A_192 = arith.constant 0 : i32
      %dma_start3A_193 = arith.constant 0 : i32
      %dma_start3A_194 = tpu.memref_slice %arg2[%dma_start3A_192, %dma_start3A_193] : memref<4096x128xf32, #tpu.memory_space<hbm>> -> memref<4096x128xf32, #tpu.memory_space<hbm>>
      tpu.enqueue_indirect_dma source(%dma_start3A_194 : memref<4096x128xf32, #tpu.memory_space<hbm>>) target(%arg11 : memref<128x128xf32, #tpu.memory_space<vmem>>) offsets(%arg8 : memref<128xi32, #tpu.memory_space<vmem>>) semaphore(%arg16 : memref<!tpu.dma_semaphore, #tpu.memory_space<semaphore_mem>>)
      %mul3A_195 = arith.constant 128 : i32
      %mul3A_196 = arith.muli %while3A_51, %mul3A_195 : i32
      %add3A_197 = arith.addi %mul3A_2, %mul3A_196 : i32
      "tpu.region"() ({
        %run_scoped3A = tpu.sem_alloc : memref<!tpu.dma_semaphore, #tpu.memory_space<semaphore_mem>>
        %dma_start3A_208 = arith.constant 0 : i32
        %dma_start3A_209 = tpu.memref_slice %arg4[%add3A_197, %dma_start3A_208] : memref<131072x128xf32, #tpu.memory_space<hbm>> -> memref<128x128xf32, #tpu.memory_space<hbm>>
        %dma_start3A_210 = arith.constant 0 : i32
        %dma_start3A_211 = tpu.memref_slice %arg4[%add3A_197, %dma_start3A_210] : memref<131072x128xf32, #tpu.memory_space<hbm>> -> memref<128x128xf32, #tpu.memory_space<hbm>>
        tpu.enqueue_dma source(%dma_start3A_211 : memref<128x128xf32, #tpu.memory_space<hbm>>) target(%arg12 : memref<128x128xf32, #tpu.memory_space<vmem>>) target_semaphore(%run_scoped3A : memref<!tpu.dma_semaphore, #tpu.memory_space<semaphore_mem>>)
        %dma_wait3A_212 = arith.constant 0 : i32
        %dma_wait3A_213 = tpu.memref_slice %arg4[%add3A_197, %dma_wait3A_212] : memref<131072x128xf32, #tpu.memory_space<hbm>> -> memref<128x128xf32, #tpu.memory_space<hbm>>
        %dma_wait3A_214 = arith.constant 0 : i32
        %dma_wait3A_215 = tpu.memref_slice %arg4[%add3A_197, %dma_wait3A_214] : memref<131072x128xf32, #tpu.memory_space<hbm>> -> memref<128x128xf32, #tpu.memory_space<hbm>>
        tpu.wait_dma2 semaphore(%run_scoped3A : memref<!tpu.dma_semaphore, #tpu.memory_space<semaphore_mem>>) src(%dma_wait3A_215 : memref<128x128xf32, #tpu.memory_space<hbm>>) dst(%arg12 : memref<128x128xf32, #tpu.memory_space<vmem>>)
        tpu.yield
      }) : () -> ()
      %dma_wait3A = arith.constant 0 : i32
      %dma_wait3A_198 = arith.constant 0 : i32
      %dma_wait3A_199 = tpu.memref_slice %arg2[%dma_wait3A, %dma_wait3A_198] : memref<4096x128xf32, #tpu.memory_space<hbm>> -> memref<4096x128xf32, #tpu.memory_space<hbm>>
      tpu.wait_indirect_dma semaphore(%arg15 : memref<!tpu.dma_semaphore, #tpu.memory_space<semaphore_mem>>) src(%dma_wait3A_199 : memref<4096x128xf32, #tpu.memory_space<hbm>>) dst(%arg10 : memref<128x128xf32, #tpu.memory_space<vmem>>)
      %dma_wait3A_200 = arith.constant 0 : i32
      %dma_wait3A_201 = arith.constant 0 : i32
      %dma_wait3A_202 = tpu.memref_slice %arg2[%dma_wait3A_200, %dma_wait3A_201] : memref<4096x128xf32, #tpu.memory_space<hbm>> -> memref<4096x128xf32, #tpu.memory_space<hbm>>
      tpu.wait_indirect_dma semaphore(%arg16 : memref<!tpu.dma_semaphore, #tpu.memory_space<semaphore_mem>>) src(%dma_wait3A_202 : memref<4096x128xf32, #tpu.memory_space<hbm>>) dst(%arg11 : memref<128x128xf32, #tpu.memory_space<vmem>>)
      %scan3A = arith.constant 0 : i32
      %scan3A_203 = arith.constant 0 : i32
      %scan3A_204 = arith.constant 128 : i32
      %scan3A_205 = arith.addi %scan3A_203, %scan3A_204 : i32
      %scan3A_206 = arith.constant 1 : i32
      scf.for %scan3A_208 = %scan3A_203 to %scan3A_205 step %scan3A_206  : i32 {
        %get3A_209 = arith.index_cast %scan3A_208 : i32 to index
        %get3A_210 = arith.constant 0 : index
        %get3A_211 = tpu.vector_load %arg10[%get3A_209, %get3A_210] {strides = array<i32>} : memref<128x128xf32, #tpu.memory_space<vmem>>, vector<1x16xf32>,
        %get3A_212 = vector.shape_cast %get3A_211 : vector<1x16xf32> to vector<16xf32>
        %get3A_213 = arith.index_cast %scan3A_208 : i32 to index
        %get3A_214 = arith.constant 0 : index
        %get3A_215 = tpu.vector_load %arg12[%get3A_213, %get3A_214] {strides = array<i32>} : memref<128x128xf32, #tpu.memory_space<vmem>>, vector<1x16xf32>,
        %get3A_216 = vector.shape_cast %get3A_215 : vector<1x16xf32> to vector<16xf32>
        %mul3A_217 = arith.mulf %get3A_212, %get3A_216 : vector<16xf32>
        %swap3A_218 = arith.index_cast %scan3A_208 : i32 to index
        %swap3A_219 = arith.constant 0 : index
        %swap3A_220 = tpu.vector_load %arg10[%swap3A_218, %swap3A_219] {strides = array<i32>} : memref<128x128xf32, #tpu.memory_space<vmem>>, vector<1x16xf32>,
        %swap3A_221 = vector.shape_cast %swap3A_220 : vector<1x16xf32> to vector<16xf32>
        %swap3A_222 = vector.shape_cast %mul3A_217 : vector<16xf32> to vector<1x16xf32>
        tpu.vector_store %arg10[%swap3A_218, %swap3A_219], %swap3A_222 {strides = array<i32>} : memref<128x128xf32, #tpu.memory_space<vmem>>, vector<1x16xf32>,
        %get3A_223 = arith.index_cast %scan3A_208 : i32 to index
        %get3A_224 = arith.constant 0 : index
        %get3A_225 = tpu.vector_load %arg11[%get3A_223, %get3A_224] {strides = array<i32>} : memref<128x128xf32, #tpu.memory_space<vmem>>, vector<1x16xf32>,
        %get3A_226 = vector.shape_cast %get3A_225 : vector<1x16xf32> to vector<16xf32>
        %get3A_227 = arith.index_cast %scan3A_208 : i32 to index
        %get3A_228 = arith.constant 0 : index
        %get3A_229 = tpu.vector_load %arg12[%get3A_227, %get3A_228] {strides = array<i32>} : memref<128x128xf32, #tpu.memory_space<vmem>>, vector<1x16xf32>,
        %get3A_230 = vector.shape_cast %get3A_229 : vector<1x16xf32> to vector<16xf32>
        %mul3A_231 = arith.mulf %get3A_226, %get3A_230 : vector<16xf32>
        %swap3A_232 = arith.index_cast %scan3A_208 : i32 to index
        %swap3A_233 = arith.constant 0 : index
        %swap3A_234 = tpu.vector_load %arg11[%swap3A_232, %swap3A_233] {strides = array<i32>} : memref<128x128xf32, #tpu.memory_space<vmem>>, vector<1x16xf32>,
        %swap3A_235 = vector.shape_cast %swap3A_234 : vector<1x16xf32> to vector<16xf32>
        %swap3A_236 = vector.shape_cast %mul3A_231 : vector<16xf32> to vector<1x16xf32>
        tpu.vector_store %arg11[%swap3A_232, %swap3A_233], %swap3A_236 {strides = array<i32>} : memref<128x128xf32, #tpu.memory_space<vmem>>, vector<1x16xf32>,
        %get3A_237 = arith.index_cast %scan3A_208 : i32 to index
        %get3A_238 = arith.constant 16 : index
        %get3A_239 = tpu.vector_load %arg10[%get3A_237, %get3A_238] {strides = array<i32>} : memref<128x128xf32, #tpu.memory_space<vmem>>, vector<1x16xf32>,
        %get3A_240 = vector.shape_cast %get3A_239 : vector<1x16xf32> to vector<16xf32>
        %get3A_241 = arith.index_cast %scan3A_208 : i32 to index
        %get3A_242 = arith.constant 16 : index
        %get3A_243 = tpu.vector_load %arg12[%get3A_241, %get3A_242] {strides = array<i32>} : memref<128x128xf32, #tpu.memory_space<vmem>>, vector<1x16xf32>,
        %get3A_244 = vector.shape_cast %get3A_243 : vector<1x16xf32> to vector<16xf32>
        %mul3A_245 = arith.mulf %get3A_240, %get3A_244 : vector<16xf32>
        %swap3A_246 = arith.index_cast %scan3A_208 : i32 to index
        %swap3A_247 = arith.constant 16 : index
        %swap3A_248 = tpu.vector_load %arg10[%swap3A_246, %swap3A_247] {strides = array<i32>} : memref<128x128xf32, #tpu.memory_space<vmem>>, vector<1x16xf32>,
        %swap3A_249 = vector.shape_cast %swap3A_248 : vector<1x16xf32> to vector<16xf32>
        %swap3A_250 = vector.shape_cast %mul3A_245 : vector<16xf32> to vector<1x16xf32>
        tpu.vector_store %arg10[%swap3A_246, %swap3A_247], %swap3A_250 {strides = array<i32>} : memref<128x128xf32, #tpu.memory_space<vmem>>, vector<1x16xf32>,
        %get3A_251 = arith.index_cast %scan3A_208 : i32 to index
        %get3A_252 = arith.constant 16 : index
        %get3A_253 = tpu.vector_load %arg11[%get3A_251, %get3A_252] {strides = array<i32>} : memref<128x128xf32, #tpu.memory_space<vmem>>, vector<1x16xf32>,
        %get3A_254 = vector.shape_cast %get3A_253 : vector<1x16xf32> to vector<16xf32>
        %get3A_255 = arith.index_cast %scan3A_208 : i32 to index
        %get3A_256 = arith.constant 16 : index
        %get3A_257 = tpu.vector_load %arg12[%get3A_255, %get3A_256] {strides = array<i32>} : memref<128x128xf32, #tpu.memory_space<vmem>>, vector<1x16xf32>,
        %get3A_258 = vector.shape_cast %get3A_257 : vector<1x16xf32> to vector<16xf32>
        %mul3A_259 = arith.mulf %get3A_254, %get3A_258 : vector<16xf32>
        %swap3A_260 = arith.index_cast %scan3A_208 : i32 to index
        %swap3A_261 = arith.constant 16 : index
        %swap3A_262 = tpu.vector_load %arg11[%swap3A_260, %swap3A_261] {strides = array<i32>} : memref<128x128xf32, #tpu.memory_space<vmem>>, vector<1x16xf32>,
        %swap3A_263 = vector.shape_cast %swap3A_262 : vector<1x16xf32> to vector<16xf32>
        %swap3A_264 = vector.shape_cast %mul3A_259 : vector<16xf32> to vector<1x16xf32>
        tpu.vector_store %arg11[%swap3A_260, %swap3A_261], %swap3A_264 {strides = array<i32>} : memref<128x128xf32, #tpu.memory_space<vmem>>, vector<1x16xf32>,
        %get3A_265 = arith.index_cast %scan3A_208 : i32 to index
        %get3A_266 = arith.constant 32 : index
        %get3A_267 = tpu.vector_load %arg10[%get3A_265, %get3A_266] {strides = array<i32>} : memref<128x128xf32, #tpu.memory_space<vmem>>, vector<1x16xf32>,
        %get3A_268 = vector.shape_cast %get3A_267 : vector<1x16xf32> to vector<16xf32>
        %get3A_269 = arith.index_cast %scan3A_208 : i32 to index
        %get3A_270 = arith.constant 32 : index
        %get3A_271 = tpu.vector_load %arg12[%get3A_269, %get3A_270] {strides = array<i32>} : memref<128x128xf32, #tpu.memory_space<vmem>>, vector<1x16xf32>,
        %get3A_272 = vector.shape_cast %get3A_271 : vector<1x16xf32> to vector<16xf32>
        %mul3A_273 = arith.mulf %get3A_268, %get3A_272 : vector<16xf32>
        %swap3A_274 = arith.index_cast %scan3A_208 : i32 to index
        %swap3A_275 = arith.constant 32 : index
        %swap3A_276 = tpu.vector_load %arg10[%swap3A_274, %swap3A_275] {strides = array<i32>} : memref<128x128xf32, #tpu.memory_space<vmem>>, vector<1x16xf32>,
        %swap3A_277 = vector.shape_cast %swap3A_276 : vector<1x16xf32> to vector<16xf32>
        %swap3A_278 = vector.shape_cast %mul3A_273 : vector<16xf32> to vector<1x16xf32>
        tpu.vector_store %arg10[%swap3A_274, %swap3A_275], %swap3A_278 {strides = array<i32>} : memref<128x128xf32, #tpu.memory_space<vmem>>, vector<1x16xf32>,
        %get3A_279 = arith.index_cast %scan3A_208 : i32 to index
        %get3A_280 = arith.constant 32 : index
        %get3A_281 = tpu.vector_load %arg11[%get3A_279, %get3A_280] {strides = array<i32>} : memref<128x128xf32, #tpu.memory_space<vmem>>, vector<1x16xf32>,
        %get3A_282 = vector.shape_cast %get3A_281 : vector<1x16xf32> to vector<16xf32>
        %get3A_283 = arith.index_cast %scan3A_208 : i32 to index
        %get3A_284 = arith.constant 32 : index
        %get3A_285 = tpu.vector_load %arg12[%get3A_283, %get3A_284] {strides = array<i32>} : memref<128x128xf32, #tpu.memory_space<vmem>>, vector<1x16xf32>,
        %get3A_286 = vector.shape_cast %get3A_285 : vector<1x16xf32> to vector<16xf32>
        %mul3A_287 = arith.mulf %get3A_282, %get3A_286 : vector<16xf32>
        %swap3A_288 = arith.index_cast %scan3A_208 : i32 to index
        %swap3A_289 = arith.constant 32 : index
        %swap3A_290 = tpu.vector_load %arg11[%swap3A_288, %swap3A_289] {strides = array<i32>} : memref<128x128xf32, #tpu.memory_space<vmem>>, vector<1x16xf32>,
        %swap3A_291 = vector.shape_cast %swap3A_290 : vector<1x16xf32> to vector<16xf32>
        %swap3A_292 = vector.shape_cast %mul3A_287 : vector<16xf32> to vector<1x16xf32>
        tpu.vector_store %arg11[%swap3A_288, %swap3A_289], %swap3A_292 {strides = array<i32>} : memref<128x128xf32, #tpu.memory_space<vmem>>, vector<1x16xf32>,
        %get3A_293 = arith.index_cast %scan3A_208 : i32 to index
        %get3A_294 = arith.constant 48 : index
        %get3A_295 = tpu.vector_load %arg10[%get3A_293, %get3A_294] {strides = array<i32>} : memref<128x128xf32, #tpu.memory_space<vmem>>, vector<1x16xf32>,
        %get3A_296 = vector.shape_cast %get3A_295 : vector<1x16xf32> to vector<16xf32>
        %get3A_297 = arith.index_cast %scan3A_208 : i32 to index
        %get3A_298 = arith.constant 48 : index
        %get3A_299 = tpu.vector_load %arg12[%get3A_297, %get3A_298] {strides = array<i32>} : memref<128x128xf32, #tpu.memory_space<vmem>>, vector<1x16xf32>,
        %get3A_300 = vector.shape_cast %get3A_299 : vector<1x16xf32> to vector<16xf32>
        %mul3A_301 = arith.mulf %get3A_296, %get3A_300 : vector<16xf32>
        %swap3A_302 = arith.index_cast %scan3A_208 : i32 to index
        %swap3A_303 = arith.constant 48 : index
        %swap3A_304 = tpu.vector_load %arg10[%swap3A_302, %swap3A_303] {strides = array<i32>} : memref<128x128xf32, #tpu.memory_space<vmem>>, vector<1x16xf32>,
        %swap3A_305 = vector.shape_cast %swap3A_304 : vector<1x16xf32> to vector<16xf32>
        %swap3A_306 = vector.shape_cast %mul3A_301 : vector<16xf32> to vector<1x16xf32>
        tpu.vector_store %arg10[%swap3A_302, %swap3A_303], %swap3A_306 {strides = array<i32>} : memref<128x128xf32, #tpu.memory_space<vmem>>, vector<1x16xf32>,
        %get3A_307 = arith.index_cast %scan3A_208 : i32 to index
        %get3A_308 = arith.constant 48 : index
        %get3A_309 = tpu.vector_load %arg11[%get3A_307, %get3A_308] {strides = array<i32>} : memref<128x128xf32, #tpu.memory_space<vmem>>, vector<1x16xf32>,
        %get3A_310 = vector.shape_cast %get3A_309 : vector<1x16xf32> to vector<16xf32>
        %get3A_311 = arith.index_cast %scan3A_208 : i32 to index
        %get3A_312 = arith.constant 48 : index
        %get3A_313 = tpu.vector_load %arg12[%get3A_311, %get3A_312] {strides = array<i32>} : memref<128x128xf32, #tpu.memory_space<vmem>>, vector<1x16xf32>,
        %get3A_314 = vector.shape_cast %get3A_313 : vector<1x16xf32> to vector<16xf32>
        %mul3A_315 = arith.mulf %get3A_310, %get3A_314 : vector<16xf32>
        %swap3A_316 = arith.index_cast %scan3A_208 : i32 to index
        %swap3A_317 = arith.constant 48 : index
        %swap3A_318 = tpu.vector_load %arg11[%swap3A_316, %swap3A_317] {strides = array<i32>} : memref<128x128xf32, #tpu.memory_space<vmem>>, vector<1x16xf32>,
        %swap3A_319 = vector.shape_cast %swap3A_318 : vector<1x16xf32> to vector<16xf32>
        %swap3A_320 = vector.shape_cast %mul3A_315 : vector<16xf32> to vector<1x16xf32>
        tpu.vector_store %arg11[%swap3A_316, %swap3A_317], %swap3A_320 {strides = array<i32>} : memref<128x128xf32, #tpu.memory_space<vmem>>, vector<1x16xf32>,
        %get3A_321 = arith.index_cast %scan3A_208 : i32 to index
        %get3A_322 = arith.constant 64 : index
        %get3A_323 = tpu.vector_load %arg10[%get3A_321, %get3A_322] {strides = array<i32>} : memref<128x128xf32, #tpu.memory_space<vmem>>, vector<1x16xf32>,
        %get3A_324 = vector.shape_cast %get3A_323 : vector<1x16xf32> to vector<16xf32>
        %get3A_325 = arith.index_cast %scan3A_208 : i32 to index
        %get3A_326 = arith.constant 64 : index
        %get3A_327 = tpu.vector_load %arg12[%get3A_325, %get3A_326] {strides = array<i32>} : memref<128x128xf32, #tpu.memory_space<vmem>>, vector<1x16xf32>,
        %get3A_328 = vector.shape_cast %get3A_327 : vector<1x16xf32> to vector<16xf32>
        %mul3A_329 = arith.mulf %get3A_324, %get3A_328 : vector<16xf32>
        %swap3A_330 = arith.index_cast %scan3A_208 : i32 to index
        %swap3A_331 = arith.constant 64 : index
        %swap3A_332 = tpu.vector_load %arg10[%swap3A_330, %swap3A_331] {strides = array<i32>} : memref<128x128xf32, #tpu.memory_space<vmem>>, vector<1x16xf32>,
        %swap3A_333 = vector.shape_cast %swap3A_332 : vector<1x16xf32> to vector<16xf32>
        %swap3A_334 = vector.shape_cast %mul3A_329 : vector<16xf32> to vector<1x16xf32>
        tpu.vector_store %arg10[%swap3A_330, %swap3A_331], %swap3A_334 {strides = array<i32>} : memref<128x128xf32, #tpu.memory_space<vmem>>, vector<1x16xf32>,
        %get3A_335 = arith.index_cast %scan3A_208 : i32 to index
        %get3A_336 = arith.constant 64 : index
        %get3A_337 = tpu.vector_load %arg11[%get3A_335, %get3A_336] {strides = array<i32>} : memref<128x128xf32, #tpu.memory_space<vmem>>, vector<1x16xf32>,
        %get3A_338 = vector.shape_cast %get3A_337 : vector<1x16xf32> to vector<16xf32>
        %get3A_339 = arith.index_cast %scan3A_208 : i32 to index
        %get3A_340 = arith.constant 64 : index
        %get3A_341 = tpu.vector_load %arg12[%get3A_339, %get3A_340] {strides = array<i32>} : memref<128x128xf32, #tpu.memory_space<vmem>>, vector<1x16xf32>,
        %get3A_342 = vector.shape_cast %get3A_341 : vector<1x16xf32> to vector<16xf32>
        %mul3A_343 = arith.mulf %get3A_338, %get3A_342 : vector<16xf32>
        %swap3A_344 = arith.index_cast %scan3A_208 : i32 to index
        %swap3A_345 = arith.constant 64 : index
        %swap3A_346 = tpu.vector_load %arg11[%swap3A_344, %swap3A_345] {strides = array<i32>} : memref<128x128xf32, #tpu.memory_space<vmem>>, vector<1x16xf32>,
        %swap3A_347 = vector.shape_cast %swap3A_346 : vector<1x16xf32> to vector<16xf32>
        %swap3A_348 = vector.shape_cast %mul3A_343 : vector<16xf32> to vector<1x16xf32>
        tpu.vector_store %arg11[%swap3A_344, %swap3A_345], %swap3A_348 {strides = array<i32>} : memref<128x128xf32, #tpu.memory_space<vmem>>, vector<1x16xf32>,
        %get3A_349 = arith.index_cast %scan3A_208 : i32 to index
        %get3A_350 = arith.constant 80 : index
        %get3A_351 = tpu.vector_load %arg10[%get3A_349, %get3A_350] {strides = array<i32>} : memref<128x128xf32, #tpu.memory_space<vmem>>, vector<1x16xf32>,
        %get3A_352 = vector.shape_cast %get3A_351 : vector<1x16xf32> to vector<16xf32>
        %get3A_353 = arith.index_cast %scan3A_208 : i32 to index
        %get3A_354 = arith.constant 80 : index
        %get3A_355 = tpu.vector_load %arg12[%get3A_353, %get3A_354] {strides = array<i32>} : memref<128x128xf32, #tpu.memory_space<vmem>>, vector<1x16xf32>,
        %get3A_356 = vector.shape_cast %get3A_355 : vector<1x16xf32> to vector<16xf32>
        %mul3A_357 = arith.mulf %get3A_352, %get3A_356 : vector<16xf32>
        %swap3A_358 = arith.index_cast %scan3A_208 : i32 to index
        %swap3A_359 = arith.constant 80 : index
        %swap3A_360 = tpu.vector_load %arg10[%swap3A_358, %swap3A_359] {strides = array<i32>} : memref<128x128xf32, #tpu.memory_space<vmem>>, vector<1x16xf32>,
        %swap3A_361 = vector.shape_cast %swap3A_360 : vector<1x16xf32> to vector<16xf32>
        %swap3A_362 = vector.shape_cast %mul3A_357 : vector<16xf32> to vector<1x16xf32>
        tpu.vector_store %arg10[%swap3A_358, %swap3A_359], %swap3A_362 {strides = array<i32>} : memref<128x128xf32, #tpu.memory_space<vmem>>, vector<1x16xf32>,
        %get3A_363 = arith.index_cast %scan3A_208 : i32 to index
        %get3A_364 = arith.constant 80 : index
        %get3A_365 = tpu.vector_load %arg11[%get3A_363, %get3A_364] {strides = array<i32>} : memref<128x128xf32, #tpu.memory_space<vmem>>, vector<1x16xf32>,
        %get3A_366 = vector.shape_cast %get3A_365 : vector<1x16xf32> to vector<16xf32>
        %get3A_367 = arith.index_cast %scan3A_208 : i32 to index
        %get3A_368 = arith.constant 80 : index
        %get3A_369 = tpu.vector_load %arg12[%get3A_367, %get3A_368] {strides = array<i32>} : memref<128x128xf32, #tpu.memory_space<vmem>>, vector<1x16xf32>,
        %get3A_370 = vector.shape_cast %get3A_369 : vector<1x16xf32> to vector<16xf32>
        %mul3A_371 = arith.mulf %get3A_366, %get3A_370 : vector<16xf32>
        %swap3A_372 = arith.index_cast %scan3A_208 : i32 to index
        %swap3A_373 = arith.constant 80 : index
        %swap3A_374 = tpu.vector_load %arg11[%swap3A_372, %swap3A_373] {strides = array<i32>} : memref<128x128xf32, #tpu.memory_space<vmem>>, vector<1x16xf32>,
        %swap3A_375 = vector.shape_cast %swap3A_374 : vector<1x16xf32> to vector<16xf32>
        %swap3A_376 = vector.shape_cast %mul3A_371 : vector<16xf32> to vector<1x16xf32>
        tpu.vector_store %arg11[%swap3A_372, %swap3A_373], %swap3A_376 {strides = array<i32>} : memref<128x128xf32, #tpu.memory_space<vmem>>, vector<1x16xf32>,
        %get3A_377 = arith.index_cast %scan3A_208 : i32 to index
        %get3A_378 = arith.constant 96 : index
        %get3A_379 = tpu.vector_load %arg10[%get3A_377, %get3A_378] {strides = array<i32>} : memref<128x128xf32, #tpu.memory_space<vmem>>, vector<1x16xf32>,
        %get3A_380 = vector.shape_cast %get3A_379 : vector<1x16xf32> to vector<16xf32>
        %get3A_381 = arith.index_cast %scan3A_208 : i32 to index
        %get3A_382 = arith.constant 96 : index
        %get3A_383 = tpu.vector_load %arg12[%get3A_381, %get3A_382] {strides = array<i32>} : memref<128x128xf32, #tpu.memory_space<vmem>>, vector<1x16xf32>,
        %get3A_384 = vector.shape_cast %get3A_383 : vector<1x16xf32> to vector<16xf32>
        %mul3A_385 = arith.mulf %get3A_380, %get3A_384 : vector<16xf32>
        %swap3A_386 = arith.index_cast %scan3A_208 : i32 to index
        %swap3A_387 = arith.constant 96 : index
        %swap3A_388 = tpu.vector_load %arg10[%swap3A_386, %swap3A_387] {strides = array<i32>} : memref<128x128xf32, #tpu.memory_space<vmem>>, vector<1x16xf32>,
        %swap3A_389 = vector.shape_cast %swap3A_388 : vector<1x16xf32> to vector<16xf32>
        %swap3A_390 = vector.shape_cast %mul3A_385 : vector<16xf32> to vector<1x16xf32>
        tpu.vector_store %arg10[%swap3A_386, %swap3A_387], %swap3A_390 {strides = array<i32>} : memref<128x128xf32, #tpu.memory_space<vmem>>, vector<1x16xf32>,
        %get3A_391 = arith.index_cast %scan3A_208 : i32 to index
        %get3A_392 = arith.constant 96 : index
        %get3A_393 = tpu.vector_load %arg11[%get3A_391, %get3A_392] {strides = array<i32>} : memref<128x128xf32, #tpu.memory_space<vmem>>, vector<1x16xf32>,
        %get3A_394 = vector.shape_cast %get3A_393 : vector<1x16xf32> to vector<16xf32>
        %get3A_395 = arith.index_cast %scan3A_208 : i32 to index
        %get3A_396 = arith.constant 96 : index
        %get3A_397 = tpu.vector_load %arg12[%get3A_395, %get3A_396] {strides = array<i32>} : memref<128x128xf32, #tpu.memory_space<vmem>>, vector<1x16xf32>,
        %get3A_398 = vector.shape_cast %get3A_397 : vector<1x16xf32> to vector<16xf32>
        %mul3A_399 = arith.mulf %get3A_394, %get3A_398 : vector<16xf32>
        %swap3A_400 = arith.index_cast %scan3A_208 : i32 to index
        %swap3A_401 = arith.constant 96 : index
        %swap3A_402 = tpu.vector_load %arg11[%swap3A_400, %swap3A_401] {strides = array<i32>} : memref<128x128xf32, #tpu.memory_space<vmem>>, vector<1x16xf32>,
        %swap3A_403 = vector.shape_cast %swap3A_402 : vector<1x16xf32> to vector<16xf32>
        %swap3A_404 = vector.shape_cast %mul3A_399 : vector<16xf32> to vector<1x16xf32>
        tpu.vector_store %arg11[%swap3A_400, %swap3A_401], %swap3A_404 {strides = array<i32>} : memref<128x128xf32, #tpu.memory_space<vmem>>, vector<1x16xf32>,
        %get3A_405 = arith.index_cast %scan3A_208 : i32 to index
        %get3A_406 = arith.constant 112 : index
        %get3A_407 = tpu.vector_load %arg10[%get3A_405, %get3A_406] {strides = array<i32>} : memref<128x128xf32, #tpu.memory_space<vmem>>, vector<1x16xf32>,
        %get3A_408 = vector.shape_cast %get3A_407 : vector<1x16xf32> to vector<16xf32>
        %get3A_409 = arith.index_cast %scan3A_208 : i32 to index
        %get3A_410 = arith.constant 112 : index
        %get3A_411 = tpu.vector_load %arg12[%get3A_409, %get3A_410] {strides = array<i32>} : memref<128x128xf32, #tpu.memory_space<vmem>>, vector<1x16xf32>,
        %get3A_412 = vector.shape_cast %get3A_411 : vector<1x16xf32> to vector<16xf32>
        %mul3A_413 = arith.mulf %get3A_408, %get3A_412 : vector<16xf32>
        %swap3A_414 = arith.index_cast %scan3A_208 : i32 to index
        %swap3A_415 = arith.constant 112 : index
        %swap3A_416 = tpu.vector_load %arg10[%swap3A_414, %swap3A_415] {strides = array<i32>} : memref<128x128xf32, #tpu.memory_space<vmem>>, vector<1x16xf32>,
        %swap3A_417 = vector.shape_cast %swap3A_416 : vector<1x16xf32> to vector<16xf32>
        %swap3A_418 = vector.shape_cast %mul3A_413 : vector<16xf32> to vector<1x16xf32>
        tpu.vector_store %arg10[%swap3A_414, %swap3A_415], %swap3A_418 {strides = array<i32>} : memref<128x128xf32, #tpu.memory_space<vmem>>, vector<1x16xf32>,
        %get3A_419 = arith.index_cast %scan3A_208 : i32 to index
        %get3A_420 = arith.constant 112 : index
        %get3A_421 = tpu.vector_load %arg11[%get3A_419, %get3A_420] {strides = array<i32>} : memref<128x128xf32, #tpu.memory_space<vmem>>, vector<1x16xf32>,
        %get3A_422 = vector.shape_cast %get3A_421 : vector<1x16xf32> to vector<16xf32>
        %get3A_423 = arith.index_cast %scan3A_208 : i32 to index
        %get3A_424 = arith.constant 112 : index
        %get3A_425 = tpu.vector_load %arg12[%get3A_423, %get3A_424] {strides = array<i32>} : memref<128x128xf32, #tpu.memory_space<vmem>>, vector<1x16xf32>,
        %get3A_426 = vector.shape_cast %get3A_425 : vector<1x16xf32> to vector<16xf32>
        %mul3A_427 = arith.mulf %get3A_422, %get3A_426 : vector<16xf32>
        %swap3A_428 = arith.index_cast %scan3A_208 : i32 to index
        %swap3A_429 = arith.constant 112 : index
        %swap3A_430 = tpu.vector_load %arg11[%swap3A_428, %swap3A_429] {strides = array<i32>} : memref<128x128xf32, #tpu.memory_space<vmem>>, vector<1x16xf32>,
        %swap3A_431 = vector.shape_cast %swap3A_430 : vector<1x16xf32> to vector<16xf32>
        %swap3A_432 = vector.shape_cast %mul3A_427 : vector<16xf32> to vector<1x16xf32>
        tpu.vector_store %arg11[%swap3A_428, %swap3A_429], %swap3A_432 {strides = array<i32>} : memref<128x128xf32, #tpu.memory_space<vmem>>, vector<1x16xf32>,
      }
      %scan3A_207 = arith.constant 128 : i32
      "tpu.region"() ({
        %run_scoped3A = tpu.sem_alloc : memref<!tpu.dma_semaphore, #tpu.memory_space<semaphore_mem>>
        %dma_start3A_208 = arith.constant 0 : i32
        %dma_start3A_209 = arith.constant 0 : i32
        %dma_start3A_210 = tpu.memref_slice %arg14[%dma_start3A_208, %dma_start3A_209] : memref<4096x128xf32, #tpu.memory_space<vmem_shared>> -> memref<4096x128xf32, #tpu.memory_space<vmem_shared>>
        tpu.enqueue_indirect_dma source(%arg10 : memref<128x128xf32, #tpu.memory_space<vmem>>) target(%dma_start3A_210 : memref<4096x128xf32, #tpu.memory_space<vmem_shared>>) offsets(%arg8 : memref<128xi32, #tpu.memory_space<vmem>>) semaphore(%run_scoped3A : memref<!tpu.dma_semaphore, #tpu.memory_space<semaphore_mem>>) {add = true}
        %dma_wait3A_211 = arith.constant 0 : i32
        %dma_wait3A_212 = arith.constant 0 : i32
        %dma_wait3A_213 = tpu.memref_slice %arg14[%dma_wait3A_211, %dma_wait3A_212] : memref<4096x128xf32, #tpu.memory_space<vmem_shared>> -> memref<4096x128xf32, #tpu.memory_space<vmem_shared>>
        tpu.wait_indirect_dma semaphore(%run_scoped3A : memref<!tpu.dma_semaphore, #tpu.memory_space<semaphore_mem>>) src(%arg10 : memref<128x128xf32, #tpu.memory_space<vmem>>) dst(%dma_wait3A_213 : memref<4096x128xf32, #tpu.memory_space<vmem_shared>>)
        tpu.yield
      }) : () -> ()
      "tpu.region"() ({
        %run_scoped3A = tpu.sem_alloc : memref<!tpu.dma_semaphore, #tpu.memory_space<semaphore_mem>>
        %dma_start3A_208 = arith.constant 0 : i32
        %dma_start3A_209 = arith.constant 0 : i32
        %dma_start3A_210 = tpu.memref_slice %arg14[%dma_start3A_208, %dma_start3A_209] : memref<4096x128xf32, #tpu.memory_space<vmem_shared>> -> memref<4096x128xf32, #tpu.memory_space<vmem_shared>>
        tpu.enqueue_indirect_dma source(%arg11 : memref<128x128xf32, #tpu.memory_space<vmem>>) target(%dma_start3A_210 : memref<4096x128xf32, #tpu.memory_space<vmem_shared>>) offsets(%arg9 : memref<128xi32, #tpu.memory_space<vmem>>) semaphore(%run_scoped3A : memref<!tpu.dma_semaphore, #tpu.memory_space<semaphore_mem>>) {add = true}
        %dma_wait3A_211 = arith.constant 0 : i32
        %dma_wait3A_212 = arith.constant 0 : i32
        %dma_wait3A_213 = tpu.memref_slice %arg14[%dma_wait3A_211, %dma_wait3A_212] : memref<4096x128xf32, #tpu.memory_space<vmem_shared>> -> memref<4096x128xf32, #tpu.memory_space<vmem_shared>>
        tpu.wait_indirect_dma semaphore(%run_scoped3A : memref<!tpu.dma_semaphore, #tpu.memory_space<semaphore_mem>>) src(%arg11 : memref<128x128xf32, #tpu.memory_space<vmem>>) dst(%dma_wait3A_213 : memref<4096x128xf32, #tpu.memory_space<vmem_shared>>)
        tpu.yield
      }) : () -> ()
    }
    %while3A_45 = arith.constant 1 : i32
    scf.for %while3A_51 = %while3A_43 to %while3A_39 step %while3A_45  : i32 {
      %mul3A_52 = arith.constant 128 : i32
      %mul3A_53 = arith.muli %while3A_51, %mul3A_52 : i32
      %add3A_54 = arith.addi %mul3A_2, %mul3A_53 : i32
      "tpu.region"() ({
        %run_scoped3A = tpu.sem_alloc : memref<!tpu.dma_semaphore, #tpu.memory_space<semaphore_mem>>
        %dma_start3A_208 = tpu.memref_slice %arg3[%add3A_54] : memref<131072xi32, #tpu.memory_space<hbm>> -> memref<128xi32, #tpu.memory_space<hbm>>
        %dma_start3A_209 = tpu.memref_slice %arg3[%add3A_54] : memref<131072xi32, #tpu.memory_space<hbm>> -> memref<128xi32, #tpu.memory_space<hbm>>
        tpu.enqueue_dma source(%dma_start3A_209 : memref<128xi32, #tpu.memory_space<hbm>>) target(%arg7 : memref<128xi32, #tpu.memory_space<vmem>>) target_semaphore(%run_scoped3A : memref<!tpu.dma_semaphore, #tpu.memory_space<semaphore_mem>>)
        %dma_wait3A_210 = tpu.memref_slice %arg3[%add3A_54] : memref<131072xi32, #tpu.memory_space<hbm>> -> memref<128xi32, #tpu.memory_space<hbm>>
        %dma_wait3A_211 = tpu.memref_slice %arg3[%add3A_54] : memref<131072xi32, #tpu.memory_space<hbm>> -> memref<128xi32, #tpu.memory_space<hbm>>
        tpu.wait_dma2 semaphore(%run_scoped3A : memref<!tpu.dma_semaphore, #tpu.memory_space<semaphore_mem>>) src(%dma_wait3A_211 : memref<128xi32, #tpu.memory_space<hbm>>) dst(%arg7 : memref<128xi32, #tpu.memory_space<vmem>>)
        tpu.yield
      }) : () -> ()
      %get3A_55 = arith.constant 0 : index
      %get3A_56 = tpu.vector_load %arg7[%get3A_55] {strides = array<i32>} : memref<128xi32, #tpu.memory_space<vmem>>, vector<16xi32>,
      %get3A_57 = vector.shape_cast %get3A_56 : vector<16xi32> to vector<16xi32>
      %shift_right_logical3A = arith.constant 12 : i32
      %shift_right_logical3A_58 = vector.broadcast %shift_right_logical3A : i32 to vector<16xi32>
      %shift_right_logical3A_59 = arith.shrui %get3A_57, %shift_right_logical3A_58 : vector<16xi32>
      %swap3A_60 = arith.constant 0 : index
      %swap3A_61 = tpu.vector_load %arg8[%swap3A_60] {strides = array<i32>} : memref<128xi32, #tpu.memory_space<vmem>>, vector<16xi32>,
      %swap3A_62 = vector.shape_cast %swap3A_61 : vector<16xi32> to vector<16xi32>
      %swap3A_63 = vector.shape_cast %shift_right_logical3A_59 : vector<16xi32> to vector<16xi32>
      tpu.vector_store %arg8[%swap3A_60], %swap3A_63 {strides = array<i32>} : memref<128xi32, #tpu.memory_space<vmem>>, vector<16xi32>,
      %and3A_64 = arith.constant 4095 : i32
      %and3A_65 = vector.broadcast %and3A_64 : i32 to vector<16xi32>
      %and3A_66 = arith.andi %get3A_57, %and3A_65 : vector<16xi32>
      %swap3A_67 = arith.constant 0 : index
      %swap3A_68 = tpu.vector_load %arg9[%swap3A_67] {strides = array<i32>} : memref<128xi32, #tpu.memory_space<vmem>>, vector<16xi32>,
      %swap3A_69 = vector.shape_cast %swap3A_68 : vector<16xi32> to vector<16xi32>
      %swap3A_70 = vector.shape_cast %and3A_66 : vector<16xi32> to vector<16xi32>
      tpu.vector_store %arg9[%swap3A_67], %swap3A_70 {strides = array<i32>} : memref<128xi32, #tpu.memory_space<vmem>>, vector<16xi32>,
      %get3A_71 = arith.constant 16 : index
      %get3A_72 = tpu.vector_load %arg7[%get3A_71] {strides = array<i32>} : memref<128xi32, #tpu.memory_space<vmem>>, vector<16xi32>,
      %get3A_73 = vector.shape_cast %get3A_72 : vector<16xi32> to vector<16xi32>
      %shift_right_logical3A_74 = arith.constant 12 : i32
      %shift_right_logical3A_75 = vector.broadcast %shift_right_logical3A_74 : i32 to vector<16xi32>
      %shift_right_logical3A_76 = arith.shrui %get3A_73, %shift_right_logical3A_75 : vector<16xi32>
      %swap3A_77 = arith.constant 16 : index
      %swap3A_78 = tpu.vector_load %arg8[%swap3A_77] {strides = array<i32>} : memref<128xi32, #tpu.memory_space<vmem>>, vector<16xi32>,
      %swap3A_79 = vector.shape_cast %swap3A_78 : vector<16xi32> to vector<16xi32>
      %swap3A_80 = vector.shape_cast %shift_right_logical3A_76 : vector<16xi32> to vector<16xi32>
      tpu.vector_store %arg8[%swap3A_77], %swap3A_80 {strides = array<i32>} : memref<128xi32, #tpu.memory_space<vmem>>, vector<16xi32>,
      %and3A_81 = arith.constant 4095 : i32
      %and3A_82 = vector.broadcast %and3A_81 : i32 to vector<16xi32>
      %and3A_83 = arith.andi %get3A_73, %and3A_82 : vector<16xi32>
      %swap3A_84 = arith.constant 16 : index
      %swap3A_85 = tpu.vector_load %arg9[%swap3A_84] {strides = array<i32>} : memref<128xi32, #tpu.memory_space<vmem>>, vector<16xi32>,
      %swap3A_86 = vector.shape_cast %swap3A_85 : vector<16xi32> to vector<16xi32>
      %swap3A_87 = vector.shape_cast %and3A_83 : vector<16xi32> to vector<16xi32>
      tpu.vector_store %arg9[%swap3A_84], %swap3A_87 {strides = array<i32>} : memref<128xi32, #tpu.memory_space<vmem>>, vector<16xi32>,
      %get3A_88 = arith.constant 32 : index
      %get3A_89 = tpu.vector_load %arg7[%get3A_88] {strides = array<i32>} : memref<128xi32, #tpu.memory_space<vmem>>, vector<16xi32>,
      %get3A_90 = vector.shape_cast %get3A_89 : vector<16xi32> to vector<16xi32>
      %shift_right_logical3A_91 = arith.constant 12 : i32
      %shift_right_logical3A_92 = vector.broadcast %shift_right_logical3A_91 : i32 to vector<16xi32>
      %shift_right_logical3A_93 = arith.shrui %get3A_90, %shift_right_logical3A_92 : vector<16xi32>
      %swap3A_94 = arith.constant 32 : index
      %swap3A_95 = tpu.vector_load %arg8[%swap3A_94] {strides = array<i32>} : memref<128xi32, #tpu.memory_space<vmem>>, vector<16xi32>,
      %swap3A_96 = vector.shape_cast %swap3A_95 : vector<16xi32> to vector<16xi32>
      %swap3A_97 = vector.shape_cast %shift_right_logical3A_93 : vector<16xi32> to vector<16xi32>
      tpu.vector_store %arg8[%swap3A_94], %swap3A_97 {strides = array<i32>} : memref<128xi32, #tpu.memory_space<vmem>>, vector<16xi32>,
      %and3A_98 = arith.constant 4095 : i32
      %and3A_99 = vector.broadcast %and3A_98 : i32 to vector<16xi32>
      %and3A_100 = arith.andi %get3A_90, %and3A_99 : vector<16xi32>
      %swap3A_101 = arith.constant 32 : index
      %swap3A_102 = tpu.vector_load %arg9[%swap3A_101] {strides = array<i32>} : memref<128xi32, #tpu.memory_space<vmem>>, vector<16xi32>,
      %swap3A_103 = vector.shape_cast %swap3A_102 : vector<16xi32> to vector<16xi32>
      %swap3A_104 = vector.shape_cast %and3A_100 : vector<16xi32> to vector<16xi32>
      tpu.vector_store %arg9[%swap3A_101], %swap3A_104 {strides = array<i32>} : memref<128xi32, #tpu.memory_space<vmem>>, vector<16xi32>,
      %get3A_105 = arith.constant 48 : index
      %get3A_106 = tpu.vector_load %arg7[%get3A_105] {strides = array<i32>} : memref<128xi32, #tpu.memory_space<vmem>>, vector<16xi32>,
      %get3A_107 = vector.shape_cast %get3A_106 : vector<16xi32> to vector<16xi32>
      %shift_right_logical3A_108 = arith.constant 12 : i32
      %shift_right_logical3A_109 = vector.broadcast %shift_right_logical3A_108 : i32 to vector<16xi32>
      %shift_right_logical3A_110 = arith.shrui %get3A_107, %shift_right_logical3A_109 : vector<16xi32>
      %swap3A_111 = arith.constant 48 : index
      %swap3A_112 = tpu.vector_load %arg8[%swap3A_111] {strides = array<i32>} : memref<128xi32, #tpu.memory_space<vmem>>, vector<16xi32>,
      %swap3A_113 = vector.shape_cast %swap3A_112 : vector<16xi32> to vector<16xi32>
      %swap3A_114 = vector.shape_cast %shift_right_logical3A_110 : vector<16xi32> to vector<16xi32>
      tpu.vector_store %arg8[%swap3A_111], %swap3A_114 {strides = array<i32>} : memref<128xi32, #tpu.memory_space<vmem>>, vector<16xi32>,
      %and3A_115 = arith.constant 4095 : i32
      %and3A_116 = vector.broadcast %and3A_115 : i32 to vector<16xi32>
      %and3A_117 = arith.andi %get3A_107, %and3A_116 : vector<16xi32>
      %swap3A_118 = arith.constant 48 : index
      %swap3A_119 = tpu.vector_load %arg9[%swap3A_118] {strides = array<i32>} : memref<128xi32, #tpu.memory_space<vmem>>, vector<16xi32>,
      %swap3A_120 = vector.shape_cast %swap3A_119 : vector<16xi32> to vector<16xi32>
      %swap3A_121 = vector.shape_cast %and3A_117 : vector<16xi32> to vector<16xi32>
      tpu.vector_store %arg9[%swap3A_118], %swap3A_121 {strides = array<i32>} : memref<128xi32, #tpu.memory_space<vmem>>, vector<16xi32>,
      %get3A_122 = arith.constant 64 : index
      %get3A_123 = tpu.vector_load %arg7[%get3A_122] {strides = array<i32>} : memref<128xi32, #tpu.memory_space<vmem>>, vector<16xi32>,
      %get3A_124 = vector.shape_cast %get3A_123 : vector<16xi32> to vector<16xi32>
      %shift_right_logical3A_125 = arith.constant 12 : i32
      %shift_right_logical3A_126 = vector.broadcast %shift_right_logical3A_125 : i32 to vector<16xi32>
      %shift_right_logical3A_127 = arith.shrui %get3A_124, %shift_right_logical3A_126 : vector<16xi32>
      %swap3A_128 = arith.constant 64 : index
      %swap3A_129 = tpu.vector_load %arg8[%swap3A_128] {strides = array<i32>} : memref<128xi32, #tpu.memory_space<vmem>>, vector<16xi32>,
      %swap3A_130 = vector.shape_cast %swap3A_129 : vector<16xi32> to vector<16xi32>
      %swap3A_131 = vector.shape_cast %shift_right_logical3A_127 : vector<16xi32> to vector<16xi32>
      tpu.vector_store %arg8[%swap3A_128], %swap3A_131 {strides = array<i32>} : memref<128xi32, #tpu.memory_space<vmem>>, vector<16xi32>,
      %and3A_132 = arith.constant 4095 : i32
      %and3A_133 = vector.broadcast %and3A_132 : i32 to vector<16xi32>
      %and3A_134 = arith.andi %get3A_124, %and3A_133 : vector<16xi32>
      %swap3A_135 = arith.constant 64 : index
      %swap3A_136 = tpu.vector_load %arg9[%swap3A_135] {strides = array<i32>} : memref<128xi32, #tpu.memory_space<vmem>>, vector<16xi32>,
      %swap3A_137 = vector.shape_cast %swap3A_136 : vector<16xi32> to vector<16xi32>
      %swap3A_138 = vector.shape_cast %and3A_134 : vector<16xi32> to vector<16xi32>
      tpu.vector_store %arg9[%swap3A_135], %swap3A_138 {strides = array<i32>} : memref<128xi32, #tpu.memory_space<vmem>>, vector<16xi32>,
      %get3A_139 = arith.constant 80 : index
      %get3A_140 = tpu.vector_load %arg7[%get3A_139] {strides = array<i32>} : memref<128xi32, #tpu.memory_space<vmem>>, vector<16xi32>,
      %get3A_141 = vector.shape_cast %get3A_140 : vector<16xi32> to vector<16xi32>
      %shift_right_logical3A_142 = arith.constant 12 : i32
      %shift_right_logical3A_143 = vector.broadcast %shift_right_logical3A_142 : i32 to vector<16xi32>
      %shift_right_logical3A_144 = arith.shrui %get3A_141, %shift_right_logical3A_143 : vector<16xi32>
      %swap3A_145 = arith.constant 80 : index
      %swap3A_146 = tpu.vector_load %arg8[%swap3A_145] {strides = array<i32>} : memref<128xi32, #tpu.memory_space<vmem>>, vector<16xi32>,
      %swap3A_147 = vector.shape_cast %swap3A_146 : vector<16xi32> to vector<16xi32>
      %swap3A_148 = vector.shape_cast %shift_right_logical3A_144 : vector<16xi32> to vector<16xi32>
      tpu.vector_store %arg8[%swap3A_145], %swap3A_148 {strides = array<i32>} : memref<128xi32, #tpu.memory_space<vmem>>, vector<16xi32>,
      %and3A_149 = arith.constant 4095 : i32
      %and3A_150 = vector.broadcast %and3A_149 : i32 to vector<16xi32>
      %and3A_151 = arith.andi %get3A_141, %and3A_150 : vector<16xi32>
      %swap3A_152 = arith.constant 80 : index
      %swap3A_153 = tpu.vector_load %arg9[%swap3A_152] {strides = array<i32>} : memref<128xi32, #tpu.memory_space<vmem>>, vector<16xi32>,
      %swap3A_154 = vector.shape_cast %swap3A_153 : vector<16xi32> to vector<16xi32>
      %swap3A_155 = vector.shape_cast %and3A_151 : vector<16xi32> to vector<16xi32>
      tpu.vector_store %arg9[%swap3A_152], %swap3A_155 {strides = array<i32>} : memref<128xi32, #tpu.memory_space<vmem>>, vector<16xi32>,
      %get3A_156 = arith.constant 96 : index
      %get3A_157 = tpu.vector_load %arg7[%get3A_156] {strides = array<i32>} : memref<128xi32, #tpu.memory_space<vmem>>, vector<16xi32>,
      %get3A_158 = vector.shape_cast %get3A_157 : vector<16xi32> to vector<16xi32>
      %shift_right_logical3A_159 = arith.constant 12 : i32
      %shift_right_logical3A_160 = vector.broadcast %shift_right_logical3A_159 : i32 to vector<16xi32>
      %shift_right_logical3A_161 = arith.shrui %get3A_158, %shift_right_logical3A_160 : vector<16xi32>
      %swap3A_162 = arith.constant 96 : index
      %swap3A_163 = tpu.vector_load %arg8[%swap3A_162] {strides = array<i32>} : memref<128xi32, #tpu.memory_space<vmem>>, vector<16xi32>,
      %swap3A_164 = vector.shape_cast %swap3A_163 : vector<16xi32> to vector<16xi32>
      %swap3A_165 = vector.shape_cast %shift_right_logical3A_161 : vector<16xi32> to vector<16xi32>
      tpu.vector_store %arg8[%swap3A_162], %swap3A_165 {strides = array<i32>} : memref<128xi32, #tpu.memory_space<vmem>>, vector<16xi32>,
      %and3A_166 = arith.constant 4095 : i32
      %and3A_167 = vector.broadcast %and3A_166 : i32 to vector<16xi32>
      %and3A_168 = arith.andi %get3A_158, %and3A_167 : vector<16xi32>
      %swap3A_169 = arith.constant 96 : index
      %swap3A_170 = tpu.vector_load %arg9[%swap3A_169] {strides = array<i32>} : memref<128xi32, #tpu.memory_space<vmem>>, vector<16xi32>,
      %swap3A_171 = vector.shape_cast %swap3A_170 : vector<16xi32> to vector<16xi32>
      %swap3A_172 = vector.shape_cast %and3A_168 : vector<16xi32> to vector<16xi32>
      tpu.vector_store %arg9[%swap3A_169], %swap3A_172 {strides = array<i32>} : memref<128xi32, #tpu.memory_space<vmem>>, vector<16xi32>,
      %get3A_173 = arith.constant 112 : index
      %get3A_174 = tpu.vector_load %arg7[%get3A_173] {strides = array<i32>} : memref<128xi32, #tpu.memory_space<vmem>>, vector<16xi32>,
      %get3A_175 = vector.shape_cast %get3A_174 : vector<16xi32> to vector<16xi32>
      %shift_right_logical3A_176 = arith.constant 12 : i32
      %shift_right_logical3A_177 = vector.broadcast %shift_right_logical3A_176 : i32 to vector<16xi32>
      %shift_right_logical3A_178 = arith.shrui %get3A_175, %shift_right_logical3A_177 : vector<16xi32>
      %swap3A_179 = arith.constant 112 : index
      %swap3A_180 = tpu.vector_load %arg8[%swap3A_179] {strides = array<i32>} : memref<128xi32, #tpu.memory_space<vmem>>, vector<16xi32>,
      %swap3A_181 = vector.shape_cast %swap3A_180 : vector<16xi32> to vector<16xi32>
      %swap3A_182 = vector.shape_cast %shift_right_logical3A_178 : vector<16xi32> to vector<16xi32>
      tpu.vector_store %arg8[%swap3A_179], %swap3A_182 {strides = array<i32>} : memref<128xi32, #tpu.memory_space<vmem>>, vector<16xi32>,
      %and3A_183 = arith.constant 4095 : i32
      %and3A_184 = vector.broadcast %and3A_183 : i32 to vector<16xi32>
      %and3A_185 = arith.andi %get3A_175, %and3A_184 : vector<16xi32>
      %swap3A_186 = arith.constant 112 : index
      %swap3A_187 = tpu.vector_load %arg9[%swap3A_186] {strides = array<i32>} : memref<128xi32, #tpu.memory_space<vmem>>, vector<16xi32>,
      %swap3A_188 = vector.shape_cast %swap3A_187 : vector<16xi32> to vector<16xi32>
      %swap3A_189 = vector.shape_cast %and3A_185 : vector<16xi32> to vector<16xi32>
      tpu.vector_store %arg9[%swap3A_186], %swap3A_189 {strides = array<i32>} : memref<128xi32, #tpu.memory_space<vmem>>, vector<16xi32>,
      %dma_start3A = arith.constant 0 : i32
      %dma_start3A_190 = arith.constant 0 : i32
      %dma_start3A_191 = tpu.memref_slice %arg2[%dma_start3A, %dma_start3A_190] : memref<4096x128xf32, #tpu.memory_space<hbm>> -> memref<4096x128xf32, #tpu.memory_space<hbm>>
      tpu.enqueue_indirect_dma source(%dma_start3A_191 : memref<4096x128xf32, #tpu.memory_space<hbm>>) target(%arg10 : memref<128x128xf32, #tpu.memory_space<vmem>>) offsets(%arg9 : memref<128xi32, #tpu.memory_space<vmem>>) semaphore(%arg15 : memref<!tpu.dma_semaphore, #tpu.memory_space<semaphore_mem>>)
      %dma_start3A_192 = arith.constant 0 : i32
      %dma_start3A_193 = arith.constant 0 : i32
      %dma_start3A_194 = tpu.memref_slice %arg2[%dma_start3A_192, %dma_start3A_193] : memref<4096x128xf32, #tpu.memory_space<hbm>> -> memref<4096x128xf32, #tpu.memory_space<hbm>>
      tpu.enqueue_indirect_dma source(%dma_start3A_194 : memref<4096x128xf32, #tpu.memory_space<hbm>>) target(%arg11 : memref<128x128xf32, #tpu.memory_space<vmem>>) offsets(%arg8 : memref<128xi32, #tpu.memory_space<vmem>>) semaphore(%arg16 : memref<!tpu.dma_semaphore, #tpu.memory_space<semaphore_mem>>)
      %mul3A_195 = arith.constant 128 : i32
      %mul3A_196 = arith.muli %while3A_51, %mul3A_195 : i32
      %add3A_197 = arith.addi %mul3A_2, %mul3A_196 : i32
      "tpu.region"() ({
        %run_scoped3A = tpu.sem_alloc : memref<!tpu.dma_semaphore, #tpu.memory_space<semaphore_mem>>
        %dma_start3A_208 = arith.constant 0 : i32
        %dma_start3A_209 = tpu.memref_slice %arg4[%add3A_197, %dma_start3A_208] : memref<131072x128xf32, #tpu.memory_space<hbm>> -> memref<128x128xf32, #tpu.memory_space<hbm>>
        %dma_start3A_210 = arith.constant 0 : i32
        %dma_start3A_211 = tpu.memref_slice %arg4[%add3A_197, %dma_start3A_210] : memref<131072x128xf32, #tpu.memory_space<hbm>> -> memref<128x128xf32, #tpu.memory_space<hbm>>
        tpu.enqueue_dma source(%dma_start3A_211 : memref<128x128xf32, #tpu.memory_space<hbm>>) target(%arg12 : memref<128x128xf32, #tpu.memory_space<vmem>>) target_semaphore(%run_scoped3A : memref<!tpu.dma_semaphore, #tpu.memory_space<semaphore_mem>>)
        %dma_wait3A_212 = arith.constant 0 : i32
        %dma_wait3A_213 = tpu.memref_slice %arg4[%add3A_197, %dma_wait3A_212] : memref<131072x128xf32, #tpu.memory_space<hbm>> -> memref<128x128xf32, #tpu.memory_space<hbm>>
        %dma_wait3A_214 = arith.constant 0 : i32
        %dma_wait3A_215 = tpu.memref_slice %arg4[%add3A_197, %dma_wait3A_214] : memref<131072x128xf32, #tpu.memory_space<hbm>> -> memref<128x128xf32, #tpu.memory_space<hbm>>
        tpu.wait_dma2 semaphore(%run_scoped3A : memref<!tpu.dma_semaphore, #tpu.memory_space<semaphore_mem>>) src(%dma_wait3A_215 : memref<128x128xf32, #tpu.memory_space<hbm>>) dst(%arg12 : memref<128x128xf32, #tpu.memory_space<vmem>>)
        tpu.yield
      }) : () -> ()
      %dma_wait3A = arith.constant 0 : i32
      %dma_wait3A_198 = arith.constant 0 : i32
      %dma_wait3A_199 = tpu.memref_slice %arg2[%dma_wait3A, %dma_wait3A_198] : memref<4096x128xf32, #tpu.memory_space<hbm>> -> memref<4096x128xf32, #tpu.memory_space<hbm>>
      tpu.wait_indirect_dma semaphore(%arg15 : memref<!tpu.dma_semaphore, #tpu.memory_space<semaphore_mem>>) src(%dma_wait3A_199 : memref<4096x128xf32, #tpu.memory_space<hbm>>) dst(%arg10 : memref<128x128xf32, #tpu.memory_space<vmem>>)
      %dma_wait3A_200 = arith.constant 0 : i32
      %dma_wait3A_201 = arith.constant 0 : i32
      %dma_wait3A_202 = tpu.memref_slice %arg2[%dma_wait3A_200, %dma_wait3A_201] : memref<4096x128xf32, #tpu.memory_space<hbm>> -> memref<4096x128xf32, #tpu.memory_space<hbm>>
      tpu.wait_indirect_dma semaphore(%arg16 : memref<!tpu.dma_semaphore, #tpu.memory_space<semaphore_mem>>) src(%dma_wait3A_202 : memref<4096x128xf32, #tpu.memory_space<hbm>>) dst(%arg11 : memref<128x128xf32, #tpu.memory_space<vmem>>)
      %scan3A = arith.constant 0 : i32
      %scan3A_203 = arith.constant 0 : i32
      %scan3A_204 = arith.constant 128 : i32
      %scan3A_205 = arith.addi %scan3A_203, %scan3A_204 : i32
      %scan3A_206 = arith.constant 1 : i32
      scf.for %scan3A_208 = %scan3A_203 to %scan3A_205 step %scan3A_206  : i32 {
        %get3A_209 = arith.index_cast %scan3A_208 : i32 to index
        %get3A_210 = arith.constant 0 : index
        %get3A_211 = tpu.vector_load %arg10[%get3A_209, %get3A_210] {strides = array<i32>} : memref<128x128xf32, #tpu.memory_space<vmem>>, vector<1x16xf32>,
        %get3A_212 = vector.shape_cast %get3A_211 : vector<1x16xf32> to vector<16xf32>
        %get3A_213 = arith.index_cast %scan3A_208 : i32 to index
        %get3A_214 = arith.constant 0 : index
        %get3A_215 = tpu.vector_load %arg12[%get3A_213, %get3A_214] {strides = array<i32>} : memref<128x128xf32, #tpu.memory_space<vmem>>, vector<1x16xf32>,
        %get3A_216 = vector.shape_cast %get3A_215 : vector<1x16xf32> to vector<16xf32>
        %mul3A_217 = arith.mulf %get3A_212, %get3A_216 : vector<16xf32>
        %swap3A_218 = arith.index_cast %scan3A_208 : i32 to index
        %swap3A_219 = arith.constant 0 : index
        %swap3A_220 = tpu.vector_load %arg10[%swap3A_218, %swap3A_219] {strides = array<i32>} : memref<128x128xf32, #tpu.memory_space<vmem>>, vector<1x16xf32>,
        %swap3A_221 = vector.shape_cast %swap3A_220 : vector<1x16xf32> to vector<16xf32>
        %swap3A_222 = vector.shape_cast %mul3A_217 : vector<16xf32> to vector<1x16xf32>
        tpu.vector_store %arg10[%swap3A_218, %swap3A_219], %swap3A_222 {strides = array<i32>} : memref<128x128xf32, #tpu.memory_space<vmem>>, vector<1x16xf32>,
        %get3A_223 = arith.index_cast %scan3A_208 : i32 to index
        %get3A_224 = arith.constant 0 : index
        %get3A_225 = tpu.vector_load %arg11[%get3A_223, %get3A_224] {strides = array<i32>} : memref<128x128xf32, #tpu.memory_space<vmem>>, vector<1x16xf32>,
        %get3A_226 = vector.shape_cast %get3A_225 : vector<1x16xf32> to vector<16xf32>
        %get3A_227 = arith.index_cast %scan3A_208 : i32 to index
        %get3A_228 = arith.constant 0 : index
        %get3A_229 = tpu.vector_load %arg12[%get3A_227, %get3A_228] {strides = array<i32>} : memref<128x128xf32, #tpu.memory_space<vmem>>, vector<1x16xf32>,
        %get3A_230 = vector.shape_cast %get3A_229 : vector<1x16xf32> to vector<16xf32>
        %mul3A_231 = arith.mulf %get3A_226, %get3A_230 : vector<16xf32>
        %swap3A_232 = arith.index_cast %scan3A_208 : i32 to index
        %swap3A_233 = arith.constant 0 : index
        %swap3A_234 = tpu.vector_load %arg11[%swap3A_232, %swap3A_233] {strides = array<i32>} : memref<128x128xf32, #tpu.memory_space<vmem>>, vector<1x16xf32>,
        %swap3A_235 = vector.shape_cast %swap3A_234 : vector<1x16xf32> to vector<16xf32>
        %swap3A_236 = vector.shape_cast %mul3A_231 : vector<16xf32> to vector<1x16xf32>
        tpu.vector_store %arg11[%swap3A_232, %swap3A_233], %swap3A_236 {strides = array<i32>} : memref<128x128xf32, #tpu.memory_space<vmem>>, vector<1x16xf32>,
        %get3A_237 = arith.index_cast %scan3A_208 : i32 to index
        %get3A_238 = arith.constant 16 : index
        %get3A_239 = tpu.vector_load %arg10[%get3A_237, %get3A_238] {strides = array<i32>} : memref<128x128xf32, #tpu.memory_space<vmem>>, vector<1x16xf32>,
        %get3A_240 = vector.shape_cast %get3A_239 : vector<1x16xf32> to vector<16xf32>
        %get3A_241 = arith.index_cast %scan3A_208 : i32 to index
        %get3A_242 = arith.constant 16 : index
        %get3A_243 = tpu.vector_load %arg12[%get3A_241, %get3A_242] {strides = array<i32>} : memref<128x128xf32, #tpu.memory_space<vmem>>, vector<1x16xf32>,
        %get3A_244 = vector.shape_cast %get3A_243 : vector<1x16xf32> to vector<16xf32>
        %mul3A_245 = arith.mulf %get3A_240, %get3A_244 : vector<16xf32>
        %swap3A_246 = arith.index_cast %scan3A_208 : i32 to index
        %swap3A_247 = arith.constant 16 : index
        %swap3A_248 = tpu.vector_load %arg10[%swap3A_246, %swap3A_247] {strides = array<i32>} : memref<128x128xf32, #tpu.memory_space<vmem>>, vector<1x16xf32>,
        %swap3A_249 = vector.shape_cast %swap3A_248 : vector<1x16xf32> to vector<16xf32>
        %swap3A_250 = vector.shape_cast %mul3A_245 : vector<16xf32> to vector<1x16xf32>
        tpu.vector_store %arg10[%swap3A_246, %swap3A_247], %swap3A_250 {strides = array<i32>} : memref<128x128xf32, #tpu.memory_space<vmem>>, vector<1x16xf32>,
        %get3A_251 = arith.index_cast %scan3A_208 : i32 to index
        %get3A_252 = arith.constant 16 : index
        %get3A_253 = tpu.vector_load %arg11[%get3A_251, %get3A_252] {strides = array<i32>} : memref<128x128xf32, #tpu.memory_space<vmem>>, vector<1x16xf32>,
        %get3A_254 = vector.shape_cast %get3A_253 : vector<1x16xf32> to vector<16xf32>
        %get3A_255 = arith.index_cast %scan3A_208 : i32 to index
        %get3A_256 = arith.constant 16 : index
        %get3A_257 = tpu.vector_load %arg12[%get3A_255, %get3A_256] {strides = array<i32>} : memref<128x128xf32, #tpu.memory_space<vmem>>, vector<1x16xf32>,
        %get3A_258 = vector.shape_cast %get3A_257 : vector<1x16xf32> to vector<16xf32>
        %mul3A_259 = arith.mulf %get3A_254, %get3A_258 : vector<16xf32>
        %swap3A_260 = arith.index_cast %scan3A_208 : i32 to index
        %swap3A_261 = arith.constant 16 : index
        %swap3A_262 = tpu.vector_load %arg11[%swap3A_260, %swap3A_261] {strides = array<i32>} : memref<128x128xf32, #tpu.memory_space<vmem>>, vector<1x16xf32>,
        %swap3A_263 = vector.shape_cast %swap3A_262 : vector<1x16xf32> to vector<16xf32>
        %swap3A_264 = vector.shape_cast %mul3A_259 : vector<16xf32> to vector<1x16xf32>
        tpu.vector_store %arg11[%swap3A_260, %swap3A_261], %swap3A_264 {strides = array<i32>} : memref<128x128xf32, #tpu.memory_space<vmem>>, vector<1x16xf32>,
        %get3A_265 = arith.index_cast %scan3A_208 : i32 to index
        %get3A_266 = arith.constant 32 : index
        %get3A_267 = tpu.vector_load %arg10[%get3A_265, %get3A_266] {strides = array<i32>} : memref<128x128xf32, #tpu.memory_space<vmem>>, vector<1x16xf32>,
        %get3A_268 = vector.shape_cast %get3A_267 : vector<1x16xf32> to vector<16xf32>
        %get3A_269 = arith.index_cast %scan3A_208 : i32 to index
        %get3A_270 = arith.constant 32 : index
        %get3A_271 = tpu.vector_load %arg12[%get3A_269, %get3A_270] {strides = array<i32>} : memref<128x128xf32, #tpu.memory_space<vmem>>, vector<1x16xf32>,
        %get3A_272 = vector.shape_cast %get3A_271 : vector<1x16xf32> to vector<16xf32>
        %mul3A_273 = arith.mulf %get3A_268, %get3A_272 : vector<16xf32>
        %swap3A_274 = arith.index_cast %scan3A_208 : i32 to index
        %swap3A_275 = arith.constant 32 : index
        %swap3A_276 = tpu.vector_load %arg10[%swap3A_274, %swap3A_275] {strides = array<i32>} : memref<128x128xf32, #tpu.memory_space<vmem>>, vector<1x16xf32>,
        %swap3A_277 = vector.shape_cast %swap3A_276 : vector<1x16xf32> to vector<16xf32>
        %swap3A_278 = vector.shape_cast %mul3A_273 : vector<16xf32> to vector<1x16xf32>
        tpu.vector_store %arg10[%swap3A_274, %swap3A_275], %swap3A_278 {strides = array<i32>} : memref<128x128xf32, #tpu.memory_space<vmem>>, vector<1x16xf32>,
        %get3A_279 = arith.index_cast %scan3A_208 : i32 to index
        %get3A_280 = arith.constant 32 : index
        %get3A_281 = tpu.vector_load %arg11[%get3A_279, %get3A_280] {strides = array<i32>} : memref<128x128xf32, #tpu.memory_space<vmem>>, vector<1x16xf32>,
        %get3A_282 = vector.shape_cast %get3A_281 : vector<1x16xf32> to vector<16xf32>
        %get3A_283 = arith.index_cast %scan3A_208 : i32 to index
        %get3A_284 = arith.constant 32 : index
        %get3A_285 = tpu.vector_load %arg12[%get3A_283, %get3A_284] {strides = array<i32>} : memref<128x128xf32, #tpu.memory_space<vmem>>, vector<1x16xf32>,
        %get3A_286 = vector.shape_cast %get3A_285 : vector<1x16xf32> to vector<16xf32>
        %mul3A_287 = arith.mulf %get3A_282, %get3A_286 : vector<16xf32>
        %swap3A_288 = arith.index_cast %scan3A_208 : i32 to index
        %swap3A_289 = arith.constant 32 : index
        %swap3A_290 = tpu.vector_load %arg11[%swap3A_288, %swap3A_289] {strides = array<i32>} : memref<128x128xf32, #tpu.memory_space<vmem>>, vector<1x16xf32>,
        %swap3A_291 = vector.shape_cast %swap3A_290 : vector<1x16xf32> to vector<16xf32>
        %swap3A_292 = vector.shape_cast %mul3A_287 : vector<16xf32> to vector<1x16xf32>
        tpu.vector_store %arg11[%swap3A_288, %swap3A_289], %swap3A_292 {strides = array<i32>} : memref<128x128xf32, #tpu.memory_space<vmem>>, vector<1x16xf32>,
        %get3A_293 = arith.index_cast %scan3A_208 : i32 to index
        %get3A_294 = arith.constant 48 : index
        %get3A_295 = tpu.vector_load %arg10[%get3A_293, %get3A_294] {strides = array<i32>} : memref<128x128xf32, #tpu.memory_space<vmem>>, vector<1x16xf32>,
        %get3A_296 = vector.shape_cast %get3A_295 : vector<1x16xf32> to vector<16xf32>
        %get3A_297 = arith.index_cast %scan3A_208 : i32 to index
        %get3A_298 = arith.constant 48 : index
        %get3A_299 = tpu.vector_load %arg12[%get3A_297, %get3A_298] {strides = array<i32>} : memref<128x128xf32, #tpu.memory_space<vmem>>, vector<1x16xf32>,
        %get3A_300 = vector.shape_cast %get3A_299 : vector<1x16xf32> to vector<16xf32>
        %mul3A_301 = arith.mulf %get3A_296, %get3A_300 : vector<16xf32>
        %swap3A_302 = arith.index_cast %scan3A_208 : i32 to index
        %swap3A_303 = arith.constant 48 : index
        %swap3A_304 = tpu.vector_load %arg10[%swap3A_302, %swap3A_303] {strides = array<i32>} : memref<128x128xf32, #tpu.memory_space<vmem>>, vector<1x16xf32>,
        %swap3A_305 = vector.shape_cast %swap3A_304 : vector<1x16xf32> to vector<16xf32>
        %swap3A_306 = vector.shape_cast %mul3A_301 : vector<16xf32> to vector<1x16xf32>
        tpu.vector_store %arg10[%swap3A_302, %swap3A_303], %swap3A_306 {strides = array<i32>} : memref<128x128xf32, #tpu.memory_space<vmem>>, vector<1x16xf32>,
        %get3A_307 = arith.index_cast %scan3A_208 : i32 to index
        %get3A_308 = arith.constant 48 : index
        %get3A_309 = tpu.vector_load %arg11[%get3A_307, %get3A_308] {strides = array<i32>} : memref<128x128xf32, #tpu.memory_space<vmem>>, vector<1x16xf32>,
        %get3A_310 = vector.shape_cast %get3A_309 : vector<1x16xf32> to vector<16xf32>
        %get3A_311 = arith.index_cast %scan3A_208 : i32 to index
        %get3A_312 = arith.constant 48 : index
        %get3A_313 = tpu.vector_load %arg12[%get3A_311, %get3A_312] {strides = array<i32>} : memref<128x128xf32, #tpu.memory_space<vmem>>, vector<1x16xf32>,
        %get3A_314 = vector.shape_cast %get3A_313 : vector<1x16xf32> to vector<16xf32>
        %mul3A_315 = arith.mulf %get3A_310, %get3A_314 : vector<16xf32>
        %swap3A_316 = arith.index_cast %scan3A_208 : i32 to index
        %swap3A_317 = arith.constant 48 : index
        %swap3A_318 = tpu.vector_load %arg11[%swap3A_316, %swap3A_317] {strides = array<i32>} : memref<128x128xf32, #tpu.memory_space<vmem>>, vector<1x16xf32>,
        %swap3A_319 = vector.shape_cast %swap3A_318 : vector<1x16xf32> to vector<16xf32>
        %swap3A_320 = vector.shape_cast %mul3A_315 : vector<16xf32> to vector<1x16xf32>
        tpu.vector_store %arg11[%swap3A_316, %swap3A_317], %swap3A_320 {strides = array<i32>} : memref<128x128xf32, #tpu.memory_space<vmem>>, vector<1x16xf32>,
        %get3A_321 = arith.index_cast %scan3A_208 : i32 to index
        %get3A_322 = arith.constant 64 : index
        %get3A_323 = tpu.vector_load %arg10[%get3A_321, %get3A_322] {strides = array<i32>} : memref<128x128xf32, #tpu.memory_space<vmem>>, vector<1x16xf32>,
        %get3A_324 = vector.shape_cast %get3A_323 : vector<1x16xf32> to vector<16xf32>
        %get3A_325 = arith.index_cast %scan3A_208 : i32 to index
        %get3A_326 = arith.constant 64 : index
        %get3A_327 = tpu.vector_load %arg12[%get3A_325, %get3A_326] {strides = array<i32>} : memref<128x128xf32, #tpu.memory_space<vmem>>, vector<1x16xf32>,
        %get3A_328 = vector.shape_cast %get3A_327 : vector<1x16xf32> to vector<16xf32>
        %mul3A_329 = arith.mulf %get3A_324, %get3A_328 : vector<16xf32>
        %swap3A_330 = arith.index_cast %scan3A_208 : i32 to index
        %swap3A_331 = arith.constant 64 : index
        %swap3A_332 = tpu.vector_load %arg10[%swap3A_330, %swap3A_331] {strides = array<i32>} : memref<128x128xf32, #tpu.memory_space<vmem>>, vector<1x16xf32>,
        %swap3A_333 = vector.shape_cast %swap3A_332 : vector<1x16xf32> to vector<16xf32>
        %swap3A_334 = vector.shape_cast %mul3A_329 : vector<16xf32> to vector<1x16xf32>
        tpu.vector_store %arg10[%swap3A_330, %swap3A_331], %swap3A_334 {strides = array<i32>} : memref<128x128xf32, #tpu.memory_space<vmem>>, vector<1x16xf32>,
        %get3A_335 = arith.index_cast %scan3A_208 : i32 to index
        %get3A_336 = arith.constant 64 : index
        %get3A_337 = tpu.vector_load %arg11[%get3A_335, %get3A_336] {strides = array<i32>} : memref<128x128xf32, #tpu.memory_space<vmem>>, vector<1x16xf32>,
        %get3A_338 = vector.shape_cast %get3A_337 : vector<1x16xf32> to vector<16xf32>
        %get3A_339 = arith.index_cast %scan3A_208 : i32 to index
        %get3A_340 = arith.constant 64 : index
        %get3A_341 = tpu.vector_load %arg12[%get3A_339, %get3A_340] {strides = array<i32>} : memref<128x128xf32, #tpu.memory_space<vmem>>, vector<1x16xf32>,
        %get3A_342 = vector.shape_cast %get3A_341 : vector<1x16xf32> to vector<16xf32>
        %mul3A_343 = arith.mulf %get3A_338, %get3A_342 : vector<16xf32>
        %swap3A_344 = arith.index_cast %scan3A_208 : i32 to index
        %swap3A_345 = arith.constant 64 : index
        %swap3A_346 = tpu.vector_load %arg11[%swap3A_344, %swap3A_345] {strides = array<i32>} : memref<128x128xf32, #tpu.memory_space<vmem>>, vector<1x16xf32>,
        %swap3A_347 = vector.shape_cast %swap3A_346 : vector<1x16xf32> to vector<16xf32>
        %swap3A_348 = vector.shape_cast %mul3A_343 : vector<16xf32> to vector<1x16xf32>
        tpu.vector_store %arg11[%swap3A_344, %swap3A_345], %swap3A_348 {strides = array<i32>} : memref<128x128xf32, #tpu.memory_space<vmem>>, vector<1x16xf32>,
        %get3A_349 = arith.index_cast %scan3A_208 : i32 to index
        %get3A_350 = arith.constant 80 : index
        %get3A_351 = tpu.vector_load %arg10[%get3A_349, %get3A_350] {strides = array<i32>} : memref<128x128xf32, #tpu.memory_space<vmem>>, vector<1x16xf32>,
        %get3A_352 = vector.shape_cast %get3A_351 : vector<1x16xf32> to vector<16xf32>
        %get3A_353 = arith.index_cast %scan3A_208 : i32 to index
        %get3A_354 = arith.constant 80 : index
        %get3A_355 = tpu.vector_load %arg12[%get3A_353, %get3A_354] {strides = array<i32>} : memref<128x128xf32, #tpu.memory_space<vmem>>, vector<1x16xf32>,
        %get3A_356 = vector.shape_cast %get3A_355 : vector<1x16xf32> to vector<16xf32>
        %mul3A_357 = arith.mulf %get3A_352, %get3A_356 : vector<16xf32>
        %swap3A_358 = arith.index_cast %scan3A_208 : i32 to index
        %swap3A_359 = arith.constant 80 : index
        %swap3A_360 = tpu.vector_load %arg10[%swap3A_358, %swap3A_359] {strides = array<i32>} : memref<128x128xf32, #tpu.memory_space<vmem>>, vector<1x16xf32>,
        %swap3A_361 = vector.shape_cast %swap3A_360 : vector<1x16xf32> to vector<16xf32>
        %swap3A_362 = vector.shape_cast %mul3A_357 : vector<16xf32> to vector<1x16xf32>
        tpu.vector_store %arg10[%swap3A_358, %swap3A_359], %swap3A_362 {strides = array<i32>} : memref<128x128xf32, #tpu.memory_space<vmem>>, vector<1x16xf32>,
        %get3A_363 = arith.index_cast %scan3A_208 : i32 to index
        %get3A_364 = arith.constant 80 : index
        %get3A_365 = tpu.vector_load %arg11[%get3A_363, %get3A_364] {strides = array<i32>} : memref<128x128xf32, #tpu.memory_space<vmem>>, vector<1x16xf32>,
        %get3A_366 = vector.shape_cast %get3A_365 : vector<1x16xf32> to vector<16xf32>
        %get3A_367 = arith.index_cast %scan3A_208 : i32 to index
        %get3A_368 = arith.constant 80 : index
        %get3A_369 = tpu.vector_load %arg12[%get3A_367, %get3A_368] {strides = array<i32>} : memref<128x128xf32, #tpu.memory_space<vmem>>, vector<1x16xf32>,
        %get3A_370 = vector.shape_cast %get3A_369 : vector<1x16xf32> to vector<16xf32>
        %mul3A_371 = arith.mulf %get3A_366, %get3A_370 : vector<16xf32>
        %swap3A_372 = arith.index_cast %scan3A_208 : i32 to index
        %swap3A_373 = arith.constant 80 : index
        %swap3A_374 = tpu.vector_load %arg11[%swap3A_372, %swap3A_373] {strides = array<i32>} : memref<128x128xf32, #tpu.memory_space<vmem>>, vector<1x16xf32>,
        %swap3A_375 = vector.shape_cast %swap3A_374 : vector<1x16xf32> to vector<16xf32>
        %swap3A_376 = vector.shape_cast %mul3A_371 : vector<16xf32> to vector<1x16xf32>
        tpu.vector_store %arg11[%swap3A_372, %swap3A_373], %swap3A_376 {strides = array<i32>} : memref<128x128xf32, #tpu.memory_space<vmem>>, vector<1x16xf32>,
        %get3A_377 = arith.index_cast %scan3A_208 : i32 to index
        %get3A_378 = arith.constant 96 : index
        %get3A_379 = tpu.vector_load %arg10[%get3A_377, %get3A_378] {strides = array<i32>} : memref<128x128xf32, #tpu.memory_space<vmem>>, vector<1x16xf32>,
        %get3A_380 = vector.shape_cast %get3A_379 : vector<1x16xf32> to vector<16xf32>
        %get3A_381 = arith.index_cast %scan3A_208 : i32 to index
        %get3A_382 = arith.constant 96 : index
        %get3A_383 = tpu.vector_load %arg12[%get3A_381, %get3A_382] {strides = array<i32>} : memref<128x128xf32, #tpu.memory_space<vmem>>, vector<1x16xf32>,
        %get3A_384 = vector.shape_cast %get3A_383 : vector<1x16xf32> to vector<16xf32>
        %mul3A_385 = arith.mulf %get3A_380, %get3A_384 : vector<16xf32>
        %swap3A_386 = arith.index_cast %scan3A_208 : i32 to index
        %swap3A_387 = arith.constant 96 : index
        %swap3A_388 = tpu.vector_load %arg10[%swap3A_386, %swap3A_387] {strides = array<i32>} : memref<128x128xf32, #tpu.memory_space<vmem>>, vector<1x16xf32>,
        %swap3A_389 = vector.shape_cast %swap3A_388 : vector<1x16xf32> to vector<16xf32>
        %swap3A_390 = vector.shape_cast %mul3A_385 : vector<16xf32> to vector<1x16xf32>
        tpu.vector_store %arg10[%swap3A_386, %swap3A_387], %swap3A_390 {strides = array<i32>} : memref<128x128xf32, #tpu.memory_space<vmem>>, vector<1x16xf32>,
        %get3A_391 = arith.index_cast %scan3A_208 : i32 to index
        %get3A_392 = arith.constant 96 : index
        %get3A_393 = tpu.vector_load %arg11[%get3A_391, %get3A_392] {strides = array<i32>} : memref<128x128xf32, #tpu.memory_space<vmem>>, vector<1x16xf32>,
        %get3A_394 = vector.shape_cast %get3A_393 : vector<1x16xf32> to vector<16xf32>
        %get3A_395 = arith.index_cast %scan3A_208 : i32 to index
        %get3A_396 = arith.constant 96 : index
        %get3A_397 = tpu.vector_load %arg12[%get3A_395, %get3A_396] {strides = array<i32>} : memref<128x128xf32, #tpu.memory_space<vmem>>, vector<1x16xf32>,
        %get3A_398 = vector.shape_cast %get3A_397 : vector<1x16xf32> to vector<16xf32>
        %mul3A_399 = arith.mulf %get3A_394, %get3A_398 : vector<16xf32>
        %swap3A_400 = arith.index_cast %scan3A_208 : i32 to index
        %swap3A_401 = arith.constant 96 : index
        %swap3A_402 = tpu.vector_load %arg11[%swap3A_400, %swap3A_401] {strides = array<i32>} : memref<128x128xf32, #tpu.memory_space<vmem>>, vector<1x16xf32>,
        %swap3A_403 = vector.shape_cast %swap3A_402 : vector<1x16xf32> to vector<16xf32>
        %swap3A_404 = vector.shape_cast %mul3A_399 : vector<16xf32> to vector<1x16xf32>
        tpu.vector_store %arg11[%swap3A_400, %swap3A_401], %swap3A_404 {strides = array<i32>} : memref<128x128xf32, #tpu.memory_space<vmem>>, vector<1x16xf32>,
        %get3A_405 = arith.index_cast %scan3A_208 : i32 to index
        %get3A_406 = arith.constant 112 : index
        %get3A_407 = tpu.vector_load %arg10[%get3A_405, %get3A_406] {strides = array<i32>} : memref<128x128xf32, #tpu.memory_space<vmem>>, vector<1x16xf32>,
        %get3A_408 = vector.shape_cast %get3A_407 : vector<1x16xf32> to vector<16xf32>
        %get3A_409 = arith.index_cast %scan3A_208 : i32 to index
        %get3A_410 = arith.constant 112 : index
        %get3A_411 = tpu.vector_load %arg12[%get3A_409, %get3A_410] {strides = array<i32>} : memref<128x128xf32, #tpu.memory_space<vmem>>, vector<1x16xf32>,
        %get3A_412 = vector.shape_cast %get3A_411 : vector<1x16xf32> to vector<16xf32>
        %mul3A_413 = arith.mulf %get3A_408, %get3A_412 : vector<16xf32>
        %swap3A_414 = arith.index_cast %scan3A_208 : i32 to index
        %swap3A_415 = arith.constant 112 : index
        %swap3A_416 = tpu.vector_load %arg10[%swap3A_414, %swap3A_415] {strides = array<i32>} : memref<128x128xf32, #tpu.memory_space<vmem>>, vector<1x16xf32>,
        %swap3A_417 = vector.shape_cast %swap3A_416 : vector<1x16xf32> to vector<16xf32>
        %swap3A_418 = vector.shape_cast %mul3A_413 : vector<16xf32> to vector<1x16xf32>
        tpu.vector_store %arg10[%swap3A_414, %swap3A_415], %swap3A_418 {strides = array<i32>} : memref<128x128xf32, #tpu.memory_space<vmem>>, vector<1x16xf32>,
        %get3A_419 = arith.index_cast %scan3A_208 : i32 to index
        %get3A_420 = arith.constant 112 : index
        %get3A_421 = tpu.vector_load %arg11[%get3A_419, %get3A_420] {strides = array<i32>} : memref<128x128xf32, #tpu.memory_space<vmem>>, vector<1x16xf32>,
        %get3A_422 = vector.shape_cast %get3A_421 : vector<1x16xf32> to vector<16xf32>
        %get3A_423 = arith.index_cast %scan3A_208 : i32 to index
        %get3A_424 = arith.constant 112 : index
        %get3A_425 = tpu.vector_load %arg12[%get3A_423, %get3A_424] {strides = array<i32>} : memref<128x128xf32, #tpu.memory_space<vmem>>, vector<1x16xf32>,
        %get3A_426 = vector.shape_cast %get3A_425 : vector<1x16xf32> to vector<16xf32>
        %mul3A_427 = arith.mulf %get3A_422, %get3A_426 : vector<16xf32>
        %swap3A_428 = arith.index_cast %scan3A_208 : i32 to index
        %swap3A_429 = arith.constant 112 : index
        %swap3A_430 = tpu.vector_load %arg11[%swap3A_428, %swap3A_429] {strides = array<i32>} : memref<128x128xf32, #tpu.memory_space<vmem>>, vector<1x16xf32>,
        %swap3A_431 = vector.shape_cast %swap3A_430 : vector<1x16xf32> to vector<16xf32>
        %swap3A_432 = vector.shape_cast %mul3A_427 : vector<16xf32> to vector<1x16xf32>
        tpu.vector_store %arg11[%swap3A_428, %swap3A_429], %swap3A_432 {strides = array<i32>} : memref<128x128xf32, #tpu.memory_space<vmem>>, vector<1x16xf32>,
      }
      %scan3A_207 = arith.constant 128 : i32
      "tpu.region"() ({
        %run_scoped3A = tpu.sem_alloc : memref<!tpu.dma_semaphore, #tpu.memory_space<semaphore_mem>>
        %dma_start3A_208 = arith.constant 0 : i32
        %dma_start3A_209 = arith.constant 0 : i32
        %dma_start3A_210 = tpu.memref_slice %arg14[%dma_start3A_208, %dma_start3A_209] : memref<4096x128xf32, #tpu.memory_space<vmem_shared>> -> memref<4096x128xf32, #tpu.memory_space<vmem_shared>>
        tpu.enqueue_indirect_dma source(%arg10 : memref<128x128xf32, #tpu.memory_space<vmem>>) target(%dma_start3A_210 : memref<4096x128xf32, #tpu.memory_space<vmem_shared>>) offsets(%arg8 : memref<128xi32, #tpu.memory_space<vmem>>) semaphore(%run_scoped3A : memref<!tpu.dma_semaphore, #tpu.memory_space<semaphore_mem>>) {add = true}
        %dma_wait3A_211 = arith.constant 0 : i32
        %dma_wait3A_212 = arith.constant 0 : i32
        %dma_wait3A_213 = tpu.memref_slice %arg14[%dma_wait3A_211, %dma_wait3A_212] : memref<4096x128xf32, #tpu.memory_space<vmem_shared>> -> memref<4096x128xf32, #tpu.memory_space<vmem_shared>>
        tpu.wait_indirect_dma semaphore(%run_scoped3A : memref<!tpu.dma_semaphore, #tpu.memory_space<semaphore_mem>>) src(%arg10 : memref<128x128xf32, #tpu.memory_space<vmem>>) dst(%dma_wait3A_213 : memref<4096x128xf32, #tpu.memory_space<vmem_shared>>)
        tpu.yield
      }) : () -> ()
      "tpu.region"() ({
        %run_scoped3A = tpu.sem_alloc : memref<!tpu.dma_semaphore, #tpu.memory_space<semaphore_mem>>
        %dma_start3A_208 = arith.constant 0 : i32
        %dma_start3A_209 = arith.constant 0 : i32
        %dma_start3A_210 = tpu.memref_slice %arg14[%dma_start3A_208, %dma_start3A_209] : memref<4096x128xf32, #tpu.memory_space<vmem_shared>> -> memref<4096x128xf32, #tpu.memory_space<vmem_shared>>
        tpu.enqueue_indirect_dma source(%arg11 : memref<128x128xf32, #tpu.memory_space<vmem>>) target(%dma_start3A_210 : memref<4096x128xf32, #tpu.memory_space<vmem_shared>>) offsets(%arg9 : memref<128xi32, #tpu.memory_space<vmem>>) semaphore(%run_scoped3A : memref<!tpu.dma_semaphore, #tpu.memory_space<semaphore_mem>>) {add = true}
        %dma_wait3A_211 = arith.constant 0 : i32
        %dma_wait3A_212 = arith.constant 0 : i32
        %dma_wait3A_213 = tpu.memref_slice %arg14[%dma_wait3A_211, %dma_wait3A_212] : memref<4096x128xf32, #tpu.memory_space<vmem_shared>> -> memref<4096x128xf32, #tpu.memory_space<vmem_shared>>
        tpu.wait_indirect_dma semaphore(%run_scoped3A : memref<!tpu.dma_semaphore, #tpu.memory_space<semaphore_mem>>) src(%arg11 : memref<128x128xf32, #tpu.memory_space<vmem>>) dst(%dma_wait3A_213 : memref<4096x128xf32, #tpu.memory_space<vmem_shared>>)
        tpu.yield
      }) : () -> ()
    }
    %barrier3A_46 = arith.constant 0 : index
    tpu.barrier barrier_id(%barrier3A_46)
    %mul3A_47 = arith.constant 256 : i32
    %mul3A_48 = arith.muli %arg1, %mul3A_47 : i32
    %mul3A_49 = arith.constant 256 : i32
    %mul3A_50 = arith.muli %arg1, %mul3A_49 : i32
    "tpu.region"() ({
      %run_scoped3A = tpu.sem_alloc : memref<!tpu.dma_semaphore, #tpu.memory_space<semaphore_mem>>
      %dma_start3A = arith.constant 0 : i32
      %dma_start3A_51 = tpu.memref_slice %arg6[%arg0, %mul3A_50, %dma_start3A] : memref<2x4096x128xf32, #tpu.memory_space<hbm>> -> memref<1x256x128xf32, #tpu.memory_space<hbm>>
      %dma_start3A_52 = tpu.memref_squeeze %dma_start3A_51 : memref<1x256x128xf32, #tpu.memory_space<hbm>> -> memref<256x128xf32, #tpu.memory_space<hbm>>
      %dma_start3A_53 = arith.constant 0 : i32
      %dma_start3A_54 = tpu.memref_slice %arg14[%mul3A_48, %dma_start3A_53] : memref<4096x128xf32, #tpu.memory_space<vmem_shared>> -> memref<256x128xf32, #tpu.memory_space<vmem_shared>>
      tpu.enqueue_dma source(%dma_start3A_54 : memref<256x128xf32, #tpu.memory_space<vmem_shared>>) target(%dma_start3A_52 : memref<256x128xf32, #tpu.memory_space<hbm>>) target_semaphore(%run_scoped3A : memref<!tpu.dma_semaphore, #tpu.memory_space<semaphore_mem>>)
      %dma_wait3A = arith.constant 0 : i32
      %dma_wait3A_55 = tpu.memref_slice %arg6[%arg0, %mul3A_50, %dma_wait3A] : memref<2x4096x128xf32, #tpu.memory_space<hbm>> -> memref<1x256x128xf32, #tpu.memory_space<hbm>>
      %dma_wait3A_56 = tpu.memref_squeeze %dma_wait3A_55 : memref<1x256x128xf32, #tpu.memory_space<hbm>> -> memref<256x128xf32, #tpu.memory_space<hbm>>
      %dma_wait3A_57 = arith.constant 0 : i32
      %dma_wait3A_58 = tpu.memref_slice %arg14[%mul3A_48, %dma_wait3A_57] : memref<4096x128xf32, #tpu.memory_space<vmem_shared>> -> memref<256x128xf32, #tpu.memory_space<vmem_shared>>
      tpu.wait_dma2 semaphore(%run_scoped3A : memref<!tpu.dma_semaphore, #tpu.memory_space<semaphore_mem>>) src(%dma_wait3A_58 : memref<256x128xf32, #tpu.memory_space<vmem_shared>>) dst(%dma_wait3A_56 : memref<256x128xf32, #tpu.memory_space<hbm>>)
      tpu.yield
    }) : () -> ()
    return
  }
}

module attributes {stable_mosaic.version = 14 : i64} {
  func.func @_embed_tc_body(%arg0: memref<4096x1xi32, #tpu.memory_space<vmem>>, %arg1: memref<8x128xf32, #tpu.memory_space<vmem>>, %arg2: memref<128x128xf32, #tpu.memory_space<vmem>>, %arg3: memref<128x128xf32, #tpu.memory_space<vmem>>, %arg4: memref<4096x128xf32, #tpu.memory_space<vmem>>, %arg5: memref<128x128xf32, #tpu.memory_space<vmem>>) attributes {dimension_semantics = [], scalar_prefetch = 0 : i64, scratch_operands = 0 : i64, tpu.core_type = #tpu.core_type<tc>} {
    %get3A = arith.constant 0 : index
    %get3A_0 = arith.constant 0 : index
    %get3A_1 = vector.load %arg0[%get3A, %get3A_0] : memref<4096x1xi32, #tpu.memory_space<vmem>>, vector<4096x1xi32>
    %iota3A = tpu.iota {dimensions = array<i32: 1>} : vector<1x8xi32>
    %eq3A = vector.broadcast %get3A_1 : vector<4096x1xi32> to vector<4096x8xi32>
    %eq3A_2 = vector.broadcast %iota3A : vector<1x8xi32> to vector<4096x8xi32>
    %eq3A_3 = arith.cmpi eq, %eq3A, %eq3A_2 : vector<4096x8xi32>
    %convert_element_type3A = arith.extui %eq3A_3 : vector<4096x8xi1> to vector<4096x8xi32>
    %convert_element_type3A_4 = arith.sitofp %convert_element_type3A : vector<4096x8xi32> to vector<4096x8xf32>
    %get3A_5 = arith.constant 0 : index
    %get3A_6 = arith.constant 0 : index
    %get3A_7 = vector.load %arg1[%get3A_5, %get3A_6] : memref<8x128xf32, #tpu.memory_space<vmem>>, vector<8x128xf32>
    %dot_general3A = arith.constant dense<0.000000e+00> : vector<4096x128xf32>
    %dot_general3A_8 = tpu.matmul %convert_element_type3A_4, %get3A_7, %dot_general3A {dimension_numbers = #tpu.dot_dimension_numbers<[1], [0], [0], [1], [0, 0, 1, 1], [], []>, precision = #tpu.contract_precision<fp32>, transpose_lhs_hint = false} : vector<4096x8xf32>, vector<8x128xf32>, vector<4096x128xf32> -> vector<4096x128xf32>
    %swap3A = arith.constant 0 : index
    %swap3A_9 = arith.constant 0 : index
    %swap3A_10 = vector.load %arg4[%swap3A, %swap3A_9] : memref<4096x128xf32, #tpu.memory_space<vmem>>, vector<4096x128xf32>
    tpu.vector_store %arg4[%swap3A, %swap3A_9], %dot_general3A_8 {strides = array<i32>} : memref<4096x128xf32, #tpu.memory_space<vmem>>, vector<4096x128xf32>,
    %get3A_11 = arith.constant 0 : index
    %get3A_12 = arith.constant 0 : index
    %get3A_13 = vector.load %arg2[%get3A_11, %get3A_12] : memref<128x128xf32, #tpu.memory_space<vmem>>, vector<128x128xf32>
    %get3A_14 = arith.constant 0 : index
    %get3A_15 = arith.constant 0 : index
    %get3A_16 = vector.load %arg3[%get3A_14, %get3A_15] : memref<128x128xf32, #tpu.memory_space<vmem>>, vector<128x128xf32>
    %dot_general3A_17 = arith.constant dense<0.000000e+00> : vector<128x128xf32>
    %dot_general3A_18 = tpu.matmul %get3A_13, %get3A_16, %dot_general3A_17 {dimension_numbers = #tpu.dot_dimension_numbers<[1], [0], [0], [1], [0, 0, 1, 1], [], []>, precision = #tpu.contract_precision<fp32>, transpose_lhs_hint = false} : vector<128x128xf32>, vector<128x128xf32>, vector<128x128xf32> -> vector<128x128xf32>
    %swap3A_19 = arith.constant 0 : index
    %swap3A_20 = arith.constant 0 : index
    %swap3A_21 = vector.load %arg5[%swap3A_19, %swap3A_20] : memref<128x128xf32, #tpu.memory_space<vmem>>, vector<128x128xf32>
    tpu.vector_store %arg5[%swap3A_19, %swap3A_20], %dot_general3A_18 {strides = array<i32>} : memref<128x128xf32, #tpu.memory_space<vmem>>, vector<128x128xf32>,
    return
  }
}

module attributes {stable_mosaic.version = 14 : i64} {
  func.func @_filt_tc_body(%arg0: i32, %arg1: memref<2048x1xf32, #tpu.memory_space<vmem>>, %arg2: memref<2048x1xi32, #tpu.memory_space<vmem>>, %arg3: memref<64x128xf32, #tpu.memory_space<vmem>>, %arg4: memref<2048x128xf32, #tpu.memory_space<vmem>>) attributes {dimension_semantics = [#tpu.dimension_semantics<arbitrary>], iteration_bounds = array<i64: 64>, scalar_prefetch = 0 : i64, scratch_operands = 0 : i64, tpu.core_type = #tpu.core_type<tc>, window_params = [{transform_indices = @transform_0, window_bounds = array<i64: 2048, 1>}, {transform_indices = @transform_1, window_bounds = array<i64: 2048, 1>}, {pipeline_mode = #tpu.pipeline_mode<synchronous>, transform_indices = @transform_2, window_bounds = array<i64: 64, 128>}, {transform_indices = @transform_3, window_bounds = array<i64: 2048, 128>}]} {
    %get3A = arith.constant 0 : index
    %get3A_0 = arith.constant 0 : index
    %get3A_1 = vector.load %arg1[%get3A, %get3A_0] : memref<2048x1xf32, #tpu.memory_space<vmem>>, vector<2048x1xf32>
    %add3A = arith.constant 9.99999996E-13 : f32
    %add3A_2 = vector.broadcast %add3A : f32 to vector<2048x1xf32>
    %add3A_3 = arith.addf %get3A_1, %add3A_2 : vector<2048x1xf32>
    %sqrt3A = math.sqrt %add3A_3 : vector<2048x1xf32>
    %iota3A = tpu.iota {dimensions = array<i32: 1>} : vector<1x64xi32>
    %convert_element_type3A = arith.sitofp %iota3A : vector<1x64xi32> to vector<1x64xf32>
    %mul3A = arith.constant 0.00190476188 : f32
    %mul3A_4 = vector.broadcast %mul3A : f32 to vector<1x64xf32>
    %mul3A_5 = arith.mulf %mul3A_4, %convert_element_type3A : vector<1x64xf32>
    %sub3A = vector.broadcast %sqrt3A : vector<2048x1xf32> to vector<2048x64xf32>
    %sub3A_6 = vector.broadcast %mul3A_5 : vector<1x64xf32> to vector<2048x64xf32>
    %sub3A_7 = arith.subf %sub3A, %sub3A_6 : vector<2048x64xf32>
    %integer_pow3A = arith.mulf %sub3A_7, %sub3A_7 : vector<2048x64xf32>
    %mul3A_8 = arith.constant -142222.219 : f32
    %mul3A_9 = vector.broadcast %mul3A_8 : f32 to vector<2048x64xf32>
    %mul3A_10 = arith.mulf %mul3A_9, %integer_pow3A : vector<2048x64xf32>
    %exp3A = math.exp %mul3A_10 : vector<2048x64xf32>
    %get3A_11 = arith.constant 0 : index
    %get3A_12 = arith.constant 0 : index
    %get3A_13 = vector.load %arg2[%get3A_11, %get3A_12] : memref<2048x1xi32, #tpu.memory_space<vmem>>, vector<2048x1xi32>
    %ne3A = arith.constant 0 : i32
    %ne3A_14 = vector.broadcast %ne3A : i32 to vector<2048x1xi32>
    %ne3A_15 = arith.cmpi ne, %get3A_13, %ne3A_14 : vector<2048x1xi32>
    %convert_element_type3A_16 = arith.extui %ne3A_15 : vector<2048x1xi1> to vector<2048x1xi32>
    %convert_element_type3A_17 = arith.sitofp %convert_element_type3A_16 : vector<2048x1xi32> to vector<2048x1xf32>
    %get3A_18 = arith.constant 0 : index
    %get3A_19 = arith.constant 0 : index
    %get3A_20 = vector.load %arg3[%get3A_18, %get3A_19] : memref<64x128xf32, #tpu.memory_space<vmem>>, vector<64x128xf32>
    %dot_general3A = arith.constant dense<0.000000e+00> : vector<2048x128xf32>
    %dot_general3A_21 = tpu.matmul %exp3A, %get3A_20, %dot_general3A {dimension_numbers = #tpu.dot_dimension_numbers<[1], [0], [0], [1], [0, 0, 1, 1], [], []>, precision = #tpu.contract_precision<fp32>, transpose_lhs_hint = false} : vector<2048x64xf32>, vector<64x128xf32>, vector<2048x128xf32> -> vector<2048x128xf32>
    %mul3A_22 = vector.broadcast %convert_element_type3A_17 : vector<2048x1xf32> to vector<2048x128xf32>
    %mul3A_23 = arith.mulf %dot_general3A_21, %mul3A_22 : vector<2048x128xf32>
    %swap3A = arith.constant 0 : index
    %swap3A_24 = arith.constant 0 : index
    %swap3A_25 = vector.load %arg4[%swap3A, %swap3A_24] : memref<2048x128xf32, #tpu.memory_space<vmem>>, vector<2048x128xf32>
    tpu.vector_store %arg4[%swap3A, %swap3A_24], %mul3A_23 {strides = array<i32>} : memref<2048x128xf32, #tpu.memory_space<vmem>>, vector<2048x128xf32>,
    return
  }
  func.func @transform_0(%arg0: i32) -> (i32, i32) {
    %c0_i32 = arith.constant 0 : i32
    %c0_i32_0 = arith.constant 0 : i32
    return %arg0, %c0_i32 : i32, i32
  }
  func.func @transform_1(%arg0: i32) -> (i32, i32) {
    %c0_i32 = arith.constant 0 : i32
    %c0_i32_0 = arith.constant 0 : i32
    return %arg0, %c0_i32 : i32, i32
  }
  func.func @transform_2(%arg0: i32) -> (i32, i32) {
    %c0_i32 = arith.constant 0 : i32
    %c0_i32_0 = arith.constant 0 : i32
    %c0_i32_1 = arith.constant 0 : i32
    return %c0_i32, %c0_i32_0 : i32, i32
  }
  func.func @transform_3(%arg0: i32) -> (i32, i32) {
    %c0_i32 = arith.constant 0 : i32
    %c0_i32_0 = arith.constant 0 : i32
    return %arg0, %c0_i32 : i32, i32
  }
}

module attributes {stable_mosaic.version = 14 : i64} {
  func.func @_update_tc_body(%arg0: i32, %arg1: memref<512x128xf32, #tpu.memory_space<vmem>>, %arg2: memref<512x128xf32, #tpu.memory_space<vmem>>, %arg3: memref<512x128xf32, #tpu.memory_space<vmem>>, %arg4: memref<128x128xf32, #tpu.memory_space<vmem>>, %arg5: memref<512x128xf32, #tpu.memory_space<vmem>>) attributes {dimension_semantics = [#tpu.dimension_semantics<arbitrary>], iteration_bounds = array<i64: 8>, scalar_prefetch = 0 : i64, scratch_operands = 0 : i64, tpu.core_type = #tpu.core_type<tc>, window_params = [{transform_indices = @transform_0, window_bounds = array<i64: 512, 128>}, {transform_indices = @transform_1, window_bounds = array<i64: 512, 128>}, {transform_indices = @transform_2, window_bounds = array<i64: 512, 128>}, {pipeline_mode = #tpu.pipeline_mode<synchronous>, transform_indices = @transform_3, window_bounds = array<i64: 128, 128>}, {transform_indices = @transform_4, window_bounds = array<i64: 512, 128>}]} {
    %get3A = arith.constant 0 : index
    %get3A_0 = arith.constant 0 : index
    %get3A_1 = vector.load %arg1[%get3A, %get3A_0] : memref<512x128xf32, #tpu.memory_space<vmem>>, vector<512x128xf32>
    %get3A_2 = arith.constant 0 : index
    %get3A_3 = arith.constant 0 : index
    %get3A_4 = vector.load %arg2[%get3A_2, %get3A_3] : memref<512x128xf32, #tpu.memory_space<vmem>>, vector<512x128xf32>
    %add3A = arith.addf %get3A_1, %get3A_4 : vector<512x128xf32>
    %get3A_5 = arith.constant 0 : index
    %get3A_6 = arith.constant 0 : index
    %get3A_7 = vector.load %arg4[%get3A_5, %get3A_6] : memref<128x128xf32, #tpu.memory_space<vmem>>, vector<128x128xf32>
    %dot_general3A = arith.constant dense<0.000000e+00> : vector<512x128xf32>
    %dot_general3A_8 = tpu.matmul %add3A, %get3A_7, %dot_general3A {dimension_numbers = #tpu.dot_dimension_numbers<[1], [0], [0], [1], [0, 0, 1, 1], [], []>, precision = #tpu.contract_precision<fp32>, transpose_lhs_hint = false} : vector<512x128xf32>, vector<128x128xf32>, vector<512x128xf32> -> vector<512x128xf32>
    %get3A_9 = arith.constant 0 : index
    %get3A_10 = arith.constant 0 : index
    %get3A_11 = vector.load %arg3[%get3A_9, %get3A_10] : memref<512x128xf32, #tpu.memory_space<vmem>>, vector<512x128xf32>
    %logistic3A = arith.negf %dot_general3A_8 : vector<512x128xf32>
    %logistic3A_12 = math.exp %logistic3A : vector<512x128xf32>
    %logistic3A_13 = arith.constant 1.000000e+00 : f32
    %logistic3A_14 = vector.broadcast %logistic3A_13 : f32 to vector<512x128xf32>
    %logistic3A_15 = arith.addf %logistic3A_14, %logistic3A_12 : vector<512x128xf32>
    %logistic3A_16 = arith.divf %logistic3A_14, %logistic3A_15 : vector<512x128xf32>
    %mul3A = arith.mulf %dot_general3A_8, %logistic3A_16 : vector<512x128xf32>
    %add3A_17 = arith.addf %get3A_11, %mul3A : vector<512x128xf32>
    %swap3A = arith.constant 0 : index
    %swap3A_18 = arith.constant 0 : index
    %swap3A_19 = vector.load %arg5[%swap3A, %swap3A_18] : memref<512x128xf32, #tpu.memory_space<vmem>>, vector<512x128xf32>
    tpu.vector_store %arg5[%swap3A, %swap3A_18], %add3A_17 {strides = array<i32>} : memref<512x128xf32, #tpu.memory_space<vmem>>, vector<512x128xf32>,
    return
  }
  func.func @transform_0(%arg0: i32) -> (i32, i32) {
    %c0_i32 = arith.constant 0 : i32
    %c0_i32_0 = arith.constant 0 : i32
    return %arg0, %c0_i32 : i32, i32
  }
  func.func @transform_1(%arg0: i32) -> (i32, i32) {
    %c0_i32 = arith.constant 0 : i32
    %c0_i32_0 = arith.constant 0 : i32
    return %arg0, %c0_i32 : i32, i32
  }
  func.func @transform_2(%arg0: i32) -> (i32, i32) {
    %c0_i32 = arith.constant 0 : i32
    %c0_i32_0 = arith.constant 0 : i32
    return %arg0, %c0_i32 : i32, i32
  }
  func.func @transform_3(%arg0: i32) -> (i32, i32) {
    %c0_i32 = arith.constant 0 : i32
    %c0_i32_0 = arith.constant 0 : i32
    %c0_i32_1 = arith.constant 0 : i32
    return %c0_i32, %c0_i32_0 : i32, i32
  }
  func.func @transform_4(%arg0: i32) -> (i32, i32) {
    %c0_i32 = arith.constant 0 : i32
    %c0_i32_0 = arith.constant 0 : i32
    return %arg0, %c0_i32 : i32, i32
  }
}

module attributes {stable_mosaic.version = 14 : i64} {
  func.func @_energy_tc_body(%arg0: i32, %arg1: memref<512x128xf32, #tpu.memory_space<vmem>>, %arg2: memref<128x1xf32, #tpu.memory_space<vmem>>, %arg3: memref<1x1x1xf32, #tpu.memory_space<vmem>>) attributes {dimension_semantics = [#tpu.dimension_semantics<arbitrary>], iteration_bounds = array<i64: 8>, scalar_prefetch = 0 : i64, scratch_operands = 0 : i64, tpu.core_type = #tpu.core_type<tc>, window_params = [{transform_indices = @transform_0, window_bounds = array<i64: 512, 128>}, {pipeline_mode = #tpu.pipeline_mode<synchronous>, transform_indices = @transform_1, window_bounds = array<i64: 128, 1>}, {transform_indices = @transform_2, window_bounds = array<i64: 1, 1, 1>}]} {
    %get3A = arith.constant 0 : index
    %get3A_0 = arith.constant 0 : index
    %get3A_1 = vector.load %arg1[%get3A, %get3A_0] : memref<512x128xf32, #tpu.memory_space<vmem>>, vector<512x128xf32>
    %logistic3A = arith.negf %get3A_1 : vector<512x128xf32>
    %logistic3A_2 = math.exp %logistic3A : vector<512x128xf32>
    %logistic3A_3 = arith.constant 1.000000e+00 : f32
    %logistic3A_4 = vector.broadcast %logistic3A_3 : f32 to vector<512x128xf32>
    %logistic3A_5 = arith.addf %logistic3A_4, %logistic3A_2 : vector<512x128xf32>
    %logistic3A_6 = arith.divf %logistic3A_4, %logistic3A_5 : vector<512x128xf32>
    %mul3A = arith.mulf %get3A_1, %logistic3A_6 : vector<512x128xf32>
    %get3A_7 = arith.constant 0 : index
    %get3A_8 = arith.constant 0 : index
    %get3A_9 = vector.load %arg2[%get3A_7, %get3A_8] : memref<128x1xf32, #tpu.memory_space<vmem>>, vector<128x1xf32>
    %dot_general3A = arith.constant dense<0.000000e+00> : vector<512x1xf32>
    %dot_general3A_10 = tpu.matmul %mul3A, %get3A_9, %dot_general3A {dimension_numbers = #tpu.dot_dimension_numbers<[1], [0], [0], [1], [0, 0, 1, 1], [], []>, precision = #tpu.contract_precision<fp32>, transpose_lhs_hint = false} : vector<512x128xf32>, vector<128x1xf32>, vector<512x1xf32> -> vector<512x1xf32>
    %reduce_sum3A = vector.shape_cast %dot_general3A_10 : vector<512x1xf32> to vector<1x512x1xf32>
    %reduce_sum3A_11 = arith.constant dense<0.000000e+00> : vector<1xf32>
    %reduce_sum3A_12 = vector.multi_reduction <add>, %reduce_sum3A, %reduce_sum3A_11 [1, 2] : vector<1x512x1xf32> to vector<1xf32>
    %reduce_sum3A_13 = vector.shape_cast %reduce_sum3A_12 : vector<1xf32> to vector<1x1x1xf32>
    %reduce_sum3A_14 = vector.extract %reduce_sum3A_13[0, 0, 0] : f32 from vector<1x1x1xf32>
    %reshape3A = vector.broadcast %reduce_sum3A_14 : f32 to vector<1x1x1xf32>
    %swap3A = arith.constant 0 : index
    %swap3A_15 = arith.constant 0 : index
    %swap3A_16 = arith.constant 0 : index
    %swap3A_17 = vector.load %arg3[%swap3A, %swap3A_15, %swap3A_16] : memref<1x1x1xf32, #tpu.memory_space<vmem>>, vector<1x1x1xf32>
    tpu.vector_store %arg3[%swap3A, %swap3A_15, %swap3A_16], %reshape3A {strides = array<i32>} : memref<1x1x1xf32, #tpu.memory_space<vmem>>, vector<1x1x1xf32>,
    return
  }
  func.func @transform_0(%arg0: i32) -> (i32, i32) {
    %c0_i32 = arith.constant 0 : i32
    %c0_i32_0 = arith.constant 0 : i32
    return %arg0, %c0_i32 : i32, i32
  }
  func.func @transform_1(%arg0: i32) -> (i32, i32) {
    %c0_i32 = arith.constant 0 : i32
    %c0_i32_0 = arith.constant 0 : i32
    %c0_i32_1 = arith.constant 0 : i32
    return %c0_i32, %c0_i32_0 : i32, i32
  }
  func.func @transform_2(%arg0: i32) -> (i32, i32, i32) {
    %c0_i32 = arith.constant 0 : i32
    %c0_i32_0 = arith.constant 0 : i32
    %c0_i32_1 = arith.constant 0 : i32
    return %arg0, %c0_i32, %c0_i32_0 : i32, i32, i32
  }
}

</mosaic_0001>

<sc_bundles>
// kernel: kernel.10.cloned.1.call-start
scs
__scs_entry_jumppad:
0x0: {  	(pc) =	sbr.rel $0x88, $3  }
0x1: {  	(tag) =	ssettag $0x0;
	lr =	simm.s32 $0x1  }
0x2: {  	[smem:$0x3F9A] =	sst lr;
	_ =	strace $0xD0000000  }
0x3: {  	_ = 	snop  }
0x4: {  	_ = 	snop  }
0x5: {  	_ = 	snop  }
0x6: {  	_ = 	snop  }
0x7: {  	_ = 	snop  }
__scs_overlays_trampoline_lowered:
0x8: {  	[smem:$0x3FA9] =	sst s0  }
0x9: {  	[smem:$0x3FAA] =	sst s1  }
0xa: {  	[smem:$0x3FAB] =	sst s2  }
0xb: {  	[smem:$0x3FAC] =	sst s3  }
0xc: {  	[smem:$0x3FAD] =	sst s4  }
0xd: {  	[smem:$0x3FAE] =	sst s5  }
0xe: {  	[smem:$0x3FAF] =	sst s6  }
0xf: {  	[smem:$0x3FB0] =	sst s7  }
0x10: {  	[smem:$0x3FB1] =	sst s8  }
0x11: {  	[smem:$0x3FB2] =	sst s9;
	s0 =	simm.s32 @!p0 $0x0  }
0x12: {  	s1 =	sld [smem:$0x3F98];
	s0 =	simm.s32 @p0 $0x1  }
0x13: {  	[smem:$0x3FB3] =	sst s0;
	s0 =	simm.s32 @!p1 $0x0  }
0x14: {  	s2 =	sld [smem:$0x3F97];
	s0 =	simm.s32 @p1 $0x1  }
0x15: {  	[smem:$0x3FB4] =	sst s0;
	s0 =	simm.s32 @!p2 $0x0  }
0x16: {  	s3 =	sld [smem:$0x3FDB];
	s0 =	simm.s32 @p2 $0x1  }
0x17: {  	s4 =	simm.s32 $0x1BF5;
	[smem:$0x3FB6] =	sst s0  }
0x18: {  	s0 =	sld [smem:$0x3F99];
	_ =	swait.ge [sflag:s4], $0x0  }
0x19: {  	s7 =	sld [smem:$0x3F9A]  }
0x1a: {  	s8 =	sadd.s32 $0xFFFFE003, lr  }
0x1b: {  	s9 =	sadd.s32 $0xFFFFFEF7, lr;
	s5 =	simm.s32 $0xFFFFFFFF;
	p2 =	slt.u32 s8, $0xFFFFF086  }
0x1c: {  	p1 =	slt.u32 s9, $0xF7A;
	s5 =	simm.s32 @!p2 $0x0  }
0x1d: {  	s5 =	simm.s32 @p1 $0x1;
	p0 =	seq.s32 s7, s2  }
0x1e: {  	s7 =	smul.u32 @!p0 $0xF7A, s2;
	p2 =	seq.s32 @!p0 s5, $0x0  }
0x1f: {  	s9 =	smul.u32 $0xF7A, s1;
	s8 =	simm.s32 @!p0 $0x1BF5;
	p2 =	por !p2, p0  }
0x20: {  	[sflag:s8] =	ssyncset.s32 @!p0 $0xFFFFF086;
	s6 =	sadd.s32 @!p0 s3, s7;
	s7 =	simm.s32 @!p0 $0x108  }
0x21: {  	s3 =	sadd.s32 s3, s9;
	s6 =	sadd.s32 @!p0 $0x88, s6;
	s7 =	simm.s32 @p2 $0x1082  }
0x22: {  	[simem:s7], [sflag:s8] =	dma.local @!p0 [hbm:s6], $0xF7A  }
0x23: {  	s9 =	sor.u32 $0xD0000000, s2;
	s6 =	simm.s32 $0x108;
	_ =	swait.ge @!p0 [sflag:s8], $0x0  }
0x24: {  	s3 =	sadd.s32 $0x88, s3;
	s6 =	simm.s32 @!p1 $0x1082;
	[sflag:s4] =	ssyncset.s32 $0xFFFFF086  }
0x25: {  	[simem:s6], [sflag:s4] =	dma.local [hbm:s3], $0xF7A  }
0x26: {  	[smem:$0x3F9A] =	sst s1;
	(tag) =	ssettag s2;
	_ =	strace s9  }
0x27: {  	s1 =	sld [smem:$0x3FAA]  }
0x28: {  	s2 =	sld [smem:$0x3FAB]  }
0x29: {  	s4 =	sld [smem:$0x3FAD]  }
0x2a: {  	p0 =	seq.s32 s5, $0x0;
	s5 =	sld [smem:$0x3FAE]  }
0x2b: {  	s6 =	sld [smem:$0x3FAF]  }
0x2c: {  	s7 =	sld [smem:$0x3FB0]  }
0x2d: {  	s3 =	simm.s32 $0x108;
	s8 =	sld [smem:$0x3FB1]  }
0x2e: {  	s3 =	simm.s32 @!p0 $0x1082;
	s9 =	sld [smem:$0x3FB2]  }
0x2f: {  	lr =	sadd.s32 s0, s3;
	s0 =	sld [smem:$0x3FA9]  }
0x30: {  	s3 =	sld [smem:$0x3FAC]  }
0x31: {  	[smem:$0x3FB5] =	sst s10  }
0x32: {  	s10 =	sld [smem:$0x3FB3];
	_ =	sdelay $0x3  }
0x33: {  	p0 =	seq.s32 s10, $0x1;
	s10 =	sld [smem:$0x3FB5];
	_ =	sdelay $0x3  }
0x34: {  	[smem:$0x3FB5] =	sst s10  }
0x35: {  	s10 =	sld [smem:$0x3FB4];
	_ =	sdelay $0x3  }
0x36: {  	p1 =	seq.s32 s10, $0x1;
	s10 =	sld [smem:$0x3FB5];
	_ =	sdelay $0x3  }
0x37: {  	[smem:$0x3FB5] =	sst s10  }
0x38: {  	s10 =	sld [smem:$0x3FB6]  }
0x39: {  	_ = 	snop;
	(pc) =	sbr.ind lr, $3  }
0x3a: {  	_ = 	snop  }
0x3b: {  	_ = 	snop  }
0x3c: {  	p2 =	seq.s32 s10, $0x1;
	s10 =	sld [smem:$0x3FB5]  }
0x3d: {  	_ =	shalt  }
0x3e: {  	_ =	shalt  }
0x3f: {  	_ =	shalt  }
0x40: {  	_ =	shalt  }
0x41: {  	_ =	shalt  }
0x42: {  	_ =	shalt  }
0x43: {  	_ =	shalt  }
0x44: {  	_ =	shalt  }
0x45: {  	_ =	shalt  }
0x46: {  	_ =	shalt  }
0x47: {  	_ =	shalt  }
0x48: {  	_ =	shalt  }
0x49: {  	_ =	shalt  }
0x4a: {  	_ =	shalt  }
0x4b: {  	_ =	shalt  }
0x4c: {  	_ =	shalt  }
0x4d: {  	_ =	shalt  }
0x4e: {  	_ =	shalt  }
0x4f: {  	_ =	shalt  }
0x50: {  	_ =	shalt  }
0x51: {  	_ =	shalt  }
0x52: {  	_ =	shalt  }
0x53: {  	_ =	shalt  }
0x54: {  	_ =	shalt  }
0x55: {  	_ =	shalt  }
0x56: {  	_ =	shalt  }
0x57: {  	_ =	shalt  }
0x58: {  	_ =	shalt  }
0x59: {  	_ =	shalt  }
0x5a: {  	_ =	shalt  }
0x5b: {  	_ =	shalt  }
0x5c: {  	_ =	shalt  }
0x5d: {  	_ =	shalt  }
0x5e: {  	_ =	shalt  }
0x5f: {  	_ =	shalt  }
0x60: {  	_ =	shalt  }
0x61: {  	_ =	shalt  }
0x62: {  	_ =	shalt  }
0x63: {  	_ =	shalt  }
0x64: {  	_ =	shalt  }
0x65: {  	_ =	shalt  }
0x66: {  	_ =	shalt  }
0x67: {  	_ =	shalt  }
0x68: {  	_ =	shalt  }
0x69: {  	_ =	shalt  }
0x6a: {  	_ =	shalt  }
0x6b: {  	_ =	shalt  }
0x6c: {  	_ =	shalt  }
0x6d: {  	_ =	shalt  }
0x6e: {  	_ =	shalt  }
0x6f: {  	_ =	shalt  }
0x70: {  	_ =	shalt  }
0x71: {  	_ =	shalt  }
0x72: {  	_ =	shalt  }
0x73: {  	_ =	shalt  }
0x74: {  	_ =	shalt  }
0x75: {  	_ =	shalt  }
0x76: {  	_ =	shalt  }
0x77: {  	_ =	shalt  }
0x78: {  	_ =	shalt  }
0x79: {  	_ =	shalt  }
0x7a: {  	_ =	shalt  }
0x7b: {  	_ =	shalt  }
0x7c: {  	_ =	shalt  }
0x7d: {  	_ =	shalt  }
0x7e: {  	_ =	shalt  }
0x7f: {  	_ =	shalt  }
0x80: {  	_ =	shalt  }
0x81: {  	_ =	shalt  }
0x82: {  	_ =	shalt  }
0x83: {  	_ =	shalt  }
0x84: {  	_ =	shalt  }
0x85: {  	_ =	shalt  }
0x86: {  	_ =	shalt  }
0x87: {  	_ =	shalt  }
.Lfunc_end0:
.L_simem_size_0:
called_computation_lowered:
.L_overlay_start_0:
0x88: {  	s2 =	sld [smem:$0x3FD9]  }
0x89: {  	s3 =	sld [smem:$0x3FFE];
	_ =	sdelay $0x1  }
0x8a: {  	s1 =	srdreg.scid  }
0x8b: {  	s0 =	sand.u32 $0x1, s1  }
0x8c: {  	s16 =	sshll.u32 s0, $0xA;
	s2 =	sadd.s32 s3, s2  }
0x8d: {  	s2 =	sadd.s32 s2, s16  }
0x8e: {  	[smem:$0x3FC1] =	sst s2  }
0x8f: {  	_ = 	snop  }
0x90: {  	(tm) =	ssettm $0x1  }
0x91: {  	s17 =	sld [smem:$0x3FFB];
	_ =	sdelay $0x3  }
0x92: {  	_ =	strace s17  }
0x93: {  	s2 =	sld [smem:$0x3FFC];
	_ =	sdelay $0x3  }
0x94: {  	_ =	strace s2  }
0x95: {  	s2 =	sld [smem:$0x3FFD];
	_ =	sdelay $0x3  }
0x96: {  	_ =	strace s2  }
0x97: {  	_ =	strace $0x8FFFFFFF  }
0x98: {  	s18 =	sld [smem:$0x3FDB];
	_ =	sdelay $0x1  }
0x99: {  	s19 =	simm.s32 $_scs_section_size  }
0x9a: {  	s4 =	simm.s32 $_size__tile_overlayer_lowered;
	s5 =	simm.s32 $_tile_overlayer_lowered  }
0x9b: {  	s22 =	simm.s32 $0x1BFF;
	s21 =	sshll.u32 s5, $0x1;
	s2 =	sadd.s32 s19, s18  }
0x9c: {  	s6 =	simm.s32 $0x0;
	s20 =	sshll.u32 s4, $0x1;
	s4 =	sadd.s32 s21, s2  }
0x9d: {  	[timem:s6], [sflag:s22] =	dma.local [hbm:s4], s20  }
0x9e: {  	_ =	swait.ge [sflag:s22], s20  }
0x9f: {  	s3 =	ssub.s32 $0x0, s20;
	[sflag:s22] =	ssyncset.done $0x0  }
0xa0: {  	[sflag:s22] =	ssyncadd.s32 s3;
	_ =	sdelay $0x1  }
0xa1: {  	s23 =	simm.s32 $0x1B8B  }
0xa2: {  	_ =	swait.ge [sflag:s23], $0x1  }
0xa3: {  	[sflag:s23] =	ssyncset.done $0x0  }
0xa4: {  	s25 =	simm.s32 $0x1B8E;
	s24 =	sld [smem:$0x3FFE];
	[sflag:s23] =	ssyncadd.s32 $0xFFFFFFFF  }
0xa5: {  	s26 =	simm.s32 $execute0_lowered;
	[smem:$0x3FD2] =	sst s25  }
0xa6: {  	s4 =	sshll.u32 s26, $0x1;
	_ =	strace $0x80000046;
	[dreg:$0x1] =	wrdreg $0xFFFFFFFF  }
0xa7: {  	s28 =	simm.s32 $_size_execute0_lowered;
	s2 =	sadd.s32 s2, s4;
	[dreg:$0x0] =	wrdreg $0x0  }
0xa8: {  	s4 =	sshll.u32 s28, $0x1;
	[dreg:$0x2] =	wrdreg s2  }
0xa9: {  	[dreg:$0x3] =	wrdreg s4  }
0xaa: {  	[dreg:$0x4] =	wrdreg $0xC0  }
0xab: {  	_ =	task [dreg:s6], $0x5FFFF  }
0xac: {  	[dreg:$0x1] =	wrdreg $0xFFFFFFFF  }
0xad: {  	[dreg:$0x0] =	wrdreg $0x60  }
0xae: {  	[dreg:$0x2] =	wrdreg s24  }
0xaf: {  	[dreg:$0x3] =	wrdreg $0x110000  }
0xb0: {  	[dreg:$0x4] =	wrdreg $0x120080  }
0xb1: {  	[dreg:$0x5] =	wrdreg $0x9  }
0xb2: {  	_ =	task.clear_ibuf [dreg:s6], $0x6FFFF;
	_ =	strace $0x90000046  }
0xb3: {  	s29 =	simm.s32 $0x9;
	_ =	strace $0x80000048  }
0xb4: {  	_ =	swait.ge [sflag:s29], $0x1  }
0xb5: {  	[sflag:s29] =	ssyncadd.s32 $0xFFFFFFFF  }
0xb6: {  	_ =	strace $0x90000048  }
0xb7: {  	_ =	sfence  }
0xb8: {  	s30 =	sld [smem:$0x0];
	_ =	sdelay $0x2  }
0xb9: {  	s31 =	sshll.u32 s1, $0xD;
	s1 =	sshrl.u32 s1, $0x2  }
0xba: {  	s3 =	sand.u32 $0x4000, s31;
	s1 =	sadd.s32 s1, s30  }
0xbb: {  	s0 =	sor.u32 s3, s0;
	s1 =	sshll.u32 s1, $0x11  }
0xbc: {  	s0 =	sor.u32 s1, s0  }
0xbd: {  	s0 =	sadd.s32 $0x8F2B, s0  }
0xbe: {  	[sflag:s0] =	ssyncadd.remote.s32 $0x1  }
0xbf: {  	_ =	sfence.sel $0xFFFF  }
0xc0: {  	[dreg:$0x0] =	wrdreg $0xFFFFFFFF;
	(pc) =	sbr.abs _section_cstart, $3  }
0xc1: {  	[dreg:$0x1] =	wrdreg $0xFFFFFFFF  }
0xc2: {  	_ =	task.clear_ibuf [dreg:s6], $0x2FFFF;
	_ =	strace $0x9FFFFFFF  }
0xc3: {  	(tm) =	ssettm $0x7FFFFFFF  }
tec
execute0_lowered:
.L_overlay_start_1:
0x0: {  	(tag) =	ssettag $0x1  }
0x1: {  	s0 =	rddreg [dreg:$0x0]  }
0x2: {  	s1 =	rddreg [dreg:$0x1]  }
0x3: {  	s3 =	rddreg [dreg:$0x2];
	s4 =	simm.s32 $0x0;
	s2 =	srdreg.scid  }
0x4: {  	s14 =	stileid.u32;
	[smem:$0x7FF] =	sst s4;
	s2 =	sand.u32 $0x1, s2  }
0x5: {  	s5 =	sshll.u32 s14, $0x1;
	s6 =	sadd.s32 $0x3600, s0;
	s7 =	sadd.s32 $0x3800, s0  }
0x6: {  	s15 =	sshll.u32 s14, $0x8;
	s17 =	sshll.u32 s14, $0xA;
	_ =	strace $0x80000047  }
0x7: {  	s8 =	sor.u32 s2, s5;
	s5 =	sadd.s32 $0x3400, s0;
	s10 =	ssub.s32 $0x2, s2  }
0x8: {  	s16 =	sshll.u32 s2, $0x7;
	s2 =	sshll.u32 s2, $0x9;
	s9 =	sshll.u32 s8, $0xB  }
0x9: {  	s11 =	sshll.u32 s8, $0x9;
	s12 =	sshll.u32 s8, $0x4;
	s13 =	sshrl.u32 s10, $0x1  }
0xa: {  	s8 =	sshll.u32 s8, $0x7;
	s2 =	sor.u32 s2, s17;
	s9 =	sadd.s32 s9, s0  }
0xb: {  	s11 =	sadd.s32 s11, s0;
	s0 =	sadd.s32 s12, s0;
	s10 =	ssub.s32 s10, s13  }
0xc: {  	s12 =	sshll.u32 s14, $0xC;
	s14 =	simm.s32 $0x10A80;
	s21 =	sadd.s32 $0x3A00, s9  }
0xd: {  	s22 =	sadd.s32 $0x13A00, s9;
	s9 =	sadd.s32 $0x23A00, s9;
	[dreg:$0x4] =	wrdreg s21  }
0xe: {  	s0 =	sadd.s32 $0x3BA00, s0;
	s23 =	sadd.s32 $0x37A00, s11;
	[dreg:$0x5] =	wrdreg s22  }
0xf: {  	s24 =	sadd.s32 $0x33A00, s11;
	s25 =	sor.u32 $0x200, s12;
	[dreg:$0x6] =	wrdreg s9  }
0x10: {  	s26 =	smax.u32 s10, $0x1;
	s31 =	sor.u32 $0x400, s12;
	[dreg:$0x7] =	wrdreg s0  }
0x11: {  	s13 =	sor.u32 $0x600, s12;
	s19 =	sor.u32 $0x800, s12;
	[dreg:$0x8] =	wrdreg s23  }
0x12: {  	s28 =	sadd.s32 s12, s1;
	s29 =	sadd.s32 s12, s3;
	[dreg:$0x9] =	wrdreg s24  }
0x13: {  	[dreg:$0xa] =	wrdreg s26;
	s30 =	sadd.s32 s25, s1;
	s0 =	sadd.s32 s25, s3  }
0x14: {  	s10 =	sadd.s32 s31, s1;
	s11 =	sadd.s32 s31, s3;
	[dreg:$0xb] =	wrdreg s30  }
0x15: {  	s9 =	sor.u32 s16, s15;
	s18 =	sadd.s32 s13, s1;
	[dreg:$0xc] =	wrdreg s0  }
0x16: {  	s20 =	sadd.s32 s19, s1;
	s21 =	sor.u32 $0xA00, s12;
	[dreg:$0xd] =	wrdreg s10  }
0x17: {  	s26 =	sadd.s32 $0xFFFFFFFF, s12;
	s23 =	sor.u32 $0xC00, s12;
	[dreg:$0xe] =	wrdreg s11  }
0x18: {  	s24 =	sor.u32 $0xE00, s12;
	s15 =	simm.s32 $0x10C80;
	[dreg:$0xf] =	wrdreg s18  }
0x19: {  	s16 =	simm.s32 $0x0;
	s0 =	sadd.s32 s13, s3;
	[dreg:$0x11] =	wrdreg s20  }
0x1a: {  	s10 =	sadd.s32 s19, s3;
	s22 =	sadd.s32 s21, s1;
	[dreg:$0x10] =	wrdreg s0  }
0x1b: {  	s25 =	sadd.s32 s23, s1;
	s30 =	sor.u32 $0x44, s2;
	[dreg:$0x12] =	wrdreg s10  }
.Ltmp0:
0x1c: {  	s31 =	sadd.s32 s24, s1;
	[dreg:$0x13] =	wrdreg s22;
	(pc) =	sbr.rel .LBB2_1-.Ltmp0, $4  }
0x1d: {  	s2 =	sadd.s32 s24, s3;
	s13 =	simm.s32 $0x3;
	[dreg:$0x15] =	wrdreg s25  }
0x1e: {  	s0 =	sadd.s32 s21, s3;
	[dreg:$0x17] =	wrdreg s31;
	s17 =	sshrl.u32 s30, $0x2  }
0x1f: {  	[dreg:$0x14] =	wrdreg s0;
	s0 =	sadd.s32 s23, s3;
	s23 =	sor.u32 $0x11, s9  }
0x20: {  	v0 =	vimm.s32 $0x0;
	v1 =	vimm.f32 $0.0e+00;
	v2 =	vlaneseq.u32;
	s19 =	sadd.s32 $0x3100, s17;
	s18 =	sadd.s32 $0x1880, s17;
	[dreg:$0x16] =	wrdreg s0  }
.LBB2_7:
0x21: {  	v3 =	vmov s24  }
0x22: {  	s0 =	rddreg [dreg:$0x7];
	s9 =	simm.s32 $0x10F80;
	[tilespmem:$0x10F80] =	vst v3  }
0x23: {  	[hbm4b:s0+s4] =	stream.linear.scatter [tilespmem:s9], [sflag:$0x3], $0x80, $0x38;
	[tilespmem:$0x13010] =	vst v63  }
0x24: {  	s22 =	stileid.u32;
	_ =	swait.ge [sflag:s13], $0x80  }
0x25: {  	s24 =	sshrl.u32 s28, $0x3;
	s0 =	sshll.u32 s22, $0x6;
	[sflag:s13] =	ssyncset.done $0x0  }
0x26: {  	s0 =	sor.u32 $0x1C03, s0;
	s10 =	rddreg [dreg:$0x8];
	[sflag:s13] =	ssyncadd.s32 $0xFFFFFF80  }
0x27: {  	[hbm:s10], [sflag:s0] =	dma.local [spmem:s24], $0x200  }
0x28: {  	_ =	swait.ge [sflag:s13], $0x200  }
0x29: {  	[sflag:s13] =	ssyncset.done $0x0  }
0x2a: {  	s25 =	sshrl.u32 s29, $0x3;
	s30 =	rddreg [dreg:$0x9];
	[sflag:s13] =	ssyncadd.s32 $0xFFFFFE00  }
0x2b: {  	[hbm:s30], [sflag:s0] =	dma.local [spmem:s25], $0x200  }
0x2c: {  	_ =	swait.ge [sflag:s13], $0x200  }
0x2d: {  	s16 =	sadd.s32 $0x1, s16;
	s31 =	rddreg [dreg:$0xa]  }
0x2e: {  	p0 =	sne.s32 s16, s31  }
.Ltmp1:
0x2f: {  	_ = 	snop;
	(pc) =	sbr.rel @!p0 .LBB2_8-.Ltmp1, $3  }
0x30: {  	_ =	sdelay $0x1  }
0x31: {  	[sflag:s13] =	ssyncset.done $0x0  }
0x32: {  	[sflag:s13] =	ssyncadd.s32 $0xFFFFFE00  }
.LBB2_1:
0x33: {  	[tilespmem:s4], [sflag:$0x3] =	stream.linear.gather [hbm4b:s5+s4], $0x1000, $0x38;
	[tilespmem:$0x13010] =	vst v63  }
0x34: {  	_ =	swait.ge [sflag:s13], $0x1000  }
0x35: {  	[sflag:s13] =	ssyncset.done $0x0  }
0x36: {  	s0 =	simm.s32 $0x1880;
	[sflag:s13] =	ssyncadd.s32 $0xFFFFF000  }
0x37: {  	[tilespmem:s0], [sflag:$0x3] =	stream.linear.gather [hbm4b:s6+s4], $0x1000, $0x38;
	[tilespmem:$0x13010] =	vst v63  }
0x38: {  	_ =	swait.ge [sflag:s13], $0x1000  }
0x39: {  	[sflag:s13] =	ssyncset.done $0x0  }
0x3a: {  	s9 =	simm.s32 $0x3100;
	[sflag:s13] =	ssyncadd.s32 $0xFFFFF000  }
0x3b: {  	[tilespmem:s9], [sflag:$0x3] =	stream.linear.gather [hbm4b:s7+s4], $0x1000, $0x38;
	[tilespmem:$0x13010] =	vst v63  }
0x3c: {  	_ =	swait.ge [sflag:s13], $0x1000  }
0x3d: {  	[sflag:s13] =	ssyncset.done $0x0  }
0x3e: {  	s10 =	simm.s32 $0x1000;
	[sflag:s13] =	ssyncadd.s32 $0xFFFFF000  }
0x3f: {  	[tilespmem:s10], [sflag:$0x3] =	stream.linear.gather [hbm4b:s5+s4], $0x810, $0x38;
	[tilespmem:$0x13010] =	vst v63  }
0x40: {  	_ =	swait.ge [sflag:s13], $0x810  }
0x41: {  	[sflag:s13] =	ssyncset.done $0x0  }
0x42: {  	s11 =	simm.s32 $0x2880;
	[sflag:s13] =	ssyncadd.s32 $0xFFFFF7F0  }
0x43: {  	[tilespmem:s11], [sflag:$0x3] =	stream.linear.gather [hbm4b:s6+s4], $0x810, $0x38;
	[tilespmem:$0x13010] =	vst v63  }
0x44: {  	_ =	swait.ge [sflag:s13], $0x810  }
0x45: {  	[sflag:s13] =	ssyncset.done $0x0  }
0x46: {  	s12 =	simm.s32 $0x4100;
	[sflag:s13] =	ssyncadd.s32 $0xFFFFF7F0  }
0x47: {  	[tilespmem:s12], [sflag:$0x3] =	stream.linear.gather [hbm4b:s7+s4], $0x810, $0x38;
	[tilespmem:$0x13010] =	vst v63  }
0x48: {  	_ =	swait.ge [sflag:s13], $0x810  }
0x49: {  	[sflag:s13] =	ssyncset.done $0x0  }
0x4a: {  	s9 =	simm.s32 $0x4980;
	s20 =	rddreg [dreg:$0x4];
	[sflag:s13] =	ssyncadd.s32 $0xFFFFF7F0  }
0x4b: {  	[tilespmem:s9], [sflag:$0x3] =	stream.linear.gather [hbm4b:s20+s4], $0x4000, $0x38;
	[tilespmem:$0x13010] =	vst v63  }
0x4c: {  	_ =	swait.ge [sflag:s13], $0x4000  }
0x4d: {  	[sflag:s13] =	ssyncset.done $0x0  }
0x4e: {  	s22 =	simm.s32 $0x8980;
	s21 =	rddreg [dreg:$0x5];
	[sflag:s13] =	ssyncadd.s32 $0xFFFFC000  }
0x4f: {  	[tilespmem:s22], [sflag:$0x3] =	stream.linear.gather [hbm4b:s21+s4], $0x4000, $0x38;
	[tilespmem:$0x13010] =	vst v63  }
0x50: {  	_ =	swait.ge [sflag:s13], $0x4000  }
0x51: {  	[sflag:s13] =	ssyncset.done $0x0  }
0x52: {  	s25 =	simm.s32 $0xC980;
	s24 =	rddreg [dreg:$0x6];
	[sflag:s13] =	ssyncadd.s32 $0xFFFFC000  }
0x53: {  	[tilespmem:s25], [sflag:$0x3] =	stream.linear.gather [hbm4b:s24+s4], $0x4000, $0x38;
	[tilespmem:$0x13010] =	vst v63  }
0x54: {  	_ =	swait.ge [sflag:s13], $0x4000  }
0x55: {  	[sflag:s13] =	ssyncset.done $0x0  }
0x56: {  	[sflag:s13] =	ssyncadd.s32 $0xFFFFC000  }
0x57: {  	[tilespmem:$0x10980] =	vst v0  }
0x58: {  	[tilespmem:$0x10990] =	vst v0  }
0x59: {  	[tilespmem:$0x109A0] =	vst v0  }
0x5a: {  	[tilespmem:$0x109B0] =	vst v0  }
0x5b: {  	[tilespmem:$0x109C0] =	vst v0  }
0x5c: {  	[tilespmem:$0x109D0] =	vst v0  }
0x5d: {  	[tilespmem:$0x109E0] =	vst v0  }
0x5e: {  	[tilespmem:$0x109F0] =	vst v0  }
0x5f: {  	[tilespmem:$0x10A00] =	vst v0  }
0x60: {  	[tilespmem:$0x10A10] =	vst v0  }
0x61: {  	[tilespmem:$0x10A80] =	vst v0  }
0x62: {  	[tilespmem:$0x10A90] =	vst v0  }
0x63: {  	[tilespmem:$0x10AA0] =	vst v0  }
0x64: {  	[tilespmem:$0x10AB0] =	vst v0  }
0x65: {  	[tilespmem:$0x10AC0] =	vst v0  }
0x66: {  	[tilespmem:$0x10AD0] =	vst v0  }
0x67: {  	[tilespmem:$0x10AE0] =	vst v0  }
0x68: {  	[tilespmem:$0x10AF0] =	vst v0  }
0x69: {  	[tilespmem:$0x10B00] =	vst v0  }
0x6a: {  	[tilespmem:$0x10B10] =	vst v0  }
0x6b: {  	[tilespmem:$0x10B20] =	vst v0  }
0x6c: {  	[tilespmem:$0x10B30] =	vst v0  }
0x6d: {  	[tilespmem:$0x10B40] =	vst v0  }
0x6e: {  	[tilespmem:$0x10B50] =	vst v0  }
0x6f: {  	[tilespmem:$0x10B60] =	vst v0  }
0x70: {  	[tilespmem:$0x10B70] =	vst v0  }
0x71: {  	[tilespmem:$0x10B80] =	vst v0  }
0x72: {  	[tilespmem:$0x10B90] =	vst v0  }
0x73: {  	[tilespmem:$0x10BA0] =	vst v0  }
0x74: {  	[tilespmem:$0x10BB0] =	vst v0  }
0x75: {  	[tilespmem:$0x10BC0] =	vst v0  }
0x76: {  	[tilespmem:$0x10BD0] =	vst v0  }
0x77: {  	[tilespmem:$0x10BE0] =	vst v0  }
0x78: {  	[tilespmem:$0x10BF0] =	vst v0  }
0x79: {  	[tilespmem:$0x10C00] =	vst v0  }
0x7a: {  	[tilespmem:$0x10C10] =	vst v0  }
0x7b: {  	[tilespmem:$0x10C20] =	vst v0  }
0x7c: {  	[tilespmem:$0x10C30] =	vst v0  }
0x7d: {  	[tilespmem:$0x10C40] =	vst v0  }
0x7e: {  	[tilespmem:$0x10C50] =	vst v0  }
0x7f: {  	[tilespmem:$0x10C60] =	vst v0  }
0x80: {  	[tilespmem:$0x10C70] =	vst v0  }
0x81: {  	[tilespmem:$0x10C80] =	vst v1  }
0x82: {  	[tilespmem:$0x10C90] =	vst v1  }
0x83: {  	[tilespmem:$0x10CA0] =	vst v1  }
0x84: {  	[tilespmem:$0x10CB0] =	vst v1  }
0x85: {  	[tilespmem:$0x10CC0] =	vst v1  }
0x86: {  	[tilespmem:$0x10CD0] =	vst v1  }
0x87: {  	[tilespmem:$0x10CE0] =	vst v1  }
0x88: {  	[tilespmem:$0x10CF0] =	vst v1  }
0x89: {  	[tilespmem:$0x10D00] =	vst v1  }
0x8a: {  	[tilespmem:$0x10D10] =	vst v1  }
0x8b: {  	[tilespmem:$0x10D20] =	vst v1  }
0x8c: {  	[tilespmem:$0x10D30] =	vst v1  }
0x8d: {  	[tilespmem:$0x10D40] =	vst v1  }
0x8e: {  	[tilespmem:$0x10D50] =	vst v1  }
0x8f: {  	[tilespmem:$0x10D60] =	vst v1  }
0x90: {  	[tilespmem:$0x10D70] =	vst v1  }
0x91: {  	[tilespmem:$0x10D80] =	vst v1  }
0x92: {  	[tilespmem:$0x10D90] =	vst v1  }
0x93: {  	[tilespmem:$0x10DA0] =	vst v1  }
0x94: {  	[tilespmem:$0x10DB0] =	vst v1  }
0x95: {  	[tilespmem:$0x10DC0] =	vst v1  }
0x96: {  	[tilespmem:$0x10DD0] =	vst v1  }
0x97: {  	[tilespmem:$0x10DE0] =	vst v1  }
0x98: {  	[tilespmem:$0x10DF0] =	vst v1  }
0x99: {  	[tilespmem:$0x10E00] =	vst v1  }
0x9a: {  	[tilespmem:$0x10E10] =	vst v1  }
0x9b: {  	[tilespmem:$0x10E20] =	vst v1  }
0x9c: {  	[tilespmem:$0x10E30] =	vst v1  }
0x9d: {  	[tilespmem:$0x10E40] =	vst v1  }
0x9e: {  	[tilespmem:$0x10E50] =	vst v1  }
0x9f: {  	[tilespmem:$0x10E60] =	vst v1  }
0xa0: {  	[tilespmem:$0x10E70] =	vst v1  }
0xa1: {  	[spmem:s28] =	stream.linear.scatter [tilespmem:s14], [sflag:$0x3], $0x200, $0x38;
	[tilespmem:$0x13010] =	vst v63  }
0xa2: {  	_ =	swait.ge [sflag:s13], $0x200  }
0xa3: {  	[sflag:s13] =	ssyncset.done $0x0  }
0xa4: {  	[sflag:s13] =	ssyncadd.s32 $0xFFFFFE00  }
0xa5: {  	[spmem:s29] =	stream.linear.scatter [tilespmem:s15], [sflag:$0x3], $0x200, $0x38;
	[tilespmem:$0x13010] =	vst v63  }
0xa6: {  	_ =	swait.ge [sflag:s13], $0x200  }
0xa7: {  	[sflag:s13] =	ssyncset.done $0x0  }
0xa8: {  	s30 =	rddreg [dreg:$0xb];
	[sflag:s13] =	ssyncadd.s32 $0xFFFFFE00  }
0xa9: {  	[spmem:s30] =	stream.linear.scatter [tilespmem:s14], [sflag:$0x3], $0x200, $0x38;
	[tilespmem:$0x13010] =	vst v63  }
0xaa: {  	_ =	swait.ge [sflag:s13], $0x200  }
0xab: {  	[sflag:s13] =	ssyncset.done $0x0  }
0xac: {  	s31 =	rddreg [dreg:$0xc];
	[sflag:s13] =	ssyncadd.s32 $0xFFFFFE00  }
0xad: {  	[spmem:s31] =	stream.linear.scatter [tilespmem:s15], [sflag:$0x3], $0x200, $0x38;
	[tilespmem:$0x13010] =	vst v63  }
0xae: {  	_ =	swait.ge [sflag:s13], $0x200  }
0xaf: {  	[sflag:s13] =	ssyncset.done $0x0  }
0xb0: {  	s9 =	rddreg [dreg:$0xd];
	[sflag:s13] =	ssyncadd.s32 $0xFFFFFE00  }
0xb1: {  	[spmem:s9] =	stream.linear.scatter [tilespmem:s14], [sflag:$0x3], $0x200, $0x38;
	[tilespmem:$0x13010] =	vst v63  }
0xb2: {  	_ =	swait.ge [sflag:s13], $0x200  }
0xb3: {  	[sflag:s13] =	ssyncset.done $0x0  }
0xb4: {  	s10 =	rddreg [dreg:$0xe];
	[sflag:s13] =	ssyncadd.s32 $0xFFFFFE00  }
0xb5: {  	[spmem:s10] =	stream.linear.scatter [tilespmem:s15], [sflag:$0x3], $0x200, $0x38;
	[tilespmem:$0x13010] =	vst v63  }
0xb6: {  	_ =	swait.ge [sflag:s13], $0x200  }
0xb7: {  	[sflag:s13] =	ssyncset.done $0x0  }
0xb8: {  	s11 =	rddreg [dreg:$0xf];
	[sflag:s13] =	ssyncadd.s32 $0xFFFFFE00  }
0xb9: {  	[spmem:s11] =	stream.linear.scatter [tilespmem:s14], [sflag:$0x3], $0x200, $0x38;
	[tilespmem:$0x13010] =	vst v63  }
0xba: {  	_ =	swait.ge [sflag:s13], $0x200  }
0xbb: {  	[sflag:s13] =	ssyncset.done $0x0  }
0xbc: {  	s12 =	rddreg [dreg:$0x10];
	[sflag:s13] =	ssyncadd.s32 $0xFFFFFE00  }
0xbd: {  	[spmem:s12] =	stream.linear.scatter [tilespmem:s15], [sflag:$0x3], $0x200, $0x38;
	[tilespmem:$0x13010] =	vst v63  }
0xbe: {  	_ =	swait.ge [sflag:s13], $0x200  }
0xbf: {  	[sflag:s13] =	ssyncset.done $0x0  }
0xc0: {  	s20 =	rddreg [dreg:$0x11];
	[sflag:s13] =	ssyncadd.s32 $0xFFFFFE00  }
0xc1: {  	[spmem:s20] =	stream.linear.scatter [tilespmem:s14], [sflag:$0x3], $0x200, $0x38;
	[tilespmem:$0x13010] =	vst v63  }
0xc2: {  	_ =	swait.ge [sflag:s13], $0x200  }
0xc3: {  	[sflag:s13] =	ssyncset.done $0x0  }
0xc4: {  	s21 =	rddreg [dreg:$0x12];
	[sflag:s13] =	ssyncadd.s32 $0xFFFFFE00  }
0xc5: {  	[spmem:s21] =	stream.linear.scatter [tilespmem:s15], [sflag:$0x3], $0x200, $0x38;
	[tilespmem:$0x13010] =	vst v63  }
0xc6: {  	_ =	swait.ge [sflag:s13], $0x200  }
0xc7: {  	[sflag:s13] =	ssyncset.done $0x0  }
0xc8: {  	s22 =	rddreg [dreg:$0x13];
	[sflag:s13] =	ssyncadd.s32 $0xFFFFFE00  }
0xc9: {  	[spmem:s22] =	stream.linear.scatter [tilespmem:s14], [sflag:$0x3], $0x200, $0x38;
	[tilespmem:$0x13010] =	vst v63  }
0xca: {  	_ =	swait.ge [sflag:s13], $0x200  }
0xcb: {  	[sflag:s13] =	ssyncset.done $0x0  }
0xcc: {  	s24 =	rddreg [dreg:$0x14];
	[sflag:s13] =	ssyncadd.s32 $0xFFFFFE00  }
0xcd: {  	[spmem:s24] =	stream.linear.scatter [tilespmem:s15], [sflag:$0x3], $0x200, $0x38;
	[tilespmem:$0x13010] =	vst v63  }
0xce: {  	_ =	swait.ge [sflag:s13], $0x200  }
0xcf: {  	[sflag:s13] =	ssyncset.done $0x0  }
0xd0: {  	s25 =	rddreg [dreg:$0x15];
	[sflag:s13] =	ssyncadd.s32 $0xFFFFFE00  }
0xd1: {  	[spmem:s25] =	stream.linear.scatter [tilespmem:s14], [sflag:$0x3], $0x200, $0x38;
	[tilespmem:$0x13010] =	vst v63  }
0xd2: {  	_ =	swait.ge [sflag:s13], $0x200  }
0xd3: {  	[sflag:s13] =	ssyncset.done $0x0  }
0xd4: {  	s30 =	rddreg [dreg:$0x16];
	[sflag:s13] =	ssyncadd.s32 $0xFFFFFE00  }
0xd5: {  	[spmem:s30] =	stream.linear.scatter [tilespmem:s15], [sflag:$0x3], $0x200, $0x38;
	[tilespmem:$0x13010] =	vst v63  }
0xd6: {  	_ =	swait.ge [sflag:s13], $0x200  }
0xd7: {  	[sflag:s13] =	ssyncset.done $0x0  }
0xd8: {  	s31 =	rddreg [dreg:$0x17];
	[sflag:s13] =	ssyncadd.s32 $0xFFFFFE00  }
0xd9: {  	[spmem:s31] =	stream.linear.scatter [tilespmem:s14], [sflag:$0x3], $0x200, $0x38;
	[tilespmem:$0x13010] =	vst v63  }
0xda: {  	_ =	swait.ge [sflag:s13], $0x200  }
0xdb: {  	[sflag:s13] =	ssyncset.done $0x0  }
.Ltmp2:
0xdc: {  	[sflag:s13] =	ssyncadd.s32 $0xFFFFFE00;
	(pc) =	sbr.rel .LBB2_2-.Ltmp2, $4  }
0xdd: {  	[spmem:s2] =	stream.linear.scatter [tilespmem:s15], [sflag:$0x3], $0x200, $0x38;
	[tilespmem:$0x13010] =	vst v63  }
0xde: {  	s10 =	smov.u32 s17;
	s11 =	smov.u32 s19;
	_ =	swait.ge [sflag:s13], $0x200  }
0xdf: {  	s12 =	smov.u32 s18;
	s20 =	smov.u32 s23;
	[sflag:s13] =	ssyncset.done $0x0  }
0xe0: {  	s21 =	simm.s32 $0x0;
	s24 =	simm.s32 $0x0;
	[sflag:s13] =	ssyncadd.s32 $0xFFFFFE00  }
.LBB2_6:
0xe1: {  	s21 =	sadd.s32 $0x1, s21  }
0xe2: {  	p0 =	sne.s32 s21, $0x80  }
.Ltmp3:
0xe3: {  	_ = 	snop;
	(pc) =	sbr.rel @!p0 .LBB2_7-.Ltmp3, $3  }
0xe4: {  	_ =	sdelay $0x1  }
0xe5: {  	s20 =	sadd.s32 $0x1, s20  }
0xe6: {  	s11 =	sadd.s32 $0x1, s11;
	s12 =	sadd.s32 $0x1, s12;
	s10 =	sadd.s32 $0x1, s10  }
.LBB2_2:
.Ltmp4:
0xe7: {  	(pc) =	sbr.rel .LBB2_3-.Ltmp4, $4  }
0xe8: {  	s22 =	sshll.u32 s21, $0x7  }
0xe9: {  	s9 =	sadd.s32 s8, s21;
	v3 =	vld [tilespmem:s22+$0x4980]  }
0xea: {  	v7 =	vmov s10;
	s25 =	sshll.u32 s9, $0xC;
	v4 =	vld [tilespmem:s22+$0x8980]  }
0xeb: {  	v8 =	vmov s12;
	v9 =	vmov s11;
	v6 =	vld [tilespmem:s22+$0xC980];
	s22 =	simm.s32 $0x0;
	p0 =	slt.u32 s9, $0x800;
	s9 =	smov.u32 s20;
	v5 =	vmov s25  }
.LBB2_5:
0xec: {  	s22 =	sadd.s32 $0x80, s22  }
0xed: {  	p1 =	sne.s32 s22, $0x2000  }
.Ltmp5:
0xee: {  	_ = 	snop;
	(pc) =	sbr.rel @!p1 .LBB2_6-.Ltmp5, $2  }
0xef: {  	_ =	sdelay $0x2  }
0xf0: {  	s9 =	sadd.s32 $0x20, s9  }
.LBB2_3:
0xf1: {  	_ =	sdelay $0x2  }
0xf2: {  	s25 =	sshra.s32 s22, $0x2  }
0xf3: {  	v10 =	vld.idx.msk [tilespmem:v7+s25+$0xFFFFFFF0 ss:$0x1], $0xffff  }
0xf4: {  	v11 =	vld.idx.msk [tilespmem:v8+s25+$0xFFFFFFF0 ss:$0x1], $0xffff  }
0xf5: {  	v12 =	vld.idx.msk [tilespmem:v9+s25+$0xFFFFFFF0 ss:$0x1], $0xffff  }
0xf6: {  	v13 =	vld.idx.msk [tilespmem:v7+s25+$0x0 ss:$0x1], $0xffff  }
0xf7: {  	v15 =	vld.idx.msk [tilespmem:v8+s25+$0x0 ss:$0x1], $0xffff;
	_ =	sdelay $0x1  }
0xf8: {  	v17 =	vld.idx.msk [tilespmem:v9+s25+$0x0 ss:$0x1], $0xffff  }
0xf9: {  	v10 =	vsub.f32 v10, v3;
	v11 =	vsub.f32 v11, v4  }
0xfa: {  	v12 =	vsub.f32 v12, v6;
	v13 =	vsub.f32 v13, v3  }
0xfb: {  	v15 =	vsub.f32 v15, v4;
	v14 =	vand.u32 $0x7FFFFFFF, v10;
	v16 =	vand.u32 $0x7FFFFFFF, v11  }
0xfc: {  	v14 =	vsub.f32 $1.000000000e+00, v14;
	v16 =	vsub.f32 $1.000000000e+00, v16  }
0xfd: {  	v52 =	vsub.f32 v17, v6;
	v10 =	vmul.f32 v10, v10;
	v11 =	vmul.f32 v11, v11  }
0xfe: {  	v18 =	vand.u32 $0x7FFFFFFF, v12;
	v14 =	vmul.f32 v14, v14;
	v16 =	vmul.f32 v16, v16  }
0xff: {  	v51 =	vand.u32 $0x7FFFFFFF, v13;
	v53 =	vand.u32 $0x7FFFFFFF, v15;
	v54 =	vand.u32 $0x7FFFFFFF, v52  }
0x100: {  	v10 =	vmin.f32 v10, v14;
	v11 =	vmin.f32 v11, v16;
	v14 =	vsub.f32 $1.000000000e+00, v51  }
0x101: {  	v13 =	vmul.f32 v13, v13;
	v10 =	vadd.f32 v11, v10;
	v11 =	vsub.f32 $1.000000000e+00, v53  }
0x102: {  	v15 =	vmul.f32 v15, v15;
	v12 =	vmul.f32 v12, v12;
	v18 =	vsub.f32 $1.000000000e+00, v18  }
0x103: {  	v17 =	vsub.f32 $1.000000000e+00, v54;
	v14 =	vmul.f32 v14, v14;
	v11 =	vmul.f32 v11, v11  }
0x104: {  	v56 =	vmul.f32 v52, v52;
	v55 =	vmul.f32 v18, v18  }
0x105: {  	v57 =	vmul.f32 v17, v17;
	v13 =	vmin.f32 v13, v14;
	v11 =	vmin.f32 v15, v11  }
0x106: {  	v12 =	vmin.f32 v12, v55;
	v13 =	vadd.f32 v11, v13  }
0x107: {  	v11 =	vadd.f32 v12, v10;
	v10 =	vmin.f32 v56, v57  }
0x108: {  	p1 =	sne.s32 s22, $0x1F80;
	s25 =	simm.s32 $0x10;
	v10 =	vadd.f32 v10, v13  }
0x109: {  	s25 =	simm.s32 @!p1 $0xF;
	vm0 =	vlt.f32 v11, $0.0e+00;
	vm1 =	vgt.f32 v11, $0.0e+00  }
0x10a: {  	s25 =	simm.s32 @p0 $0x10;
	vm0 =	vmor vm1, vm0;
	vm1 =	vlt.f32 v10, $0.0e+00;
	vm2 =	vgt.f32 v10, $0.0e+00  }
0x10b: {  	v58 =	vmov s25;
	vm3 =	vlt.f32 v10, $1.439999980e-02;
	vm1 =	vmor vm2, vm1  }
0x10c: {  	vm4 =	vgt.u32 v58, v2;
	vm2 =	vlt.f32 v11, $1.439999980e-02;
	vm3 =	vmand vm3, vm1  }
0x10d: {  	vm1 =	vmand vm2, vm0;
	vm0 =	vmand vm4, vm3  }
0x10e: {  	vm2 =	vmor vm1, vm0  }
0x10f: {  	v59 =	vsel vm2, $0x1, v0  }
0x110: {  	[tilespmem:$0x109F0] =	vst v59  }
0x111: {  	v60 =	vld [tilespmem:$0x109F1];
	_ =	sdelay $0x4  }
0x112: {  	v12 =	vor.u32 v59, v60  }
0x113: {  	[tilespmem:$0x109F0] =	vst v12  }
0x114: {  	v61 =	vld [tilespmem:$0x109F2];
	_ =	sdelay $0x4  }
0x115: {  	v12 =	vor.u32 v61, v12  }
0x116: {  	[tilespmem:$0x109F0] =	vst v12  }
0x117: {  	v62 =	vld [tilespmem:$0x109F4];
	_ =	sdelay $0x4  }
0x118: {  	v12 =	vor.u32 v62, v12  }
0x119: {  	[tilespmem:$0x109F0] =	vst v12  }
0x11a: {  	v63 =	vld [tilespmem:$0x109F8];
	_ =	sdelay $0x3  }
0x11b: {  	(v2sf) =	vpush v12, $0x0  }
0x11c: {  	(v2sf) =	vpush v63, $0x0;
	_ =	sdelay $0xd  }
0x11d: {  	s31 =	spop (v2sf)  }
0x11e: {  	s30 =	spop (v2sf)  }
0x11f: {  	s25 =	sor.u32 s30, s31  }
0x120: {  	p1 =	slt.s32 s25, $0x1  }
.Ltmp6:
0x121: {  	_ = 	snop;
	(pc) =	sbr.rel @p1 .LBB2_5-.Ltmp6, $1  }
0x122: {  	_ =	sdelay $0x3  }
0x123: {  	v12 =	vsel vm1, $0x1, v0  }
0x124: {  	[tilespmem:$0x109D0] =	vst v12  }
0x125: {  	v13 =	vld [tilespmem:$0x109D1];
	_ =	sdelay $0x4  }
0x126: {  	v13 =	vadd.s32 v12, v13  }
0x127: {  	[tilespmem:$0x109D0] =	vst v13  }
0x128: {  	v14 =	vld [tilespmem:$0x109D2];
	_ =	sdelay $0x4  }
0x129: {  	v13 =	vadd.s32 v13, v14  }
0x12a: {  	[tilespmem:$0x109D0] =	vst v13  }
0x12b: {  	v53 =	vld [tilespmem:$0x109D4];
	_ =	sdelay $0x4  }
0x12c: {  	v13 =	vadd.s32 v13, v53  }
0x12d: {  	[tilespmem:$0x109D0] =	vst v13  }
0x12e: {  	v54 =	vld [tilespmem:$0x109D8]  }
0x12f: {  	[tilespmem:$0x109B0] =	vst v12  }
0x130: {  	v15 =	vld [tilespmem:$0x109AF];
	_ =	sdelay $0x1  }
0x131: {  	(v2sf) =	vpush v13, $0x0  }
0x132: {  	(v2sf) =	vpush v54, $0x0;
	_ =	sdelay $0x1  }
0x133: {  	v12 =	vadd.s32 v12, v15  }
0x134: {  	[tilespmem:$0x109B0] =	vst v12  }
0x135: {  	v55 =	vld [tilespmem:$0x109AE];
	_ =	sdelay $0x4  }
0x136: {  	v12 =	vadd.s32 v12, v55  }
0x137: {  	[tilespmem:$0x109B0] =	vst v12  }
0x138: {  	v56 =	vld [tilespmem:$0x109AC];
	_ =	sdelay $0x2  }
0x139: {  	s25 =	spop (v2sf)  }
0x13a: {  	s30 =	spop (v2sf)  }
0x13b: {  	v12 =	vadd.s32 v12, v56;
	s25 =	sadd.s32 s25, s30  }
0x13c: {  	[tilespmem:$0x109B0] =	vst v12;
	p1 =	slt.s32 s25, $0x1  }
0x13d: {  	v13 =	vld @!p1 [tilespmem:$0x109A8];
	_ =	sdelay $0x4  }
0x13e: {  	s30 =	ssub.s32 $0x1000, s24;
	v12 =	vadd.s32 @!p1 v12, v13  }
0x13f: {  	s31 =	sadd.s32 @!p1 s24, s26;
	vm2 =	vle.s32 @!p1 v12, s30  }
0x140: {  	v12 =	vadd.s32 @!p1 s31, v12;
	vm1 =	vmand @!p1 vm1, vm2  }
0x141: {  	s0 =	sadd.s32 $0xFFFFFFF0, s9;
	v13 =	vlaneseq.u32 @!p1;
	v12 =	vnsel @!p1 vm1, $0x10000, v12  }
0x142: {  	v13 =	vadd.s32 @!p1 s0, v13  }
0x143: {  	v13 =	vand.u32 @!p1 $0xFFF, v13  }
0x144: {  	[tilespmem:$0x10F00] =	vst @!p1 v11;
	v13 =	vor.u32 @!p1 v5, v13  }
0x145: {  	s0 =	simm.s32 @!p1 $0x10E80;
	vm1 =	vmmov @!p1 $0xffff;
	[tilespmem:$0x10E80] =	vst @!p1 v13  }
0x146: {  	[spmem:s1] =	stream.indirect_vreg.scatter.add.s32 @!p1 [tilespmem:s0], [sflag:$0x1], $0x1, v12, vm1, $0xb8;
	[tilespmem:$0x13010] =	vst v63  }
0x147: {  	s0 =	simm.s32 @!p1 $0x1  }
0x148: {  	_ =	swait.ge @!p1 [sflag:s0], $0x10  }
0x149: {  	[sflag:s0] =	ssyncset.done @!p1 $0x0  }
0x14a: {  	[sflag:s0] =	ssyncadd.s32 @!p1 $0xFFFFFFF0;
	s0 =	simm.s32 @!p1 $0x10F00  }
0x14b: {  	[spmem:s3] =	stream.indirect_vreg.scatter.add.f32 @!p1 [tilespmem:s0], [sflag:$0x2], $0x1, v12, vm1, $0xb8;
	[tilespmem:$0x13010] =	vst v63  }
0x14c: {  	s0 =	simm.s32 @!p1 $0x2  }
0x14d: {  	_ =	swait.ge @!p1 [sflag:s0], $0x10  }
0x14e: {  	[sflag:s0] =	ssyncset.done @!p1 $0x0  }
0x14f: {  	v11 =	vsel vm0, $0x1, v0;
	[sflag:s0] =	ssyncadd.s32 @!p1 $0xFFFFFFF0  }
0x150: {  	[tilespmem:$0x109D0] =	vst v11  }
0x151: {  	v57 =	vld [tilespmem:$0x109D1];
	_ =	sdelay $0x4  }
0x152: {  	v12 =	vadd.s32 v11, v57  }
0x153: {  	[tilespmem:$0x109D0] =	vst v12  }
0x154: {  	v58 =	vld [tilespmem:$0x109D2];
	_ =	sdelay $0x4  }
0x155: {  	v12 =	vadd.s32 v12, v58  }
0x156: {  	[tilespmem:$0x109D0] =	vst v12  }
0x157: {  	v59 =	vld [tilespmem:$0x109D4];
	_ =	sdelay $0x4  }
0x158: {  	v12 =	vadd.s32 v12, v59  }
0x159: {  	[tilespmem:$0x109D0] =	vst v12  }
0x15a: {  	v60 =	vld [tilespmem:$0x109D8]  }
0x15b: {  	[tilespmem:$0x109B0] =	vst v11  }
0x15c: {  	v61 =	vld [tilespmem:$0x109AF];
	_ =	sdelay $0x1  }
0x15d: {  	(v2sf) =	vpush v12, $0x0  }
0x15e: {  	(v2sf) =	vpush v60, $0x0;
	_ =	sdelay $0x1  }
0x15f: {  	v11 =	vadd.s32 v11, v61  }
0x160: {  	[tilespmem:$0x109B0] =	vst v11  }
0x161: {  	v62 =	vld [tilespmem:$0x109AE];
	_ =	sdelay $0x4  }
0x162: {  	v11 =	vadd.s32 v11, v62  }
0x163: {  	[tilespmem:$0x109B0] =	vst v11  }
0x164: {  	v63 =	vld [tilespmem:$0x109AC];
	_ =	sdelay $0x2  }
0x165: {  	s0 =	spop (v2sf)  }
0x166: {  	s31 =	spop (v2sf)  }
0x167: {  	v11 =	vadd.s32 v11, v63;
	s0 =	sadd.s32 s0, s31  }
0x168: {  	[tilespmem:$0x109B0] =	vst v11;
	p1 =	slt.s32 s0, $0x1  }
0x169: {  	v12 =	vld @!p1 [tilespmem:$0x109A8];
	_ =	sdelay $0x1  }
0x16a: {  	p2 =	slt.s32 s25, s30  }
0x16b: {  	s30 =	smov.u32 @p2 s25  }
0x16c: {  	s24 =	sadd.s32 s24, s30  }
0x16d: {  	s25 =	ssub.s32 $0x1000, s24;
	v11 =	vadd.s32 @!p1 v11, v12  }
0x16e: {  	s30 =	sadd.s32 @!p1 s24, s26;
	vm1 =	vle.s32 @!p1 v11, s25  }
0x16f: {  	v11 =	vadd.s32 @!p1 s30, v11;
	vm0 =	vmand @!p1 vm0, vm1  }
0x170: {  	v12 =	vlaneseq.u32 @!p1;
	v11 =	vnsel @!p1 vm0, $0x10000, v11  }
0x171: {  	v12 =	vadd.s32 @!p1 s9, v12  }
0x172: {  	v12 =	vand.u32 @!p1 $0xFFF, v12  }
0x173: {  	[tilespmem:$0x10F00] =	vst @!p1 v10;
	v12 =	vor.u32 @!p1 v5, v12  }
0x174: {  	s30 =	simm.s32 @!p1 $0x10E80;
	vm0 =	vmmov @!p1 $0xffff;
	[tilespmem:$0x10E80] =	vst @!p1 v12  }
0x175: {  	[spmem:s1] =	stream.indirect_vreg.scatter.add.s32 @!p1 [tilespmem:s30], [sflag:$0x1], $0x1, v11, vm0, $0xb8;
	[tilespmem:$0x13010] =	vst v63  }
0x176: {  	s30 =	simm.s32 @!p1 $0x1  }
0x177: {  	_ =	swait.ge @!p1 [sflag:s30], $0x10  }
0x178: {  	[sflag:s30] =	ssyncset.done @!p1 $0x0  }
0x179: {  	[sflag:s30] =	ssyncadd.s32 @!p1 $0xFFFFFFF0;
	s30 =	simm.s32 @!p1 $0x10F00  }
0x17a: {  	[spmem:s3] =	stream.indirect_vreg.scatter.add.f32 @!p1 [tilespmem:s30], [sflag:$0x2], $0x1, v11, vm0, $0xb8;
	[tilespmem:$0x13010] =	vst v63  }
.Ltmp7:
0x17b: {  	_ = 	snop;
	(pc) =	sbr.rel .LBB2_5-.Ltmp7, $4  }
0x17c: {  	s30 =	simm.s32 @!p1 $0x2  }
0x17d: {  	p2 =	slt.s32 s0, s25;
	_ =	swait.ge @!p1 [sflag:s30], $0x10  }
0x17e: {  	s25 =	smov.u32 @p2 s0;
	[sflag:s30] =	ssyncset.done @!p1 $0x0  }
0x17f: {  	s24 =	sadd.s32 s24, s25;
	[sflag:s30] =	ssyncadd.s32 @!p1 $0xFFFFFFF0  }
.LBB2_8:
0x180: {  	_ =	sfence.sel $0x180000  }
0x181: {  	[bflag:$0x0] =	sbarrier.arrive $0xFFFF  }
0x182: {  	_ =	strace $0x90000047  }
0x183: {  	s0 =	stileid.u32;
	[bflag:$0x2] =	sbarrier.arrive $0xFFFF  }
0x184: {  	p0 =	sne.s32 s0, $0x0;
	s0 =	rddreg [dreg:$0x3]  }
0x185: {  	s0 =	sadd.s32 @!p0 $0x100000, s0  }
0x186: {  	[sflag:s0] =	ssyncadd.tile.s32 @!p0 $0x1;
	_ =	shalt  }
.Lfunc_end2:
_tile_overlayer_lowered:
.L_overlay_start_2:
0x187: {  	(tag) =	ssettag $0x2  }
0x188: {  	s0 =	rddreg [dreg:$0x0];
	s2 =	stileid.u32  }
0x189: {  	s1 =	rddreg [dreg:$0x1];
	p0 =	sne.s32 s2, $0x0  }
0x18a: {  	s3 =	rddreg [dreg:$0x2];
	[bflag:$0x3] =	sbarrier.arrive $0xFFFF;
	s2 =	simm.s32 @!p0 $0x1C03  }
0x18b: {  	[timem:s3], [sflag:s2] =	dma.local @!p0 [hbm:s0], s1  }
0x18c: {  	s0 =	simm.s32 @!p0 $0x3  }
0x18d: {  	_ =	swait.ge @!p0 [sflag:s0], s1  }
0x18e: {  	s1 =	ssub.s32 @!p0 $0x0, s1;
	[sflag:s0] =	ssyncset.done @!p0 $0x0  }
0x18f: {  	[sflag:s0] =	ssyncadd.s32 @!p0 s1  }
0x190: {  	[bflag:$0x3] =	sbarrier.arrive $0xFFFF  }
0x191: {  	_ =	shalt  }

// kernel: kernel.13.cloned.1.call-start
scs
__scs_entry_jumppad:
0x0: {  	(pc) =	sbr.rel $0x88, $3  }
0x1: {  	(tag) =	ssettag $0x0;
	lr =	simm.s32 $0x1  }
0x2: {  	[smem:$0x3F9A] =	sst lr;
	_ =	strace $0xD0000000  }
0x3: {  	_ = 	snop  }
0x4: {  	_ = 	snop  }
0x5: {  	_ = 	snop  }
0x6: {  	_ = 	snop  }
0x7: {  	_ = 	snop  }
__scs_overlays_trampoline_lowered:
0x8: {  	[smem:$0x3FA9] =	sst s0  }
0x9: {  	[smem:$0x3FAA] =	sst s1  }
0xa: {  	[smem:$0x3FAB] =	sst s2  }
0xb: {  	[smem:$0x3FAC] =	sst s3  }
0xc: {  	[smem:$0x3FAD] =	sst s4  }
0xd: {  	[smem:$0x3FAE] =	sst s5  }
0xe: {  	[smem:$0x3FAF] =	sst s6  }
0xf: {  	[smem:$0x3FB0] =	sst s7  }
0x10: {  	[smem:$0x3FB1] =	sst s8  }
0x11: {  	[smem:$0x3FB2] =	sst s9;
	s0 =	simm.s32 @!p0 $0x0  }
0x12: {  	s1 =	sld [smem:$0x3F98];
	s0 =	simm.s32 @p0 $0x1  }
0x13: {  	[smem:$0x3FB3] =	sst s0;
	s0 =	simm.s32 @!p1 $0x0  }
0x14: {  	s2 =	sld [smem:$0x3F97];
	s0 =	simm.s32 @p1 $0x1  }
0x15: {  	[smem:$0x3FB4] =	sst s0;
	s0 =	simm.s32 @!p2 $0x0  }
0x16: {  	s3 =	sld [smem:$0x3FDB];
	s0 =	simm.s32 @p2 $0x1  }
0x17: {  	s4 =	simm.s32 $0x1BF5;
	[smem:$0x3FB6] =	sst s0  }
0x18: {  	s0 =	sld [smem:$0x3F99];
	_ =	swait.ge [sflag:s4], $0x0  }
0x19: {  	s7 =	sld [smem:$0x3F9A]  }
0x1a: {  	s8 =	sadd.s32 $0xFFFFE003, lr  }
0x1b: {  	s9 =	sadd.s32 $0xFFFFFEF7, lr;
	s5 =	simm.s32 $0xFFFFFFFF;
	p2 =	slt.u32 s8, $0xFFFFF086  }
0x1c: {  	p1 =	slt.u32 s9, $0xF7A;
	s5 =	simm.s32 @!p2 $0x0  }
0x1d: {  	s5 =	simm.s32 @p1 $0x1;
	p0 =	seq.s32 s7, s2  }
0x1e: {  	s7 =	smul.u32 @!p0 $0xF7A, s2;
	p2 =	seq.s32 @!p0 s5, $0x0  }
0x1f: {  	s9 =	smul.u32 $0xF7A, s1;
	s8 =	simm.s32 @!p0 $0x1BF5;
	p2 =	por !p2, p0  }
0x20: {  	[sflag:s8] =	ssyncset.s32 @!p0 $0xFFFFF086;
	s6 =	sadd.s32 @!p0 s3, s7;
	s7 =	simm.s32 @!p0 $0x108  }
0x21: {  	s3 =	sadd.s32 s3, s9;
	s6 =	sadd.s32 @!p0 $0x88, s6;
	s7 =	simm.s32 @p2 $0x1082  }
0x22: {  	[simem:s7], [sflag:s8] =	dma.local @!p0 [hbm:s6], $0xF7A  }
0x23: {  	s9 =	sor.u32 $0xD0000000, s2;
	s6 =	simm.s32 $0x108;
	_ =	swait.ge @!p0 [sflag:s8], $0x0  }
0x24: {  	s3 =	sadd.s32 $0x88, s3;
	s6 =	simm.s32 @!p1 $0x1082;
	[sflag:s4] =	ssyncset.s32 $0xFFFFF086  }
0x25: {  	[simem:s6], [sflag:s4] =	dma.local [hbm:s3], $0xF7A  }
0x26: {  	[smem:$0x3F9A] =	sst s1;
	(tag) =	ssettag s2;
	_ =	strace s9  }
0x27: {  	s1 =	sld [smem:$0x3FAA]  }
0x28: {  	s2 =	sld [smem:$0x3FAB]  }
0x29: {  	s4 =	sld [smem:$0x3FAD]  }
0x2a: {  	p0 =	seq.s32 s5, $0x0;
	s5 =	sld [smem:$0x3FAE]  }
0x2b: {  	s6 =	sld [smem:$0x3FAF]  }
0x2c: {  	s7 =	sld [smem:$0x3FB0]  }
0x2d: {  	s3 =	simm.s32 $0x108;
	s8 =	sld [smem:$0x3FB1]  }
0x2e: {  	s3 =	simm.s32 @!p0 $0x1082;
	s9 =	sld [smem:$0x3FB2]  }
0x2f: {  	lr =	sadd.s32 s0, s3;
	s0 =	sld [smem:$0x3FA9]  }
0x30: {  	s3 =	sld [smem:$0x3FAC]  }
0x31: {  	[smem:$0x3FB5] =	sst s10  }
0x32: {  	s10 =	sld [smem:$0x3FB3];
	_ =	sdelay $0x3  }
0x33: {  	p0 =	seq.s32 s10, $0x1;
	s10 =	sld [smem:$0x3FB5];
	_ =	sdelay $0x3  }
0x34: {  	[smem:$0x3FB5] =	sst s10  }
0x35: {  	s10 =	sld [smem:$0x3FB4];
	_ =	sdelay $0x3  }
0x36: {  	p1 =	seq.s32 s10, $0x1;
	s10 =	sld [smem:$0x3FB5];
	_ =	sdelay $0x3  }
0x37: {  	[smem:$0x3FB5] =	sst s10  }
0x38: {  	s10 =	sld [smem:$0x3FB6]  }
0x39: {  	_ = 	snop;
	(pc) =	sbr.ind lr, $3  }
0x3a: {  	_ = 	snop  }
0x3b: {  	_ = 	snop  }
0x3c: {  	p2 =	seq.s32 s10, $0x1;
	s10 =	sld [smem:$0x3FB5]  }
0x3d: {  	_ =	shalt  }
0x3e: {  	_ =	shalt  }
0x3f: {  	_ =	shalt  }
0x40: {  	_ =	shalt  }
0x41: {  	_ =	shalt  }
0x42: {  	_ =	shalt  }
0x43: {  	_ =	shalt  }
0x44: {  	_ =	shalt  }
0x45: {  	_ =	shalt  }
0x46: {  	_ =	shalt  }
0x47: {  	_ =	shalt  }
0x48: {  	_ =	shalt  }
0x49: {  	_ =	shalt  }
0x4a: {  	_ =	shalt  }
0x4b: {  	_ =	shalt  }
0x4c: {  	_ =	shalt  }
0x4d: {  	_ =	shalt  }
0x4e: {  	_ =	shalt  }
0x4f: {  	_ =	shalt  }
0x50: {  	_ =	shalt  }
0x51: {  	_ =	shalt  }
0x52: {  	_ =	shalt  }
0x53: {  	_ =	shalt  }
0x54: {  	_ =	shalt  }
0x55: {  	_ =	shalt  }
0x56: {  	_ =	shalt  }
0x57: {  	_ =	shalt  }
0x58: {  	_ =	shalt  }
0x59: {  	_ =	shalt  }
0x5a: {  	_ =	shalt  }
0x5b: {  	_ =	shalt  }
0x5c: {  	_ =	shalt  }
0x5d: {  	_ =	shalt  }
0x5e: {  	_ =	shalt  }
0x5f: {  	_ =	shalt  }
0x60: {  	_ =	shalt  }
0x61: {  	_ =	shalt  }
0x62: {  	_ =	shalt  }
0x63: {  	_ =	shalt  }
0x64: {  	_ =	shalt  }
0x65: {  	_ =	shalt  }
0x66: {  	_ =	shalt  }
0x67: {  	_ =	shalt  }
0x68: {  	_ =	shalt  }
0x69: {  	_ =	shalt  }
0x6a: {  	_ =	shalt  }
0x6b: {  	_ =	shalt  }
0x6c: {  	_ =	shalt  }
0x6d: {  	_ =	shalt  }
0x6e: {  	_ =	shalt  }
0x6f: {  	_ =	shalt  }
0x70: {  	_ =	shalt  }
0x71: {  	_ =	shalt  }
0x72: {  	_ =	shalt  }
0x73: {  	_ =	shalt  }
0x74: {  	_ =	shalt  }
0x75: {  	_ =	shalt  }
0x76: {  	_ =	shalt  }
0x77: {  	_ =	shalt  }
0x78: {  	_ =	shalt  }
0x79: {  	_ =	shalt  }
0x7a: {  	_ =	shalt  }
0x7b: {  	_ =	shalt  }
0x7c: {  	_ =	shalt  }
0x7d: {  	_ =	shalt  }
0x7e: {  	_ =	shalt  }
0x7f: {  	_ =	shalt  }
0x80: {  	_ =	shalt  }
0x81: {  	_ =	shalt  }
0x82: {  	_ =	shalt  }
0x83: {  	_ =	shalt  }
0x84: {  	_ =	shalt  }
0x85: {  	_ =	shalt  }
0x86: {  	_ =	shalt  }
0x87: {  	_ =	shalt  }
.Lfunc_end0:
.L_simem_size_0:
called_computation.1_lowered:
.L_overlay_start_0:
0x88: {  	s2 =	sld [smem:$0x3FD9]  }
0x89: {  	s3 =	sld [smem:$0x3FFE];
	_ =	sdelay $0x1  }
0x8a: {  	s1 =	srdreg.scid  }
0x8b: {  	s0 =	sand.u32 $0x1, s1  }
0x8c: {  	s16 =	sshll.u32 s0, $0xA;
	s2 =	sadd.s32 s3, s2  }
0x8d: {  	s2 =	sadd.s32 s2, s16  }
0x8e: {  	[smem:$0x3FC1] =	sst s2  }
0x8f: {  	_ = 	snop  }
0x90: {  	(tm) =	ssettm $0x1  }
0x91: {  	s17 =	sld [smem:$0x3FFB];
	_ =	sdelay $0x3  }
0x92: {  	_ =	strace s17  }
0x93: {  	s2 =	sld [smem:$0x3FFC];
	_ =	sdelay $0x3  }
0x94: {  	_ =	strace s2  }
0x95: {  	s2 =	sld [smem:$0x3FFD];
	_ =	sdelay $0x3  }
0x96: {  	_ =	strace s2  }
0x97: {  	_ =	strace $0x8FFFFFFF  }
0x98: {  	s18 =	sld [smem:$0x3FDB];
	_ =	sdelay $0x1  }
0x99: {  	s19 =	simm.s32 $_scs_section_size  }
0x9a: {  	s4 =	simm.s32 $_size__tile_overlayer_lowered;
	s5 =	simm.s32 $_tile_overlayer_lowered  }
0x9b: {  	s22 =	simm.s32 $0x1BFF;
	s21 =	sshll.u32 s5, $0x1;
	s2 =	sadd.s32 s19, s18  }
0x9c: {  	s6 =	simm.s32 $0x0;
	s20 =	sshll.u32 s4, $0x1;
	s4 =	sadd.s32 s21, s2  }
0x9d: {  	[timem:s6], [sflag:s22] =	dma.local [hbm:s4], s20  }
0x9e: {  	_ =	swait.ge [sflag:s22], s20  }
0x9f: {  	s3 =	ssub.s32 $0x0, s20;
	[sflag:s22] =	ssyncset.done $0x0  }
0xa0: {  	[sflag:s22] =	ssyncadd.s32 s3;
	_ =	sdelay $0x1  }
0xa1: {  	s23 =	simm.s32 $0x1B8B  }
0xa2: {  	_ =	swait.ge [sflag:s23], $0x1  }
0xa3: {  	[sflag:s23] =	ssyncset.done $0x0  }
0xa4: {  	s25 =	simm.s32 $0x1B8E;
	s24 =	sld [smem:$0x3FFE];
	[sflag:s23] =	ssyncadd.s32 $0xFFFFFFFF  }
0xa5: {  	s26 =	simm.s32 $execute0_lowered;
	[smem:$0x3FD2] =	sst s25  }
0xa6: {  	s4 =	sshll.u32 s26, $0x1;
	_ =	strace $0x80000049;
	[dreg:$0x1] =	wrdreg $0xFFFFFFFF  }
0xa7: {  	s28 =	simm.s32 $_size_execute0_lowered;
	s2 =	sadd.s32 s2, s4;
	[dreg:$0x0] =	wrdreg $0x0  }
0xa8: {  	s4 =	sshll.u32 s28, $0x1;
	[dreg:$0x2] =	wrdreg s2  }
0xa9: {  	[dreg:$0x3] =	wrdreg s4  }
0xaa: {  	[dreg:$0x4] =	wrdreg $0xC0  }
0xab: {  	_ =	task [dreg:s6], $0x5FFFF  }
0xac: {  	[dreg:$0x1] =	wrdreg $0xFFFFFFFF  }
0xad: {  	[dreg:$0x0] =	wrdreg $0x60  }
0xae: {  	[dreg:$0x2] =	wrdreg s24  }
0xaf: {  	[dreg:$0x3] =	wrdreg $0xC2000  }
0xb0: {  	[dreg:$0x4] =	wrdreg $0x9  }
0xb1: {  	_ =	task.clear_ibuf [dreg:s6], $0x5FFFF;
	_ =	strace $0x90000049  }
0xb2: {  	s29 =	simm.s32 $0x9;
	_ =	strace $0x8000004B  }
0xb3: {  	_ =	swait.ge [sflag:s29], $0x1  }
0xb4: {  	[sflag:s29] =	ssyncadd.s32 $0xFFFFFFFF  }
0xb5: {  	_ =	strace $0x9000004B  }
0xb6: {  	_ =	sfence  }
0xb7: {  	s30 =	sld [smem:$0x0];
	_ =	sdelay $0x2  }
0xb8: {  	s31 =	sshll.u32 s1, $0xD;
	s1 =	sshrl.u32 s1, $0x2  }
0xb9: {  	s3 =	sand.u32 $0x4000, s31;
	s1 =	sadd.s32 s1, s30  }
0xba: {  	s0 =	sor.u32 s3, s0;
	s1 =	sshll.u32 s1, $0x11  }
0xbb: {  	s0 =	sor.u32 s1, s0  }
0xbc: {  	s0 =	sadd.s32 $0x8F2B, s0  }
0xbd: {  	[sflag:s0] =	ssyncadd.remote.s32 $0x1  }
0xbe: {  	_ =	sfence.sel $0xFFFF  }
0xbf: {  	[dreg:$0x0] =	wrdreg $0xFFFFFFFF;
	(pc) =	sbr.abs _section_cstart, $3  }
0xc0: {  	[dreg:$0x1] =	wrdreg $0xFFFFFFFF  }
0xc1: {  	_ =	task.clear_ibuf [dreg:s6], $0x2FFFF;
	_ =	strace $0x9FFFFFFF  }
0xc2: {  	(tm) =	ssettm $0x7FFFFFFF  }
0xc3: {  	_ =	shalt  }
tec
execute0_lowered:
.L_overlay_start_1:
0x0: {  	(tag) =	ssettag $0x1  }
0x1: {  	s7 =	rddreg [dreg:$0x0]  }
0x2: {  	s1 =	rddreg [dreg:$0x1]  }
0x3: {  	s0 =	rddreg [dreg:$0x2];
	s3 =	simm.s32 $0x0;
	s4 =	srdreg.scid  }
0x4: {  	s2 =	stileid.u32;
	s14 =	simm.s32 $0x3;
	s15 =	simm.s32 $0xC180  }
0x5: {  	s16 =	simm.s32 $0x1;
	s17 =	simm.s32 $0x80;
	s18 =	simm.s32 $0x100  }
0x6: {  	s19 =	simm.s32 $0x4180;
	s20 =	simm.s32 $0x8180;
	s21 =	simm.s32 $0x2  }
0x7: {  	s24 =	simm.s32 $0x0;
	[smem:$0x7FF] =	sst s3;
	s9 =	sand.u32 $0x1, s4  }
0x8: {  	s6 =	sshll.u32 s2, $0x1;
	s4 =	sadd.s32 $0x3BC00, s7;
	s5 =	sadd.s32 $0x37A00, s7  }
0x9: {  	s12 =	sshll.u32 s2, $0xC;
	s30 =	sshll.u32 s2, $0xF;
	s22 =	sshll.u32 s2, $0x6  }
0xa: {  	_ =	strace $0x8000004A;
	s8 =	sor.u32 s9, s6;
	s6 =	sadd.s32 $0x44C400, s7  }
0xb: {  	s11 =	ssub.s32 $0x2, s9;
	s12 =	sadd.s32 s12, s7;
	s31 =	sshll.u32 s9, $0x10  }
.Ltmp0:
0xc: {  	s10 =	sshll.u32 s8, $0x4;
	s13 =	sshrl.u32 s11, $0x1;
	(pc) =	sbr.rel .LBB2_1-.Ltmp0, $4  }
0xd: {  	s22 =	sor.u32 $0x1C03, s22;
	s10 =	sadd.s32 s10, s7;
	s13 =	ssub.s32 s11, s13  }
0xe: {  	s7 =	sshll.u32 s8, $0xC;
	s8 =	sadd.s32 s30, s1;
	s11 =	sadd.s32 s31, s12  }
0xf: {  	s9 =	sadd.s32 $0x4000, s8;
	s10 =	sadd.s32 $0x3BA00, s10;
	s11 =	sadd.s32 $0x3400, s11  }
0x10: {  	v0 =	vimm.f32 $0.0e+00;
	s12 =	smax.u32 s13, $0x1;
	s13 =	simm.s32 $0x180;
	s23 =	sshrl.u32 s8, $0x3  }
.LBB2_5:
0x11: {  	s24 =	sadd.s32 $0x1, s24  }
0x12: {  	p0 =	sne.s32 s24, s12  }
.Ltmp1:
0x13: {  	[bflag:$0x0] =	sbarrier.arrive $0xFFFF;
	(pc) =	sbr.rel @!p0 .LBB2_6-.Ltmp1, $4  }
0x14: {  	[hbm:s11], [sflag:s22] =	dma.local [spmem:s23], $0x1000  }
0x15: {  	_ =	swait.ge [sflag:s14], $0x1000  }
0x16: {  	[sflag:s14] =	ssyncset.done $0x0  }
0x17: {  	[sflag:s14] =	ssyncadd.s32 $0xFFFFF000  }
.LBB2_1:
0x18: {  	[tilespmem:$0x180] =	vst v0  }
0x19: {  	[tilespmem:$0x190] =	vst v0  }
0x1a: {  	[tilespmem:$0x1A0] =	vst v0  }
0x1b: {  	[tilespmem:$0x1B0] =	vst v0  }
0x1c: {  	[tilespmem:$0x1C0] =	vst v0  }
0x1d: {  	[tilespmem:$0x1D0] =	vst v0  }
0x1e: {  	[tilespmem:$0x1E0] =	vst v0  }
0x1f: {  	[tilespmem:$0x1F0] =	vst v0  }
0x20: {  	[tilespmem:$0x200] =	vst v0  }
0x21: {  	[tilespmem:$0x210] =	vst v0  }
0x22: {  	[tilespmem:$0x220] =	vst v0  }
0x23: {  	[tilespmem:$0x230] =	vst v0  }
0x24: {  	[tilespmem:$0x240] =	vst v0  }
0x25: {  	[tilespmem:$0x250] =	vst v0  }
0x26: {  	[tilespmem:$0x260] =	vst v0  }
0x27: {  	[tilespmem:$0x270] =	vst v0  }
0x28: {  	[tilespmem:$0x280] =	vst v0  }
0x29: {  	[tilespmem:$0x290] =	vst v0  }
0x2a: {  	[tilespmem:$0x2A0] =	vst v0  }
0x2b: {  	[tilespmem:$0x2B0] =	vst v0  }
0x2c: {  	[tilespmem:$0x2C0] =	vst v0  }
0x2d: {  	[tilespmem:$0x2D0] =	vst v0  }
0x2e: {  	[tilespmem:$0x2E0] =	vst v0  }
0x2f: {  	[tilespmem:$0x2F0] =	vst v0  }
0x30: {  	[tilespmem:$0x300] =	vst v0  }
0x31: {  	[tilespmem:$0x310] =	vst v0  }
0x32: {  	[tilespmem:$0x320] =	vst v0  }
0x33: {  	[tilespmem:$0x330] =	vst v0  }
0x34: {  	[tilespmem:$0x340] =	vst v0  }
0x35: {  	[tilespmem:$0x350] =	vst v0  }
0x36: {  	[tilespmem:$0x360] =	vst v0  }
0x37: {  	[tilespmem:$0x370] =	vst v0  }
0x38: {  	[tilespmem:$0x380] =	vst v0  }
0x39: {  	[tilespmem:$0x390] =	vst v0  }
0x3a: {  	[tilespmem:$0x3A0] =	vst v0  }
0x3b: {  	[tilespmem:$0x3B0] =	vst v0  }
0x3c: {  	[tilespmem:$0x3C0] =	vst v0  }
0x3d: {  	[tilespmem:$0x3D0] =	vst v0  }
0x3e: {  	[tilespmem:$0x3E0] =	vst v0  }
0x3f: {  	[tilespmem:$0x3F0] =	vst v0  }
0x40: {  	[tilespmem:$0x400] =	vst v0  }
0x41: {  	[tilespmem:$0x410] =	vst v0  }
0x42: {  	[tilespmem:$0x420] =	vst v0  }
0x43: {  	[tilespmem:$0x430] =	vst v0  }
0x44: {  	[tilespmem:$0x440] =	vst v0  }
0x45: {  	[tilespmem:$0x450] =	vst v0  }
0x46: {  	[tilespmem:$0x460] =	vst v0  }
0x47: {  	[tilespmem:$0x470] =	vst v0  }
0x48: {  	[tilespmem:$0x480] =	vst v0  }
0x49: {  	[tilespmem:$0x490] =	vst v0  }
0x4a: {  	[tilespmem:$0x4A0] =	vst v0  }
0x4b: {  	[tilespmem:$0x4B0] =	vst v0  }
0x4c: {  	[tilespmem:$0x4C0] =	vst v0  }
0x4d: {  	[tilespmem:$0x4D0] =	vst v0  }
0x4e: {  	[tilespmem:$0x4E0] =	vst v0  }
0x4f: {  	[tilespmem:$0x4F0] =	vst v0  }
0x50: {  	[tilespmem:$0x500] =	vst v0  }
0x51: {  	[tilespmem:$0x510] =	vst v0  }
0x52: {  	[tilespmem:$0x520] =	vst v0  }
0x53: {  	[tilespmem:$0x530] =	vst v0  }
0x54: {  	[tilespmem:$0x540] =	vst v0  }
0x55: {  	[tilespmem:$0x550] =	vst v0  }
0x56: {  	[tilespmem:$0x560] =	vst v0  }
0x57: {  	[tilespmem:$0x570] =	vst v0  }
0x58: {  	[tilespmem:$0x580] =	vst v0  }
0x59: {  	[tilespmem:$0x590] =	vst v0  }
0x5a: {  	[tilespmem:$0x5A0] =	vst v0  }
0x5b: {  	[tilespmem:$0x5B0] =	vst v0  }
0x5c: {  	[tilespmem:$0x5C0] =	vst v0  }
0x5d: {  	[tilespmem:$0x5D0] =	vst v0  }
0x5e: {  	[tilespmem:$0x5E0] =	vst v0  }
0x5f: {  	[tilespmem:$0x5F0] =	vst v0  }
0x60: {  	[tilespmem:$0x600] =	vst v0  }
0x61: {  	[tilespmem:$0x610] =	vst v0  }
0x62: {  	[tilespmem:$0x620] =	vst v0  }
0x63: {  	[tilespmem:$0x630] =	vst v0  }
0x64: {  	[tilespmem:$0x640] =	vst v0  }
0x65: {  	[tilespmem:$0x650] =	vst v0  }
0x66: {  	[tilespmem:$0x660] =	vst v0  }
0x67: {  	[tilespmem:$0x670] =	vst v0  }
0x68: {  	[tilespmem:$0x680] =	vst v0  }
0x69: {  	[tilespmem:$0x690] =	vst v0  }
0x6a: {  	[tilespmem:$0x6A0] =	vst v0  }
0x6b: {  	[tilespmem:$0x6B0] =	vst v0  }
0x6c: {  	[tilespmem:$0x6C0] =	vst v0  }
0x6d: {  	[tilespmem:$0x6D0] =	vst v0  }
0x6e: {  	[tilespmem:$0x6E0] =	vst v0  }
0x6f: {  	[tilespmem:$0x6F0] =	vst v0  }
0x70: {  	[tilespmem:$0x700] =	vst v0  }
0x71: {  	[tilespmem:$0x710] =	vst v0  }
0x72: {  	[tilespmem:$0x720] =	vst v0  }
0x73: {  	[tilespmem:$0x730] =	vst v0  }
0x74: {  	[tilespmem:$0x740] =	vst v0  }
0x75: {  	[tilespmem:$0x750] =	vst v0  }
0x76: {  	[tilespmem:$0x760] =	vst v0  }
0x77: {  	[tilespmem:$0x770] =	vst v0  }
0x78: {  	[tilespmem:$0x780] =	vst v0  }
0x79: {  	[tilespmem:$0x790] =	vst v0  }
0x7a: {  	[tilespmem:$0x7A0] =	vst v0  }
0x7b: {  	[tilespmem:$0x7B0] =	vst v0  }
0x7c: {  	[tilespmem:$0x7C0] =	vst v0  }
0x7d: {  	[tilespmem:$0x7D0] =	vst v0  }
0x7e: {  	[tilespmem:$0x7E0] =	vst v0  }
0x7f: {  	[tilespmem:$0x7F0] =	vst v0  }
0x80: {  	[tilespmem:$0x800] =	vst v0  }
0x81: {  	[tilespmem:$0x810] =	vst v0  }
0x82: {  	[tilespmem:$0x820] =	vst v0  }
0x83: {  	[tilespmem:$0x830] =	vst v0  }
0x84: {  	[tilespmem:$0x840] =	vst v0  }
0x85: {  	[tilespmem:$0x850] =	vst v0  }
0x86: {  	[tilespmem:$0x860] =	vst v0  }
0x87: {  	[tilespmem:$0x870] =	vst v0  }
0x88: {  	[tilespmem:$0x880] =	vst v0  }
0x89: {  	[tilespmem:$0x890] =	vst v0  }
0x8a: {  	[tilespmem:$0x8A0] =	vst v0  }
0x8b: {  	[tilespmem:$0x8B0] =	vst v0  }
0x8c: {  	[tilespmem:$0x8C0] =	vst v0  }
0x8d: {  	[tilespmem:$0x8D0] =	vst v0  }
0x8e: {  	[tilespmem:$0x8E0] =	vst v0  }
0x8f: {  	[tilespmem:$0x8F0] =	vst v0  }
0x90: {  	[tilespmem:$0x900] =	vst v0  }
0x91: {  	[tilespmem:$0x910] =	vst v0  }
0x92: {  	[tilespmem:$0x920] =	vst v0  }
0x93: {  	[tilespmem:$0x930] =	vst v0  }
0x94: {  	[tilespmem:$0x940] =	vst v0  }
0x95: {  	[tilespmem:$0x950] =	vst v0  }
0x96: {  	[tilespmem:$0x960] =	vst v0  }
0x97: {  	[tilespmem:$0x970] =	vst v0  }
0x98: {  	[tilespmem:$0x980] =	vst v0  }
0x99: {  	[tilespmem:$0x990] =	vst v0  }
0x9a: {  	[tilespmem:$0x9A0] =	vst v0  }
0x9b: {  	[tilespmem:$0x9B0] =	vst v0  }
0x9c: {  	[tilespmem:$0x9C0] =	vst v0  }
0x9d: {  	[tilespmem:$0x9D0] =	vst v0  }
0x9e: {  	[tilespmem:$0x9E0] =	vst v0  }
0x9f: {  	[tilespmem:$0x9F0] =	vst v0  }
0xa0: {  	[tilespmem:$0xA00] =	vst v0  }
0xa1: {  	[tilespmem:$0xA10] =	vst v0  }
0xa2: {  	[tilespmem:$0xA20] =	vst v0  }
0xa3: {  	[tilespmem:$0xA30] =	vst v0  }
0xa4: {  	[tilespmem:$0xA40] =	vst v0  }
0xa5: {  	[tilespmem:$0xA50] =	vst v0  }
0xa6: {  	[tilespmem:$0xA60] =	vst v0  }
0xa7: {  	[tilespmem:$0xA70] =	vst v0  }
0xa8: {  	[tilespmem:$0xA80] =	vst v0  }
0xa9: {  	[tilespmem:$0xA90] =	vst v0  }
0xaa: {  	[tilespmem:$0xAA0] =	vst v0  }
0xab: {  	[tilespmem:$0xAB0] =	vst v0  }
0xac: {  	[tilespmem:$0xAC0] =	vst v0  }
0xad: {  	[tilespmem:$0xAD0] =	vst v0  }
0xae: {  	[tilespmem:$0xAE0] =	vst v0  }
0xaf: {  	[tilespmem:$0xAF0] =	vst v0  }
0xb0: {  	[tilespmem:$0xB00] =	vst v0  }
0xb1: {  	[tilespmem:$0xB10] =	vst v0  }
0xb2: {  	[tilespmem:$0xB20] =	vst v0  }
0xb3: {  	[tilespmem:$0xB30] =	vst v0  }
0xb4: {  	[tilespmem:$0xB40] =	vst v0  }
0xb5: {  	[tilespmem:$0xB50] =	vst v0  }
0xb6: {  	[tilespmem:$0xB60] =	vst v0  }
0xb7: {  	[tilespmem:$0xB70] =	vst v0  }
0xb8: {  	[tilespmem:$0xB80] =	vst v0  }
0xb9: {  	[tilespmem:$0xB90] =	vst v0  }
0xba: {  	[tilespmem:$0xBA0] =	vst v0  }
0xbb: {  	[tilespmem:$0xBB0] =	vst v0  }
0xbc: {  	[tilespmem:$0xBC0] =	vst v0  }
0xbd: {  	[tilespmem:$0xBD0] =	vst v0  }
0xbe: {  	[tilespmem:$0xBE0] =	vst v0  }
0xbf: {  	[tilespmem:$0xBF0] =	vst v0  }
0xc0: {  	[tilespmem:$0xC00] =	vst v0  }
0xc1: {  	[tilespmem:$0xC10] =	vst v0  }
0xc2: {  	[tilespmem:$0xC20] =	vst v0  }
0xc3: {  	[tilespmem:$0xC30] =	vst v0  }
0xc4: {  	[tilespmem:$0xC40] =	vst v0  }
0xc5: {  	[tilespmem:$0xC50] =	vst v0  }
0xc6: {  	[tilespmem:$0xC60] =	vst v0  }
0xc7: {  	[tilespmem:$0xC70] =	vst v0  }
0xc8: {  	[tilespmem:$0xC80] =	vst v0  }
0xc9: {  	[tilespmem:$0xC90] =	vst v0  }
0xca: {  	[tilespmem:$0xCA0] =	vst v0  }
0xcb: {  	[tilespmem:$0xCB0] =	vst v0  }
0xcc: {  	[tilespmem:$0xCC0] =	vst v0  }
0xcd: {  	[tilespmem:$0xCD0] =	vst v0  }
0xce: {  	[tilespmem:$0xCE0] =	vst v0  }
0xcf: {  	[tilespmem:$0xCF0] =	vst v0  }
0xd0: {  	[tilespmem:$0xD00] =	vst v0  }
0xd1: {  	[tilespmem:$0xD10] =	vst v0  }
0xd2: {  	[tilespmem:$0xD20] =	vst v0  }
0xd3: {  	[tilespmem:$0xD30] =	vst v0  }
0xd4: {  	[tilespmem:$0xD40] =	vst v0  }
0xd5: {  	[tilespmem:$0xD50] =	vst v0  }
0xd6: {  	[tilespmem:$0xD60] =	vst v0  }
0xd7: {  	[tilespmem:$0xD70] =	vst v0  }
0xd8: {  	[tilespmem:$0xD80] =	vst v0  }
0xd9: {  	[tilespmem:$0xD90] =	vst v0  }
0xda: {  	[tilespmem:$0xDA0] =	vst v0  }
0xdb: {  	[tilespmem:$0xDB0] =	vst v0  }
0xdc: {  	[tilespmem:$0xDC0] =	vst v0  }
0xdd: {  	[tilespmem:$0xDD0] =	vst v0  }
0xde: {  	[tilespmem:$0xDE0] =	vst v0  }
0xdf: {  	[tilespmem:$0xDF0] =	vst v0  }
0xe0: {  	[tilespmem:$0xE00] =	vst v0  }
0xe1: {  	[tilespmem:$0xE10] =	vst v0  }
0xe2: {  	[tilespmem:$0xE20] =	vst v0  }
0xe3: {  	[tilespmem:$0xE30] =	vst v0  }
0xe4: {  	[tilespmem:$0xE40] =	vst v0  }
0xe5: {  	[tilespmem:$0xE50] =	vst v0  }
0xe6: {  	[tilespmem:$0xE60] =	vst v0  }
0xe7: {  	[tilespmem:$0xE70] =	vst v0  }
0xe8: {  	[tilespmem:$0xE80] =	vst v0  }
0xe9: {  	[tilespmem:$0xE90] =	vst v0  }
0xea: {  	[tilespmem:$0xEA0] =	vst v0  }
0xeb: {  	[tilespmem:$0xEB0] =	vst v0  }
0xec: {  	[tilespmem:$0xEC0] =	vst v0  }
0xed: {  	[tilespmem:$0xED0] =	vst v0  }
0xee: {  	[tilespmem:$0xEE0] =	vst v0  }
0xef: {  	[tilespmem:$0xEF0] =	vst v0  }
0xf0: {  	[tilespmem:$0xF00] =	vst v0  }
0xf1: {  	[tilespmem:$0xF10] =	vst v0  }
0xf2: {  	[tilespmem:$0xF20] =	vst v0  }
0xf3: {  	[tilespmem:$0xF30] =	vst v0  }
0xf4: {  	[tilespmem:$0xF40] =	vst v0  }
0xf5: {  	[tilespmem:$0xF50] =	vst v0  }
0xf6: {  	[tilespmem:$0xF60] =	vst v0  }
0xf7: {  	[tilespmem:$0xF70] =	vst v0  }
0xf8: {  	[tilespmem:$0xF80] =	vst v0  }
0xf9: {  	[tilespmem:$0xF90] =	vst v0  }
0xfa: {  	[tilespmem:$0xFA0] =	vst v0  }
0xfb: {  	[tilespmem:$0xFB0] =	vst v0  }
0xfc: {  	[tilespmem:$0xFC0] =	vst v0  }
0xfd: {  	[tilespmem:$0xFD0] =	vst v0  }
0xfe: {  	[tilespmem:$0xFE0] =	vst v0  }
0xff: {  	[tilespmem:$0xFF0] =	vst v0  }
0x100: {  	[tilespmem:$0x1000] =	vst v0  }
0x101: {  	[tilespmem:$0x1010] =	vst v0  }
0x102: {  	[tilespmem:$0x1020] =	vst v0  }
0x103: {  	[tilespmem:$0x1030] =	vst v0  }
0x104: {  	[tilespmem:$0x1040] =	vst v0  }
0x105: {  	[tilespmem:$0x1050] =	vst v0  }
0x106: {  	[tilespmem:$0x1060] =	vst v0  }
0x107: {  	[tilespmem:$0x1070] =	vst v0  }
0x108: {  	[tilespmem:$0x1080] =	vst v0  }
0x109: {  	[tilespmem:$0x1090] =	vst v0  }
0x10a: {  	[tilespmem:$0x10A0] =	vst v0  }
0x10b: {  	[tilespmem:$0x10B0] =	vst v0  }
0x10c: {  	[tilespmem:$0x10C0] =	vst v0  }
0x10d: {  	[tilespmem:$0x10D0] =	vst v0  }
0x10e: {  	[tilespmem:$0x10E0] =	vst v0  }
0x10f: {  	[tilespmem:$0x10F0] =	vst v0  }
0x110: {  	[tilespmem:$0x1100] =	vst v0  }
0x111: {  	[tilespmem:$0x1110] =	vst v0  }
0x112: {  	[tilespmem:$0x1120] =	vst v0  }
0x113: {  	[tilespmem:$0x1130] =	vst v0  }
0x114: {  	[tilespmem:$0x1140] =	vst v0  }
0x115: {  	[tilespmem:$0x1150] =	vst v0  }
0x116: {  	[tilespmem:$0x1160] =	vst v0  }
0x117: {  	[tilespmem:$0x1170] =	vst v0  }
0x118: {  	[tilespmem:$0x1180] =	vst v0  }
0x119: {  	[tilespmem:$0x1190] =	vst v0  }
0x11a: {  	[tilespmem:$0x11A0] =	vst v0  }
0x11b: {  	[tilespmem:$0x11B0] =	vst v0  }
0x11c: {  	[tilespmem:$0x11C0] =	vst v0  }
0x11d: {  	[tilespmem:$0x11D0] =	vst v0  }
0x11e: {  	[tilespmem:$0x11E0] =	vst v0  }
0x11f: {  	[tilespmem:$0x11F0] =	vst v0  }
0x120: {  	[tilespmem:$0x1200] =	vst v0  }
0x121: {  	[tilespmem:$0x1210] =	vst v0  }
0x122: {  	[tilespmem:$0x1220] =	vst v0  }
0x123: {  	[tilespmem:$0x1230] =	vst v0  }
0x124: {  	[tilespmem:$0x1240] =	vst v0  }
0x125: {  	[tilespmem:$0x1250] =	vst v0  }
0x126: {  	[tilespmem:$0x1260] =	vst v0  }
0x127: {  	[tilespmem:$0x1270] =	vst v0  }
0x128: {  	[tilespmem:$0x1280] =	vst v0  }
0x129: {  	[tilespmem:$0x1290] =	vst v0  }
0x12a: {  	[tilespmem:$0x12A0] =	vst v0  }
0x12b: {  	[tilespmem:$0x12B0] =	vst v0  }
0x12c: {  	[tilespmem:$0x12C0] =	vst v0  }
0x12d: {  	[tilespmem:$0x12D0] =	vst v0  }
0x12e: {  	[tilespmem:$0x12E0] =	vst v0  }
0x12f: {  	[tilespmem:$0x12F0] =	vst v0  }
0x130: {  	[tilespmem:$0x1300] =	vst v0  }
0x131: {  	[tilespmem:$0x1310] =	vst v0  }
0x132: {  	[tilespmem:$0x1320] =	vst v0  }
0x133: {  	[tilespmem:$0x1330] =	vst v0  }
0x134: {  	[tilespmem:$0x1340] =	vst v0  }
0x135: {  	[tilespmem:$0x1350] =	vst v0  }
0x136: {  	[tilespmem:$0x1360] =	vst v0  }
0x137: {  	[tilespmem:$0x1370] =	vst v0  }
0x138: {  	[tilespmem:$0x1380] =	vst v0  }
0x139: {  	[tilespmem:$0x1390] =	vst v0  }
0x13a: {  	[tilespmem:$0x13A0] =	vst v0  }
0x13b: {  	[tilespmem:$0x13B0] =	vst v0  }
0x13c: {  	[tilespmem:$0x13C0] =	vst v0  }
0x13d: {  	[tilespmem:$0x13D0] =	vst v0  }
0x13e: {  	[tilespmem:$0x13E0] =	vst v0  }
0x13f: {  	[tilespmem:$0x13F0] =	vst v0  }
0x140: {  	[tilespmem:$0x1400] =	vst v0  }
0x141: {  	[tilespmem:$0x1410] =	vst v0  }
0x142: {  	[tilespmem:$0x1420] =	vst v0  }
0x143: {  	[tilespmem:$0x1430] =	vst v0  }
0x144: {  	[tilespmem:$0x1440] =	vst v0  }
0x145: {  	[tilespmem:$0x1450] =	vst v0  }
0x146: {  	[tilespmem:$0x1460] =	vst v0  }
0x147: {  	[tilespmem:$0x1470] =	vst v0  }
0x148: {  	[tilespmem:$0x1480] =	vst v0  }
0x149: {  	[tilespmem:$0x1490] =	vst v0  }
0x14a: {  	[tilespmem:$0x14A0] =	vst v0  }
0x14b: {  	[tilespmem:$0x14B0] =	vst v0  }
0x14c: {  	[tilespmem:$0x14C0] =	vst v0  }
0x14d: {  	[tilespmem:$0x14D0] =	vst v0  }
0x14e: {  	[tilespmem:$0x14E0] =	vst v0  }
0x14f: {  	[tilespmem:$0x14F0] =	vst v0  }
0x150: {  	[tilespmem:$0x1500] =	vst v0  }
0x151: {  	[tilespmem:$0x1510] =	vst v0  }
0x152: {  	[tilespmem:$0x1520] =	vst v0  }
0x153: {  	[tilespmem:$0x1530] =	vst v0  }
0x154: {  	[tilespmem:$0x1540] =	vst v0  }
0x155: {  	[tilespmem:$0x1550] =	vst v0  }
0x156: {  	[tilespmem:$0x1560] =	vst v0  }
0x157: {  	[tilespmem:$0x1570] =	vst v0  }
0x158: {  	[tilespmem:$0x1580] =	vst v0  }
0x159: {  	[tilespmem:$0x1590] =	vst v0  }
0x15a: {  	[tilespmem:$0x15A0] =	vst v0  }
0x15b: {  	[tilespmem:$0x15B0] =	vst v0  }
0x15c: {  	[tilespmem:$0x15C0] =	vst v0  }
0x15d: {  	[tilespmem:$0x15D0] =	vst v0  }
0x15e: {  	[tilespmem:$0x15E0] =	vst v0  }
0x15f: {  	[tilespmem:$0x15F0] =	vst v0  }
0x160: {  	[tilespmem:$0x1600] =	vst v0  }
0x161: {  	[tilespmem:$0x1610] =	vst v0  }
0x162: {  	[tilespmem:$0x1620] =	vst v0  }
0x163: {  	[tilespmem:$0x1630] =	vst v0  }
0x164: {  	[tilespmem:$0x1640] =	vst v0  }
0x165: {  	[tilespmem:$0x1650] =	vst v0  }
0x166: {  	[tilespmem:$0x1660] =	vst v0  }
0x167: {  	[tilespmem:$0x1670] =	vst v0  }
0x168: {  	[tilespmem:$0x1680] =	vst v0  }
0x169: {  	[tilespmem:$0x1690] =	vst v0  }
0x16a: {  	[tilespmem:$0x16A0] =	vst v0  }
0x16b: {  	[tilespmem:$0x16B0] =	vst v0  }
0x16c: {  	[tilespmem:$0x16C0] =	vst v0  }
0x16d: {  	[tilespmem:$0x16D0] =	vst v0  }
0x16e: {  	[tilespmem:$0x16E0] =	vst v0  }
0x16f: {  	[tilespmem:$0x16F0] =	vst v0  }
0x170: {  	[tilespmem:$0x1700] =	vst v0  }
0x171: {  	[tilespmem:$0x1710] =	vst v0  }
0x172: {  	[tilespmem:$0x1720] =	vst v0  }
0x173: {  	[tilespmem:$0x1730] =	vst v0  }
0x174: {  	[tilespmem:$0x1740] =	vst v0  }
0x175: {  	[tilespmem:$0x1750] =	vst v0  }
0x176: {  	[tilespmem:$0x1760] =	vst v0  }
0x177: {  	[tilespmem:$0x1770] =	vst v0  }
0x178: {  	[tilespmem:$0x1780] =	vst v0  }
0x179: {  	[tilespmem:$0x1790] =	vst v0  }
0x17a: {  	[tilespmem:$0x17A0] =	vst v0  }
0x17b: {  	[tilespmem:$0x17B0] =	vst v0  }
0x17c: {  	[tilespmem:$0x17C0] =	vst v0  }
0x17d: {  	[tilespmem:$0x17D0] =	vst v0  }
0x17e: {  	[tilespmem:$0x17E0] =	vst v0  }
0x17f: {  	[tilespmem:$0x17F0] =	vst v0  }
0x180: {  	[tilespmem:$0x1800] =	vst v0  }
0x181: {  	[tilespmem:$0x1810] =	vst v0  }
0x182: {  	[tilespmem:$0x1820] =	vst v0  }
0x183: {  	[tilespmem:$0x1830] =	vst v0  }
0x184: {  	[tilespmem:$0x1840] =	vst v0  }
0x185: {  	[tilespmem:$0x1850] =	vst v0  }
0x186: {  	[tilespmem:$0x1860] =	vst v0  }
0x187: {  	[tilespmem:$0x1870] =	vst v0  }
0x188: {  	[tilespmem:$0x1880] =	vst v0  }
0x189: {  	[tilespmem:$0x1890] =	vst v0  }
0x18a: {  	[tilespmem:$0x18A0] =	vst v0  }
0x18b: {  	[tilespmem:$0x18B0] =	vst v0  }
0x18c: {  	[tilespmem:$0x18C0] =	vst v0  }
0x18d: {  	[tilespmem:$0x18D0] =	vst v0  }
0x18e: {  	[tilespmem:$0x18E0] =	vst v0  }
0x18f: {  	[tilespmem:$0x18F0] =	vst v0  }
0x190: {  	[tilespmem:$0x1900] =	vst v0  }
0x191: {  	[tilespmem:$0x1910] =	vst v0  }
0x192: {  	[tilespmem:$0x1920] =	vst v0  }
0x193: {  	[tilespmem:$0x1930] =	vst v0  }
0x194: {  	[tilespmem:$0x1940] =	vst v0  }
0x195: {  	[tilespmem:$0x1950] =	vst v0  }
0x196: {  	[tilespmem:$0x1960] =	vst v0  }
0x197: {  	[tilespmem:$0x1970] =	vst v0  }
0x198: {  	[tilespmem:$0x1980] =	vst v0  }
0x199: {  	[tilespmem:$0x1990] =	vst v0  }
0x19a: {  	[tilespmem:$0x19A0] =	vst v0  }
0x19b: {  	[tilespmem:$0x19B0] =	vst v0  }
0x19c: {  	[tilespmem:$0x19C0] =	vst v0  }
0x19d: {  	[tilespmem:$0x19D0] =	vst v0  }
0x19e: {  	[tilespmem:$0x19E0] =	vst v0  }
0x19f: {  	[tilespmem:$0x19F0] =	vst v0  }
0x1a0: {  	[tilespmem:$0x1A00] =	vst v0  }
0x1a1: {  	[tilespmem:$0x1A10] =	vst v0  }
0x1a2: {  	[tilespmem:$0x1A20] =	vst v0  }
0x1a3: {  	[tilespmem:$0x1A30] =	vst v0  }
0x1a4: {  	[tilespmem:$0x1A40] =	vst v0  }
0x1a5: {  	[tilespmem:$0x1A50] =	vst v0  }
0x1a6: {  	[tilespmem:$0x1A60] =	vst v0  }
0x1a7: {  	[tilespmem:$0x1A70] =	vst v0  }
0x1a8: {  	[tilespmem:$0x1A80] =	vst v0  }
0x1a9: {  	[tilespmem:$0x1A90] =	vst v0  }
0x1aa: {  	[tilespmem:$0x1AA0] =	vst v0  }
0x1ab: {  	[tilespmem:$0x1AB0] =	vst v0  }
0x1ac: {  	[tilespmem:$0x1AC0] =	vst v0  }
0x1ad: {  	[tilespmem:$0x1AD0] =	vst v0  }
0x1ae: {  	[tilespmem:$0x1AE0] =	vst v0  }
0x1af: {  	[tilespmem:$0x1AF0] =	vst v0  }
0x1b0: {  	[tilespmem:$0x1B00] =	vst v0  }
0x1b1: {  	[tilespmem:$0x1B10] =	vst v0  }
0x1b2: {  	[tilespmem:$0x1B20] =	vst v0  }
0x1b3: {  	[tilespmem:$0x1B30] =	vst v0  }
0x1b4: {  	[tilespmem:$0x1B40] =	vst v0  }
0x1b5: {  	[tilespmem:$0x1B50] =	vst v0  }
0x1b6: {  	[tilespmem:$0x1B60] =	vst v0  }
0x1b7: {  	[tilespmem:$0x1B70] =	vst v0  }
0x1b8: {  	[tilespmem:$0x1B80] =	vst v0  }
0x1b9: {  	[tilespmem:$0x1B90] =	vst v0  }
0x1ba: {  	[tilespmem:$0x1BA0] =	vst v0  }
0x1bb: {  	[tilespmem:$0x1BB0] =	vst v0  }
0x1bc: {  	[tilespmem:$0x1BC0] =	vst v0  }
0x1bd: {  	[tilespmem:$0x1BD0] =	vst v0  }
0x1be: {  	[tilespmem:$0x1BE0] =	vst v0  }
0x1bf: {  	[tilespmem:$0x1BF0] =	vst v0  }
0x1c0: {  	[tilespmem:$0x1C00] =	vst v0  }
0x1c1: {  	[tilespmem:$0x1C10] =	vst v0  }
0x1c2: {  	[tilespmem:$0x1C20] =	vst v0  }
0x1c3: {  	[tilespmem:$0x1C30] =	vst v0  }
0x1c4: {  	[tilespmem:$0x1C40] =	vst v0  }
0x1c5: {  	[tilespmem:$0x1C50] =	vst v0  }
0x1c6: {  	[tilespmem:$0x1C60] =	vst v0  }
0x1c7: {  	[tilespmem:$0x1C70] =	vst v0  }
0x1c8: {  	[tilespmem:$0x1C80] =	vst v0  }
0x1c9: {  	[tilespmem:$0x1C90] =	vst v0  }
0x1ca: {  	[tilespmem:$0x1CA0] =	vst v0  }
0x1cb: {  	[tilespmem:$0x1CB0] =	vst v0  }
0x1cc: {  	[tilespmem:$0x1CC0] =	vst v0  }
0x1cd: {  	[tilespmem:$0x1CD0] =	vst v0  }
0x1ce: {  	[tilespmem:$0x1CE0] =	vst v0  }
0x1cf: {  	[tilespmem:$0x1CF0] =	vst v0  }
0x1d0: {  	[tilespmem:$0x1D00] =	vst v0  }
0x1d1: {  	[tilespmem:$0x1D10] =	vst v0  }
0x1d2: {  	[tilespmem:$0x1D20] =	vst v0  }
0x1d3: {  	[tilespmem:$0x1D30] =	vst v0  }
0x1d4: {  	[tilespmem:$0x1D40] =	vst v0  }
0x1d5: {  	[tilespmem:$0x1D50] =	vst v0  }
0x1d6: {  	[tilespmem:$0x1D60] =	vst v0  }
0x1d7: {  	[tilespmem:$0x1D70] =	vst v0  }
0x1d8: {  	[tilespmem:$0x1D80] =	vst v0  }
0x1d9: {  	[tilespmem:$0x1D90] =	vst v0  }
0x1da: {  	[tilespmem:$0x1DA0] =	vst v0  }
0x1db: {  	[tilespmem:$0x1DB0] =	vst v0  }
0x1dc: {  	[tilespmem:$0x1DC0] =	vst v0  }
0x1dd: {  	[tilespmem:$0x1DD0] =	vst v0  }
0x1de: {  	[tilespmem:$0x1DE0] =	vst v0  }
0x1df: {  	[tilespmem:$0x1DF0] =	vst v0  }
0x1e0: {  	[tilespmem:$0x1E00] =	vst v0  }
0x1e1: {  	[tilespmem:$0x1E10] =	vst v0  }
0x1e2: {  	[tilespmem:$0x1E20] =	vst v0  }
0x1e3: {  	[tilespmem:$0x1E30] =	vst v0  }
0x1e4: {  	[tilespmem:$0x1E40] =	vst v0  }
0x1e5: {  	[tilespmem:$0x1E50] =	vst v0  }
0x1e6: {  	[tilespmem:$0x1E60] =	vst v0  }
0x1e7: {  	[tilespmem:$0x1E70] =	vst v0  }
0x1e8: {  	[tilespmem:$0x1E80] =	vst v0  }
0x1e9: {  	[tilespmem:$0x1E90] =	vst v0  }
0x1ea: {  	[tilespmem:$0x1EA0] =	vst v0  }
0x1eb: {  	[tilespmem:$0x1EB0] =	vst v0  }
0x1ec: {  	[tilespmem:$0x1EC0] =	vst v0  }
0x1ed: {  	[tilespmem:$0x1ED0] =	vst v0  }
0x1ee: {  	[tilespmem:$0x1EE0] =	vst v0  }
0x1ef: {  	[tilespmem:$0x1EF0] =	vst v0  }
0x1f0: {  	[tilespmem:$0x1F00] =	vst v0  }
0x1f1: {  	[tilespmem:$0x1F10] =	vst v0  }
0x1f2: {  	[tilespmem:$0x1F20] =	vst v0  }
0x1f3: {  	[tilespmem:$0x1F30] =	vst v0  }
0x1f4: {  	[tilespmem:$0x1F40] =	vst v0  }
0x1f5: {  	[tilespmem:$0x1F50] =	vst v0  }
0x1f6: {  	[tilespmem:$0x1F60] =	vst v0  }
0x1f7: {  	[tilespmem:$0x1F70] =	vst v0  }
0x1f8: {  	[tilespmem:$0x1F80] =	vst v0  }
0x1f9: {  	[tilespmem:$0x1F90] =	vst v0  }
0x1fa: {  	[tilespmem:$0x1FA0] =	vst v0  }
0x1fb: {  	[tilespmem:$0x1FB0] =	vst v0  }
0x1fc: {  	[tilespmem:$0x1FC0] =	vst v0  }
0x1fd: {  	[tilespmem:$0x1FD0] =	vst v0  }
0x1fe: {  	[tilespmem:$0x1FE0] =	vst v0  }
0x1ff: {  	[tilespmem:$0x1FF0] =	vst v0  }
0x200: {  	[tilespmem:$0x2000] =	vst v0  }
0x201: {  	[tilespmem:$0x2010] =	vst v0  }
0x202: {  	[tilespmem:$0x2020] =	vst v0  }
0x203: {  	[tilespmem:$0x2030] =	vst v0  }
0x204: {  	[tilespmem:$0x2040] =	vst v0  }
0x205: {  	[tilespmem:$0x2050] =	vst v0  }
0x206: {  	[tilespmem:$0x2060] =	vst v0  }
0x207: {  	[tilespmem:$0x2070] =	vst v0  }
0x208: {  	[tilespmem:$0x2080] =	vst v0  }
0x209: {  	[tilespmem:$0x2090] =	vst v0  }
0x20a: {  	[tilespmem:$0x20A0] =	vst v0  }
0x20b: {  	[tilespmem:$0x20B0] =	vst v0  }
0x20c: {  	[tilespmem:$0x20C0] =	vst v0  }
0x20d: {  	[tilespmem:$0x20D0] =	vst v0  }
0x20e: {  	[tilespmem:$0x20E0] =	vst v0  }
0x20f: {  	[tilespmem:$0x20F0] =	vst v0  }
0x210: {  	[tilespmem:$0x2100] =	vst v0  }
0x211: {  	[tilespmem:$0x2110] =	vst v0  }
0x212: {  	[tilespmem:$0x2120] =	vst v0  }
0x213: {  	[tilespmem:$0x2130] =	vst v0  }
0x214: {  	[tilespmem:$0x2140] =	vst v0  }
0x215: {  	[tilespmem:$0x2150] =	vst v0  }
0x216: {  	[tilespmem:$0x2160] =	vst v0  }
0x217: {  	[tilespmem:$0x2170] =	vst v0  }
0x218: {  	[tilespmem:$0x2180] =	vst v0  }
0x219: {  	[tilespmem:$0x2190] =	vst v0  }
0x21a: {  	[tilespmem:$0x21A0] =	vst v0  }
0x21b: {  	[tilespmem:$0x21B0] =	vst v0  }
0x21c: {  	[tilespmem:$0x21C0] =	vst v0  }
0x21d: {  	[tilespmem:$0x21D0] =	vst v0  }
0x21e: {  	[tilespmem:$0x21E0] =	vst v0  }
0x21f: {  	[tilespmem:$0x21F0] =	vst v0  }
0x220: {  	[tilespmem:$0x2200] =	vst v0  }
0x221: {  	[tilespmem:$0x2210] =	vst v0  }
0x222: {  	[tilespmem:$0x2220] =	vst v0  }
0x223: {  	[tilespmem:$0x2230] =	vst v0  }
0x224: {  	[tilespmem:$0x2240] =	vst v0  }
0x225: {  	[tilespmem:$0x2250] =	vst v0  }
0x226: {  	[tilespmem:$0x2260] =	vst v0  }
0x227: {  	[tilespmem:$0x2270] =	vst v0  }
0x228: {  	[tilespmem:$0x2280] =	vst v0  }
0x229: {  	[tilespmem:$0x2290] =	vst v0  }
0x22a: {  	[tilespmem:$0x22A0] =	vst v0  }
0x22b: {  	[tilespmem:$0x22B0] =	vst v0  }
0x22c: {  	[tilespmem:$0x22C0] =	vst v0  }
0x22d: {  	[tilespmem:$0x22D0] =	vst v0  }
0x22e: {  	[tilespmem:$0x22E0] =	vst v0  }
0x22f: {  	[tilespmem:$0x22F0] =	vst v0  }
0x230: {  	[tilespmem:$0x2300] =	vst v0  }
0x231: {  	[tilespmem:$0x2310] =	vst v0  }
0x232: {  	[tilespmem:$0x2320] =	vst v0  }
0x233: {  	[tilespmem:$0x2330] =	vst v0  }
0x234: {  	[tilespmem:$0x2340] =	vst v0  }
0x235: {  	[tilespmem:$0x2350] =	vst v0  }
0x236: {  	[tilespmem:$0x2360] =	vst v0  }
0x237: {  	[tilespmem:$0x2370] =	vst v0  }
0x238: {  	[tilespmem:$0x2380] =	vst v0  }
0x239: {  	[tilespmem:$0x2390] =	vst v0  }
0x23a: {  	[tilespmem:$0x23A0] =	vst v0  }
0x23b: {  	[tilespmem:$0x23B0] =	vst v0  }
0x23c: {  	[tilespmem:$0x23C0] =	vst v0  }
0x23d: {  	[tilespmem:$0x23D0] =	vst v0  }
0x23e: {  	[tilespmem:$0x23E0] =	vst v0  }
0x23f: {  	[tilespmem:$0x23F0] =	vst v0  }
0x240: {  	[tilespmem:$0x2400] =	vst v0  }
0x241: {  	[tilespmem:$0x2410] =	vst v0  }
0x242: {  	[tilespmem:$0x2420] =	vst v0  }
0x243: {  	[tilespmem:$0x2430] =	vst v0  }
0x244: {  	[tilespmem:$0x2440] =	vst v0  }
0x245: {  	[tilespmem:$0x2450] =	vst v0  }
0x246: {  	[tilespmem:$0x2460] =	vst v0  }
0x247: {  	[tilespmem:$0x2470] =	vst v0  }
0x248: {  	[tilespmem:$0x2480] =	vst v0  }
0x249: {  	[tilespmem:$0x2490] =	vst v0  }
0x24a: {  	[tilespmem:$0x24A0] =	vst v0  }
0x24b: {  	[tilespmem:$0x24B0] =	vst v0  }
0x24c: {  	[tilespmem:$0x24C0] =	vst v0  }
0x24d: {  	[tilespmem:$0x24D0] =	vst v0  }
0x24e: {  	[tilespmem:$0x24E0] =	vst v0  }
0x24f: {  	[tilespmem:$0x24F0] =	vst v0  }
0x250: {  	[tilespmem:$0x2500] =	vst v0  }
0x251: {  	[tilespmem:$0x2510] =	vst v0  }
0x252: {  	[tilespmem:$0x2520] =	vst v0  }
0x253: {  	[tilespmem:$0x2530] =	vst v0  }
0x254: {  	[tilespmem:$0x2540] =	vst v0  }
0x255: {  	[tilespmem:$0x2550] =	vst v0  }
0x256: {  	[tilespmem:$0x2560] =	vst v0  }
0x257: {  	[tilespmem:$0x2570] =	vst v0  }
0x258: {  	[tilespmem:$0x2580] =	vst v0  }
0x259: {  	[tilespmem:$0x2590] =	vst v0  }
0x25a: {  	[tilespmem:$0x25A0] =	vst v0  }
0x25b: {  	[tilespmem:$0x25B0] =	vst v0  }
0x25c: {  	[tilespmem:$0x25C0] =	vst v0  }
0x25d: {  	[tilespmem:$0x25D0] =	vst v0  }
0x25e: {  	[tilespmem:$0x25E0] =	vst v0  }
0x25f: {  	[tilespmem:$0x25F0] =	vst v0  }
0x260: {  	[tilespmem:$0x2600] =	vst v0  }
0x261: {  	[tilespmem:$0x2610] =	vst v0  }
0x262: {  	[tilespmem:$0x2620] =	vst v0  }
0x263: {  	[tilespmem:$0x2630] =	vst v0  }
0x264: {  	[tilespmem:$0x2640] =	vst v0  }
0x265: {  	[tilespmem:$0x2650] =	vst v0  }
0x266: {  	[tilespmem:$0x2660] =	vst v0  }
0x267: {  	[tilespmem:$0x2670] =	vst v0  }
0x268: {  	[tilespmem:$0x2680] =	vst v0  }
0x269: {  	[tilespmem:$0x2690] =	vst v0  }
0x26a: {  	[tilespmem:$0x26A0] =	vst v0  }
0x26b: {  	[tilespmem:$0x26B0] =	vst v0  }
0x26c: {  	[tilespmem:$0x26C0] =	vst v0  }
0x26d: {  	[tilespmem:$0x26D0] =	vst v0  }
0x26e: {  	[tilespmem:$0x26E0] =	vst v0  }
0x26f: {  	[tilespmem:$0x26F0] =	vst v0  }
0x270: {  	[tilespmem:$0x2700] =	vst v0  }
0x271: {  	[tilespmem:$0x2710] =	vst v0  }
0x272: {  	[tilespmem:$0x2720] =	vst v0  }
0x273: {  	[tilespmem:$0x2730] =	vst v0  }
0x274: {  	[tilespmem:$0x2740] =	vst v0  }
0x275: {  	[tilespmem:$0x2750] =	vst v0  }
0x276: {  	[tilespmem:$0x2760] =	vst v0  }
0x277: {  	[tilespmem:$0x2770] =	vst v0  }
0x278: {  	[tilespmem:$0x2780] =	vst v0  }
0x279: {  	[tilespmem:$0x2790] =	vst v0  }
0x27a: {  	[tilespmem:$0x27A0] =	vst v0  }
0x27b: {  	[tilespmem:$0x27B0] =	vst v0  }
0x27c: {  	[tilespmem:$0x27C0] =	vst v0  }
0x27d: {  	[tilespmem:$0x27D0] =	vst v0  }
0x27e: {  	[tilespmem:$0x27E0] =	vst v0  }
0x27f: {  	[tilespmem:$0x27F0] =	vst v0  }
0x280: {  	[tilespmem:$0x2800] =	vst v0  }
0x281: {  	[tilespmem:$0x2810] =	vst v0  }
0x282: {  	[tilespmem:$0x2820] =	vst v0  }
0x283: {  	[tilespmem:$0x2830] =	vst v0  }
0x284: {  	[tilespmem:$0x2840] =	vst v0  }
0x285: {  	[tilespmem:$0x2850] =	vst v0  }
0x286: {  	[tilespmem:$0x2860] =	vst v0  }
0x287: {  	[tilespmem:$0x2870] =	vst v0  }
0x288: {  	[tilespmem:$0x2880] =	vst v0  }
0x289: {  	[tilespmem:$0x2890] =	vst v0  }
0x28a: {  	[tilespmem:$0x28A0] =	vst v0  }
0x28b: {  	[tilespmem:$0x28B0] =	vst v0  }
0x28c: {  	[tilespmem:$0x28C0] =	vst v0  }
0x28d: {  	[tilespmem:$0x28D0] =	vst v0  }
0x28e: {  	[tilespmem:$0x28E0] =	vst v0  }
0x28f: {  	[tilespmem:$0x28F0] =	vst v0  }
0x290: {  	[tilespmem:$0x2900] =	vst v0  }
0x291: {  	[tilespmem:$0x2910] =	vst v0  }
0x292: {  	[tilespmem:$0x2920] =	vst v0  }
0x293: {  	[tilespmem:$0x2930] =	vst v0  }
0x294: {  	[tilespmem:$0x2940] =	vst v0  }
0x295: {  	[tilespmem:$0x2950] =	vst v0  }
0x296: {  	[tilespmem:$0x2960] =	vst v0  }
0x297: {  	[tilespmem:$0x2970] =	vst v0  }
0x298: {  	[tilespmem:$0x2980] =	vst v0  }
0x299: {  	[tilespmem:$0x2990] =	vst v0  }
0x29a: {  	[tilespmem:$0x29A0] =	vst v0  }
0x29b: {  	[tilespmem:$0x29B0] =	vst v0  }
0x29c: {  	[tilespmem:$0x29C0] =	vst v0  }
0x29d: {  	[tilespmem:$0x29D0] =	vst v0  }
0x29e: {  	[tilespmem:$0x29E0] =	vst v0  }
0x29f: {  	[tilespmem:$0x29F0] =	vst v0  }
0x2a0: {  	[tilespmem:$0x2A00] =	vst v0  }
0x2a1: {  	[tilespmem:$0x2A10] =	vst v0  }
0x2a2: {  	[tilespmem:$0x2A20] =	vst v0  }
0x2a3: {  	[tilespmem:$0x2A30] =	vst v0  }
0x2a4: {  	[tilespmem:$0x2A40] =	vst v0  }
0x2a5: {  	[tilespmem:$0x2A50] =	vst v0  }
0x2a6: {  	[tilespmem:$0x2A60] =	vst v0  }
0x2a7: {  	[tilespmem:$0x2A70] =	vst v0  }
0x2a8: {  	[tilespmem:$0x2A80] =	vst v0  }
0x2a9: {  	[tilespmem:$0x2A90] =	vst v0  }
0x2aa: {  	[tilespmem:$0x2AA0] =	vst v0  }
0x2ab: {  	[tilespmem:$0x2AB0] =	vst v0  }
0x2ac: {  	[tilespmem:$0x2AC0] =	vst v0  }
0x2ad: {  	[tilespmem:$0x2AD0] =	vst v0  }
0x2ae: {  	[tilespmem:$0x2AE0] =	vst v0  }
0x2af: {  	[tilespmem:$0x2AF0] =	vst v0  }
0x2b0: {  	[tilespmem:$0x2B00] =	vst v0  }
0x2b1: {  	[tilespmem:$0x2B10] =	vst v0  }
0x2b2: {  	[tilespmem:$0x2B20] =	vst v0  }
0x2b3: {  	[tilespmem:$0x2B30] =	vst v0  }
0x2b4: {  	[tilespmem:$0x2B40] =	vst v0  }
0x2b5: {  	[tilespmem:$0x2B50] =	vst v0  }
0x2b6: {  	[tilespmem:$0x2B60] =	vst v0  }
0x2b7: {  	[tilespmem:$0x2B70] =	vst v0  }
0x2b8: {  	[tilespmem:$0x2B80] =	vst v0  }
0x2b9: {  	[tilespmem:$0x2B90] =	vst v0  }
0x2ba: {  	[tilespmem:$0x2BA0] =	vst v0  }
0x2bb: {  	[tilespmem:$0x2BB0] =	vst v0  }
0x2bc: {  	[tilespmem:$0x2BC0] =	vst v0  }
0x2bd: {  	[tilespmem:$0x2BD0] =	vst v0  }
0x2be: {  	[tilespmem:$0x2BE0] =	vst v0  }
0x2bf: {  	[tilespmem:$0x2BF0] =	vst v0  }
0x2c0: {  	[tilespmem:$0x2C00] =	vst v0  }
0x2c1: {  	[tilespmem:$0x2C10] =	vst v0  }
0x2c2: {  	[tilespmem:$0x2C20] =	vst v0  }
0x2c3: {  	[tilespmem:$0x2C30] =	vst v0  }
0x2c4: {  	[tilespmem:$0x2C40] =	vst v0  }
0x2c5: {  	[tilespmem:$0x2C50] =	vst v0  }
0x2c6: {  	[tilespmem:$0x2C60] =	vst v0  }
0x2c7: {  	[tilespmem:$0x2C70] =	vst v0  }
0x2c8: {  	[tilespmem:$0x2C80] =	vst v0  }
0x2c9: {  	[tilespmem:$0x2C90] =	vst v0  }
0x2ca: {  	[tilespmem:$0x2CA0] =	vst v0  }
0x2cb: {  	[tilespmem:$0x2CB0] =	vst v0  }
0x2cc: {  	[tilespmem:$0x2CC0] =	vst v0  }
0x2cd: {  	[tilespmem:$0x2CD0] =	vst v0  }
0x2ce: {  	[tilespmem:$0x2CE0] =	vst v0  }
0x2cf: {  	[tilespmem:$0x2CF0] =	vst v0  }
0x2d0: {  	[tilespmem:$0x2D00] =	vst v0  }
0x2d1: {  	[tilespmem:$0x2D10] =	vst v0  }
0x2d2: {  	[tilespmem:$0x2D20] =	vst v0  }
0x2d3: {  	[tilespmem:$0x2D30] =	vst v0  }
0x2d4: {  	[tilespmem:$0x2D40] =	vst v0  }
0x2d5: {  	[tilespmem:$0x2D50] =	vst v0  }
0x2d6: {  	[tilespmem:$0x2D60] =	vst v0  }
0x2d7: {  	[tilespmem:$0x2D70] =	vst v0  }
0x2d8: {  	[tilespmem:$0x2D80] =	vst v0  }
0x2d9: {  	[tilespmem:$0x2D90] =	vst v0  }
0x2da: {  	[tilespmem:$0x2DA0] =	vst v0  }
0x2db: {  	[tilespmem:$0x2DB0] =	vst v0  }
0x2dc: {  	[tilespmem:$0x2DC0] =	vst v0  }
0x2dd: {  	[tilespmem:$0x2DD0] =	vst v0  }
0x2de: {  	[tilespmem:$0x2DE0] =	vst v0  }
0x2df: {  	[tilespmem:$0x2DF0] =	vst v0  }
0x2e0: {  	[tilespmem:$0x2E00] =	vst v0  }
0x2e1: {  	[tilespmem:$0x2E10] =	vst v0  }
0x2e2: {  	[tilespmem:$0x2E20] =	vst v0  }
0x2e3: {  	[tilespmem:$0x2E30] =	vst v0  }
0x2e4: {  	[tilespmem:$0x2E40] =	vst v0  }
0x2e5: {  	[tilespmem:$0x2E50] =	vst v0  }
0x2e6: {  	[tilespmem:$0x2E60] =	vst v0  }
0x2e7: {  	[tilespmem:$0x2E70] =	vst v0  }
0x2e8: {  	[tilespmem:$0x2E80] =	vst v0  }
0x2e9: {  	[tilespmem:$0x2E90] =	vst v0  }
0x2ea: {  	[tilespmem:$0x2EA0] =	vst v0  }
0x2eb: {  	[tilespmem:$0x2EB0] =	vst v0  }
0x2ec: {  	[tilespmem:$0x2EC0] =	vst v0  }
0x2ed: {  	[tilespmem:$0x2ED0] =	vst v0  }
0x2ee: {  	[tilespmem:$0x2EE0] =	vst v0  }
0x2ef: {  	[tilespmem:$0x2EF0] =	vst v0  }
0x2f0: {  	[tilespmem:$0x2F00] =	vst v0  }
0x2f1: {  	[tilespmem:$0x2F10] =	vst v0  }
0x2f2: {  	[tilespmem:$0x2F20] =	vst v0  }
0x2f3: {  	[tilespmem:$0x2F30] =	vst v0  }
0x2f4: {  	[tilespmem:$0x2F40] =	vst v0  }
0x2f5: {  	[tilespmem:$0x2F50] =	vst v0  }
0x2f6: {  	[tilespmem:$0x2F60] =	vst v0  }
0x2f7: {  	[tilespmem:$0x2F70] =	vst v0  }
0x2f8: {  	[tilespmem:$0x2F80] =	vst v0  }
0x2f9: {  	[tilespmem:$0x2F90] =	vst v0  }
0x2fa: {  	[tilespmem:$0x2FA0] =	vst v0  }
0x2fb: {  	[tilespmem:$0x2FB0] =	vst v0  }
0x2fc: {  	[tilespmem:$0x2FC0] =	vst v0  }
0x2fd: {  	[tilespmem:$0x2FD0] =	vst v0  }
0x2fe: {  	[tilespmem:$0x2FE0] =	vst v0  }
0x2ff: {  	[tilespmem:$0x2FF0] =	vst v0  }
0x300: {  	[tilespmem:$0x3000] =	vst v0  }
0x301: {  	[tilespmem:$0x3010] =	vst v0  }
0x302: {  	[tilespmem:$0x3020] =	vst v0  }
0x303: {  	[tilespmem:$0x3030] =	vst v0  }
0x304: {  	[tilespmem:$0x3040] =	vst v0  }
0x305: {  	[tilespmem:$0x3050] =	vst v0  }
0x306: {  	[tilespmem:$0x3060] =	vst v0  }
0x307: {  	[tilespmem:$0x3070] =	vst v0  }
0x308: {  	[tilespmem:$0x3080] =	vst v0  }
0x309: {  	[tilespmem:$0x3090] =	vst v0  }
0x30a: {  	[tilespmem:$0x30A0] =	vst v0  }
0x30b: {  	[tilespmem:$0x30B0] =	vst v0  }
0x30c: {  	[tilespmem:$0x30C0] =	vst v0  }
0x30d: {  	[tilespmem:$0x30D0] =	vst v0  }
0x30e: {  	[tilespmem:$0x30E0] =	vst v0  }
0x30f: {  	[tilespmem:$0x30F0] =	vst v0  }
0x310: {  	[tilespmem:$0x3100] =	vst v0  }
0x311: {  	[tilespmem:$0x3110] =	vst v0  }
0x312: {  	[tilespmem:$0x3120] =	vst v0  }
0x313: {  	[tilespmem:$0x3130] =	vst v0  }
0x314: {  	[tilespmem:$0x3140] =	vst v0  }
0x315: {  	[tilespmem:$0x3150] =	vst v0  }
0x316: {  	[tilespmem:$0x3160] =	vst v0  }
0x317: {  	[tilespmem:$0x3170] =	vst v0  }
0x318: {  	[tilespmem:$0x3180] =	vst v0  }
0x319: {  	[tilespmem:$0x3190] =	vst v0  }
0x31a: {  	[tilespmem:$0x31A0] =	vst v0  }
0x31b: {  	[tilespmem:$0x31B0] =	vst v0  }
0x31c: {  	[tilespmem:$0x31C0] =	vst v0  }
0x31d: {  	[tilespmem:$0x31D0] =	vst v0  }
0x31e: {  	[tilespmem:$0x31E0] =	vst v0  }
0x31f: {  	[tilespmem:$0x31F0] =	vst v0  }
0x320: {  	[tilespmem:$0x3200] =	vst v0  }
0x321: {  	[tilespmem:$0x3210] =	vst v0  }
0x322: {  	[tilespmem:$0x3220] =	vst v0  }
0x323: {  	[tilespmem:$0x3230] =	vst v0  }
0x324: {  	[tilespmem:$0x3240] =	vst v0  }
0x325: {  	[tilespmem:$0x3250] =	vst v0  }
0x326: {  	[tilespmem:$0x3260] =	vst v0  }
0x327: {  	[tilespmem:$0x3270] =	vst v0  }
0x328: {  	[tilespmem:$0x3280] =	vst v0  }
0x329: {  	[tilespmem:$0x3290] =	vst v0  }
0x32a: {  	[tilespmem:$0x32A0] =	vst v0  }
0x32b: {  	[tilespmem:$0x32B0] =	vst v0  }
0x32c: {  	[tilespmem:$0x32C0] =	vst v0  }
0x32d: {  	[tilespmem:$0x32D0] =	vst v0  }
0x32e: {  	[tilespmem:$0x32E0] =	vst v0  }
0x32f: {  	[tilespmem:$0x32F0] =	vst v0  }
0x330: {  	[tilespmem:$0x3300] =	vst v0  }
0x331: {  	[tilespmem:$0x3310] =	vst v0  }
0x332: {  	[tilespmem:$0x3320] =	vst v0  }
0x333: {  	[tilespmem:$0x3330] =	vst v0  }
0x334: {  	[tilespmem:$0x3340] =	vst v0  }
0x335: {  	[tilespmem:$0x3350] =	vst v0  }
0x336: {  	[tilespmem:$0x3360] =	vst v0  }
0x337: {  	[tilespmem:$0x3370] =	vst v0  }
0x338: {  	[tilespmem:$0x3380] =	vst v0  }
0x339: {  	[tilespmem:$0x3390] =	vst v0  }
0x33a: {  	[tilespmem:$0x33A0] =	vst v0  }
0x33b: {  	[tilespmem:$0x33B0] =	vst v0  }
0x33c: {  	[tilespmem:$0x33C0] =	vst v0  }
0x33d: {  	[tilespmem:$0x33D0] =	vst v0  }
0x33e: {  	[tilespmem:$0x33E0] =	vst v0  }
0x33f: {  	[tilespmem:$0x33F0] =	vst v0  }
0x340: {  	[tilespmem:$0x3400] =	vst v0  }
0x341: {  	[tilespmem:$0x3410] =	vst v0  }
0x342: {  	[tilespmem:$0x3420] =	vst v0  }
0x343: {  	[tilespmem:$0x3430] =	vst v0  }
0x344: {  	[tilespmem:$0x3440] =	vst v0  }
0x345: {  	[tilespmem:$0x3450] =	vst v0  }
0x346: {  	[tilespmem:$0x3460] =	vst v0  }
0x347: {  	[tilespmem:$0x3470] =	vst v0  }
0x348: {  	[tilespmem:$0x3480] =	vst v0  }
0x349: {  	[tilespmem:$0x3490] =	vst v0  }
0x34a: {  	[tilespmem:$0x34A0] =	vst v0  }
0x34b: {  	[tilespmem:$0x34B0] =	vst v0  }
0x34c: {  	[tilespmem:$0x34C0] =	vst v0  }
0x34d: {  	[tilespmem:$0x34D0] =	vst v0  }
0x34e: {  	[tilespmem:$0x34E0] =	vst v0  }
0x34f: {  	[tilespmem:$0x34F0] =	vst v0  }
0x350: {  	[tilespmem:$0x3500] =	vst v0  }
0x351: {  	[tilespmem:$0x3510] =	vst v0  }
0x352: {  	[tilespmem:$0x3520] =	vst v0  }
0x353: {  	[tilespmem:$0x3530] =	vst v0  }
0x354: {  	[tilespmem:$0x3540] =	vst v0  }
0x355: {  	[tilespmem:$0x3550] =	vst v0  }
0x356: {  	[tilespmem:$0x3560] =	vst v0  }
0x357: {  	[tilespmem:$0x3570] =	vst v0  }
0x358: {  	[tilespmem:$0x3580] =	vst v0  }
0x359: {  	[tilespmem:$0x3590] =	vst v0  }
0x35a: {  	[tilespmem:$0x35A0] =	vst v0  }
0x35b: {  	[tilespmem:$0x35B0] =	vst v0  }
0x35c: {  	[tilespmem:$0x35C0] =	vst v0  }
0x35d: {  	[tilespmem:$0x35D0] =	vst v0  }
0x35e: {  	[tilespmem:$0x35E0] =	vst v0  }
0x35f: {  	[tilespmem:$0x35F0] =	vst v0  }
0x360: {  	[tilespmem:$0x3600] =	vst v0  }
0x361: {  	[tilespmem:$0x3610] =	vst v0  }
0x362: {  	[tilespmem:$0x3620] =	vst v0  }
0x363: {  	[tilespmem:$0x3630] =	vst v0  }
0x364: {  	[tilespmem:$0x3640] =	vst v0  }
0x365: {  	[tilespmem:$0x3650] =	vst v0  }
0x366: {  	[tilespmem:$0x3660] =	vst v0  }
0x367: {  	[tilespmem:$0x3670] =	vst v0  }
0x368: {  	[tilespmem:$0x3680] =	vst v0  }
0x369: {  	[tilespmem:$0x3690] =	vst v0  }
0x36a: {  	[tilespmem:$0x36A0] =	vst v0  }
0x36b: {  	[tilespmem:$0x36B0] =	vst v0  }
0x36c: {  	[tilespmem:$0x36C0] =	vst v0  }
0x36d: {  	[tilespmem:$0x36D0] =	vst v0  }
0x36e: {  	[tilespmem:$0x36E0] =	vst v0  }
0x36f: {  	[tilespmem:$0x36F0] =	vst v0  }
0x370: {  	[tilespmem:$0x3700] =	vst v0  }
0x371: {  	[tilespmem:$0x3710] =	vst v0  }
0x372: {  	[tilespmem:$0x3720] =	vst v0  }
0x373: {  	[tilespmem:$0x3730] =	vst v0  }
0x374: {  	[tilespmem:$0x3740] =	vst v0  }
0x375: {  	[tilespmem:$0x3750] =	vst v0  }
0x376: {  	[tilespmem:$0x3760] =	vst v0  }
0x377: {  	[tilespmem:$0x3770] =	vst v0  }
0x378: {  	[tilespmem:$0x3780] =	vst v0  }
0x379: {  	[tilespmem:$0x3790] =	vst v0  }
0x37a: {  	[tilespmem:$0x37A0] =	vst v0  }
0x37b: {  	[tilespmem:$0x37B0] =	vst v0  }
0x37c: {  	[tilespmem:$0x37C0] =	vst v0  }
0x37d: {  	[tilespmem:$0x37D0] =	vst v0  }
0x37e: {  	[tilespmem:$0x37E0] =	vst v0  }
0x37f: {  	[tilespmem:$0x37F0] =	vst v0  }
0x380: {  	[tilespmem:$0x3800] =	vst v0  }
0x381: {  	[tilespmem:$0x3810] =	vst v0  }
0x382: {  	[tilespmem:$0x3820] =	vst v0  }
0x383: {  	[tilespmem:$0x3830] =	vst v0  }
0x384: {  	[tilespmem:$0x3840] =	vst v0  }
0x385: {  	[tilespmem:$0x3850] =	vst v0  }
0x386: {  	[tilespmem:$0x3860] =	vst v0  }
0x387: {  	[tilespmem:$0x3870] =	vst v0  }
0x388: {  	[tilespmem:$0x3880] =	vst v0  }
0x389: {  	[tilespmem:$0x3890] =	vst v0  }
0x38a: {  	[tilespmem:$0x38A0] =	vst v0  }
0x38b: {  	[tilespmem:$0x38B0] =	vst v0  }
0x38c: {  	[tilespmem:$0x38C0] =	vst v0  }
0x38d: {  	[tilespmem:$0x38D0] =	vst v0  }
0x38e: {  	[tilespmem:$0x38E0] =	vst v0  }
0x38f: {  	[tilespmem:$0x38F0] =	vst v0  }
0x390: {  	[tilespmem:$0x3900] =	vst v0  }
0x391: {  	[tilespmem:$0x3910] =	vst v0  }
0x392: {  	[tilespmem:$0x3920] =	vst v0  }
0x393: {  	[tilespmem:$0x3930] =	vst v0  }
0x394: {  	[tilespmem:$0x3940] =	vst v0  }
0x395: {  	[tilespmem:$0x3950] =	vst v0  }
0x396: {  	[tilespmem:$0x3960] =	vst v0  }
0x397: {  	[tilespmem:$0x3970] =	vst v0  }
0x398: {  	[tilespmem:$0x3980] =	vst v0  }
0x399: {  	[tilespmem:$0x3990] =	vst v0  }
0x39a: {  	[tilespmem:$0x39A0] =	vst v0  }
0x39b: {  	[tilespmem:$0x39B0] =	vst v0  }
0x39c: {  	[tilespmem:$0x39C0] =	vst v0  }
0x39d: {  	[tilespmem:$0x39D0] =	vst v0  }
0x39e: {  	[tilespmem:$0x39E0] =	vst v0  }
0x39f: {  	[tilespmem:$0x39F0] =	vst v0  }
0x3a0: {  	[tilespmem:$0x3A00] =	vst v0  }
0x3a1: {  	[tilespmem:$0x3A10] =	vst v0  }
0x3a2: {  	[tilespmem:$0x3A20] =	vst v0  }
0x3a3: {  	[tilespmem:$0x3A30] =	vst v0  }
0x3a4: {  	[tilespmem:$0x3A40] =	vst v0  }
0x3a5: {  	[tilespmem:$0x3A50] =	vst v0  }
0x3a6: {  	[tilespmem:$0x3A60] =	vst v0  }
0x3a7: {  	[tilespmem:$0x3A70] =	vst v0  }
0x3a8: {  	[tilespmem:$0x3A80] =	vst v0  }
0x3a9: {  	[tilespmem:$0x3A90] =	vst v0  }
0x3aa: {  	[tilespmem:$0x3AA0] =	vst v0  }
0x3ab: {  	[tilespmem:$0x3AB0] =	vst v0  }
0x3ac: {  	[tilespmem:$0x3AC0] =	vst v0  }
0x3ad: {  	[tilespmem:$0x3AD0] =	vst v0  }
0x3ae: {  	[tilespmem:$0x3AE0] =	vst v0  }
0x3af: {  	[tilespmem:$0x3AF0] =	vst v0  }
0x3b0: {  	[tilespmem:$0x3B00] =	vst v0  }
0x3b1: {  	[tilespmem:$0x3B10] =	vst v0  }
0x3b2: {  	[tilespmem:$0x3B20] =	vst v0  }
0x3b3: {  	[tilespmem:$0x3B30] =	vst v0  }
0x3b4: {  	[tilespmem:$0x3B40] =	vst v0  }
0x3b5: {  	[tilespmem:$0x3B50] =	vst v0  }
0x3b6: {  	[tilespmem:$0x3B60] =	vst v0  }
0x3b7: {  	[tilespmem:$0x3B70] =	vst v0  }
0x3b8: {  	[tilespmem:$0x3B80] =	vst v0  }
0x3b9: {  	[tilespmem:$0x3B90] =	vst v0  }
0x3ba: {  	[tilespmem:$0x3BA0] =	vst v0  }
0x3bb: {  	[tilespmem:$0x3BB0] =	vst v0  }
0x3bc: {  	[tilespmem:$0x3BC0] =	vst v0  }
0x3bd: {  	[tilespmem:$0x3BD0] =	vst v0  }
0x3be: {  	[tilespmem:$0x3BE0] =	vst v0  }
0x3bf: {  	[tilespmem:$0x3BF0] =	vst v0  }
0x3c0: {  	[tilespmem:$0x3C00] =	vst v0  }
0x3c1: {  	[tilespmem:$0x3C10] =	vst v0  }
0x3c2: {  	[tilespmem:$0x3C20] =	vst v0  }
0x3c3: {  	[tilespmem:$0x3C30] =	vst v0  }
0x3c4: {  	[tilespmem:$0x3C40] =	vst v0  }
0x3c5: {  	[tilespmem:$0x3C50] =	vst v0  }
0x3c6: {  	[tilespmem:$0x3C60] =	vst v0  }
0x3c7: {  	[tilespmem:$0x3C70] =	vst v0  }
0x3c8: {  	[tilespmem:$0x3C80] =	vst v0  }
0x3c9: {  	[tilespmem:$0x3C90] =	vst v0  }
0x3ca: {  	[tilespmem:$0x3CA0] =	vst v0  }
0x3cb: {  	[tilespmem:$0x3CB0] =	vst v0  }
0x3cc: {  	[tilespmem:$0x3CC0] =	vst v0  }
0x3cd: {  	[tilespmem:$0x3CD0] =	vst v0  }
0x3ce: {  	[tilespmem:$0x3CE0] =	vst v0  }
0x3cf: {  	[tilespmem:$0x3CF0] =	vst v0  }
0x3d0: {  	[tilespmem:$0x3D00] =	vst v0  }
0x3d1: {  	[tilespmem:$0x3D10] =	vst v0  }
0x3d2: {  	[tilespmem:$0x3D20] =	vst v0  }
0x3d3: {  	[tilespmem:$0x3D30] =	vst v0  }
0x3d4: {  	[tilespmem:$0x3D40] =	vst v0  }
0x3d5: {  	[tilespmem:$0x3D50] =	vst v0  }
0x3d6: {  	[tilespmem:$0x3D60] =	vst v0  }
0x3d7: {  	[tilespmem:$0x3D70] =	vst v0  }
0x3d8: {  	[tilespmem:$0x3D80] =	vst v0  }
0x3d9: {  	[tilespmem:$0x3D90] =	vst v0  }
0x3da: {  	[tilespmem:$0x3DA0] =	vst v0  }
0x3db: {  	[tilespmem:$0x3DB0] =	vst v0  }
0x3dc: {  	[tilespmem:$0x3DC0] =	vst v0  }
0x3dd: {  	[tilespmem:$0x3DD0] =	vst v0  }
0x3de: {  	[tilespmem:$0x3DE0] =	vst v0  }
0x3df: {  	[tilespmem:$0x3DF0] =	vst v0  }
0x3e0: {  	[tilespmem:$0x3E00] =	vst v0  }
0x3e1: {  	[tilespmem:$0x3E10] =	vst v0  }
0x3e2: {  	[tilespmem:$0x3E20] =	vst v0  }
0x3e3: {  	[tilespmem:$0x3E30] =	vst v0  }
0x3e4: {  	[tilespmem:$0x3E40] =	vst v0  }
0x3e5: {  	[tilespmem:$0x3E50] =	vst v0  }
0x3e6: {  	[tilespmem:$0x3E60] =	vst v0  }
0x3e7: {  	[tilespmem:$0x3E70] =	vst v0  }
0x3e8: {  	[tilespmem:$0x3E80] =	vst v0  }
0x3e9: {  	[tilespmem:$0x3E90] =	vst v0  }
0x3ea: {  	[tilespmem:$0x3EA0] =	vst v0  }
0x3eb: {  	[tilespmem:$0x3EB0] =	vst v0  }
0x3ec: {  	[tilespmem:$0x3EC0] =	vst v0  }
0x3ed: {  	[tilespmem:$0x3ED0] =	vst v0  }
0x3ee: {  	[tilespmem:$0x3EE0] =	vst v0  }
0x3ef: {  	[tilespmem:$0x3EF0] =	vst v0  }
0x3f0: {  	[tilespmem:$0x3F00] =	vst v0  }
0x3f1: {  	[tilespmem:$0x3F10] =	vst v0  }
0x3f2: {  	[tilespmem:$0x3F20] =	vst v0  }
0x3f3: {  	[tilespmem:$0x3F30] =	vst v0  }
0x3f4: {  	[tilespmem:$0x3F40] =	vst v0  }
0x3f5: {  	[tilespmem:$0x3F50] =	vst v0  }
0x3f6: {  	[tilespmem:$0x3F60] =	vst v0  }
0x3f7: {  	[tilespmem:$0x3F70] =	vst v0  }
0x3f8: {  	[tilespmem:$0x3F80] =	vst v0  }
0x3f9: {  	[tilespmem:$0x3F90] =	vst v0  }
0x3fa: {  	[tilespmem:$0x3FA0] =	vst v0  }
0x3fb: {  	[tilespmem:$0x3FB0] =	vst v0  }
0x3fc: {  	[tilespmem:$0x3FC0] =	vst v0  }
0x3fd: {  	[tilespmem:$0x3FD0] =	vst v0  }
0x3fe: {  	[tilespmem:$0x3FE0] =	vst v0  }
0x3ff: {  	[tilespmem:$0x3FF0] =	vst v0  }
0x400: {  	[tilespmem:$0x4000] =	vst v0  }
0x401: {  	[tilespmem:$0x4010] =	vst v0  }
0x402: {  	[tilespmem:$0x4020] =	vst v0  }
0x403: {  	[tilespmem:$0x4030] =	vst v0  }
0x404: {  	[tilespmem:$0x4040] =	vst v0  }
0x405: {  	[tilespmem:$0x4050] =	vst v0  }
0x406: {  	[tilespmem:$0x4060] =	vst v0  }
0x407: {  	[tilespmem:$0x4070] =	vst v0  }
0x408: {  	[tilespmem:$0x4080] =	vst v0  }
0x409: {  	[tilespmem:$0x4090] =	vst v0  }
0x40a: {  	[tilespmem:$0x40A0] =	vst v0  }
0x40b: {  	[tilespmem:$0x40B0] =	vst v0  }
0x40c: {  	[tilespmem:$0x40C0] =	vst v0  }
0x40d: {  	[tilespmem:$0x40D0] =	vst v0  }
0x40e: {  	[tilespmem:$0x40E0] =	vst v0  }
0x40f: {  	[tilespmem:$0x40F0] =	vst v0  }
0x410: {  	[tilespmem:$0x4100] =	vst v0  }
0x411: {  	[tilespmem:$0x4110] =	vst v0  }
0x412: {  	[tilespmem:$0x4120] =	vst v0  }
0x413: {  	[tilespmem:$0x4130] =	vst v0  }
0x414: {  	[tilespmem:$0x4140] =	vst v0  }
0x415: {  	[tilespmem:$0x4150] =	vst v0  }
0x416: {  	[tilespmem:$0x4160] =	vst v0  }
0x417: {  	[tilespmem:$0x4170] =	vst v0  }
0x418: {  	[spmem:s8] =	stream.linear.scatter [tilespmem:s13], [sflag:$0x3], $0x4000, $0x38;
	[tilespmem:$0x14200] =	vst v63  }
0x419: {  	_ =	swait.ge [sflag:s14], $0x4000  }
0x41a: {  	[sflag:s14] =	ssyncset.done $0x0  }
0x41b: {  	[sflag:s14] =	ssyncadd.s32 $0xFFFFC000  }
0x41c: {  	[spmem:s9] =	stream.linear.scatter [tilespmem:s13], [sflag:$0x3], $0x4000, $0x38;
	[tilespmem:$0x14200] =	vst v63  }
0x41d: {  	_ =	swait.ge [sflag:s14], $0x4000  }
0x41e: {  	[sflag:s14] =	ssyncset.done $0x0  }
0x41f: {  	[sflag:s14] =	ssyncadd.s32 $0xFFFFC000  }
0x420: {  	[bflag:$0x0] =	sbarrier.arrive $0xFFFF  }
0x421: {  	[tilespmem:s15], [sflag:$0x3] =	stream.linear.gather [hbm4b:s10+s3], $0x80, $0x38;
	[tilespmem:$0x14200] =	vst v63  }
0x422: {  	_ =	swait.ge [sflag:s14], $0x80  }
0x423: {  	[sflag:s14] =	ssyncset.done $0x0  }
0x424: {  	[sflag:s14] =	ssyncadd.s32 $0xFFFFFF80  }
0x425: {  	v1 =	vld [tilespmem:$0xC180];
	_ =	sdelay $0x4  }
0x426: {  	(v2sf) =	vpush v1, $0x0;
	_ =	sdelay $0xe  }
0x427: {  	s25 =	spop (v2sf)  }
0x428: {  	p0 =	slt.s32 s25, $0x1000  }
0x429: {  	p1 =	slt.s32 s25, $0xFFFFFF82;
	s25 =	simm.s32 @!p0 $0x1000  }
0x42a: {  	s25 =	sadd.s32 $0x7F, s25  }
0x42b: {  	s26 =	sand.u32 $0x7F, s25  }
0x42c: {  	s31 =	sshra.s32 s25, $0x1F;
	p6 =	sne.s32 s26, $0x0  }
0x42d: {  	s26 =	sshrl.u32 s31, $0x19;
	p0 =	por !p1, !p6  }
0x42e: {  	s25 =	sadd.s32 s26, s25;
	s26 =	simm.s32 $0x1;
	p0 =	por !p0, !p0  }
0x42f: {  	s25 =	sshra.s32 s25, $0x7;
	s26 =	simm.s32 @!p0 $0x0  }
0x430: {  	s25 =	ssub.s32 s25, s26  }
0x431: {  	p0 =	slt.s32 s25, $0x1  }
.Ltmp2:
0x432: {  	_ = 	snop;
	(pc) =	sbr.rel @p0 .LBB2_5-.Ltmp2, $2  }
0x433: {  	_ =	sdelay $0x2  }
0x434: {  	s26 =	simm.s32 $0x0  }
.LBB2_2:
0x435: {  	s28 =	sshll.u32 s26, $0x7  }
0x436: {  	s28 =	sadd.s32 s7, s28  }
0x437: {  	s29 =	sshrl.u32 s28, $0x3  }
0x438: {  	s30 =	simm.s32 $0x0;
	s29 =	sadd.s32 s5, s29  }
0x439: {  	[tilespmem:s30], [sflag:$0x3] =	stream.linear.gather [hbm4b:s29+s30], $0x80, $0x38;
	[tilespmem:$0x14200] =	vst v63  }
0x43a: {  	_ =	swait.ge [sflag:s14], $0x80  }
0x43b: {  	[sflag:s14] =	ssyncset.done $0x0  }
0x43c: {  	[sflag:s14] =	ssyncadd.s32 $0xFFFFFF80  }
0x43d: {  	v1 =	vld [tilespmem:$0x0];
	_ =	sdelay $0x1  }
0x43e: {  	v2 =	vld [tilespmem:$0x10];
	_ =	sdelay $0x1  }
0x43f: {  	v3 =	vld [tilespmem:$0x20]  }
0x440: {  	v4 =	vshrl.u32 v1, $0xC  }
0x441: {  	v1 =	vand.u32 $0xFFF, v1;
	[tilespmem:$0x80] =	vst v4;
	v4 =	vld [tilespmem:$0x30]  }
0x442: {  	[tilespmem:$0x100] =	vst v1;
	v1 =	vshrl.u32 v2, $0xC  }
0x443: {  	[tilespmem:$0x90] =	vst v1;
	v1 =	vand.u32 $0xFFF, v2;
	v2 =	vld [tilespmem:$0x40]  }
0x444: {  	[tilespmem:$0x110] =	vst v1;
	v1 =	vshrl.u32 v3, $0xC  }
0x445: {  	[tilespmem:$0xA0] =	vst v1;
	v1 =	vand.u32 $0xFFF, v3;
	v3 =	vld [tilespmem:$0x50]  }
0x446: {  	[tilespmem:$0x120] =	vst v1;
	v1 =	vshrl.u32 v4, $0xC  }
0x447: {  	[tilespmem:$0xB0] =	vst v1;
	v1 =	vand.u32 $0xFFF, v4;
	v4 =	vld [tilespmem:$0x60]  }
0x448: {  	[tilespmem:$0x130] =	vst v1;
	v1 =	vshrl.u32 v2, $0xC  }
0x449: {  	[tilespmem:$0xC0] =	vst v1;
	v1 =	vand.u32 $0xFFF, v2;
	v2 =	vld [tilespmem:$0x70]  }
0x44a: {  	[tilespmem:$0x140] =	vst v1;
	v1 =	vshrl.u32 v3, $0xC  }
0x44b: {  	[tilespmem:$0xD0] =	vst v1;
	v1 =	vand.u32 $0xFFF, v3  }
0x44c: {  	[tilespmem:$0x150] =	vst v1;
	v1 =	vshrl.u32 v4, $0xC  }
0x44d: {  	[tilespmem:$0xE0] =	vst v1;
	v1 =	vand.u32 $0xFFF, v4  }
0x44e: {  	[tilespmem:$0x160] =	vst v1;
	v1 =	vshrl.u32 v2, $0xC  }
0x44f: {  	[tilespmem:$0xF0] =	vst v1;
	v1 =	vand.u32 $0xFFF, v2  }
0x450: {  	[tilespmem:$0x170] =	vst v1  }
0x451: {  	[tilespmem:s13], [sflag:$0x1] =	stream.indirect.gather [hbm4b:s4+s17], $0x80, s18, s17, $0xb8;
	[tilespmem:$0x14200] =	vst v63  }
0x452: {  	s28 =	sshll.u32 s28, $0x4  }
0x453: {  	[tilespmem:s19], [sflag:$0x2] =	stream.indirect.gather [hbm4b:s4+s17], $0x80, s17, s17, $0xb8;
	[tilespmem:$0x14200] =	vst v63  }
0x454: {  	s28 =	sadd.s32 s6, s28  }
0x455: {  	[tilespmem:s20], [sflag:$0x3] =	stream.linear.gather [hbm4b:s28+s30], $0x4000, $0x38;
	[tilespmem:$0x14200] =	vst v63  }
0x456: {  	_ =	swait.ge [sflag:s14], $0x4000  }
0x457: {  	[sflag:s14] =	ssyncset.done $0x0  }
0x458: {  	[sflag:s14] =	ssyncadd.s32 $0xFFFFC000  }
0x459: {  	_ =	swait.ge [sflag:s16], $0x4000  }
0x45a: {  	[sflag:s16] =	ssyncset.done $0x0  }
0x45b: {  	[sflag:s16] =	ssyncadd.s32 $0xFFFFC000  }
0x45c: {  	_ =	swait.ge [sflag:s21], $0x4000  }
0x45d: {  	[sflag:s21] =	ssyncset.done $0x0  }
0x45e: {  	s28 =	simm.s32 $0x0;
	[sflag:s21] =	ssyncadd.s32 $0xFFFFC000  }
0x45f: {  	v5 =	vld [tilespmem:s28+$0x8180]  }
0x460: {  	v6 =	vld [tilespmem:s28+$0x8190]  }
0x461: {  	v7 =	vld [tilespmem:s28+$0x81A0]  }
0x462: {  	v8 =	vld [tilespmem:s28+$0x81B0]  }
0x463: {  	v9 =	vld [tilespmem:s28+$0x81B0]  }
0x464: {  	v10 =	vld [tilespmem:s28+$0x81C0]  }
0x465: {  	v12 =	vld [tilespmem:s28+$0x81C0]  }
0x466: {  	v4 =	vld [tilespmem:s28+$0x81D0]  }
0x467: {  	v3 =	vld [tilespmem:s28+$0x81E0]  }
0x468: {  	v2 =	vld [tilespmem:s28+$0x81F0]  }
0x469: {  	v1 =	vld [tilespmem:s28+$0x81F0]  }
0x46a: {  	v11 =	vld [tilespmem:s28+$0x180]  }
0x46b: {  	v13 =	vld [tilespmem:s28+$0x4180]  }
0x46c: {  	v14 =	vld [tilespmem:s28+$0x190]  }
0x46d: {  	v16 =	vld [tilespmem:s28+$0x1A0]  }
0x46e: {  	v15 =	vld [tilespmem:s28+$0x4190]  }
0x46f: {  	v17 =	vld [tilespmem:s28+$0x41A0];
	v11 =	vmul.f32 v5, v11  }
0x470: {  	v18 =	vld [tilespmem:s28+$0x1B0];
	v5 =	vmul.f32 v5, v13  }
0x471: {  	v60 =	vmul.f32 v6, v14;
	[tilespmem:s28+$0x180] =	vst v11;
	v11 =	vld [tilespmem:s28+$0x41B0]  }
0x472: {  	v61 =	vld [tilespmem:s28+$0x1C0];
	v63 =	vmul.f32 v7, v16;
	[tilespmem:s28+$0x4180] =	vst v5  }
0x473: {  	v62 =	vld [tilespmem:s28+$0x41C0];
	v5 =	vmul.f32 v6, v15;
	[tilespmem:s28+$0x190] =	vst v60  }
0x474: {  	v7 =	vmul.f32 v7, v17;
	v6 =	vld [tilespmem:s28+$0x1D0];
	[tilespmem:s28+$0x1A0] =	vst v63  }
0x475: {  	v8 =	vmul.f32 v8, v18;
	[tilespmem:s28+$0x4190] =	vst v5;
	v5 =	vld [tilespmem:s28+$0x41D0]  }
0x476: {  	[tilespmem:s28+$0x41A0] =	vst v7;
	v7 =	vld [tilespmem:s28+$0x1E0];
	v9 =	vmul.f32 v9, v11  }
0x477: {  	[tilespmem:s28+$0x1B0] =	vst v8;
	v8 =	vld [tilespmem:s28+$0x41E0];
	v11 =	vmul.f32 v10, v61  }
0x478: {  	s29 =	simm.s32 $0x200;
	v10 =	vmul.f32 v12, v62;
	[tilespmem:s28+$0x41B0] =	vst v9;
	v9 =	vld [tilespmem:s28+$0x1F0]  }
.LBB2_3:
0x479: {  	s30 =	sshra.s32 s29, $0x2;
	p0 =	sne.s32 s29, $0xFE00;
	[tilespmem:s28+$0x1C0] =	vst v11;
	v6 =	vmul.f32 v4, v6;
	v11 =	vld [tilespmem:s28+$0x41F0]  }
0x47a: {  	v12 =	vld [tilespmem:s30+$0x8180];
	[tilespmem:s28+$0x41C0] =	vst v10;
	v4 =	vmul.f32 v4, v5  }
0x47b: {  	v5 =	vld [tilespmem:s30+$0x8190];
	[tilespmem:s28+$0x1D0] =	vst v6;
	v6 =	vmul.f32 v3, v7  }
0x47c: {  	v7 =	vld [tilespmem:s30+$0x81A0];
	[tilespmem:s28+$0x41D0] =	vst v4;
	v3 =	vmul.f32 v3, v8  }
0x47d: {  	v8 =	vld [tilespmem:s30+$0x81B0];
	[tilespmem:s28+$0x1E0] =	vst v6;
	v2 =	vmul.f32 v2, v9  }
0x47e: {  	v9 =	vld [tilespmem:s30+$0x81B0];
	[tilespmem:s28+$0x41E0] =	vst v3;
	v1 =	vmul.f32 v1, v11  }
0x47f: {  	v10 =	vld [tilespmem:s30+$0x81C0];
	[tilespmem:s28+$0x1F0] =	vst v2  }
0x480: {  	v13 =	vld [tilespmem:s30+$0x81C0];
	[tilespmem:s28+$0x41F0] =	vst v1;
	s28 =	smov.u32 s30  }
0x481: {  	v4 =	vld [tilespmem:s28+$0x81D0]  }
0x482: {  	v3 =	vld [tilespmem:s28+$0x81E0]  }
0x483: {  	v2 =	vld [tilespmem:s28+$0x81F0]  }
0x484: {  	v1 =	vld [tilespmem:s28+$0x81F0]  }
0x485: {  	v6 =	vld [tilespmem:s28+$0x180]  }
0x486: {  	v11 =	vld [tilespmem:s28+$0x4180]  }
0x487: {  	v14 =	vld [tilespmem:s28+$0x190]  }
0x488: {  	v15 =	vld [tilespmem:s28+$0x4190]  }
0x489: {  	v16 =	vld [tilespmem:s28+$0x1A0]  }
0x48a: {  	v6 =	vmul.f32 v12, v6;
	v17 =	vld [tilespmem:s28+$0x41A0]  }
0x48b: {  	v11 =	vmul.f32 v12, v11;
	v12 =	vld [tilespmem:s28+$0x1B0]  }
0x48c: {  	[tilespmem:s28+$0x180] =	vst v6;
	v6 =	vmul.f32 v5, v14;
	v14 =	vld [tilespmem:s28+$0x41B0]  }
0x48d: {  	[tilespmem:s28+$0x4180] =	vst v11;
	v5 =	vmul.f32 v5, v15;
	v11 =	vld [tilespmem:s28+$0x1C0]  }
0x48e: {  	[tilespmem:s28+$0x190] =	vst v6;
	v15 =	vmul.f32 v7, v16;
	v16 =	vld [tilespmem:s28+$0x41C0]  }
.Ltmp3:
0x48f: {  	[tilespmem:s28+$0x4190] =	vst v5;
	v7 =	vmul.f32 v7, v17;
	v6 =	vld [tilespmem:s28+$0x1D0];
	(pc) =	sbr.rel @p0 .LBB2_3-.Ltmp3, $4  }
0x490: {  	[tilespmem:s28+$0x1A0] =	vst v15;
	v8 =	vmul.f32 v8, v12;
	v5 =	vld [tilespmem:s28+$0x41D0]  }
0x491: {  	[tilespmem:s28+$0x41A0] =	vst v7;
	v9 =	vmul.f32 v9, v14;
	v7 =	vld [tilespmem:s28+$0x1E0]  }
0x492: {  	[tilespmem:s28+$0x1B0] =	vst v8;
	v11 =	vmul.f32 v10, v11;
	v8 =	vld [tilespmem:s28+$0x41E0]  }
0x493: {  	s29 =	sadd.s32 $0x200, s29;
	[tilespmem:s28+$0x41B0] =	vst v9;
	v10 =	vmul.f32 v13, v16;
	v9 =	vld [tilespmem:s28+$0x1F0]  }
0x494: {  	[tilespmem:s28+$0x1C0] =	vst v11;
	v6 =	vmul.f32 v4, v6;
	v61 =	vld [tilespmem:s28+$0x41F0]  }
0x495: {  	[tilespmem:s28+$0x41C0] =	vst v10;
	v62 =	vmul.f32 v4, v5  }
0x496: {  	[tilespmem:s28+$0x1D0] =	vst v6;
	v63 =	vmul.f32 v3, v7  }
0x497: {  	[tilespmem:s28+$0x41D0] =	vst v62;
	v3 =	vmul.f32 v3, v8  }
0x498: {  	[tilespmem:s28+$0x1E0] =	vst v63;
	v2 =	vmul.f32 v2, v9  }
0x499: {  	[tilespmem:s28+$0x41E0] =	vst v3;
	v1 =	vmul.f32 v1, v61  }
0x49a: {  	[tilespmem:s28+$0x1F0] =	vst v2  }
0x49b: {  	[tilespmem:s28+$0x41F0] =	vst v1  }
0x49c: {  	[spmem:s1] =	stream.indirect.scatter.add.f32 [tilespmem:s13], [sflag:$0x3], $0x80, s17, s17, $0xb8;
	[tilespmem:$0x14200] =	vst v63  }
0x49d: {  	_ =	swait.ge [sflag:s14], $0x4000  }
0x49e: {  	s26 =	sadd.s32 $0x1, s26;
	[sflag:s14] =	ssyncset.done $0x0  }
0x49f: {  	p0 =	sne.s32 s26, s25;
	[sflag:s14] =	ssyncadd.s32 $0xFFFFC000  }
0x4a0: {  	[spmem:s1] =	stream.indirect.scatter.add.f32 [tilespmem:s19], [sflag:$0x3], $0x80, s18, s17, $0xb8;
	[tilespmem:$0x14200] =	vst v63  }
.Ltmp4:
0x4a1: {  	_ = 	snop;
	(pc) =	sbr.rel @p0 .LBB2_2-.Ltmp4, $4  }
.Ltmp5:
0x4a2: {  	_ = 	snop;
	(pc) =	sbr.rel @!p0 .LBB2_5-.Ltmp5, $4  }
0x4a3: {  	_ =	swait.ge [sflag:s14], $0x4000  }
0x4a4: {  	[sflag:s14] =	ssyncset.done $0x0  }
0x4a5: {  	[sflag:s14] =	ssyncadd.s32 $0xFFFFC000  }
0x4a6: {  	_ = 	snop  }
.LBB2_6:
0x4a7: {  	_ =	sfence.sel $0x180000  }
0x4a8: {  	[bflag:$0x0] =	sbarrier.arrive $0xFFFF  }
0x4a9: {  	p0 =	sne.s32 s2, $0x0;
	_ =	strace $0x9000004A  }
0x4aa: {  	s0 =	sadd.s32 @!p0 $0x100000, s0;
	[bflag:$0x2] =	sbarrier.arrive $0xFFFF  }
0x4ab: {  	[sflag:s0] =	ssyncadd.tile.s32 @!p0 $0x1;
	_ =	shalt  }
.Lfunc_end2:
_tile_overlayer_lowered:
.L_overlay_start_2:
0x4ac: {  	(tag) =	ssettag $0x2  }
0x4ad: {  	s0 =	rddreg [dreg:$0x0];
	s2 =	stileid.u32  }
0x4ae: {  	s1 =	rddreg [dreg:$0x1];
	p0 =	sne.s32 s2, $0x0  }
0x4af: {  	s3 =	rddreg [dreg:$0x2];
	[bflag:$0x3] =	sbarrier.arrive $0xFFFF;
	s2 =	simm.s32 @!p0 $0x1C03  }
0x4b0: {  	[timem:s3], [sflag:s2] =	dma.local @!p0 [hbm:s0], s1  }
0x4b1: {  	s0 =	simm.s32 @!p0 $0x3  }
0x4b2: {  	_ =	swait.ge @!p0 [sflag:s0], s1  }
0x4b3: {  	s1 =	ssub.s32 @!p0 $0x0, s1;
	[sflag:s0] =	ssyncset.done @!p0 $0x0  }
0x4b4: {  	[sflag:s0] =	ssyncadd.s32 @!p0 s1  }
0x4b5: {  	[bflag:$0x3] =	sbarrier.arrive $0xFFFF  }
0x4b6: {  	_ =	shalt  }

// kernel: kernel.16.cloned.1.call-start
scs
__scs_entry_jumppad:
0x0: {  	(pc) =	sbr.rel $0x88, $3  }
0x1: {  	(tag) =	ssettag $0x0;
	lr =	simm.s32 $0x1  }
0x2: {  	[smem:$0x3F9A] =	sst lr;
	_ =	strace $0xD0000000  }
0x3: {  	_ = 	snop  }
0x4: {  	_ = 	snop  }
0x5: {  	_ = 	snop  }
0x6: {  	_ = 	snop  }
0x7: {  	_ = 	snop  }
__scs_overlays_trampoline_lowered:
0x8: {  	[smem:$0x3FA9] =	sst s0  }
0x9: {  	[smem:$0x3FAA] =	sst s1  }
0xa: {  	[smem:$0x3FAB] =	sst s2  }
0xb: {  	[smem:$0x3FAC] =	sst s3  }
0xc: {  	[smem:$0x3FAD] =	sst s4  }
0xd: {  	[smem:$0x3FAE] =	sst s5  }
0xe: {  	[smem:$0x3FAF] =	sst s6  }
0xf: {  	[smem:$0x3FB0] =	sst s7  }
0x10: {  	[smem:$0x3FB1] =	sst s8  }
0x11: {  	[smem:$0x3FB2] =	sst s9;
	s0 =	simm.s32 @!p0 $0x0  }
0x12: {  	s1 =	sld [smem:$0x3F98];
	s0 =	simm.s32 @p0 $0x1  }
0x13: {  	[smem:$0x3FB3] =	sst s0;
	s0 =	simm.s32 @!p1 $0x0  }
0x14: {  	s2 =	sld [smem:$0x3F97];
	s0 =	simm.s32 @p1 $0x1  }
0x15: {  	[smem:$0x3FB4] =	sst s0;
	s0 =	simm.s32 @!p2 $0x0  }
0x16: {  	s3 =	sld [smem:$0x3FDB];
	s0 =	simm.s32 @p2 $0x1  }
0x17: {  	s4 =	simm.s32 $0x1BF5;
	[smem:$0x3FB6] =	sst s0  }
0x18: {  	s0 =	sld [smem:$0x3F99];
	_ =	swait.ge [sflag:s4], $0x0  }
0x19: {  	s7 =	sld [smem:$0x3F9A]  }
0x1a: {  	s8 =	sadd.s32 $0xFFFFE003, lr  }
0x1b: {  	s9 =	sadd.s32 $0xFFFFFEF7, lr;
	s5 =	simm.s32 $0xFFFFFFFF;
	p2 =	slt.u32 s8, $0xFFFFF086  }
0x1c: {  	p1 =	slt.u32 s9, $0xF7A;
	s5 =	simm.s32 @!p2 $0x0  }
0x1d: {  	s5 =	simm.s32 @p1 $0x1;
	p0 =	seq.s32 s7, s2  }
0x1e: {  	s7 =	smul.u32 @!p0 $0xF7A, s2;
	p2 =	seq.s32 @!p0 s5, $0x0  }
0x1f: {  	s9 =	smul.u32 $0xF7A, s1;
	s8 =	simm.s32 @!p0 $0x1BF5;
	p2 =	por !p2, p0  }
0x20: {  	[sflag:s8] =	ssyncset.s32 @!p0 $0xFFFFF086;
	s6 =	sadd.s32 @!p0 s3, s7;
	s7 =	simm.s32 @!p0 $0x108  }
0x21: {  	s3 =	sadd.s32 s3, s9;
	s6 =	sadd.s32 @!p0 $0x88, s6;
	s7 =	simm.s32 @p2 $0x1082  }
0x22: {  	[simem:s7], [sflag:s8] =	dma.local @!p0 [hbm:s6], $0xF7A  }
0x23: {  	s9 =	sor.u32 $0xD0000000, s2;
	s6 =	simm.s32 $0x108;
	_ =	swait.ge @!p0 [sflag:s8], $0x0  }
0x24: {  	s3 =	sadd.s32 $0x88, s3;
	s6 =	simm.s32 @!p1 $0x1082;
	[sflag:s4] =	ssyncset.s32 $0xFFFFF086  }
0x25: {  	[simem:s6], [sflag:s4] =	dma.local [hbm:s3], $0xF7A  }
0x26: {  	[smem:$0x3F9A] =	sst s1;
	(tag) =	ssettag s2;
	_ =	strace s9  }
0x27: {  	s1 =	sld [smem:$0x3FAA]  }
0x28: {  	s2 =	sld [smem:$0x3FAB]  }
0x29: {  	s4 =	sld [smem:$0x3FAD]  }
0x2a: {  	p0 =	seq.s32 s5, $0x0;
	s5 =	sld [smem:$0x3FAE]  }
0x2b: {  	s6 =	sld [smem:$0x3FAF]  }
0x2c: {  	s7 =	sld [smem:$0x3FB0]  }
0x2d: {  	s3 =	simm.s32 $0x108;
	s8 =	sld [smem:$0x3FB1]  }
0x2e: {  	s3 =	simm.s32 @!p0 $0x1082;
	s9 =	sld [smem:$0x3FB2]  }
0x2f: {  	lr =	sadd.s32 s0, s3;
	s0 =	sld [smem:$0x3FA9]  }
0x30: {  	s3 =	sld [smem:$0x3FAC]  }
0x31: {  	[smem:$0x3FB5] =	sst s10  }
0x32: {  	s10 =	sld [smem:$0x3FB3];
	_ =	sdelay $0x3  }
0x33: {  	p0 =	seq.s32 s10, $0x1;
	s10 =	sld [smem:$0x3FB5];
	_ =	sdelay $0x3  }
0x34: {  	[smem:$0x3FB5] =	sst s10  }
0x35: {  	s10 =	sld [smem:$0x3FB4];
	_ =	sdelay $0x3  }
0x36: {  	p1 =	seq.s32 s10, $0x1;
	s10 =	sld [smem:$0x3FB5];
	_ =	sdelay $0x3  }
0x37: {  	[smem:$0x3FB5] =	sst s10  }
0x38: {  	s10 =	sld [smem:$0x3FB6]  }
0x39: {  	_ = 	snop;
	(pc) =	sbr.ind lr, $3  }
0x3a: {  	_ = 	snop  }
0x3b: {  	_ = 	snop  }
0x3c: {  	p2 =	seq.s32 s10, $0x1;
	s10 =	sld [smem:$0x3FB5]  }
0x3d: {  	_ =	shalt  }
0x3e: {  	_ =	shalt  }
0x3f: {  	_ =	shalt  }
0x40: {  	_ =	shalt  }
0x41: {  	_ =	shalt  }
0x42: {  	_ =	shalt  }
0x43: {  	_ =	shalt  }
0x44: {  	_ =	shalt  }
0x45: {  	_ =	shalt  }
0x46: {  	_ =	shalt  }
0x47: {  	_ =	shalt  }
0x48: {  	_ =	shalt  }
0x49: {  	_ =	shalt  }
0x4a: {  	_ =	shalt  }
0x4b: {  	_ =	shalt  }
0x4c: {  	_ =	shalt  }
0x4d: {  	_ =	shalt  }
0x4e: {  	_ =	shalt  }
0x4f: {  	_ =	shalt  }
0x50: {  	_ =	shalt  }
0x51: {  	_ =	shalt  }
0x52: {  	_ =	shalt  }
0x53: {  	_ =	shalt  }
0x54: {  	_ =	shalt  }
0x55: {  	_ =	shalt  }
0x56: {  	_ =	shalt  }
0x57: {  	_ =	shalt  }
0x58: {  	_ =	shalt  }
0x59: {  	_ =	shalt  }
0x5a: {  	_ =	shalt  }
0x5b: {  	_ =	shalt  }
0x5c: {  	_ =	shalt  }
0x5d: {  	_ =	shalt  }
0x5e: {  	_ =	shalt  }
0x5f: {  	_ =	shalt  }
0x60: {  	_ =	shalt  }
0x61: {  	_ =	shalt  }
0x62: {  	_ =	shalt  }
0x63: {  	_ =	shalt  }
0x64: {  	_ =	shalt  }
0x65: {  	_ =	shalt  }
0x66: {  	_ =	shalt  }
0x67: {  	_ =	shalt  }
0x68: {  	_ =	shalt  }
0x69: {  	_ =	shalt  }
0x6a: {  	_ =	shalt  }
0x6b: {  	_ =	shalt  }
0x6c: {  	_ =	shalt  }
0x6d: {  	_ =	shalt  }
0x6e: {  	_ =	shalt  }
0x6f: {  	_ =	shalt  }
0x70: {  	_ =	shalt  }
0x71: {  	_ =	shalt  }
0x72: {  	_ =	shalt  }
0x73: {  	_ =	shalt  }
0x74: {  	_ =	shalt  }
0x75: {  	_ =	shalt  }
0x76: {  	_ =	shalt  }
0x77: {  	_ =	shalt  }
0x78: {  	_ =	shalt  }
0x79: {  	_ =	shalt  }
0x7a: {  	_ =	shalt  }
0x7b: {  	_ =	shalt  }
0x7c: {  	_ =	shalt  }
0x7d: {  	_ =	shalt  }
0x7e: {  	_ =	shalt  }
0x7f: {  	_ =	shalt  }
0x80: {  	_ =	shalt  }
0x81: {  	_ =	shalt  }
0x82: {  	_ =	shalt  }
0x83: {  	_ =	shalt  }
0x84: {  	_ =	shalt  }
0x85: {  	_ =	shalt  }
0x86: {  	_ =	shalt  }
0x87: {  	_ =	shalt  }
.Lfunc_end0:
.L_simem_size_0:
called_computation.2_lowered:
.L_overlay_start_0:
0x88: {  	s2 =	sld [smem:$0x3FD9]  }
0x89: {  	s3 =	sld [smem:$0x3FFE];
	_ =	sdelay $0x1  }
0x8a: {  	s1 =	srdreg.scid  }
0x8b: {  	s0 =	sand.u32 $0x1, s1  }
0x8c: {  	s16 =	sshll.u32 s0, $0xA;
	s2 =	sadd.s32 s3, s2  }
0x8d: {  	s2 =	sadd.s32 s2, s16  }
0x8e: {  	[smem:$0x3FC1] =	sst s2  }
0x8f: {  	_ = 	snop  }
0x90: {  	(tm) =	ssettm $0x1  }
0x91: {  	s17 =	sld [smem:$0x3FFB];
	_ =	sdelay $0x3  }
0x92: {  	_ =	strace s17  }
0x93: {  	s2 =	sld [smem:$0x3FFC];
	_ =	sdelay $0x3  }
0x94: {  	_ =	strace s2  }
0x95: {  	s2 =	sld [smem:$0x3FFD];
	_ =	sdelay $0x3  }
0x96: {  	_ =	strace s2  }
0x97: {  	_ =	strace $0x8FFFFFFF  }
0x98: {  	s18 =	sld [smem:$0x3FDB];
	_ =	sdelay $0x1  }
0x99: {  	s19 =	simm.s32 $_scs_section_size  }
0x9a: {  	s4 =	simm.s32 $_size__tile_overlayer_lowered;
	s5 =	simm.s32 $_tile_overlayer_lowered  }
0x9b: {  	s22 =	simm.s32 $0x1BFF;
	s21 =	sshll.u32 s5, $0x1;
	s2 =	sadd.s32 s19, s18  }
0x9c: {  	s6 =	simm.s32 $0x0;
	s20 =	sshll.u32 s4, $0x1;
	s4 =	sadd.s32 s21, s2  }
0x9d: {  	[timem:s6], [sflag:s22] =	dma.local [hbm:s4], s20  }
0x9e: {  	_ =	swait.ge [sflag:s22], s20  }
0x9f: {  	s3 =	ssub.s32 $0x0, s20;
	[sflag:s22] =	ssyncset.done $0x0  }
0xa0: {  	[sflag:s22] =	ssyncadd.s32 s3;
	_ =	sdelay $0x1  }
0xa1: {  	s23 =	simm.s32 $0x1B8B  }
0xa2: {  	_ =	swait.ge [sflag:s23], $0x1  }
0xa3: {  	[sflag:s23] =	ssyncset.done $0x0  }
0xa4: {  	s25 =	simm.s32 $0x1B8E;
	s24 =	sld [smem:$0x3FFE];
	[sflag:s23] =	ssyncadd.s32 $0xFFFFFFFF  }
0xa5: {  	s26 =	simm.s32 $execute0_lowered;
	[smem:$0x3FD2] =	sst s25  }
0xa6: {  	s4 =	sshll.u32 s26, $0x1;
	_ =	strace $0x8000004C;
	[dreg:$0x1] =	wrdreg $0xFFFFFFFF  }
0xa7: {  	s28 =	simm.s32 $_size_execute0_lowered;
	s2 =	sadd.s32 s2, s4;
	[dreg:$0x0] =	wrdreg $0x0  }
0xa8: {  	s4 =	sshll.u32 s28, $0x1;
	[dreg:$0x2] =	wrdreg s2  }
0xa9: {  	[dreg:$0x3] =	wrdreg s4  }
0xaa: {  	[dreg:$0x4] =	wrdreg $0xC0  }
0xab: {  	_ =	task [dreg:s6], $0x5FFFF  }
0xac: {  	[dreg:$0x1] =	wrdreg $0xFFFFFFFF  }
0xad: {  	[dreg:$0x0] =	wrdreg $0x60  }
0xae: {  	[dreg:$0x2] =	wrdreg s24  }
0xaf: {  	[dreg:$0x3] =	wrdreg $0xC2000  }
0xb0: {  	[dreg:$0x4] =	wrdreg $0x9  }
0xb1: {  	_ =	task.clear_ibuf [dreg:s6], $0x5FFFF;
	_ =	strace $0x9000004C  }
0xb2: {  	s29 =	simm.s32 $0x9;
	_ =	strace $0x8000004E  }
0xb3: {  	_ =	swait.ge [sflag:s29], $0x1  }
0xb4: {  	[sflag:s29] =	ssyncadd.s32 $0xFFFFFFFF  }
0xb5: {  	_ =	strace $0x9000004E  }
0xb6: {  	_ =	sfence  }
0xb7: {  	s30 =	sld [smem:$0x0];
	_ =	sdelay $0x2  }
0xb8: {  	s31 =	sshll.u32 s1, $0xD;
	s1 =	sshrl.u32 s1, $0x2  }
0xb9: {  	s3 =	sand.u32 $0x4000, s31;
	s1 =	sadd.s32 s1, s30  }
0xba: {  	s0 =	sor.u32 s3, s0;
	s1 =	sshll.u32 s1, $0x11  }
0xbb: {  	s0 =	sor.u32 s1, s0  }
0xbc: {  	s0 =	sadd.s32 $0x8F2B, s0  }
0xbd: {  	[sflag:s0] =	ssyncadd.remote.s32 $0x1  }
0xbe: {  	_ =	sfence.sel $0xFFFF  }
0xbf: {  	[dreg:$0x0] =	wrdreg $0xFFFFFFFF;
	(pc) =	sbr.abs _section_cstart, $3  }
0xc0: {  	[dreg:$0x1] =	wrdreg $0xFFFFFFFF  }
0xc1: {  	_ =	task.clear_ibuf [dreg:s6], $0x2FFFF;
	_ =	strace $0x9FFFFFFF  }
0xc2: {  	(tm) =	ssettm $0x7FFFFFFF  }
0xc3: {  	_ =	shalt  }
tec
execute0_lowered:
.L_overlay_start_1:
0x0: {  	(tag) =	ssettag $0x1  }
0x1: {  	s7 =	rddreg [dreg:$0x0]  }
0x2: {  	s1 =	rddreg [dreg:$0x1]  }
0x3: {  	s0 =	rddreg [dreg:$0x2];
	s3 =	simm.s32 $0x0;
	s4 =	srdreg.scid  }
0x4: {  	s2 =	stileid.u32;
	s14 =	simm.s32 $0x3;
	s15 =	simm.s32 $0xC180  }
0x5: {  	s16 =	simm.s32 $0x1;
	s17 =	simm.s32 $0x80;
	s18 =	simm.s32 $0x100  }
0x6: {  	s19 =	simm.s32 $0x4180;
	s20 =	simm.s32 $0x8180;
	s21 =	simm.s32 $0x2  }
0x7: {  	s24 =	simm.s32 $0x0;
	[smem:$0x7FF] =	sst s3;
	s9 =	sand.u32 $0x1, s4  }
0x8: {  	s6 =	sshll.u32 s2, $0x1;
	s4 =	sadd.s32 $0x3400, s7;
	s5 =	sadd.s32 $0x37A00, s7  }
0x9: {  	s12 =	sshll.u32 s2, $0xC;
	s30 =	sshll.u32 s2, $0xF;
	s22 =	sshll.u32 s2, $0x6  }
0xa: {  	_ =	strace $0x8000004D;
	s8 =	sor.u32 s9, s6;
	s6 =	sadd.s32 $0x44C400, s7  }
0xb: {  	s11 =	ssub.s32 $0x2, s9;
	s12 =	sadd.s32 s12, s7;
	s31 =	sshll.u32 s9, $0x10  }
.Ltmp0:
0xc: {  	s10 =	sshll.u32 s8, $0x4;
	s13 =	sshrl.u32 s11, $0x1;
	(pc) =	sbr.rel .LBB2_1-.Ltmp0, $4  }
0xd: {  	s22 =	sor.u32 $0x1C03, s22;
	s10 =	sadd.s32 s10, s7;
	s13 =	ssub.s32 s11, s13  }
0xe: {  	s7 =	sshll.u32 s8, $0xC;
	s8 =	sadd.s32 s30, s1;
	s11 =	sadd.s32 s31, s12  }
0xf: {  	s9 =	sadd.s32 $0x4000, s8;
	s10 =	sadd.s32 $0x3BA00, s10;
	s11 =	sadd.s32 $0x13400, s11  }
0x10: {  	v0 =	vimm.f32 $0.0e+00;
	s12 =	smax.u32 s13, $0x1;
	s13 =	simm.s32 $0x180;
	s23 =	sshrl.u32 s8, $0x3  }
.LBB2_5:
0x11: {  	s24 =	sadd.s32 $0x1, s24  }
0x12: {  	p0 =	sne.s32 s24, s12  }
.Ltmp1:
0x13: {  	[bflag:$0x0] =	sbarrier.arrive $0xFFFF;
	(pc) =	sbr.rel @!p0 .LBB2_6-.Ltmp1, $4  }
0x14: {  	[hbm:s11], [sflag:s22] =	dma.local [spmem:s23], $0x1000  }
0x15: {  	_ =	swait.ge [sflag:s14], $0x1000  }
0x16: {  	[sflag:s14] =	ssyncset.done $0x0  }
0x17: {  	[sflag:s14] =	ssyncadd.s32 $0xFFFFF000  }
.LBB2_1:
0x18: {  	[tilespmem:$0x180] =	vst v0  }
0x19: {  	[tilespmem:$0x190] =	vst v0  }
0x1a: {  	[tilespmem:$0x1A0] =	vst v0  }
0x1b: {  	[tilespmem:$0x1B0] =	vst v0  }
0x1c: {  	[tilespmem:$0x1C0] =	vst v0  }
0x1d: {  	[tilespmem:$0x1D0] =	vst v0  }
0x1e: {  	[tilespmem:$0x1E0] =	vst v0  }
0x1f: {  	[tilespmem:$0x1F0] =	vst v0  }
0x20: {  	[tilespmem:$0x200] =	vst v0  }
0x21: {  	[tilespmem:$0x210] =	vst v0  }
0x22: {  	[tilespmem:$0x220] =	vst v0  }
0x23: {  	[tilespmem:$0x230] =	vst v0  }
0x24: {  	[tilespmem:$0x240] =	vst v0  }
0x25: {  	[tilespmem:$0x250] =	vst v0  }
0x26: {  	[tilespmem:$0x260] =	vst v0  }
0x27: {  	[tilespmem:$0x270] =	vst v0  }
0x28: {  	[tilespmem:$0x280] =	vst v0  }
0x29: {  	[tilespmem:$0x290] =	vst v0  }
0x2a: {  	[tilespmem:$0x2A0] =	vst v0  }
0x2b: {  	[tilespmem:$0x2B0] =	vst v0  }
0x2c: {  	[tilespmem:$0x2C0] =	vst v0  }
0x2d: {  	[tilespmem:$0x2D0] =	vst v0  }
0x2e: {  	[tilespmem:$0x2E0] =	vst v0  }
0x2f: {  	[tilespmem:$0x2F0] =	vst v0  }
0x30: {  	[tilespmem:$0x300] =	vst v0  }
0x31: {  	[tilespmem:$0x310] =	vst v0  }
0x32: {  	[tilespmem:$0x320] =	vst v0  }
0x33: {  	[tilespmem:$0x330] =	vst v0  }
0x34: {  	[tilespmem:$0x340] =	vst v0  }
0x35: {  	[tilespmem:$0x350] =	vst v0  }
0x36: {  	[tilespmem:$0x360] =	vst v0  }
0x37: {  	[tilespmem:$0x370] =	vst v0  }
0x38: {  	[tilespmem:$0x380] =	vst v0  }
0x39: {  	[tilespmem:$0x390] =	vst v0  }
0x3a: {  	[tilespmem:$0x3A0] =	vst v0  }
0x3b: {  	[tilespmem:$0x3B0] =	vst v0  }
0x3c: {  	[tilespmem:$0x3C0] =	vst v0  }
0x3d: {  	[tilespmem:$0x3D0] =	vst v0  }
0x3e: {  	[tilespmem:$0x3E0] =	vst v0  }
0x3f: {  	[tilespmem:$0x3F0] =	vst v0  }
0x40: {  	[tilespmem:$0x400] =	vst v0  }
0x41: {  	[tilespmem:$0x410] =	vst v0  }
0x42: {  	[tilespmem:$0x420] =	vst v0  }
0x43: {  	[tilespmem:$0x430] =	vst v0  }
0x44: {  	[tilespmem:$0x440] =	vst v0  }
0x45: {  	[tilespmem:$0x450] =	vst v0  }
0x46: {  	[tilespmem:$0x460] =	vst v0  }
0x47: {  	[tilespmem:$0x470] =	vst v0  }
0x48: {  	[tilespmem:$0x480] =	vst v0  }
0x49: {  	[tilespmem:$0x490] =	vst v0  }
0x4a: {  	[tilespmem:$0x4A0] =	vst v0  }
0x4b: {  	[tilespmem:$0x4B0] =	vst v0  }
0x4c: {  	[tilespmem:$0x4C0] =	vst v0  }
0x4d: {  	[tilespmem:$0x4D0] =	vst v0  }
0x4e: {  	[tilespmem:$0x4E0] =	vst v0  }
0x4f: {  	[tilespmem:$0x4F0] =	vst v0  }
0x50: {  	[tilespmem:$0x500] =	vst v0  }
0x51: {  	[tilespmem:$0x510] =	vst v0  }
0x52: {  	[tilespmem:$0x520] =	vst v0  }
0x53: {  	[tilespmem:$0x530] =	vst v0  }
0x54: {  	[tilespmem:$0x540] =	vst v0  }
0x55: {  	[tilespmem:$0x550] =	vst v0  }
0x56: {  	[tilespmem:$0x560] =	vst v0  }
0x57: {  	[tilespmem:$0x570] =	vst v0  }
0x58: {  	[tilespmem:$0x580] =	vst v0  }
0x59: {  	[tilespmem:$0x590] =	vst v0  }
0x5a: {  	[tilespmem:$0x5A0] =	vst v0  }
0x5b: {  	[tilespmem:$0x5B0] =	vst v0  }
0x5c: {  	[tilespmem:$0x5C0] =	vst v0  }
0x5d: {  	[tilespmem:$0x5D0] =	vst v0  }
0x5e: {  	[tilespmem:$0x5E0] =	vst v0  }
0x5f: {  	[tilespmem:$0x5F0] =	vst v0  }
0x60: {  	[tilespmem:$0x600] =	vst v0  }
0x61: {  	[tilespmem:$0x610] =	vst v0  }
0x62: {  	[tilespmem:$0x620] =	vst v0  }
0x63: {  	[tilespmem:$0x630] =	vst v0  }
0x64: {  	[tilespmem:$0x640] =	vst v0  }
0x65: {  	[tilespmem:$0x650] =	vst v0  }
0x66: {  	[tilespmem:$0x660] =	vst v0  }
0x67: {  	[tilespmem:$0x670] =	vst v0  }
0x68: {  	[tilespmem:$0x680] =	vst v0  }
0x69: {  	[tilespmem:$0x690] =	vst v0  }
0x6a: {  	[tilespmem:$0x6A0] =	vst v0  }
0x6b: {  	[tilespmem:$0x6B0] =	vst v0  }
0x6c: {  	[tilespmem:$0x6C0] =	vst v0  }
0x6d: {  	[tilespmem:$0x6D0] =	vst v0  }
0x6e: {  	[tilespmem:$0x6E0] =	vst v0  }
0x6f: {  	[tilespmem:$0x6F0] =	vst v0  }
0x70: {  	[tilespmem:$0x700] =	vst v0  }
0x71: {  	[tilespmem:$0x710] =	vst v0  }
0x72: {  	[tilespmem:$0x720] =	vst v0  }
0x73: {  	[tilespmem:$0x730] =	vst v0  }
0x74: {  	[tilespmem:$0x740] =	vst v0  }
0x75: {  	[tilespmem:$0x750] =	vst v0  }
0x76: {  	[tilespmem:$0x760] =	vst v0  }
0x77: {  	[tilespmem:$0x770] =	vst v0  }
0x78: {  	[tilespmem:$0x780] =	vst v0  }
0x79: {  	[tilespmem:$0x790] =	vst v0  }
0x7a: {  	[tilespmem:$0x7A0] =	vst v0  }
0x7b: {  	[tilespmem:$0x7B0] =	vst v0  }
0x7c: {  	[tilespmem:$0x7C0] =	vst v0  }
0x7d: {  	[tilespmem:$0x7D0] =	vst v0  }
0x7e: {  	[tilespmem:$0x7E0] =	vst v0  }
0x7f: {  	[tilespmem:$0x7F0] =	vst v0  }
0x80: {  	[tilespmem:$0x800] =	vst v0  }
0x81: {  	[tilespmem:$0x810] =	vst v0  }
0x82: {  	[tilespmem:$0x820] =	vst v0  }
0x83: {  	[tilespmem:$0x830] =	vst v0  }
0x84: {  	[tilespmem:$0x840] =	vst v0  }
0x85: {  	[tilespmem:$0x850] =	vst v0  }
0x86: {  	[tilespmem:$0x860] =	vst v0  }
0x87: {  	[tilespmem:$0x870] =	vst v0  }
0x88: {  	[tilespmem:$0x880] =	vst v0  }
0x89: {  	[tilespmem:$0x890] =	vst v0  }
0x8a: {  	[tilespmem:$0x8A0] =	vst v0  }
0x8b: {  	[tilespmem:$0x8B0] =	vst v0  }
0x8c: {  	[tilespmem:$0x8C0] =	vst v0  }
0x8d: {  	[tilespmem:$0x8D0] =	vst v0  }
0x8e: {  	[tilespmem:$0x8E0] =	vst v0  }
0x8f: {  	[tilespmem:$0x8F0] =	vst v0  }
0x90: {  	[tilespmem:$0x900] =	vst v0  }
0x91: {  	[tilespmem:$0x910] =	vst v0  }
0x92: {  	[tilespmem:$0x920] =	vst v0  }
0x93: {  	[tilespmem:$0x930] =	vst v0  }
0x94: {  	[tilespmem:$0x940] =	vst v0  }
0x95: {  	[tilespmem:$0x950] =	vst v0  }
0x96: {  	[tilespmem:$0x960] =	vst v0  }
0x97: {  	[tilespmem:$0x970] =	vst v0  }
0x98: {  	[tilespmem:$0x980] =	vst v0  }
0x99: {  	[tilespmem:$0x990] =	vst v0  }
0x9a: {  	[tilespmem:$0x9A0] =	vst v0  }
0x9b: {  	[tilespmem:$0x9B0] =	vst v0  }
0x9c: {  	[tilespmem:$0x9C0] =	vst v0  }
0x9d: {  	[tilespmem:$0x9D0] =	vst v0  }
0x9e: {  	[tilespmem:$0x9E0] =	vst v0  }
0x9f: {  	[tilespmem:$0x9F0] =	vst v0  }
0xa0: {  	[tilespmem:$0xA00] =	vst v0  }
0xa1: {  	[tilespmem:$0xA10] =	vst v0  }
0xa2: {  	[tilespmem:$0xA20] =	vst v0  }
0xa3: {  	[tilespmem:$0xA30] =	vst v0  }
0xa4: {  	[tilespmem:$0xA40] =	vst v0  }
0xa5: {  	[tilespmem:$0xA50] =	vst v0  }
0xa6: {  	[tilespmem:$0xA60] =	vst v0  }
0xa7: {  	[tilespmem:$0xA70] =	vst v0  }
0xa8: {  	[tilespmem:$0xA80] =	vst v0  }
0xa9: {  	[tilespmem:$0xA90] =	vst v0  }
0xaa: {  	[tilespmem:$0xAA0] =	vst v0  }
0xab: {  	[tilespmem:$0xAB0] =	vst v0  }
0xac: {  	[tilespmem:$0xAC0] =	vst v0  }
0xad: {  	[tilespmem:$0xAD0] =	vst v0  }
0xae: {  	[tilespmem:$0xAE0] =	vst v0  }
0xaf: {  	[tilespmem:$0xAF0] =	vst v0  }
0xb0: {  	[tilespmem:$0xB00] =	vst v0  }
0xb1: {  	[tilespmem:$0xB10] =	vst v0  }
0xb2: {  	[tilespmem:$0xB20] =	vst v0  }
0xb3: {  	[tilespmem:$0xB30] =	vst v0  }
0xb4: {  	[tilespmem:$0xB40] =	vst v0  }
0xb5: {  	[tilespmem:$0xB50] =	vst v0  }
0xb6: {  	[tilespmem:$0xB60] =	vst v0  }
0xb7: {  	[tilespmem:$0xB70] =	vst v0  }
0xb8: {  	[tilespmem:$0xB80] =	vst v0  }
0xb9: {  	[tilespmem:$0xB90] =	vst v0  }
0xba: {  	[tilespmem:$0xBA0] =	vst v0  }
0xbb: {  	[tilespmem:$0xBB0] =	vst v0  }
0xbc: {  	[tilespmem:$0xBC0] =	vst v0  }
0xbd: {  	[tilespmem:$0xBD0] =	vst v0  }
0xbe: {  	[tilespmem:$0xBE0] =	vst v0  }
0xbf: {  	[tilespmem:$0xBF0] =	vst v0  }
0xc0: {  	[tilespmem:$0xC00] =	vst v0  }
0xc1: {  	[tilespmem:$0xC10] =	vst v0  }
0xc2: {  	[tilespmem:$0xC20] =	vst v0  }
0xc3: {  	[tilespmem:$0xC30] =	vst v0  }
0xc4: {  	[tilespmem:$0xC40] =	vst v0  }
0xc5: {  	[tilespmem:$0xC50] =	vst v0  }
0xc6: {  	[tilespmem:$0xC60] =	vst v0  }
0xc7: {  	[tilespmem:$0xC70] =	vst v0  }
0xc8: {  	[tilespmem:$0xC80] =	vst v0  }
0xc9: {  	[tilespmem:$0xC90] =	vst v0  }
0xca: {  	[tilespmem:$0xCA0] =	vst v0  }
0xcb: {  	[tilespmem:$0xCB0] =	vst v0  }
0xcc: {  	[tilespmem:$0xCC0] =	vst v0  }
0xcd: {  	[tilespmem:$0xCD0] =	vst v0  }
0xce: {  	[tilespmem:$0xCE0] =	vst v0  }
0xcf: {  	[tilespmem:$0xCF0] =	vst v0  }
0xd0: {  	[tilespmem:$0xD00] =	vst v0  }
0xd1: {  	[tilespmem:$0xD10] =	vst v0  }
0xd2: {  	[tilespmem:$0xD20] =	vst v0  }
0xd3: {  	[tilespmem:$0xD30] =	vst v0  }
0xd4: {  	[tilespmem:$0xD40] =	vst v0  }
0xd5: {  	[tilespmem:$0xD50] =	vst v0  }
0xd6: {  	[tilespmem:$0xD60] =	vst v0  }
0xd7: {  	[tilespmem:$0xD70] =	vst v0  }
0xd8: {  	[tilespmem:$0xD80] =	vst v0  }
0xd9: {  	[tilespmem:$0xD90] =	vst v0  }
0xda: {  	[tilespmem:$0xDA0] =	vst v0  }
0xdb: {  	[tilespmem:$0xDB0] =	vst v0  }
0xdc: {  	[tilespmem:$0xDC0] =	vst v0  }
0xdd: {  	[tilespmem:$0xDD0] =	vst v0  }
0xde: {  	[tilespmem:$0xDE0] =	vst v0  }
0xdf: {  	[tilespmem:$0xDF0] =	vst v0  }
0xe0: {  	[tilespmem:$0xE00] =	vst v0  }
0xe1: {  	[tilespmem:$0xE10] =	vst v0  }
0xe2: {  	[tilespmem:$0xE20] =	vst v0  }
0xe3: {  	[tilespmem:$0xE30] =	vst v0  }
0xe4: {  	[tilespmem:$0xE40] =	vst v0  }
0xe5: {  	[tilespmem:$0xE50] =	vst v0  }
0xe6: {  	[tilespmem:$0xE60] =	vst v0  }
0xe7: {  	[tilespmem:$0xE70] =	vst v0  }
0xe8: {  	[tilespmem:$0xE80] =	vst v0  }
0xe9: {  	[tilespmem:$0xE90] =	vst v0  }
0xea: {  	[tilespmem:$0xEA0] =	vst v0  }
0xeb: {  	[tilespmem:$0xEB0] =	vst v0  }
0xec: {  	[tilespmem:$0xEC0] =	vst v0  }
0xed: {  	[tilespmem:$0xED0] =	vst v0  }
0xee: {  	[tilespmem:$0xEE0] =	vst v0  }
0xef: {  	[tilespmem:$0xEF0] =	vst v0  }
0xf0: {  	[tilespmem:$0xF00] =	vst v0  }
0xf1: {  	[tilespmem:$0xF10] =	vst v0  }
0xf2: {  	[tilespmem:$0xF20] =	vst v0  }
0xf3: {  	[tilespmem:$0xF30] =	vst v0  }
0xf4: {  	[tilespmem:$0xF40] =	vst v0  }
0xf5: {  	[tilespmem:$0xF50] =	vst v0  }
0xf6: {  	[tilespmem:$0xF60] =	vst v0  }
0xf7: {  	[tilespmem:$0xF70] =	vst v0  }
0xf8: {  	[tilespmem:$0xF80] =	vst v0  }
0xf9: {  	[tilespmem:$0xF90] =	vst v0  }
0xfa: {  	[tilespmem:$0xFA0] =	vst v0  }
0xfb: {  	[tilespmem:$0xFB0] =	vst v0  }
0xfc: {  	[tilespmem:$0xFC0] =	vst v0  }
0xfd: {  	[tilespmem:$0xFD0] =	vst v0  }
0xfe: {  	[tilespmem:$0xFE0] =	vst v0  }
0xff: {  	[tilespmem:$0xFF0] =	vst v0  }
0x100: {  	[tilespmem:$0x1000] =	vst v0  }
0x101: {  	[tilespmem:$0x1010] =	vst v0  }
0x102: {  	[tilespmem:$0x1020] =	vst v0  }
0x103: {  	[tilespmem:$0x1030] =	vst v0  }
0x104: {  	[tilespmem:$0x1040] =	vst v0  }
0x105: {  	[tilespmem:$0x1050] =	vst v0  }
0x106: {  	[tilespmem:$0x1060] =	vst v0  }
0x107: {  	[tilespmem:$0x1070] =	vst v0  }
0x108: {  	[tilespmem:$0x1080] =	vst v0  }
0x109: {  	[tilespmem:$0x1090] =	vst v0  }
0x10a: {  	[tilespmem:$0x10A0] =	vst v0  }
0x10b: {  	[tilespmem:$0x10B0] =	vst v0  }
0x10c: {  	[tilespmem:$0x10C0] =	vst v0  }
0x10d: {  	[tilespmem:$0x10D0] =	vst v0  }
0x10e: {  	[tilespmem:$0x10E0] =	vst v0  }
0x10f: {  	[tilespmem:$0x10F0] =	vst v0  }
0x110: {  	[tilespmem:$0x1100] =	vst v0  }
0x111: {  	[tilespmem:$0x1110] =	vst v0  }
0x112: {  	[tilespmem:$0x1120] =	vst v0  }
0x113: {  	[tilespmem:$0x1130] =	vst v0  }
0x114: {  	[tilespmem:$0x1140] =	vst v0  }
0x115: {  	[tilespmem:$0x1150] =	vst v0  }
0x116: {  	[tilespmem:$0x1160] =	vst v0  }
0x117: {  	[tilespmem:$0x1170] =	vst v0  }
0x118: {  	[tilespmem:$0x1180] =	vst v0  }
0x119: {  	[tilespmem:$0x1190] =	vst v0  }
0x11a: {  	[tilespmem:$0x11A0] =	vst v0  }
0x11b: {  	[tilespmem:$0x11B0] =	vst v0  }
0x11c: {  	[tilespmem:$0x11C0] =	vst v0  }
0x11d: {  	[tilespmem:$0x11D0] =	vst v0  }
0x11e: {  	[tilespmem:$0x11E0] =	vst v0  }
0x11f: {  	[tilespmem:$0x11F0] =	vst v0  }
0x120: {  	[tilespmem:$0x1200] =	vst v0  }
0x121: {  	[tilespmem:$0x1210] =	vst v0  }
0x122: {  	[tilespmem:$0x1220] =	vst v0  }
0x123: {  	[tilespmem:$0x1230] =	vst v0  }
0x124: {  	[tilespmem:$0x1240] =	vst v0  }
0x125: {  	[tilespmem:$0x1250] =	vst v0  }
0x126: {  	[tilespmem:$0x1260] =	vst v0  }
0x127: {  	[tilespmem:$0x1270] =	vst v0  }
0x128: {  	[tilespmem:$0x1280] =	vst v0  }
0x129: {  	[tilespmem:$0x1290] =	vst v0  }
0x12a: {  	[tilespmem:$0x12A0] =	vst v0  }
0x12b: {  	[tilespmem:$0x12B0] =	vst v0  }
0x12c: {  	[tilespmem:$0x12C0] =	vst v0  }
0x12d: {  	[tilespmem:$0x12D0] =	vst v0  }
0x12e: {  	[tilespmem:$0x12E0] =	vst v0  }
0x12f: {  	[tilespmem:$0x12F0] =	vst v0  }
0x130: {  	[tilespmem:$0x1300] =	vst v0  }
0x131: {  	[tilespmem:$0x1310] =	vst v0  }
0x132: {  	[tilespmem:$0x1320] =	vst v0  }
0x133: {  	[tilespmem:$0x1330] =	vst v0  }
0x134: {  	[tilespmem:$0x1340] =	vst v0  }
0x135: {  	[tilespmem:$0x1350] =	vst v0  }
0x136: {  	[tilespmem:$0x1360] =	vst v0  }
0x137: {  	[tilespmem:$0x1370] =	vst v0  }
0x138: {  	[tilespmem:$0x1380] =	vst v0  }
0x139: {  	[tilespmem:$0x1390] =	vst v0  }
0x13a: {  	[tilespmem:$0x13A0] =	vst v0  }
0x13b: {  	[tilespmem:$0x13B0] =	vst v0  }
0x13c: {  	[tilespmem:$0x13C0] =	vst v0  }
0x13d: {  	[tilespmem:$0x13D0] =	vst v0  }
0x13e: {  	[tilespmem:$0x13E0] =	vst v0  }
0x13f: {  	[tilespmem:$0x13F0] =	vst v0  }
0x140: {  	[tilespmem:$0x1400] =	vst v0  }
0x141: {  	[tilespmem:$0x1410] =	vst v0  }
0x142: {  	[tilespmem:$0x1420] =	vst v0  }
0x143: {  	[tilespmem:$0x1430] =	vst v0  }
0x144: {  	[tilespmem:$0x1440] =	vst v0  }
0x145: {  	[tilespmem:$0x1450] =	vst v0  }
0x146: {  	[tilespmem:$0x1460] =	vst v0  }
0x147: {  	[tilespmem:$0x1470] =	vst v0  }
0x148: {  	[tilespmem:$0x1480] =	vst v0  }
0x149: {  	[tilespmem:$0x1490] =	vst v0  }
0x14a: {  	[tilespmem:$0x14A0] =	vst v0  }
0x14b: {  	[tilespmem:$0x14B0] =	vst v0  }
0x14c: {  	[tilespmem:$0x14C0] =	vst v0  }
0x14d: {  	[tilespmem:$0x14D0] =	vst v0  }
0x14e: {  	[tilespmem:$0x14E0] =	vst v0  }
0x14f: {  	[tilespmem:$0x14F0] =	vst v0  }
0x150: {  	[tilespmem:$0x1500] =	vst v0  }
0x151: {  	[tilespmem:$0x1510] =	vst v0  }
0x152: {  	[tilespmem:$0x1520] =	vst v0  }
0x153: {  	[tilespmem:$0x1530] =	vst v0  }
0x154: {  	[tilespmem:$0x1540] =	vst v0  }
0x155: {  	[tilespmem:$0x1550] =	vst v0  }
0x156: {  	[tilespmem:$0x1560] =	vst v0  }
0x157: {  	[tilespmem:$0x1570] =	vst v0  }
0x158: {  	[tilespmem:$0x1580] =	vst v0  }
0x159: {  	[tilespmem:$0x1590] =	vst v0  }
0x15a: {  	[tilespmem:$0x15A0] =	vst v0  }
0x15b: {  	[tilespmem:$0x15B0] =	vst v0  }
0x15c: {  	[tilespmem:$0x15C0] =	vst v0  }
0x15d: {  	[tilespmem:$0x15D0] =	vst v0  }
0x15e: {  	[tilespmem:$0x15E0] =	vst v0  }
0x15f: {  	[tilespmem:$0x15F0] =	vst v0  }
0x160: {  	[tilespmem:$0x1600] =	vst v0  }
0x161: {  	[tilespmem:$0x1610] =	vst v0  }
0x162: {  	[tilespmem:$0x1620] =	vst v0  }
0x163: {  	[tilespmem:$0x1630] =	vst v0  }
0x164: {  	[tilespmem:$0x1640] =	vst v0  }
0x165: {  	[tilespmem:$0x1650] =	vst v0  }
0x166: {  	[tilespmem:$0x1660] =	vst v0  }
0x167: {  	[tilespmem:$0x1670] =	vst v0  }
0x168: {  	[tilespmem:$0x1680] =	vst v0  }
0x169: {  	[tilespmem:$0x1690] =	vst v0  }
0x16a: {  	[tilespmem:$0x16A0] =	vst v0  }
0x16b: {  	[tilespmem:$0x16B0] =	vst v0  }
0x16c: {  	[tilespmem:$0x16C0] =	vst v0  }
0x16d: {  	[tilespmem:$0x16D0] =	vst v0  }
0x16e: {  	[tilespmem:$0x16E0] =	vst v0  }
0x16f: {  	[tilespmem:$0x16F0] =	vst v0  }
0x170: {  	[tilespmem:$0x1700] =	vst v0  }
0x171: {  	[tilespmem:$0x1710] =	vst v0  }
0x172: {  	[tilespmem:$0x1720] =	vst v0  }
0x173: {  	[tilespmem:$0x1730] =	vst v0  }
0x174: {  	[tilespmem:$0x1740] =	vst v0  }
0x175: {  	[tilespmem:$0x1750] =	vst v0  }
0x176: {  	[tilespmem:$0x1760] =	vst v0  }
0x177: {  	[tilespmem:$0x1770] =	vst v0  }
0x178: {  	[tilespmem:$0x1780] =	vst v0  }
0x179: {  	[tilespmem:$0x1790] =	vst v0  }
0x17a: {  	[tilespmem:$0x17A0] =	vst v0  }
0x17b: {  	[tilespmem:$0x17B0] =	vst v0  }
0x17c: {  	[tilespmem:$0x17C0] =	vst v0  }
0x17d: {  	[tilespmem:$0x17D0] =	vst v0  }
0x17e: {  	[tilespmem:$0x17E0] =	vst v0  }
0x17f: {  	[tilespmem:$0x17F0] =	vst v0  }
0x180: {  	[tilespmem:$0x1800] =	vst v0  }
0x181: {  	[tilespmem:$0x1810] =	vst v0  }
0x182: {  	[tilespmem:$0x1820] =	vst v0  }
0x183: {  	[tilespmem:$0x1830] =	vst v0  }
0x184: {  	[tilespmem:$0x1840] =	vst v0  }
0x185: {  	[tilespmem:$0x1850] =	vst v0  }
0x186: {  	[tilespmem:$0x1860] =	vst v0  }
0x187: {  	[tilespmem:$0x1870] =	vst v0  }
0x188: {  	[tilespmem:$0x1880] =	vst v0  }
0x189: {  	[tilespmem:$0x1890] =	vst v0  }
0x18a: {  	[tilespmem:$0x18A0] =	vst v0  }
0x18b: {  	[tilespmem:$0x18B0] =	vst v0  }
0x18c: {  	[tilespmem:$0x18C0] =	vst v0  }
0x18d: {  	[tilespmem:$0x18D0] =	vst v0  }
0x18e: {  	[tilespmem:$0x18E0] =	vst v0  }
0x18f: {  	[tilespmem:$0x18F0] =	vst v0  }
0x190: {  	[tilespmem:$0x1900] =	vst v0  }
0x191: {  	[tilespmem:$0x1910] =	vst v0  }
0x192: {  	[tilespmem:$0x1920] =	vst v0  }
0x193: {  	[tilespmem:$0x1930] =	vst v0  }
0x194: {  	[tilespmem:$0x1940] =	vst v0  }
0x195: {  	[tilespmem:$0x1950] =	vst v0  }
0x196: {  	[tilespmem:$0x1960] =	vst v0  }
0x197: {  	[tilespmem:$0x1970] =	vst v0  }
0x198: {  	[tilespmem:$0x1980] =	vst v0  }
0x199: {  	[tilespmem:$0x1990] =	vst v0  }
0x19a: {  	[tilespmem:$0x19A0] =	vst v0  }
0x19b: {  	[tilespmem:$0x19B0] =	vst v0  }
0x19c: {  	[tilespmem:$0x19C0] =	vst v0  }
0x19d: {  	[tilespmem:$0x19D0] =	vst v0  }
0x19e: {  	[tilespmem:$0x19E0] =	vst v0  }
0x19f: {  	[tilespmem:$0x19F0] =	vst v0  }
0x1a0: {  	[tilespmem:$0x1A00] =	vst v0  }
0x1a1: {  	[tilespmem:$0x1A10] =	vst v0  }
0x1a2: {  	[tilespmem:$0x1A20] =	vst v0  }
0x1a3: {  	[tilespmem:$0x1A30] =	vst v0  }
0x1a4: {  	[tilespmem:$0x1A40] =	vst v0  }
0x1a5: {  	[tilespmem:$0x1A50] =	vst v0  }
0x1a6: {  	[tilespmem:$0x1A60] =	vst v0  }
0x1a7: {  	[tilespmem:$0x1A70] =	vst v0  }
0x1a8: {  	[tilespmem:$0x1A80] =	vst v0  }
0x1a9: {  	[tilespmem:$0x1A90] =	vst v0  }
0x1aa: {  	[tilespmem:$0x1AA0] =	vst v0  }
0x1ab: {  	[tilespmem:$0x1AB0] =	vst v0  }
0x1ac: {  	[tilespmem:$0x1AC0] =	vst v0  }
0x1ad: {  	[tilespmem:$0x1AD0] =	vst v0  }
0x1ae: {  	[tilespmem:$0x1AE0] =	vst v0  }
0x1af: {  	[tilespmem:$0x1AF0] =	vst v0  }
0x1b0: {  	[tilespmem:$0x1B00] =	vst v0  }
0x1b1: {  	[tilespmem:$0x1B10] =	vst v0  }
0x1b2: {  	[tilespmem:$0x1B20] =	vst v0  }
0x1b3: {  	[tilespmem:$0x1B30] =	vst v0  }
0x1b4: {  	[tilespmem:$0x1B40] =	vst v0  }
0x1b5: {  	[tilespmem:$0x1B50] =	vst v0  }
0x1b6: {  	[tilespmem:$0x1B60] =	vst v0  }
0x1b7: {  	[tilespmem:$0x1B70] =	vst v0  }
0x1b8: {  	[tilespmem:$0x1B80] =	vst v0  }
0x1b9: {  	[tilespmem:$0x1B90] =	vst v0  }
0x1ba: {  	[tilespmem:$0x1BA0] =	vst v0  }
0x1bb: {  	[tilespmem:$0x1BB0] =	vst v0  }
0x1bc: {  	[tilespmem:$0x1BC0] =	vst v0  }
0x1bd: {  	[tilespmem:$0x1BD0] =	vst v0  }
0x1be: {  	[tilespmem:$0x1BE0] =	vst v0  }
0x1bf: {  	[tilespmem:$0x1BF0] =	vst v0  }
0x1c0: {  	[tilespmem:$0x1C00] =	vst v0  }
0x1c1: {  	[tilespmem:$0x1C10] =	vst v0  }
0x1c2: {  	[tilespmem:$0x1C20] =	vst v0  }
0x1c3: {  	[tilespmem:$0x1C30] =	vst v0  }
0x1c4: {  	[tilespmem:$0x1C40] =	vst v0  }
0x1c5: {  	[tilespmem:$0x1C50] =	vst v0  }
0x1c6: {  	[tilespmem:$0x1C60] =	vst v0  }
0x1c7: {  	[tilespmem:$0x1C70] =	vst v0  }
0x1c8: {  	[tilespmem:$0x1C80] =	vst v0  }
0x1c9: {  	[tilespmem:$0x1C90] =	vst v0  }
0x1ca: {  	[tilespmem:$0x1CA0] =	vst v0  }
0x1cb: {  	[tilespmem:$0x1CB0] =	vst v0  }
0x1cc: {  	[tilespmem:$0x1CC0] =	vst v0  }
0x1cd: {  	[tilespmem:$0x1CD0] =	vst v0  }
0x1ce: {  	[tilespmem:$0x1CE0] =	vst v0  }
0x1cf: {  	[tilespmem:$0x1CF0] =	vst v0  }
0x1d0: {  	[tilespmem:$0x1D00] =	vst v0  }
0x1d1: {  	[tilespmem:$0x1D10] =	vst v0  }
0x1d2: {  	[tilespmem:$0x1D20] =	vst v0  }
0x1d3: {  	[tilespmem:$0x1D30] =	vst v0  }
0x1d4: {  	[tilespmem:$0x1D40] =	vst v0  }
0x1d5: {  	[tilespmem:$0x1D50] =	vst v0  }
0x1d6: {  	[tilespmem:$0x1D60] =	vst v0  }
0x1d7: {  	[tilespmem:$0x1D70] =	vst v0  }
0x1d8: {  	[tilespmem:$0x1D80] =	vst v0  }
0x1d9: {  	[tilespmem:$0x1D90] =	vst v0  }
0x1da: {  	[tilespmem:$0x1DA0] =	vst v0  }
0x1db: {  	[tilespmem:$0x1DB0] =	vst v0  }
0x1dc: {  	[tilespmem:$0x1DC0] =	vst v0  }
0x1dd: {  	[tilespmem:$0x1DD0] =	vst v0  }
0x1de: {  	[tilespmem:$0x1DE0] =	vst v0  }
0x1df: {  	[tilespmem:$0x1DF0] =	vst v0  }
0x1e0: {  	[tilespmem:$0x1E00] =	vst v0  }
0x1e1: {  	[tilespmem:$0x1E10] =	vst v0  }
0x1e2: {  	[tilespmem:$0x1E20] =	vst v0  }
0x1e3: {  	[tilespmem:$0x1E30] =	vst v0  }
0x1e4: {  	[tilespmem:$0x1E40] =	vst v0  }
0x1e5: {  	[tilespmem:$0x1E50] =	vst v0  }
0x1e6: {  	[tilespmem:$0x1E60] =	vst v0  }
0x1e7: {  	[tilespmem:$0x1E70] =	vst v0  }
0x1e8: {  	[tilespmem:$0x1E80] =	vst v0  }
0x1e9: {  	[tilespmem:$0x1E90] =	vst v0  }
0x1ea: {  	[tilespmem:$0x1EA0] =	vst v0  }
0x1eb: {  	[tilespmem:$0x1EB0] =	vst v0  }
0x1ec: {  	[tilespmem:$0x1EC0] =	vst v0  }
0x1ed: {  	[tilespmem:$0x1ED0] =	vst v0  }
0x1ee: {  	[tilespmem:$0x1EE0] =	vst v0  }
0x1ef: {  	[tilespmem:$0x1EF0] =	vst v0  }
0x1f0: {  	[tilespmem:$0x1F00] =	vst v0  }
0x1f1: {  	[tilespmem:$0x1F10] =	vst v0  }
0x1f2: {  	[tilespmem:$0x1F20] =	vst v0  }
0x1f3: {  	[tilespmem:$0x1F30] =	vst v0  }
0x1f4: {  	[tilespmem:$0x1F40] =	vst v0  }
0x1f5: {  	[tilespmem:$0x1F50] =	vst v0  }
0x1f6: {  	[tilespmem:$0x1F60] =	vst v0  }
0x1f7: {  	[tilespmem:$0x1F70] =	vst v0  }
0x1f8: {  	[tilespmem:$0x1F80] =	vst v0  }
0x1f9: {  	[tilespmem:$0x1F90] =	vst v0  }
0x1fa: {  	[tilespmem:$0x1FA0] =	vst v0  }
0x1fb: {  	[tilespmem:$0x1FB0] =	vst v0  }
0x1fc: {  	[tilespmem:$0x1FC0] =	vst v0  }
0x1fd: {  	[tilespmem:$0x1FD0] =	vst v0  }
0x1fe: {  	[tilespmem:$0x1FE0] =	vst v0  }
0x1ff: {  	[tilespmem:$0x1FF0] =	vst v0  }
0x200: {  	[tilespmem:$0x2000] =	vst v0  }
0x201: {  	[tilespmem:$0x2010] =	vst v0  }
0x202: {  	[tilespmem:$0x2020] =	vst v0  }
0x203: {  	[tilespmem:$0x2030] =	vst v0  }
0x204: {  	[tilespmem:$0x2040] =	vst v0  }
0x205: {  	[tilespmem:$0x2050] =	vst v0  }
0x206: {  	[tilespmem:$0x2060] =	vst v0  }
0x207: {  	[tilespmem:$0x2070] =	vst v0  }
0x208: {  	[tilespmem:$0x2080] =	vst v0  }
0x209: {  	[tilespmem:$0x2090] =	vst v0  }
0x20a: {  	[tilespmem:$0x20A0] =	vst v0  }
0x20b: {  	[tilespmem:$0x20B0] =	vst v0  }
0x20c: {  	[tilespmem:$0x20C0] =	vst v0  }
0x20d: {  	[tilespmem:$0x20D0] =	vst v0  }
0x20e: {  	[tilespmem:$0x20E0] =	vst v0  }
0x20f: {  	[tilespmem:$0x20F0] =	vst v0  }
0x210: {  	[tilespmem:$0x2100] =	vst v0  }
0x211: {  	[tilespmem:$0x2110] =	vst v0  }
0x212: {  	[tilespmem:$0x2120] =	vst v0  }
0x213: {  	[tilespmem:$0x2130] =	vst v0  }
0x214: {  	[tilespmem:$0x2140] =	vst v0  }
0x215: {  	[tilespmem:$0x2150] =	vst v0  }
0x216: {  	[tilespmem:$0x2160] =	vst v0  }
0x217: {  	[tilespmem:$0x2170] =	vst v0  }
0x218: {  	[tilespmem:$0x2180] =	vst v0  }
0x219: {  	[tilespmem:$0x2190] =	vst v0  }
0x21a: {  	[tilespmem:$0x21A0] =	vst v0  }
0x21b: {  	[tilespmem:$0x21B0] =	vst v0  }
0x21c: {  	[tilespmem:$0x21C0] =	vst v0  }
0x21d: {  	[tilespmem:$0x21D0] =	vst v0  }
0x21e: {  	[tilespmem:$0x21E0] =	vst v0  }
0x21f: {  	[tilespmem:$0x21F0] =	vst v0  }
0x220: {  	[tilespmem:$0x2200] =	vst v0  }
0x221: {  	[tilespmem:$0x2210] =	vst v0  }
0x222: {  	[tilespmem:$0x2220] =	vst v0  }
0x223: {  	[tilespmem:$0x2230] =	vst v0  }
0x224: {  	[tilespmem:$0x2240] =	vst v0  }
0x225: {  	[tilespmem:$0x2250] =	vst v0  }
0x226: {  	[tilespmem:$0x2260] =	vst v0  }
0x227: {  	[tilespmem:$0x2270] =	vst v0  }
0x228: {  	[tilespmem:$0x2280] =	vst v0  }
0x229: {  	[tilespmem:$0x2290] =	vst v0  }
0x22a: {  	[tilespmem:$0x22A0] =	vst v0  }
0x22b: {  	[tilespmem:$0x22B0] =	vst v0  }
0x22c: {  	[tilespmem:$0x22C0] =	vst v0  }
0x22d: {  	[tilespmem:$0x22D0] =	vst v0  }
0x22e: {  	[tilespmem:$0x22E0] =	vst v0  }
0x22f: {  	[tilespmem:$0x22F0] =	vst v0  }
0x230: {  	[tilespmem:$0x2300] =	vst v0  }
0x231: {  	[tilespmem:$0x2310] =	vst v0  }
0x232: {  	[tilespmem:$0x2320] =	vst v0  }
0x233: {  	[tilespmem:$0x2330] =	vst v0  }
0x234: {  	[tilespmem:$0x2340] =	vst v0  }
0x235: {  	[tilespmem:$0x2350] =	vst v0  }
0x236: {  	[tilespmem:$0x2360] =	vst v0  }
0x237: {  	[tilespmem:$0x2370] =	vst v0  }
0x238: {  	[tilespmem:$0x2380] =	vst v0  }
0x239: {  	[tilespmem:$0x2390] =	vst v0  }
0x23a: {  	[tilespmem:$0x23A0] =	vst v0  }
0x23b: {  	[tilespmem:$0x23B0] =	vst v0  }
0x23c: {  	[tilespmem:$0x23C0] =	vst v0  }
0x23d: {  	[tilespmem:$0x23D0] =	vst v0  }
0x23e: {  	[tilespmem:$0x23E0] =	vst v0  }
0x23f: {  	[tilespmem:$0x23F0] =	vst v0  }
0x240: {  	[tilespmem:$0x2400] =	vst v0  }
0x241: {  	[tilespmem:$0x2410] =	vst v0  }
0x242: {  	[tilespmem:$0x2420] =	vst v0  }
0x243: {  	[tilespmem:$0x2430] =	vst v0  }
0x244: {  	[tilespmem:$0x2440] =	vst v0  }
0x245: {  	[tilespmem:$0x2450] =	vst v0  }
0x246: {  	[tilespmem:$0x2460] =	vst v0  }
0x247: {  	[tilespmem:$0x2470] =	vst v0  }
0x248: {  	[tilespmem:$0x2480] =	vst v0  }
0x249: {  	[tilespmem:$0x2490] =	vst v0  }
0x24a: {  	[tilespmem:$0x24A0] =	vst v0  }
0x24b: {  	[tilespmem:$0x24B0] =	vst v0  }
0x24c: {  	[tilespmem:$0x24C0] =	vst v0  }
0x24d: {  	[tilespmem:$0x24D0] =	vst v0  }
0x24e: {  	[tilespmem:$0x24E0] =	vst v0  }
0x24f: {  	[tilespmem:$0x24F0] =	vst v0  }
0x250: {  	[tilespmem:$0x2500] =	vst v0  }
0x251: {  	[tilespmem:$0x2510] =	vst v0  }
0x252: {  	[tilespmem:$0x2520] =	vst v0  }
0x253: {  	[tilespmem:$0x2530] =	vst v0  }
0x254: {  	[tilespmem:$0x2540] =	vst v0  }
0x255: {  	[tilespmem:$0x2550] =	vst v0  }
0x256: {  	[tilespmem:$0x2560] =	vst v0  }
0x257: {  	[tilespmem:$0x2570] =	vst v0  }
0x258: {  	[tilespmem:$0x2580] =	vst v0  }
0x259: {  	[tilespmem:$0x2590] =	vst v0  }
0x25a: {  	[tilespmem:$0x25A0] =	vst v0  }
0x25b: {  	[tilespmem:$0x25B0] =	vst v0  }
0x25c: {  	[tilespmem:$0x25C0] =	vst v0  }
0x25d: {  	[tilespmem:$0x25D0] =	vst v0  }
0x25e: {  	[tilespmem:$0x25E0] =	vst v0  }
0x25f: {  	[tilespmem:$0x25F0] =	vst v0  }
0x260: {  	[tilespmem:$0x2600] =	vst v0  }
0x261: {  	[tilespmem:$0x2610] =	vst v0  }
0x262: {  	[tilespmem:$0x2620] =	vst v0  }
0x263: {  	[tilespmem:$0x2630] =	vst v0  }
0x264: {  	[tilespmem:$0x2640] =	vst v0  }
0x265: {  	[tilespmem:$0x2650] =	vst v0  }
0x266: {  	[tilespmem:$0x2660] =	vst v0  }
0x267: {  	[tilespmem:$0x2670] =	vst v0  }
0x268: {  	[tilespmem:$0x2680] =	vst v0  }
0x269: {  	[tilespmem:$0x2690] =	vst v0  }
0x26a: {  	[tilespmem:$0x26A0] =	vst v0  }
0x26b: {  	[tilespmem:$0x26B0] =	vst v0  }
0x26c: {  	[tilespmem:$0x26C0] =	vst v0  }
0x26d: {  	[tilespmem:$0x26D0] =	vst v0  }
0x26e: {  	[tilespmem:$0x26E0] =	vst v0  }
0x26f: {  	[tilespmem:$0x26F0] =	vst v0  }
0x270: {  	[tilespmem:$0x2700] =	vst v0  }
0x271: {  	[tilespmem:$0x2710] =	vst v0  }
0x272: {  	[tilespmem:$0x2720] =	vst v0  }
0x273: {  	[tilespmem:$0x2730] =	vst v0  }
0x274: {  	[tilespmem:$0x2740] =	vst v0  }
0x275: {  	[tilespmem:$0x2750] =	vst v0  }
0x276: {  	[tilespmem:$0x2760] =	vst v0  }
0x277: {  	[tilespmem:$0x2770] =	vst v0  }
0x278: {  	[tilespmem:$0x2780] =	vst v0  }
0x279: {  	[tilespmem:$0x2790] =	vst v0  }
0x27a: {  	[tilespmem:$0x27A0] =	vst v0  }
0x27b: {  	[tilespmem:$0x27B0] =	vst v0  }
0x27c: {  	[tilespmem:$0x27C0] =	vst v0  }
0x27d: {  	[tilespmem:$0x27D0] =	vst v0  }
0x27e: {  	[tilespmem:$0x27E0] =	vst v0  }
0x27f: {  	[tilespmem:$0x27F0] =	vst v0  }
0x280: {  	[tilespmem:$0x2800] =	vst v0  }
0x281: {  	[tilespmem:$0x2810] =	vst v0  }
0x282: {  	[tilespmem:$0x2820] =	vst v0  }
0x283: {  	[tilespmem:$0x2830] =	vst v0  }
0x284: {  	[tilespmem:$0x2840] =	vst v0  }
0x285: {  	[tilespmem:$0x2850] =	vst v0  }
0x286: {  	[tilespmem:$0x2860] =	vst v0  }
0x287: {  	[tilespmem:$0x2870] =	vst v0  }
0x288: {  	[tilespmem:$0x2880] =	vst v0  }
0x289: {  	[tilespmem:$0x2890] =	vst v0  }
0x28a: {  	[tilespmem:$0x28A0] =	vst v0  }
0x28b: {  	[tilespmem:$0x28B0] =	vst v0  }
0x28c: {  	[tilespmem:$0x28C0] =	vst v0  }
0x28d: {  	[tilespmem:$0x28D0] =	vst v0  }
0x28e: {  	[tilespmem:$0x28E0] =	vst v0  }
0x28f: {  	[tilespmem:$0x28F0] =	vst v0  }
0x290: {  	[tilespmem:$0x2900] =	vst v0  }
0x291: {  	[tilespmem:$0x2910] =	vst v0  }
0x292: {  	[tilespmem:$0x2920] =	vst v0  }
0x293: {  	[tilespmem:$0x2930] =	vst v0  }
0x294: {  	[tilespmem:$0x2940] =	vst v0  }
0x295: {  	[tilespmem:$0x2950] =	vst v0  }
0x296: {  	[tilespmem:$0x2960] =	vst v0  }
0x297: {  	[tilespmem:$0x2970] =	vst v0  }
0x298: {  	[tilespmem:$0x2980] =	vst v0  }
0x299: {  	[tilespmem:$0x2990] =	vst v0  }
0x29a: {  	[tilespmem:$0x29A0] =	vst v0  }
0x29b: {  	[tilespmem:$0x29B0] =	vst v0  }
0x29c: {  	[tilespmem:$0x29C0] =	vst v0  }
0x29d: {  	[tilespmem:$0x29D0] =	vst v0  }
0x29e: {  	[tilespmem:$0x29E0] =	vst v0  }
0x29f: {  	[tilespmem:$0x29F0] =	vst v0  }
0x2a0: {  	[tilespmem:$0x2A00] =	vst v0  }
0x2a1: {  	[tilespmem:$0x2A10] =	vst v0  }
0x2a2: {  	[tilespmem:$0x2A20] =	vst v0  }
0x2a3: {  	[tilespmem:$0x2A30] =	vst v0  }
0x2a4: {  	[tilespmem:$0x2A40] =	vst v0  }
0x2a5: {  	[tilespmem:$0x2A50] =	vst v0  }
0x2a6: {  	[tilespmem:$0x2A60] =	vst v0  }
0x2a7: {  	[tilespmem:$0x2A70] =	vst v0  }
0x2a8: {  	[tilespmem:$0x2A80] =	vst v0  }
0x2a9: {  	[tilespmem:$0x2A90] =	vst v0  }
0x2aa: {  	[tilespmem:$0x2AA0] =	vst v0  }
0x2ab: {  	[tilespmem:$0x2AB0] =	vst v0  }
0x2ac: {  	[tilespmem:$0x2AC0] =	vst v0  }
0x2ad: {  	[tilespmem:$0x2AD0] =	vst v0  }
0x2ae: {  	[tilespmem:$0x2AE0] =	vst v0  }
0x2af: {  	[tilespmem:$0x2AF0] =	vst v0  }
0x2b0: {  	[tilespmem:$0x2B00] =	vst v0  }
0x2b1: {  	[tilespmem:$0x2B10] =	vst v0  }
0x2b2: {  	[tilespmem:$0x2B20] =	vst v0  }
0x2b3: {  	[tilespmem:$0x2B30] =	vst v0  }
0x2b4: {  	[tilespmem:$0x2B40] =	vst v0  }
0x2b5: {  	[tilespmem:$0x2B50] =	vst v0  }
0x2b6: {  	[tilespmem:$0x2B60] =	vst v0  }
0x2b7: {  	[tilespmem:$0x2B70] =	vst v0  }
0x2b8: {  	[tilespmem:$0x2B80] =	vst v0  }
0x2b9: {  	[tilespmem:$0x2B90] =	vst v0  }
0x2ba: {  	[tilespmem:$0x2BA0] =	vst v0  }
0x2bb: {  	[tilespmem:$0x2BB0] =	vst v0  }
0x2bc: {  	[tilespmem:$0x2BC0] =	vst v0  }
0x2bd: {  	[tilespmem:$0x2BD0] =	vst v0  }
0x2be: {  	[tilespmem:$0x2BE0] =	vst v0  }
0x2bf: {  	[tilespmem:$0x2BF0] =	vst v0  }
0x2c0: {  	[tilespmem:$0x2C00] =	vst v0  }
0x2c1: {  	[tilespmem:$0x2C10] =	vst v0  }
0x2c2: {  	[tilespmem:$0x2C20] =	vst v0  }
0x2c3: {  	[tilespmem:$0x2C30] =	vst v0  }
0x2c4: {  	[tilespmem:$0x2C40] =	vst v0  }
0x2c5: {  	[tilespmem:$0x2C50] =	vst v0  }
0x2c6: {  	[tilespmem:$0x2C60] =	vst v0  }
0x2c7: {  	[tilespmem:$0x2C70] =	vst v0  }
0x2c8: {  	[tilespmem:$0x2C80] =	vst v0  }
0x2c9: {  	[tilespmem:$0x2C90] =	vst v0  }
0x2ca: {  	[tilespmem:$0x2CA0] =	vst v0  }
0x2cb: {  	[tilespmem:$0x2CB0] =	vst v0  }
0x2cc: {  	[tilespmem:$0x2CC0] =	vst v0  }
0x2cd: {  	[tilespmem:$0x2CD0] =	vst v0  }
0x2ce: {  	[tilespmem:$0x2CE0] =	vst v0  }
0x2cf: {  	[tilespmem:$0x2CF0] =	vst v0  }
0x2d0: {  	[tilespmem:$0x2D00] =	vst v0  }
0x2d1: {  	[tilespmem:$0x2D10] =	vst v0  }
0x2d2: {  	[tilespmem:$0x2D20] =	vst v0  }
0x2d3: {  	[tilespmem:$0x2D30] =	vst v0  }
0x2d4: {  	[tilespmem:$0x2D40] =	vst v0  }
0x2d5: {  	[tilespmem:$0x2D50] =	vst v0  }
0x2d6: {  	[tilespmem:$0x2D60] =	vst v0  }
0x2d7: {  	[tilespmem:$0x2D70] =	vst v0  }
0x2d8: {  	[tilespmem:$0x2D80] =	vst v0  }
0x2d9: {  	[tilespmem:$0x2D90] =	vst v0  }
0x2da: {  	[tilespmem:$0x2DA0] =	vst v0  }
0x2db: {  	[tilespmem:$0x2DB0] =	vst v0  }
0x2dc: {  	[tilespmem:$0x2DC0] =	vst v0  }
0x2dd: {  	[tilespmem:$0x2DD0] =	vst v0  }
0x2de: {  	[tilespmem:$0x2DE0] =	vst v0  }
0x2df: {  	[tilespmem:$0x2DF0] =	vst v0  }
0x2e0: {  	[tilespmem:$0x2E00] =	vst v0  }
0x2e1: {  	[tilespmem:$0x2E10] =	vst v0  }
0x2e2: {  	[tilespmem:$0x2E20] =	vst v0  }
0x2e3: {  	[tilespmem:$0x2E30] =	vst v0  }
0x2e4: {  	[tilespmem:$0x2E40] =	vst v0  }
0x2e5: {  	[tilespmem:$0x2E50] =	vst v0  }
0x2e6: {  	[tilespmem:$0x2E60] =	vst v0  }
0x2e7: {  	[tilespmem:$0x2E70] =	vst v0  }
0x2e8: {  	[tilespmem:$0x2E80] =	vst v0  }
0x2e9: {  	[tilespmem:$0x2E90] =	vst v0  }
0x2ea: {  	[tilespmem:$0x2EA0] =	vst v0  }
0x2eb: {  	[tilespmem:$0x2EB0] =	vst v0  }
0x2ec: {  	[tilespmem:$0x2EC0] =	vst v0  }
0x2ed: {  	[tilespmem:$0x2ED0] =	vst v0  }
0x2ee: {  	[tilespmem:$0x2EE0] =	vst v0  }
0x2ef: {  	[tilespmem:$0x2EF0] =	vst v0  }
0x2f0: {  	[tilespmem:$0x2F00] =	vst v0  }
0x2f1: {  	[tilespmem:$0x2F10] =	vst v0  }
0x2f2: {  	[tilespmem:$0x2F20] =	vst v0  }
0x2f3: {  	[tilespmem:$0x2F30] =	vst v0  }
0x2f4: {  	[tilespmem:$0x2F40] =	vst v0  }
0x2f5: {  	[tilespmem:$0x2F50] =	vst v0  }
0x2f6: {  	[tilespmem:$0x2F60] =	vst v0  }
0x2f7: {  	[tilespmem:$0x2F70] =	vst v0  }
0x2f8: {  	[tilespmem:$0x2F80] =	vst v0  }
0x2f9: {  	[tilespmem:$0x2F90] =	vst v0  }
0x2fa: {  	[tilespmem:$0x2FA0] =	vst v0  }
0x2fb: {  	[tilespmem:$0x2FB0] =	vst v0  }
0x2fc: {  	[tilespmem:$0x2FC0] =	vst v0  }
0x2fd: {  	[tilespmem:$0x2FD0] =	vst v0  }
0x2fe: {  	[tilespmem:$0x2FE0] =	vst v0  }
0x2ff: {  	[tilespmem:$0x2FF0] =	vst v0  }
0x300: {  	[tilespmem:$0x3000] =	vst v0  }
0x301: {  	[tilespmem:$0x3010] =	vst v0  }
0x302: {  	[tilespmem:$0x3020] =	vst v0  }
0x303: {  	[tilespmem:$0x3030] =	vst v0  }
0x304: {  	[tilespmem:$0x3040] =	vst v0  }
0x305: {  	[tilespmem:$0x3050] =	vst v0  }
0x306: {  	[tilespmem:$0x3060] =	vst v0  }
0x307: {  	[tilespmem:$0x3070] =	vst v0  }
0x308: {  	[tilespmem:$0x3080] =	vst v0  }
0x309: {  	[tilespmem:$0x3090] =	vst v0  }
0x30a: {  	[tilespmem:$0x30A0] =	vst v0  }
0x30b: {  	[tilespmem:$0x30B0] =	vst v0  }
0x30c: {  	[tilespmem:$0x30C0] =	vst v0  }
0x30d: {  	[tilespmem:$0x30D0] =	vst v0  }
0x30e: {  	[tilespmem:$0x30E0] =	vst v0  }
0x30f: {  	[tilespmem:$0x30F0] =	vst v0  }
0x310: {  	[tilespmem:$0x3100] =	vst v0  }
0x311: {  	[tilespmem:$0x3110] =	vst v0  }
0x312: {  	[tilespmem:$0x3120] =	vst v0  }
0x313: {  	[tilespmem:$0x3130] =	vst v0  }
0x314: {  	[tilespmem:$0x3140] =	vst v0  }
0x315: {  	[tilespmem:$0x3150] =	vst v0  }
0x316: {  	[tilespmem:$0x3160] =	vst v0  }
0x317: {  	[tilespmem:$0x3170] =	vst v0  }
0x318: {  	[tilespmem:$0x3180] =	vst v0  }
0x319: {  	[tilespmem:$0x3190] =	vst v0  }
0x31a: {  	[tilespmem:$0x31A0] =	vst v0  }
0x31b: {  	[tilespmem:$0x31B0] =	vst v0  }
0x31c: {  	[tilespmem:$0x31C0] =	vst v0  }
0x31d: {  	[tilespmem:$0x31D0] =	vst v0  }
0x31e: {  	[tilespmem:$0x31E0] =	vst v0  }
0x31f: {  	[tilespmem:$0x31F0] =	vst v0  }
0x320: {  	[tilespmem:$0x3200] =	vst v0  }
0x321: {  	[tilespmem:$0x3210] =	vst v0  }
0x322: {  	[tilespmem:$0x3220] =	vst v0  }
0x323: {  	[tilespmem:$0x3230] =	vst v0  }
0x324: {  	[tilespmem:$0x3240] =	vst v0  }
0x325: {  	[tilespmem:$0x3250] =	vst v0  }
0x326: {  	[tilespmem:$0x3260] =	vst v0  }
0x327: {  	[tilespmem:$0x3270] =	vst v0  }
0x328: {  	[tilespmem:$0x3280] =	vst v0  }
0x329: {  	[tilespmem:$0x3290] =	vst v0  }
0x32a: {  	[tilespmem:$0x32A0] =	vst v0  }
0x32b: {  	[tilespmem:$0x32B0] =	vst v0  }
0x32c: {  	[tilespmem:$0x32C0] =	vst v0  }
0x32d: {  	[tilespmem:$0x32D0] =	vst v0  }
0x32e: {  	[tilespmem:$0x32E0] =	vst v0  }
0x32f: {  	[tilespmem:$0x32F0] =	vst v0  }
0x330: {  	[tilespmem:$0x3300] =	vst v0  }
0x331: {  	[tilespmem:$0x3310] =	vst v0  }
0x332: {  	[tilespmem:$0x3320] =	vst v0  }
0x333: {  	[tilespmem:$0x3330] =	vst v0  }
0x334: {  	[tilespmem:$0x3340] =	vst v0  }
0x335: {  	[tilespmem:$0x3350] =	vst v0  }
0x336: {  	[tilespmem:$0x3360] =	vst v0  }
0x337: {  	[tilespmem:$0x3370] =	vst v0  }
0x338: {  	[tilespmem:$0x3380] =	vst v0  }
0x339: {  	[tilespmem:$0x3390] =	vst v0  }
0x33a: {  	[tilespmem:$0x33A0] =	vst v0  }
0x33b: {  	[tilespmem:$0x33B0] =	vst v0  }
0x33c: {  	[tilespmem:$0x33C0] =	vst v0  }
0x33d: {  	[tilespmem:$0x33D0] =	vst v0  }
0x33e: {  	[tilespmem:$0x33E0] =	vst v0  }
0x33f: {  	[tilespmem:$0x33F0] =	vst v0  }
0x340: {  	[tilespmem:$0x3400] =	vst v0  }
0x341: {  	[tilespmem:$0x3410] =	vst v0  }
0x342: {  	[tilespmem:$0x3420] =	vst v0  }
0x343: {  	[tilespmem:$0x3430] =	vst v0  }
0x344: {  	[tilespmem:$0x3440] =	vst v0  }
0x345: {  	[tilespmem:$0x3450] =	vst v0  }
0x346: {  	[tilespmem:$0x3460] =	vst v0  }
0x347: {  	[tilespmem:$0x3470] =	vst v0  }
0x348: {  	[tilespmem:$0x3480] =	vst v0  }
0x349: {  	[tilespmem:$0x3490] =	vst v0  }
0x34a: {  	[tilespmem:$0x34A0] =	vst v0  }
0x34b: {  	[tilespmem:$0x34B0] =	vst v0  }
0x34c: {  	[tilespmem:$0x34C0] =	vst v0  }
0x34d: {  	[tilespmem:$0x34D0] =	vst v0  }
0x34e: {  	[tilespmem:$0x34E0] =	vst v0  }
0x34f: {  	[tilespmem:$0x34F0] =	vst v0  }
0x350: {  	[tilespmem:$0x3500] =	vst v0  }
0x351: {  	[tilespmem:$0x3510] =	vst v0  }
0x352: {  	[tilespmem:$0x3520] =	vst v0  }
0x353: {  	[tilespmem:$0x3530] =	vst v0  }
0x354: {  	[tilespmem:$0x3540] =	vst v0  }
0x355: {  	[tilespmem:$0x3550] =	vst v0  }
0x356: {  	[tilespmem:$0x3560] =	vst v0  }
0x357: {  	[tilespmem:$0x3570] =	vst v0  }
0x358: {  	[tilespmem:$0x3580] =	vst v0  }
0x359: {  	[tilespmem:$0x3590] =	vst v0  }
0x35a: {  	[tilespmem:$0x35A0] =	vst v0  }
0x35b: {  	[tilespmem:$0x35B0] =	vst v0  }
0x35c: {  	[tilespmem:$0x35C0] =	vst v0  }
0x35d: {  	[tilespmem:$0x35D0] =	vst v0  }
0x35e: {  	[tilespmem:$0x35E0] =	vst v0  }
0x35f: {  	[tilespmem:$0x35F0] =	vst v0  }
0x360: {  	[tilespmem:$0x3600] =	vst v0  }
0x361: {  	[tilespmem:$0x3610] =	vst v0  }
0x362: {  	[tilespmem:$0x3620] =	vst v0  }
0x363: {  	[tilespmem:$0x3630] =	vst v0  }
0x364: {  	[tilespmem:$0x3640] =	vst v0  }
0x365: {  	[tilespmem:$0x3650] =	vst v0  }
0x366: {  	[tilespmem:$0x3660] =	vst v0  }
0x367: {  	[tilespmem:$0x3670] =	vst v0  }
0x368: {  	[tilespmem:$0x3680] =	vst v0  }
0x369: {  	[tilespmem:$0x3690] =	vst v0  }
0x36a: {  	[tilespmem:$0x36A0] =	vst v0  }
0x36b: {  	[tilespmem:$0x36B0] =	vst v0  }
0x36c: {  	[tilespmem:$0x36C0] =	vst v0  }
0x36d: {  	[tilespmem:$0x36D0] =	vst v0  }
0x36e: {  	[tilespmem:$0x36E0] =	vst v0  }
0x36f: {  	[tilespmem:$0x36F0] =	vst v0  }
0x370: {  	[tilespmem:$0x3700] =	vst v0  }
0x371: {  	[tilespmem:$0x3710] =	vst v0  }
0x372: {  	[tilespmem:$0x3720] =	vst v0  }
0x373: {  	[tilespmem:$0x3730] =	vst v0  }
0x374: {  	[tilespmem:$0x3740] =	vst v0  }
0x375: {  	[tilespmem:$0x3750] =	vst v0  }
0x376: {  	[tilespmem:$0x3760] =	vst v0  }
0x377: {  	[tilespmem:$0x3770] =	vst v0  }
0x378: {  	[tilespmem:$0x3780] =	vst v0  }
0x379: {  	[tilespmem:$0x3790] =	vst v0  }
0x37a: {  	[tilespmem:$0x37A0] =	vst v0  }
0x37b: {  	[tilespmem:$0x37B0] =	vst v0  }
0x37c: {  	[tilespmem:$0x37C0] =	vst v0  }
0x37d: {  	[tilespmem:$0x37D0] =	vst v0  }
0x37e: {  	[tilespmem:$0x37E0] =	vst v0  }
0x37f: {  	[tilespmem:$0x37F0] =	vst v0  }
0x380: {  	[tilespmem:$0x3800] =	vst v0  }
0x381: {  	[tilespmem:$0x3810] =	vst v0  }
0x382: {  	[tilespmem:$0x3820] =	vst v0  }
0x383: {  	[tilespmem:$0x3830] =	vst v0  }
0x384: {  	[tilespmem:$0x3840] =	vst v0  }
0x385: {  	[tilespmem:$0x3850] =	vst v0  }
0x386: {  	[tilespmem:$0x3860] =	vst v0  }
0x387: {  	[tilespmem:$0x3870] =	vst v0  }
0x388: {  	[tilespmem:$0x3880] =	vst v0  }
0x389: {  	[tilespmem:$0x3890] =	vst v0  }
0x38a: {  	[tilespmem:$0x38A0] =	vst v0  }
0x38b: {  	[tilespmem:$0x38B0] =	vst v0  }
0x38c: {  	[tilespmem:$0x38C0] =	vst v0  }
0x38d: {  	[tilespmem:$0x38D0] =	vst v0  }
0x38e: {  	[tilespmem:$0x38E0] =	vst v0  }
0x38f: {  	[tilespmem:$0x38F0] =	vst v0  }
0x390: {  	[tilespmem:$0x3900] =	vst v0  }
0x391: {  	[tilespmem:$0x3910] =	vst v0  }
0x392: {  	[tilespmem:$0x3920] =	vst v0  }
0x393: {  	[tilespmem:$0x3930] =	vst v0  }
0x394: {  	[tilespmem:$0x3940] =	vst v0  }
0x395: {  	[tilespmem:$0x3950] =	vst v0  }
0x396: {  	[tilespmem:$0x3960] =	vst v0  }
0x397: {  	[tilespmem:$0x3970] =	vst v0  }
0x398: {  	[tilespmem:$0x3980] =	vst v0  }
0x399: {  	[tilespmem:$0x3990] =	vst v0  }
0x39a: {  	[tilespmem:$0x39A0] =	vst v0  }
0x39b: {  	[tilespmem:$0x39B0] =	vst v0  }
0x39c: {  	[tilespmem:$0x39C0] =	vst v0  }
0x39d: {  	[tilespmem:$0x39D0] =	vst v0  }
0x39e: {  	[tilespmem:$0x39E0] =	vst v0  }
0x39f: {  	[tilespmem:$0x39F0] =	vst v0  }
0x3a0: {  	[tilespmem:$0x3A00] =	vst v0  }
0x3a1: {  	[tilespmem:$0x3A10] =	vst v0  }
0x3a2: {  	[tilespmem:$0x3A20] =	vst v0  }
0x3a3: {  	[tilespmem:$0x3A30] =	vst v0  }
0x3a4: {  	[tilespmem:$0x3A40] =	vst v0  }
0x3a5: {  	[tilespmem:$0x3A50] =	vst v0  }
0x3a6: {  	[tilespmem:$0x3A60] =	vst v0  }
0x3a7: {  	[tilespmem:$0x3A70] =	vst v0  }
0x3a8: {  	[tilespmem:$0x3A80] =	vst v0  }
0x3a9: {  	[tilespmem:$0x3A90] =	vst v0  }
0x3aa: {  	[tilespmem:$0x3AA0] =	vst v0  }
0x3ab: {  	[tilespmem:$0x3AB0] =	vst v0  }
0x3ac: {  	[tilespmem:$0x3AC0] =	vst v0  }
0x3ad: {  	[tilespmem:$0x3AD0] =	vst v0  }
0x3ae: {  	[tilespmem:$0x3AE0] =	vst v0  }
0x3af: {  	[tilespmem:$0x3AF0] =	vst v0  }
0x3b0: {  	[tilespmem:$0x3B00] =	vst v0  }
0x3b1: {  	[tilespmem:$0x3B10] =	vst v0  }
0x3b2: {  	[tilespmem:$0x3B20] =	vst v0  }
0x3b3: {  	[tilespmem:$0x3B30] =	vst v0  }
0x3b4: {  	[tilespmem:$0x3B40] =	vst v0  }
0x3b5: {  	[tilespmem:$0x3B50] =	vst v0  }
0x3b6: {  	[tilespmem:$0x3B60] =	vst v0  }
0x3b7: {  	[tilespmem:$0x3B70] =	vst v0  }
0x3b8: {  	[tilespmem:$0x3B80] =	vst v0  }
0x3b9: {  	[tilespmem:$0x3B90] =	vst v0  }
0x3ba: {  	[tilespmem:$0x3BA0] =	vst v0  }
0x3bb: {  	[tilespmem:$0x3BB0] =	vst v0  }
0x3bc: {  	[tilespmem:$0x3BC0] =	vst v0  }
0x3bd: {  	[tilespmem:$0x3BD0] =	vst v0  }
0x3be: {  	[tilespmem:$0x3BE0] =	vst v0  }
0x3bf: {  	[tilespmem:$0x3BF0] =	vst v0  }
0x3c0: {  	[tilespmem:$0x3C00] =	vst v0  }
0x3c1: {  	[tilespmem:$0x3C10] =	vst v0  }
0x3c2: {  	[tilespmem:$0x3C20] =	vst v0  }
0x3c3: {  	[tilespmem:$0x3C30] =	vst v0  }
0x3c4: {  	[tilespmem:$0x3C40] =	vst v0  }
0x3c5: {  	[tilespmem:$0x3C50] =	vst v0  }
0x3c6: {  	[tilespmem:$0x3C60] =	vst v0  }
0x3c7: {  	[tilespmem:$0x3C70] =	vst v0  }
0x3c8: {  	[tilespmem:$0x3C80] =	vst v0  }
0x3c9: {  	[tilespmem:$0x3C90] =	vst v0  }
0x3ca: {  	[tilespmem:$0x3CA0] =	vst v0  }
0x3cb: {  	[tilespmem:$0x3CB0] =	vst v0  }
0x3cc: {  	[tilespmem:$0x3CC0] =	vst v0  }
0x3cd: {  	[tilespmem:$0x3CD0] =	vst v0  }
0x3ce: {  	[tilespmem:$0x3CE0] =	vst v0  }
0x3cf: {  	[tilespmem:$0x3CF0] =	vst v0  }
0x3d0: {  	[tilespmem:$0x3D00] =	vst v0  }
0x3d1: {  	[tilespmem:$0x3D10] =	vst v0  }
0x3d2: {  	[tilespmem:$0x3D20] =	vst v0  }
0x3d3: {  	[tilespmem:$0x3D30] =	vst v0  }
0x3d4: {  	[tilespmem:$0x3D40] =	vst v0  }
0x3d5: {  	[tilespmem:$0x3D50] =	vst v0  }
0x3d6: {  	[tilespmem:$0x3D60] =	vst v0  }
0x3d7: {  	[tilespmem:$0x3D70] =	vst v0  }
0x3d8: {  	[tilespmem:$0x3D80] =	vst v0  }
0x3d9: {  	[tilespmem:$0x3D90] =	vst v0  }
0x3da: {  	[tilespmem:$0x3DA0] =	vst v0  }
0x3db: {  	[tilespmem:$0x3DB0] =	vst v0  }
0x3dc: {  	[tilespmem:$0x3DC0] =	vst v0  }
0x3dd: {  	[tilespmem:$0x3DD0] =	vst v0  }
0x3de: {  	[tilespmem:$0x3DE0] =	vst v0  }
0x3df: {  	[tilespmem:$0x3DF0] =	vst v0  }
0x3e0: {  	[tilespmem:$0x3E00] =	vst v0  }
0x3e1: {  	[tilespmem:$0x3E10] =	vst v0  }
0x3e2: {  	[tilespmem:$0x3E20] =	vst v0  }
0x3e3: {  	[tilespmem:$0x3E30] =	vst v0  }
0x3e4: {  	[tilespmem:$0x3E40] =	vst v0  }
0x3e5: {  	[tilespmem:$0x3E50] =	vst v0  }
0x3e6: {  	[tilespmem:$0x3E60] =	vst v0  }
0x3e7: {  	[tilespmem:$0x3E70] =	vst v0  }
0x3e8: {  	[tilespmem:$0x3E80] =	vst v0  }
0x3e9: {  	[tilespmem:$0x3E90] =	vst v0  }
0x3ea: {  	[tilespmem:$0x3EA0] =	vst v0  }
0x3eb: {  	[tilespmem:$0x3EB0] =	vst v0  }
0x3ec: {  	[tilespmem:$0x3EC0] =	vst v0  }
0x3ed: {  	[tilespmem:$0x3ED0] =	vst v0  }
0x3ee: {  	[tilespmem:$0x3EE0] =	vst v0  }
0x3ef: {  	[tilespmem:$0x3EF0] =	vst v0  }
0x3f0: {  	[tilespmem:$0x3F00] =	vst v0  }
0x3f1: {  	[tilespmem:$0x3F10] =	vst v0  }
0x3f2: {  	[tilespmem:$0x3F20] =	vst v0  }
0x3f3: {  	[tilespmem:$0x3F30] =	vst v0  }
0x3f4: {  	[tilespmem:$0x3F40] =	vst v0  }
0x3f5: {  	[tilespmem:$0x3F50] =	vst v0  }
0x3f6: {  	[tilespmem:$0x3F60] =	vst v0  }
0x3f7: {  	[tilespmem:$0x3F70] =	vst v0  }
0x3f8: {  	[tilespmem:$0x3F80] =	vst v0  }
0x3f9: {  	[tilespmem:$0x3F90] =	vst v0  }
0x3fa: {  	[tilespmem:$0x3FA0] =	vst v0  }
0x3fb: {  	[tilespmem:$0x3FB0] =	vst v0  }
0x3fc: {  	[tilespmem:$0x3FC0] =	vst v0  }
0x3fd: {  	[tilespmem:$0x3FD0] =	vst v0  }
0x3fe: {  	[tilespmem:$0x3FE0] =	vst v0  }
0x3ff: {  	[tilespmem:$0x3FF0] =	vst v0  }
0x400: {  	[tilespmem:$0x4000] =	vst v0  }
0x401: {  	[tilespmem:$0x4010] =	vst v0  }
0x402: {  	[tilespmem:$0x4020] =	vst v0  }
0x403: {  	[tilespmem:$0x4030] =	vst v0  }
0x404: {  	[tilespmem:$0x4040] =	vst v0  }
0x405: {  	[tilespmem:$0x4050] =	vst v0  }
0x406: {  	[tilespmem:$0x4060] =	vst v0  }
0x407: {  	[tilespmem:$0x4070] =	vst v0  }
0x408: {  	[tilespmem:$0x4080] =	vst v0  }
0x409: {  	[tilespmem:$0x4090] =	vst v0  }
0x40a: {  	[tilespmem:$0x40A0] =	vst v0  }
0x40b: {  	[tilespmem:$0x40B0] =	vst v0  }
0x40c: {  	[tilespmem:$0x40C0] =	vst v0  }
0x40d: {  	[tilespmem:$0x40D0] =	vst v0  }
0x40e: {  	[tilespmem:$0x40E0] =	vst v0  }
0x40f: {  	[tilespmem:$0x40F0] =	vst v0  }
0x410: {  	[tilespmem:$0x4100] =	vst v0  }
0x411: {  	[tilespmem:$0x4110] =	vst v0  }
0x412: {  	[tilespmem:$0x4120] =	vst v0  }
0x413: {  	[tilespmem:$0x4130] =	vst v0  }
0x414: {  	[tilespmem:$0x4140] =	vst v0  }
0x415: {  	[tilespmem:$0x4150] =	vst v0  }
0x416: {  	[tilespmem:$0x4160] =	vst v0  }
0x417: {  	[tilespmem:$0x4170] =	vst v0  }
0x418: {  	[spmem:s8] =	stream.linear.scatter [tilespmem:s13], [sflag:$0x3], $0x4000, $0x38;
	[tilespmem:$0x14200] =	vst v63  }
0x419: {  	_ =	swait.ge [sflag:s14], $0x4000  }
0x41a: {  	[sflag:s14] =	ssyncset.done $0x0  }
0x41b: {  	[sflag:s14] =	ssyncadd.s32 $0xFFFFC000  }
0x41c: {  	[spmem:s9] =	stream.linear.scatter [tilespmem:s13], [sflag:$0x3], $0x4000, $0x38;
	[tilespmem:$0x14200] =	vst v63  }
0x41d: {  	_ =	swait.ge [sflag:s14], $0x4000  }
0x41e: {  	[sflag:s14] =	ssyncset.done $0x0  }
0x41f: {  	[sflag:s14] =	ssyncadd.s32 $0xFFFFC000  }
0x420: {  	[bflag:$0x0] =	sbarrier.arrive $0xFFFF  }
0x421: {  	[tilespmem:s15], [sflag:$0x3] =	stream.linear.gather [hbm4b:s10+s3], $0x80, $0x38;
	[tilespmem:$0x14200] =	vst v63  }
0x422: {  	_ =	swait.ge [sflag:s14], $0x80  }
0x423: {  	[sflag:s14] =	ssyncset.done $0x0  }
0x424: {  	[sflag:s14] =	ssyncadd.s32 $0xFFFFFF80  }
0x425: {  	v1 =	vld [tilespmem:$0xC180];
	_ =	sdelay $0x4  }
0x426: {  	(v2sf) =	vpush v1, $0x0;
	_ =	sdelay $0xe  }
0x427: {  	s25 =	spop (v2sf)  }
0x428: {  	p0 =	slt.s32 s25, $0x1000  }
0x429: {  	p1 =	slt.s32 s25, $0xFFFFFF82;
	s25 =	simm.s32 @!p0 $0x1000  }
0x42a: {  	s25 =	sadd.s32 $0x7F, s25  }
0x42b: {  	s26 =	sand.u32 $0x7F, s25  }
0x42c: {  	s31 =	sshra.s32 s25, $0x1F;
	p6 =	sne.s32 s26, $0x0  }
0x42d: {  	s26 =	sshrl.u32 s31, $0x19;
	p0 =	por !p1, !p6  }
0x42e: {  	s25 =	sadd.s32 s26, s25;
	s26 =	simm.s32 $0x1;
	p0 =	por !p0, !p0  }
0x42f: {  	s25 =	sshra.s32 s25, $0x7;
	s26 =	simm.s32 @!p0 $0x0  }
0x430: {  	s25 =	ssub.s32 s25, s26  }
0x431: {  	p0 =	slt.s32 s25, $0x1  }
.Ltmp2:
0x432: {  	_ = 	snop;
	(pc) =	sbr.rel @p0 .LBB2_5-.Ltmp2, $2  }
0x433: {  	_ =	sdelay $0x2  }
0x434: {  	s26 =	simm.s32 $0x0  }
.LBB2_2:
0x435: {  	s28 =	sshll.u32 s26, $0x7  }
0x436: {  	s28 =	sadd.s32 s7, s28  }
0x437: {  	s29 =	sshrl.u32 s28, $0x3  }
0x438: {  	s30 =	simm.s32 $0x0;
	s29 =	sadd.s32 s5, s29  }
0x439: {  	[tilespmem:s30], [sflag:$0x3] =	stream.linear.gather [hbm4b:s29+s30], $0x80, $0x38;
	[tilespmem:$0x14200] =	vst v63  }
0x43a: {  	_ =	swait.ge [sflag:s14], $0x80  }
0x43b: {  	[sflag:s14] =	ssyncset.done $0x0  }
0x43c: {  	[sflag:s14] =	ssyncadd.s32 $0xFFFFFF80  }
0x43d: {  	v1 =	vld [tilespmem:$0x0];
	_ =	sdelay $0x1  }
0x43e: {  	v2 =	vld [tilespmem:$0x10];
	_ =	sdelay $0x1  }
0x43f: {  	v3 =	vld [tilespmem:$0x20]  }
0x440: {  	v4 =	vshrl.u32 v1, $0xC  }
0x441: {  	v1 =	vand.u32 $0xFFF, v1;
	[tilespmem:$0x80] =	vst v4;
	v4 =	vld [tilespmem:$0x30]  }
0x442: {  	[tilespmem:$0x100] =	vst v1;
	v1 =	vshrl.u32 v2, $0xC  }
0x443: {  	[tilespmem:$0x90] =	vst v1;
	v1 =	vand.u32 $0xFFF, v2;
	v2 =	vld [tilespmem:$0x40]  }
0x444: {  	[tilespmem:$0x110] =	vst v1;
	v1 =	vshrl.u32 v3, $0xC  }
0x445: {  	[tilespmem:$0xA0] =	vst v1;
	v1 =	vand.u32 $0xFFF, v3;
	v3 =	vld [tilespmem:$0x50]  }
0x446: {  	[tilespmem:$0x120] =	vst v1;
	v1 =	vshrl.u32 v4, $0xC  }
0x447: {  	[tilespmem:$0xB0] =	vst v1;
	v1 =	vand.u32 $0xFFF, v4;
	v4 =	vld [tilespmem:$0x60]  }
0x448: {  	[tilespmem:$0x130] =	vst v1;
	v1 =	vshrl.u32 v2, $0xC  }
0x449: {  	[tilespmem:$0xC0] =	vst v1;
	v1 =	vand.u32 $0xFFF, v2;
	v2 =	vld [tilespmem:$0x70]  }
0x44a: {  	[tilespmem:$0x140] =	vst v1;
	v1 =	vshrl.u32 v3, $0xC  }
0x44b: {  	[tilespmem:$0xD0] =	vst v1;
	v1 =	vand.u32 $0xFFF, v3  }
0x44c: {  	[tilespmem:$0x150] =	vst v1;
	v1 =	vshrl.u32 v4, $0xC  }
0x44d: {  	[tilespmem:$0xE0] =	vst v1;
	v1 =	vand.u32 $0xFFF, v4  }
0x44e: {  	[tilespmem:$0x160] =	vst v1;
	v1 =	vshrl.u32 v2, $0xC  }
0x44f: {  	[tilespmem:$0xF0] =	vst v1;
	v1 =	vand.u32 $0xFFF, v2  }
0x450: {  	[tilespmem:$0x170] =	vst v1  }
0x451: {  	[tilespmem:s13], [sflag:$0x1] =	stream.indirect.gather [hbm4b:s4+s17], $0x80, s18, s17, $0xb8;
	[tilespmem:$0x14200] =	vst v63  }
0x452: {  	s28 =	sshll.u32 s28, $0x4  }
0x453: {  	[tilespmem:s19], [sflag:$0x2] =	stream.indirect.gather [hbm4b:s4+s17], $0x80, s17, s17, $0xb8;
	[tilespmem:$0x14200] =	vst v63  }
0x454: {  	s28 =	sadd.s32 s6, s28  }
0x455: {  	[tilespmem:s20], [sflag:$0x3] =	stream.linear.gather [hbm4b:s28+s30], $0x4000, $0x38;
	[tilespmem:$0x14200] =	vst v63  }
0x456: {  	_ =	swait.ge [sflag:s14], $0x4000  }
0x457: {  	[sflag:s14] =	ssyncset.done $0x0  }
0x458: {  	[sflag:s14] =	ssyncadd.s32 $0xFFFFC000  }
0x459: {  	_ =	swait.ge [sflag:s16], $0x4000  }
0x45a: {  	[sflag:s16] =	ssyncset.done $0x0  }
0x45b: {  	[sflag:s16] =	ssyncadd.s32 $0xFFFFC000  }
0x45c: {  	_ =	swait.ge [sflag:s21], $0x4000  }
0x45d: {  	[sflag:s21] =	ssyncset.done $0x0  }
0x45e: {  	s28 =	simm.s32 $0x0;
	[sflag:s21] =	ssyncadd.s32 $0xFFFFC000  }
0x45f: {  	v5 =	vld [tilespmem:s28+$0x8180]  }
0x460: {  	v6 =	vld [tilespmem:s28+$0x8190]  }
0x461: {  	v7 =	vld [tilespmem:s28+$0x81A0]  }
0x462: {  	v8 =	vld [tilespmem:s28+$0x81B0]  }
0x463: {  	v9 =	vld [tilespmem:s28+$0x81B0]  }
0x464: {  	v10 =	vld [tilespmem:s28+$0x81C0]  }
0x465: {  	v12 =	vld [tilespmem:s28+$0x81C0]  }
0x466: {  	v4 =	vld [tilespmem:s28+$0x81D0]  }
0x467: {  	v3 =	vld [tilespmem:s28+$0x81E0]  }
0x468: {  	v2 =	vld [tilespmem:s28+$0x81F0]  }
0x469: {  	v1 =	vld [tilespmem:s28+$0x81F0]  }
0x46a: {  	v11 =	vld [tilespmem:s28+$0x180]  }
0x46b: {  	v13 =	vld [tilespmem:s28+$0x4180]  }
0x46c: {  	v14 =	vld [tilespmem:s28+$0x190]  }
0x46d: {  	v16 =	vld [tilespmem:s28+$0x1A0]  }
0x46e: {  	v15 =	vld [tilespmem:s28+$0x4190]  }
0x46f: {  	v17 =	vld [tilespmem:s28+$0x41A0];
	v11 =	vmul.f32 v5, v11  }
0x470: {  	v18 =	vld [tilespmem:s28+$0x1B0];
	v5 =	vmul.f32 v5, v13  }
0x471: {  	v60 =	vmul.f32 v6, v14;
	[tilespmem:s28+$0x180] =	vst v11;
	v11 =	vld [tilespmem:s28+$0x41B0]  }
0x472: {  	v61 =	vld [tilespmem:s28+$0x1C0];
	v63 =	vmul.f32 v7, v16;
	[tilespmem:s28+$0x4180] =	vst v5  }
0x473: {  	v62 =	vld [tilespmem:s28+$0x41C0];
	v5 =	vmul.f32 v6, v15;
	[tilespmem:s28+$0x190] =	vst v60  }
0x474: {  	v7 =	vmul.f32 v7, v17;
	v6 =	vld [tilespmem:s28+$0x1D0];
	[tilespmem:s28+$0x1A0] =	vst v63  }
0x475: {  	v8 =	vmul.f32 v8, v18;
	[tilespmem:s28+$0x4190] =	vst v5;
	v5 =	vld [tilespmem:s28+$0x41D0]  }
0x476: {  	[tilespmem:s28+$0x41A0] =	vst v7;
	v7 =	vld [tilespmem:s28+$0x1E0];
	v9 =	vmul.f32 v9, v11  }
0x477: {  	[tilespmem:s28+$0x1B0] =	vst v8;
	v8 =	vld [tilespmem:s28+$0x41E0];
	v11 =	vmul.f32 v10, v61  }
0x478: {  	s29 =	simm.s32 $0x200;
	v10 =	vmul.f32 v12, v62;
	[tilespmem:s28+$0x41B0] =	vst v9;
	v9 =	vld [tilespmem:s28+$0x1F0]  }
.LBB2_3:
0x479: {  	s30 =	sshra.s32 s29, $0x2;
	p0 =	sne.s32 s29, $0xFE00;
	[tilespmem:s28+$0x1C0] =	vst v11;
	v6 =	vmul.f32 v4, v6;
	v11 =	vld [tilespmem:s28+$0x41F0]  }
0x47a: {  	v12 =	vld [tilespmem:s30+$0x8180];
	[tilespmem:s28+$0x41C0] =	vst v10;
	v4 =	vmul.f32 v4, v5  }
0x47b: {  	v5 =	vld [tilespmem:s30+$0x8190];
	[tilespmem:s28+$0x1D0] =	vst v6;
	v6 =	vmul.f32 v3, v7  }
0x47c: {  	v7 =	vld [tilespmem:s30+$0x81A0];
	[tilespmem:s28+$0x41D0] =	vst v4;
	v3 =	vmul.f32 v3, v8  }
0x47d: {  	v8 =	vld [tilespmem:s30+$0x81B0];
	[tilespmem:s28+$0x1E0] =	vst v6;
	v2 =	vmul.f32 v2, v9  }
0x47e: {  	v9 =	vld [tilespmem:s30+$0x81B0];
	[tilespmem:s28+$0x41E0] =	vst v3;
	v1 =	vmul.f32 v1, v11  }
0x47f: {  	v10 =	vld [tilespmem:s30+$0x81C0];
	[tilespmem:s28+$0x1F0] =	vst v2  }
0x480: {  	v13 =	vld [tilespmem:s30+$0x81C0];
	[tilespmem:s28+$0x41F0] =	vst v1;
	s28 =	smov.u32 s30  }
0x481: {  	v4 =	vld [tilespmem:s28+$0x81D0]  }
0x482: {  	v3 =	vld [tilespmem:s28+$0x81E0]  }
0x483: {  	v2 =	vld [tilespmem:s28+$0x81F0]  }
0x484: {  	v1 =	vld [tilespmem:s28+$0x81F0]  }
0x485: {  	v6 =	vld [tilespmem:s28+$0x180]  }
0x486: {  	v11 =	vld [tilespmem:s28+$0x4180]  }
0x487: {  	v14 =	vld [tilespmem:s28+$0x190]  }
0x488: {  	v15 =	vld [tilespmem:s28+$0x4190]  }
0x489: {  	v16 =	vld [tilespmem:s28+$0x1A0]  }
0x48a: {  	v6 =	vmul.f32 v12, v6;
	v17 =	vld [tilespmem:s28+$0x41A0]  }
0x48b: {  	v11 =	vmul.f32 v12, v11;
	v12 =	vld [tilespmem:s28+$0x1B0]  }
0x48c: {  	[tilespmem:s28+$0x180] =	vst v6;
	v6 =	vmul.f32 v5, v14;
	v14 =	vld [tilespmem:s28+$0x41B0]  }
0x48d: {  	[tilespmem:s28+$0x4180] =	vst v11;
	v5 =	vmul.f32 v5, v15;
	v11 =	vld [tilespmem:s28+$0x1C0]  }
0x48e: {  	[tilespmem:s28+$0x190] =	vst v6;
	v15 =	vmul.f32 v7, v16;
	v16 =	vld [tilespmem:s28+$0x41C0]  }
.Ltmp3:
0x48f: {  	[tilespmem:s28+$0x4190] =	vst v5;
	v7 =	vmul.f32 v7, v17;
	v6 =	vld [tilespmem:s28+$0x1D0];
	(pc) =	sbr.rel @p0 .LBB2_3-.Ltmp3, $4  }
0x490: {  	[tilespmem:s28+$0x1A0] =	vst v15;
	v8 =	vmul.f32 v8, v12;
	v5 =	vld [tilespmem:s28+$0x41D0]  }
0x491: {  	[tilespmem:s28+$0x41A0] =	vst v7;
	v9 =	vmul.f32 v9, v14;
	v7 =	vld [tilespmem:s28+$0x1E0]  }
0x492: {  	[tilespmem:s28+$0x1B0] =	vst v8;
	v11 =	vmul.f32 v10, v11;
	v8 =	vld [tilespmem:s28+$0x41E0]  }
0x493: {  	s29 =	sadd.s32 $0x200, s29;
	[tilespmem:s28+$0x41B0] =	vst v9;
	v10 =	vmul.f32 v13, v16;
	v9 =	vld [tilespmem:s28+$0x1F0]  }
0x494: {  	[tilespmem:s28+$0x1C0] =	vst v11;
	v6 =	vmul.f32 v4, v6;
	v61 =	vld [tilespmem:s28+$0x41F0]  }
0x495: {  	[tilespmem:s28+$0x41C0] =	vst v10;
	v62 =	vmul.f32 v4, v5  }
0x496: {  	[tilespmem:s28+$0x1D0] =	vst v6;
	v63 =	vmul.f32 v3, v7  }
0x497: {  	[tilespmem:s28+$0x41D0] =	vst v62;
	v3 =	vmul.f32 v3, v8  }
0x498: {  	[tilespmem:s28+$0x1E0] =	vst v63;
	v2 =	vmul.f32 v2, v9  }
0x499: {  	[tilespmem:s28+$0x41E0] =	vst v3;
	v1 =	vmul.f32 v1, v61  }
0x49a: {  	[tilespmem:s28+$0x1F0] =	vst v2  }
0x49b: {  	[tilespmem:s28+$0x41F0] =	vst v1  }
0x49c: {  	[spmem:s1] =	stream.indirect.scatter.add.f32 [tilespmem:s13], [sflag:$0x3], $0x80, s17, s17, $0xb8;
	[tilespmem:$0x14200] =	vst v63  }
0x49d: {  	_ =	swait.ge [sflag:s14], $0x4000  }
0x49e: {  	s26 =	sadd.s32 $0x1, s26;
	[sflag:s14] =	ssyncset.done $0x0  }
0x49f: {  	p0 =	sne.s32 s26, s25;
	[sflag:s14] =	ssyncadd.s32 $0xFFFFC000  }
0x4a0: {  	[spmem:s1] =	stream.indirect.scatter.add.f32 [tilespmem:s19], [sflag:$0x3], $0x80, s18, s17, $0xb8;
	[tilespmem:$0x14200] =	vst v63  }
.Ltmp4:
0x4a1: {  	_ = 	snop;
	(pc) =	sbr.rel @p0 .LBB2_2-.Ltmp4, $4  }
.Ltmp5:
0x4a2: {  	_ = 	snop;
	(pc) =	sbr.rel @!p0 .LBB2_5-.Ltmp5, $4  }
0x4a3: {  	_ =	swait.ge [sflag:s14], $0x4000  }
0x4a4: {  	[sflag:s14] =	ssyncset.done $0x0  }
0x4a5: {  	[sflag:s14] =	ssyncadd.s32 $0xFFFFC000  }
0x4a6: {  	_ = 	snop  }
.LBB2_6:
0x4a7: {  	_ =	sfence.sel $0x180000  }
0x4a8: {  	[bflag:$0x0] =	sbarrier.arrive $0xFFFF  }
0x4a9: {  	p0 =	sne.s32 s2, $0x0;
	_ =	strace $0x9000004D  }
0x4aa: {  	s0 =	sadd.s32 @!p0 $0x100000, s0;
	[bflag:$0x2] =	sbarrier.arrive $0xFFFF  }
0x4ab: {  	[sflag:s0] =	ssyncadd.tile.s32 @!p0 $0x1;
	_ =	shalt  }
.Lfunc_end2:
_tile_overlayer_lowered:
.L_overlay_start_2:
0x4ac: {  	(tag) =	ssettag $0x2  }
0x4ad: {  	s0 =	rddreg [dreg:$0x0];
	s2 =	stileid.u32  }
0x4ae: {  	s1 =	rddreg [dreg:$0x1];
	p0 =	sne.s32 s2, $0x0  }
0x4af: {  	s3 =	rddreg [dreg:$0x2];
	[bflag:$0x3] =	sbarrier.arrive $0xFFFF;
	s2 =	simm.s32 @!p0 $0x1C03  }
0x4b0: {  	[timem:s3], [sflag:s2] =	dma.local @!p0 [hbm:s0], s1  }
0x4b1: {  	s0 =	simm.s32 @!p0 $0x3  }
0x4b2: {  	_ =	swait.ge @!p0 [sflag:s0], s1  }
0x4b3: {  	s1 =	ssub.s32 @!p0 $0x0, s1;
	[sflag:s0] =	ssyncset.done @!p0 $0x0  }
0x4b4: {  	[sflag:s0] =	ssyncadd.s32 @!p0 s1  }
0x4b5: {  	[bflag:$0x3] =	sbarrier.arrive $0xFFFF  }
0x4b6: {  	_ =	shalt  }

</sc_bundles>
